<compile_context>
chip_gen: v7x
topology: tpu7x:2x2x1
jax: 0.10.2.dev20260603
libtpu: 0.0.44.dev20260713+nightly
codegen_flags: <defaults>
</compile_context>

<pallas_src>
import functools

import jax
import jax.numpy as jnp
from jax import lax
from jax.experimental import pallas as pl
from jax.experimental.pallas import tpu as pltpu
from jax.experimental.pallas import tpu_sc as plsc

NC, NS = 2, 16
NW = NC * NS
CH = 128
NUM_GRAPHS = 64
BLK = 512


@functools.lru_cache(maxsize=None)
def _deg_kernel(n_acc, k_chunks):
  mesh = plsc.VectorSubcoreMesh(core_axis_name="c", subcore_axis_name="s")
  stripe = n_acc // NS

  @functools.partial(
      pl.kernel,
      mesh=mesh,
      compiler_params=pltpu.CompilerParams(use_tc_tiling_on_sc=False),
      out_type=jax.ShapeDtypeStruct((NC, n_acc, 8), jnp.float32),
      scratch_types=[
          pltpu.VMEM((k_chunks, CH), jnp.int32),
          pltpu.VMEM((CH, 8), jnp.float32),
          pltpu.VMEM_SHARED((n_acc, 8), jnp.float32),
          pltpu.SemaphoreType.DMA,
      ],
  )
  def deg(dst_hbm, ones_hbm, zero_hbm, dp_out, dst_v, ones_v, acc, sem):
    c = lax.axis_index("c")
    s = lax.axis_index("s")
    wid = c * NS + s
    pltpu.sync_copy(dst_hbm.at[wid], dst_v)
    pltpu.sync_copy(ones_hbm, ones_v)
    pltpu.sync_copy(zero_hbm.at[pl.ds(s * stripe, stripe)],
                    acc.at[pl.ds(s * stripe, stripe)])
    plsc.subcore_barrier()

    def body(i, carry):
      for u in range(4):
        pltpu.async_copy(ones_v, acc.at[dst_v.at[4 * i + u]], sem,
                         add=True)
      for u in range(4):
        pltpu.make_async_copy(ones_v, acc.at[dst_v.at[4 * i + u]],
                              sem).wait()
      return carry

    lax.fori_loop(0, k_chunks // 4, body, 0)
    plsc.subcore_barrier()
    pltpu.sync_copy(acc.at[pl.ds(s * stripe, stripe)],
                    dp_out.at[c, pl.ds(s * stripe, stripe)])

  return deg


@functools.lru_cache(maxsize=None)
def _edge_kernel(n_acc, h, k_chunks):
  mesh = plsc.VectorSubcoreMesh(core_axis_name="c", subcore_axis_name="s")
  stripe = n_acc // NS

  @functools.partial(
      pl.kernel,
      mesh=mesh,
      compiler_params=pltpu.CompilerParams(use_tc_tiling_on_sc=False),
      out_type=jax.ShapeDtypeStruct((NC, n_acc, h), jnp.float32),
      scratch_types=[
          pltpu.VMEM((k_chunks, CH), jnp.int32),
          pltpu.VMEM((k_chunks, CH), jnp.int32),
          pltpu.VMEM((2, CH, h), jnp.float32),
          pltpu.VMEM_SHARED((n_acc, h), jnp.float32),
          pltpu.VMEM_SHARED((n_acc, h), jnp.float32),
          pltpu.SemaphoreType.DMA,
          pltpu.SemaphoreType.DMA,
      ],
  )
  def edge(h_hbm, src_hbm, dst_hbm, zero_hbm, p_out,
           src_v, dst_v, rows_v, acc, h_sp, sem0, sem1):
    c = lax.axis_index("c")
    s = lax.axis_index("s")
    wid = c * NS + s
    stage = [
        pltpu.make_async_copy(src_hbm.at[wid], src_v, sem0),
        pltpu.make_async_copy(dst_hbm.at[wid], dst_v, sem0),
        pltpu.make_async_copy(zero_hbm.at[pl.ds(s * stripe, stripe)],
                              acc.at[pl.ds(s * stripe, stripe)], sem1),
        pltpu.make_async_copy(h_hbm.at[pl.ds(s * stripe, stripe)],
                              h_sp.at[pl.ds(s * stripe, stripe)], sem1),
    ]
    for cp in stage:
      cp.start()
    for cp in stage:
      cp.wait()
    plsc.subcore_barrier()

    sems = (sem0, sem1)

    def gather(j, b):
      return pltpu.make_async_copy(h_sp.at[src_v.at[j]], rows_v.at[b],
                                   sems[b])

    gather(0, 0).start()

    def body(i, carry):
      j0 = 2 * i
      j1 = j0 + 1
      gather(j0, 0).wait()
      gather(j1, 1).start()
      pltpu.sync_copy(rows_v.at[0], acc.at[dst_v.at[j0]], add=True)
      gather(j1, 1).wait()

      @pl.when(i < k_chunks // 2 - 1)
      def _():
        gather(j1 + 1, 0).start()

      pltpu.sync_copy(rows_v.at[1], acc.at[dst_v.at[j1]], add=True)
      return carry

    lax.fori_loop(0, k_chunks // 2, body, 0)
    plsc.subcore_barrier()
    pltpu.sync_copy(acc.at[pl.ds(s * stripe, stripe)],
                    p_out.at[c, pl.ds(s * stripe, stripe)])

  return edge


@functools.lru_cache(maxsize=None)
def _pool_kernel(n_acc, h, g):
  mesh = plsc.VectorSubcoreMesh(core_axis_name="c", subcore_axis_name="s")
  rows = n_acc // NW
  gp = g + 1

  @functools.partial(
      pl.kernel,
      mesh=mesh,
      compiler_params=pltpu.CompilerParams(use_tc_tiling_on_sc=False),
      out_type=(
          jax.ShapeDtypeStruct((NW, gp, h), jnp.float32),
          jax.ShapeDtypeStruct((NW, gp, h), jnp.float32),
          jax.ShapeDtypeStruct((NW, gp, h), jnp.float32),
      ),
      scratch_types=[
          pltpu.VMEM((rows // 2, 2 * h), jnp.float32),
          pltpu.VMEM((rows,), jnp.int32),
          pltpu.VMEM((gp, h), jnp.float32),
          pltpu.VMEM((gp, h), jnp.float32),
          pltpu.VMEM((gp, h), jnp.float32),
      ],
  )
  def pool(hid_hbm, bat_hbm, neg_hbm, zero_hbm, sums_o, maxs_o, cnts_o,
           hid_v, bat_v, sum_v, max_v, cnt_v):
    c = lax.axis_index("c")
    s = lax.axis_index("s")
    wid = c * NS + s
    pltpu.sync_copy(hid_hbm.at[pl.ds(wid * (rows // 2), rows // 2)], hid_v)
    pltpu.sync_copy(bat_hbm.at[wid], bat_v)
    pltpu.sync_copy(neg_hbm, max_v)
    pltpu.sync_copy(zero_hbm.at[pl.ds(0, gp)], sum_v)
    pltpu.sync_copy(zero_hbm.at[pl.ds(0, gp)], cnt_v)

    def body(q, carry):
      base = q * 16
      pbase = q * 8
      bid = bat_v[pl.ds(base, 16)]
      for j in range(16):
        b = bid[j]
        off = (j % 2) * h
        for k in range(h // 16):
          sl = pl.ds(k * 16, 16)
          r = hid_v[pbase + j // 2, pl.ds(off + k * 16, 16)]
          sum_v[b, sl] = sum_v[b, sl] + r
          max_v[b, sl] = jnp.maximum(max_v[b, sl], r)
        c16 = pl.ds(0, 16)
        cnt_v[b, c16] = cnt_v[b, c16] + 1.0
      return carry

    lax.fori_loop(0, rows // 16, body, 0)
    pltpu.sync_copy(sum_v, sums_o.at[wid])
    pltpu.sync_copy(max_v, maxs_o.at[wid])
    pltpu.sync_copy(cnt_v, cnts_o.at[wid])

  return pool


def _tc1a_body(x_ref, w_ref, out_ref):
  out_ref[:] = jnp.dot(x_ref[:], w_ref[:],
                       preferred_element_type=jnp.float32)


def _tc1a(x_pair, w_stack):
  rows = x_pair.shape[0]
  d2 = x_pair.shape[1]
  grid = rows // BLK
  return pl.pallas_call(
      _tc1a_body,
      grid=(grid,),
      in_specs=[
          pl.BlockSpec((BLK, d2), lambda i: (i, 0)),
          pl.BlockSpec((d2, 128), lambda i: (0, 0)),
      ],
      out_specs=pl.BlockSpec((BLK, 128), lambda i: (i, 0)),
      out_shape=jax.ShapeDtypeStruct((rows, 128), jnp.float32),
  )(x_pair, w_stack)


def _tc1b_body(xw_ref, dp_ref, h_out, dw_out):
  dp = dp_ref[:]
  dinv16 = lax.rsqrt(dp[0] + dp[1] + 1.0)
  hh = h_out.shape[1] // 2
  dw = jnp.concatenate(
      [jnp.broadcast_to(dinv16[:, 0:1], (dinv16.shape[0], hh)),
       jnp.broadcast_to(dinv16[:, 8:9], (dinv16.shape[0], hh))], axis=1)
  h_out[:] = xw_ref[:] * dw
  dw_out[:] = dw


def _tc1b(xw, dp_pair):
  rows = xw.shape[0]
  grid = rows // BLK
  return pl.pallas_call(
      _tc1b_body,
      grid=(grid,),
      in_specs=[
          pl.BlockSpec((BLK, 128), lambda i: (i, 0)),
          pl.BlockSpec((NC, BLK, 16), lambda i: (0, i, 0)),
      ],
      out_specs=[
          pl.BlockSpec((BLK, 128), lambda i: (i, 0)),
          pl.BlockSpec((BLK, 128), lambda i: (i, 0)),
      ],
      out_shape=[
          jax.ShapeDtypeStruct((rows, 128), jnp.float32),
          jax.ShapeDtypeStruct((rows, 128), jnp.float32),
      ],
  )(xw, dp_pair)


def _tc_mid_body(p_ref, hp_ref, dw_ref, b_ref, w_ref, out_ref):
  p = p_ref[:]
  dw = dw_ref[:]
  t = jnp.tanh(dw * (p[0] + p[1] + hp_ref[:]) + b_ref[:])
  out_ref[:] = jnp.dot(t, w_ref[:], preferred_element_type=jnp.float32) * dw


def _tc_mid(p2, hp2, dw, b2, w2):
  rows = hp2.shape[0]
  grid = rows // BLK
  return pl.pallas_call(
      _tc_mid_body,
      grid=(grid,),
      in_specs=[
          pl.BlockSpec((NC, BLK, 128), lambda i: (0, i, 0)),
          pl.BlockSpec((BLK, 128), lambda i: (i, 0)),
          pl.BlockSpec((BLK, 128), lambda i: (i, 0)),
          pl.BlockSpec((1, 128), lambda i: (0, 0)),
          pl.BlockSpec((128, 128), lambda i: (0, 0)),
      ],
      out_specs=pl.BlockSpec((BLK, 128), lambda i: (i, 0)),
      out_shape=jax.ShapeDtypeStruct((rows, 128), jnp.float32),
  )(p2, hp2, dw, b2, w2)


def _tc_last_body(p_ref, hp_ref, dw_ref, b_ref, out_ref):
  p = p_ref[:]
  out_ref[:] = jnp.tanh(dw_ref[:] * (p[0] + p[1] + hp_ref[:]) + b_ref[:])


def _tc_last(p2, hp2, dw, b2):
  rows = hp2.shape[0]
  grid = rows // BLK
  return pl.pallas_call(
      _tc_last_body,
      grid=(grid,),
      in_specs=[
          pl.BlockSpec((NC, BLK, 128), lambda i: (0, i, 0)),
          pl.BlockSpec((BLK, 128), lambda i: (i, 0)),
          pl.BlockSpec((BLK, 128), lambda i: (i, 0)),
          pl.BlockSpec((1, 128), lambda i: (0, 0)),
      ],
      out_specs=pl.BlockSpec((BLK, 128), lambda i: (i, 0)),
      out_shape=jax.ShapeDtypeStruct((rows, 128), jnp.float32),
  )(p2, hp2, dw, b2)


def _tc_final_body(sums_ref, maxs_ref, cnts_ref, wfc_ref, bfc_ref, out_ref):
  g = NUM_GRAPHS
  s = jnp.sum(sums_ref[:], axis=0)[:g]
  m = jnp.max(maxs_ref[:], axis=0)[:g]
  cnt = jnp.sum(cnts_ref[:], axis=0)[:g, :1]
  gmean = s / jnp.maximum(cnt, 1.0)
  pooled = jnp.concatenate([m, gmean], axis=1)
  out_ref[:] = (
      jnp.dot(pooled, wfc_ref[:], preferred_element_type=jnp.float32)
      + bfc_ref[:])


def _tc_final(sums, maxs, cnts, wfc, bfc):
  c = wfc.shape[1]
  return pl.pallas_call(
      _tc_final_body,
      out_shape=jax.ShapeDtypeStruct((NUM_GRAPHS, c), jnp.float32),
  )(sums, maxs, cnts, wfc, bfc)


def _blockdiag2(w):
  h = w.shape[1]
  z = jnp.zeros((w.shape[0], h), jnp.float32)
  return jnp.concatenate(
      [jnp.concatenate([w, z], axis=1), jnp.concatenate([z, w], axis=1)],
      axis=0)


def kernel(x, edge_index, batch_index, W1, b1, W2, b2, W3, b3, W4, b4,
           Wfc, bfc):
  n, d = x.shape
  h = W1.shape[1]
  e = edge_index.shape[1]
  g = NUM_GRAPHS

  n_acc = pl.cdiv(n + 1, 2 * BLK) * 2 * BLK
  half = n_acc // 2
  k_chunks = pl.cdiv(e, NW * CH)
  k_chunks = pl.cdiv(k_chunks, 4) * 4
  e_pad = NW * k_chunks * CH

  ei_pad = jnp.pad(edge_index.astype(jnp.int32), ((0, 0), (0, e_pad - e)),
                   constant_values=n)
  src_r = ei_pad[0].reshape(NW, k_chunks, CH)
  dst_r = ei_pad[1].reshape(NW, k_chunks, CH)
  x_pair = jnp.pad(x, ((0, n_acc - n), (0, 0))).reshape(half, 2 * d)
  bat_r = jnp.pad(batch_index.astype(jnp.int32), (0, n_acc - n),
                  constant_values=g).reshape(NW, n_acc // NW)

  zero_h = jnp.zeros((n_acc, h), jnp.float32)
  zero_8 = jnp.zeros((n_acc, 8), jnp.float32)
  ones_8 = jnp.ones((CH, 8), jnp.float32)
  neg = jnp.full((g + 1, h), -jnp.inf, jnp.float32)

  w1s = _blockdiag2(W1)
  w2s, w3s, w4s = _blockdiag2(W2), _blockdiag2(W3), _blockdiag2(W4)
  b1p = jnp.concatenate([b1, b1]).reshape(1, 2 * h)
  b2p = jnp.concatenate([b2, b2]).reshape(1, 2 * h)
  b3p = jnp.concatenate([b3, b3]).reshape(1, 2 * h)
  b4p = jnp.concatenate([b4, b4]).reshape(1, 2 * h)

  xw = _tc1a(x_pair, w1s)
  dp = _deg_kernel(n_acc, k_chunks)(dst_r, ones_8, zero_8)
  h1p2, dw = _tc1b(xw, dp.reshape(NC, half, 16))

  edge = _edge_kernel(n_acc, h, k_chunks)
  p = edge(h1p2.reshape(n_acc, h), src_r, dst_r, zero_h)
  h2p2 = _tc_mid(p.reshape(NC, half, 2 * h), h1p2, dw, b1p, w2s)
  p = edge(h2p2.reshape(n_acc, h), src_r, dst_r, zero_h)
  h3p2 = _tc_mid(p.reshape(NC, half, 2 * h), h2p2, dw, b2p, w3s)
  p = edge(h3p2.reshape(n_acc, h), src_r, dst_r, zero_h)
  h4p2 = _tc_mid(p.reshape(NC, half, 2 * h), h3p2, dw, b3p, w4s)
  p = edge(h4p2.reshape(n_acc, h), src_r, dst_r, zero_h)
  hid2 = _tc_last(p.reshape(NC, half, 2 * h), h4p2, dw, b4p)

  sums, maxs, cnts = _pool_kernel(n_acc, h, g)(hid2, bat_r, neg, zero_h)
  out = _tc_final(sums, maxs, cnts, Wfc, bfc.reshape(1, Wfc.shape[1]))
  return (out, hid2.reshape(n_acc, h)[:n])

# --- scband reference (transcript-rebuilt; emitter-appended) ---
"""Pipeline reference for scband-gcn-36584531427972 (READ-ONLY COPY).

The authoritative reference and input builder live on the scoring server;
editing this copy changes nothing except your own understanding.
"""

import jax, jax.numpy as jnp
import numpy as np

N = 10000
E = 320000
D = 128
H = 64
C = 10
G = 64


def setup_inputs(seed: int = 0) -> dict:
    key = jax.random.key(seed)
    ks = jax.random.split(key, 10)
    x = jax.random.normal(ks[0], (N, D), dtype=jnp.float32)
    edge_index = jax.random.randint(ks[1], (2, E), 0, N)
    batch_index = jnp.sort(jax.random.randint(ks[2], (N,), 0, G))

    def glorot(k, shape):
        return jax.random.normal(k, shape, dtype=jnp.float32) / np.sqrt(shape[0])

    W1 = glorot(ks[3], (D, H)); b1 = jnp.zeros((H,), jnp.float32)
    W2 = glorot(ks[4], (H, H)); b2 = jnp.zeros((H,), jnp.float32)
    W3 = glorot(ks[5], (H, H)); b3 = jnp.zeros((H,), jnp.float32)
    W4 = glorot(ks[6], (H, H)); b4 = jnp.zeros((H,), jnp.float32)
    Wfc = glorot(ks[7], (2 * H, C)); bfc = jnp.zeros((C,), jnp.float32)
    return {"x": x, "edge_index": edge_index, "batch_index": batch_index,
            "W1": W1, "b1": b1, "W2": W2, "b2": b2, "W3": W3, "b3": b3,
            "W4": W4, "b4": b4, "Wfc": Wfc, "bfc": bfc}


def _gcn_conv(x, src, dst, norm, W, b):
    h = x @ W
    msg = h[src] * norm[:, None]
    agg = jnp.zeros((x.shape[0], W.shape[1]), h.dtype).at[dst].add(msg)
    return agg + b


def reference(x, edge_index, batch_index, W1, b1, W2, b2, W3, b3, W4, b4, Wfc, bfc):
    n = x.shape[0]
    loop = jnp.arange(n)
    src = jnp.concatenate([edge_index[0], loop])
    dst = jnp.concatenate([edge_index[1], loop])
    deg = jnp.zeros((n,), x.dtype).at[dst].add(1.0)
    dinv = jax.lax.rsqrt(deg)
    norm = dinv[src] * dinv[dst]
    h = jnp.tanh(_gcn_conv(x, src, dst, norm, W1, b1))
    h = jnp.tanh(_gcn_conv(h, src, dst, norm, W2, b2))
    h = jnp.tanh(_gcn_conv(h, src, dst, norm, W3, b3))
    hidden = jnp.tanh(_gcn_conv(h, src, dst, norm, W4, b4))
    ones = jnp.ones((n,), x.dtype)
    counts = jax.ops.segment_sum(ones, batch_index, num_segments=G)
    gmean = jax.ops.segment_sum(hidden, batch_index, num_segments=G) / jnp.maximum(counts, 1.0)[:, None]
    gmax = jax.ops.segment_max(hidden, batch_index, num_segments=G)
    pooled = jnp.concatenate([gmax, gmean], axis=1)
    out = pooled @ Wfc + bfc
    return (out, hidden)

if __name__ == "__main__":
    import jax
    _d = setup_inputs()
    print(jax.jit(kernel)(*tuple(_d.values())))

</pallas_src>

<mosaic_0001>
#map = affine_map<(d0, d1) -> (0, 0, 0)>
#map1 = affine_map<(d0, d1) -> (0, 0)>
module attributes {stable_mosaic.version = 14 : i64} {
  func.func @deg(%arg0: i32, %arg1: i32, %arg2: memref<32x80x128xi32, #tpu.memory_space<hbm>>, %arg3: memref<128x8xf32, #tpu.memory_space<hbm>>, %arg4: memref<10240x8xf32, #tpu.memory_space<hbm>>, %arg5: memref<2x10240x8xf32, #tpu.memory_space<hbm>>, %arg6: memref<80x128xi32, #tpu.memory_space<vmem>>, %arg7: memref<128x8xf32, #tpu.memory_space<vmem>>, %arg8: memref<10240x8xf32, #tpu.memory_space<vmem_shared>>, %arg9: memref<!tpu.dma_semaphore, #tpu.memory_space<semaphore_mem>>) attributes {dimension_semantics = [#tpu.dimension_semantics<core_parallel>, #tpu.dimension_semantics<subcore_parallel>], iteration_bounds = array<i64: 2, 16>, scalar_prefetch = 0 : i64, scratch_operands = 4 : i64, tpu.core_type = #tpu.core_type<sc_vector_subcore>, window_params = [{transform_indices = #map}, {transform_indices = #map1}, {transform_indices = #map1}, {transform_indices = #map}]} {
    %mul3A = arith.constant 16 : i32
    %mul3A_0 = arith.muli %arg0, %mul3A : i32
    %add3A = arith.addi %mul3A_0, %arg1 : i32
    "tpu.region"() ({
      %run_scoped3A = tpu.sem_alloc : memref<!tpu.dma_semaphore, #tpu.memory_space<semaphore_mem>>
      %dma_start3A = arith.constant 0 : i32
      %dma_start3A_15 = arith.constant 0 : i32
      %dma_start3A_16 = tpu.memref_slice %arg2[%add3A, %dma_start3A, %dma_start3A_15] : memref<32x80x128xi32, #tpu.memory_space<hbm>> -> memref<1x80x128xi32, #tpu.memory_space<hbm>>
      %dma_start3A_17 = tpu.memref_squeeze %dma_start3A_16 : memref<1x80x128xi32, #tpu.memory_space<hbm>> -> memref<80x128xi32, #tpu.memory_space<hbm>>
      %dma_start3A_18 = arith.constant 0 : i32
      %dma_start3A_19 = arith.constant 0 : i32
      %dma_start3A_20 = tpu.memref_slice %arg2[%add3A, %dma_start3A_18, %dma_start3A_19] : memref<32x80x128xi32, #tpu.memory_space<hbm>> -> memref<1x80x128xi32, #tpu.memory_space<hbm>>
      %dma_start3A_21 = tpu.memref_squeeze %dma_start3A_20 : memref<1x80x128xi32, #tpu.memory_space<hbm>> -> memref<80x128xi32, #tpu.memory_space<hbm>>
      tpu.enqueue_dma source(%dma_start3A_21 : memref<80x128xi32, #tpu.memory_space<hbm>>) target(%arg6 : memref<80x128xi32, #tpu.memory_space<vmem>>) target_semaphore(%run_scoped3A : memref<!tpu.dma_semaphore, #tpu.memory_space<semaphore_mem>>)
      %dma_wait3A = arith.constant 0 : i32
      %dma_wait3A_22 = arith.constant 0 : i32
      %dma_wait3A_23 = tpu.memref_slice %arg2[%add3A, %dma_wait3A, %dma_wait3A_22] : memref<32x80x128xi32, #tpu.memory_space<hbm>> -> memref<1x80x128xi32, #tpu.memory_space<hbm>>
      %dma_wait3A_24 = tpu.memref_squeeze %dma_wait3A_23 : memref<1x80x128xi32, #tpu.memory_space<hbm>> -> memref<80x128xi32, #tpu.memory_space<hbm>>
      %dma_wait3A_25 = arith.constant 0 : i32
      %dma_wait3A_26 = arith.constant 0 : i32
      %dma_wait3A_27 = tpu.memref_slice %arg2[%add3A, %dma_wait3A_25, %dma_wait3A_26] : memref<32x80x128xi32, #tpu.memory_space<hbm>> -> memref<1x80x128xi32, #tpu.memory_space<hbm>>
      %dma_wait3A_28 = tpu.memref_squeeze %dma_wait3A_27 : memref<1x80x128xi32, #tpu.memory_space<hbm>> -> memref<80x128xi32, #tpu.memory_space<hbm>>
      tpu.wait_dma2 semaphore(%run_scoped3A : memref<!tpu.dma_semaphore, #tpu.memory_space<semaphore_mem>>) src(%dma_wait3A_28 : memref<80x128xi32, #tpu.memory_space<hbm>>) dst(%arg6 : memref<80x128xi32, #tpu.memory_space<vmem>>)
      tpu.yield
    }) : () -> ()
    "tpu.region"() ({
      %run_scoped3A = tpu.sem_alloc : memref<!tpu.dma_semaphore, #tpu.memory_space<semaphore_mem>>
      tpu.enqueue_dma source(%arg3 : memref<128x8xf32, #tpu.memory_space<hbm>>) target(%arg7 : memref<128x8xf32, #tpu.memory_space<vmem>>) target_semaphore(%run_scoped3A : memref<!tpu.dma_semaphore, #tpu.memory_space<semaphore_mem>>)
      tpu.wait_dma2 semaphore(%run_scoped3A : memref<!tpu.dma_semaphore, #tpu.memory_space<semaphore_mem>>) src(%arg3 : memref<128x8xf32, #tpu.memory_space<hbm>>) dst(%arg7 : memref<128x8xf32, #tpu.memory_space<vmem>>)
      tpu.yield
    }) : () -> ()
    %mul3A_1 = arith.constant 640 : i32
    %mul3A_2 = arith.muli %arg1, %mul3A_1 : i32
    %mul3A_3 = arith.constant 640 : i32
    %mul3A_4 = arith.muli %arg1, %mul3A_3 : i32
    "tpu.region"() ({
      %run_scoped3A = tpu.sem_alloc : memref<!tpu.dma_semaphore, #tpu.memory_space<semaphore_mem>>
      %dma_start3A = arith.constant 0 : i32
      %dma_start3A_15 = tpu.memref_slice %arg8[%mul3A_4, %dma_start3A] : memref<10240x8xf32, #tpu.memory_space<vmem_shared>> -> memref<640x8xf32, #tpu.memory_space<vmem_shared>>
      %dma_start3A_16 = arith.constant 0 : i32
      %dma_start3A_17 = tpu.memref_slice %arg4[%mul3A_2, %dma_start3A_16] : memref<10240x8xf32, #tpu.memory_space<hbm>> -> memref<640x8xf32, #tpu.memory_space<hbm>>
      tpu.enqueue_dma source(%dma_start3A_17 : memref<640x8xf32, #tpu.memory_space<hbm>>) target(%dma_start3A_15 : memref<640x8xf32, #tpu.memory_space<vmem_shared>>) target_semaphore(%run_scoped3A : memref<!tpu.dma_semaphore, #tpu.memory_space<semaphore_mem>>)
      %dma_wait3A = arith.constant 0 : i32
      %dma_wait3A_18 = tpu.memref_slice %arg8[%mul3A_4, %dma_wait3A] : memref<10240x8xf32, #tpu.memory_space<vmem_shared>> -> memref<640x8xf32, #tpu.memory_space<vmem_shared>>
      %dma_wait3A_19 = arith.constant 0 : i32
      %dma_wait3A_20 = tpu.memref_slice %arg4[%mul3A_2, %dma_wait3A_19] : memref<10240x8xf32, #tpu.memory_space<hbm>> -> memref<640x8xf32, #tpu.memory_space<hbm>>
      tpu.wait_dma2 semaphore(%run_scoped3A : memref<!tpu.dma_semaphore, #tpu.memory_space<semaphore_mem>>) src(%dma_wait3A_20 : memref<640x8xf32, #tpu.memory_space<hbm>>) dst(%dma_wait3A_18 : memref<640x8xf32, #tpu.memory_space<vmem_shared>>)
      tpu.yield
    }) : () -> ()
    %barrier3A = arith.constant 0 : index
    tpu.barrier barrier_id(%barrier3A)
    %scan3A = arith.constant 0 : i32
    %scan3A_5 = arith.constant 0 : i32
    %scan3A_6 = arith.constant 20 : i32
    %scan3A_7 = arith.addi %scan3A_5, %scan3A_6 : i32
    %scan3A_8 = arith.constant 1 : i32
    scf.for %scan3A_15 = %scan3A_5 to %scan3A_7 step %scan3A_8  : i32 {
      %mul3A_16 = arith.constant 4 : i32
      %mul3A_17 = arith.muli %mul3A_16, %scan3A_15 : i32
      %add3A_18 = arith.constant 0 : i32
      %add3A_19 = arith.addi %mul3A_17, %add3A_18 : i32
      %dma_start3A = arith.constant 0 : i32
      %dma_start3A_20 = tpu.memref_slice %arg6[%add3A_19, %dma_start3A] : memref<80x128xi32, #tpu.memory_space<vmem>> -> memref<1x128xi32, #tpu.memory_space<vmem>>
      %dma_start3A_21 = tpu.memref_squeeze %dma_start3A_20 : memref<1x128xi32, #tpu.memory_space<vmem>> -> memref<128xi32, #tpu.memory_space<vmem>>
      %dma_start3A_22 = arith.constant 0 : i32
      %dma_start3A_23 = arith.constant 0 : i32
      %dma_start3A_24 = tpu.memref_slice %arg8[%dma_start3A_22, %dma_start3A_23] : memref<10240x8xf32, #tpu.memory_space<vmem_shared>> -> memref<10240x8xf32, #tpu.memory_space<vmem_shared>>
      tpu.enqueue_indirect_dma source(%arg7 : memref<128x8xf32, #tpu.memory_space<vmem>>) target(%dma_start3A_24 : memref<10240x8xf32, #tpu.memory_space<vmem_shared>>) offsets(%dma_start3A_21 : memref<128xi32, #tpu.memory_space<vmem>>) semaphore(%arg9 : memref<!tpu.dma_semaphore, #tpu.memory_space<semaphore_mem>>) {add = true}
      %mul3A_25 = arith.constant 4 : i32
      %mul3A_26 = arith.muli %mul3A_25, %scan3A_15 : i32
      %add3A_27 = arith.constant 1 : i32
      %add3A_28 = arith.addi %mul3A_26, %add3A_27 : i32
      %dma_start3A_29 = arith.constant 0 : i32
      %dma_start3A_30 = tpu.memref_slice %arg6[%add3A_28, %dma_start3A_29] : memref<80x128xi32, #tpu.memory_space<vmem>> -> memref<1x128xi32, #tpu.memory_space<vmem>>
      %dma_start3A_31 = tpu.memref_squeeze %dma_start3A_30 : memref<1x128xi32, #tpu.memory_space<vmem>> -> memref<128xi32, #tpu.memory_space<vmem>>
      %dma_start3A_32 = arith.constant 0 : i32
      %dma_start3A_33 = arith.constant 0 : i32
      %dma_start3A_34 = tpu.memref_slice %arg8[%dma_start3A_32, %dma_start3A_33] : memref<10240x8xf32, #tpu.memory_space<vmem_shared>> -> memref<10240x8xf32, #tpu.memory_space<vmem_shared>>
      tpu.enqueue_indirect_dma source(%arg7 : memref<128x8xf32, #tpu.memory_space<vmem>>) target(%dma_start3A_34 : memref<10240x8xf32, #tpu.memory_space<vmem_shared>>) offsets(%dma_start3A_31 : memref<128xi32, #tpu.memory_space<vmem>>) semaphore(%arg9 : memref<!tpu.dma_semaphore, #tpu.memory_space<semaphore_mem>>) {add = true}
      %mul3A_35 = arith.constant 4 : i32
      %mul3A_36 = arith.muli %mul3A_35, %scan3A_15 : i32
      %add3A_37 = arith.constant 2 : i32
      %add3A_38 = arith.addi %mul3A_36, %add3A_37 : i32
      %dma_start3A_39 = arith.constant 0 : i32
      %dma_start3A_40 = tpu.memref_slice %arg6[%add3A_38, %dma_start3A_39] : memref<80x128xi32, #tpu.memory_space<vmem>> -> memref<1x128xi32, #tpu.memory_space<vmem>>
      %dma_start3A_41 = tpu.memref_squeeze %dma_start3A_40 : memref<1x128xi32, #tpu.memory_space<vmem>> -> memref<128xi32, #tpu.memory_space<vmem>>
      %dma_start3A_42 = arith.constant 0 : i32
      %dma_start3A_43 = arith.constant 0 : i32
      %dma_start3A_44 = tpu.memref_slice %arg8[%dma_start3A_42, %dma_start3A_43] : memref<10240x8xf32, #tpu.memory_space<vmem_shared>> -> memref<10240x8xf32, #tpu.memory_space<vmem_shared>>
      tpu.enqueue_indirect_dma source(%arg7 : memref<128x8xf32, #tpu.memory_space<vmem>>) target(%dma_start3A_44 : memref<10240x8xf32, #tpu.memory_space<vmem_shared>>) offsets(%dma_start3A_41 : memref<128xi32, #tpu.memory_space<vmem>>) semaphore(%arg9 : memref<!tpu.dma_semaphore, #tpu.memory_space<semaphore_mem>>) {add = true}
      %mul3A_45 = arith.constant 4 : i32
      %mul3A_46 = arith.muli %mul3A_45, %scan3A_15 : i32
      %add3A_47 = arith.constant 3 : i32
      %add3A_48 = arith.addi %mul3A_46, %add3A_47 : i32
      %dma_start3A_49 = arith.constant 0 : i32
      %dma_start3A_50 = tpu.memref_slice %arg6[%add3A_48, %dma_start3A_49] : memref<80x128xi32, #tpu.memory_space<vmem>> -> memref<1x128xi32, #tpu.memory_space<vmem>>
      %dma_start3A_51 = tpu.memref_squeeze %dma_start3A_50 : memref<1x128xi32, #tpu.memory_space<vmem>> -> memref<128xi32, #tpu.memory_space<vmem>>
      %dma_start3A_52 = arith.constant 0 : i32
      %dma_start3A_53 = arith.constant 0 : i32
      %dma_start3A_54 = tpu.memref_slice %arg8[%dma_start3A_52, %dma_start3A_53] : memref<10240x8xf32, #tpu.memory_space<vmem_shared>> -> memref<10240x8xf32, #tpu.memory_space<vmem_shared>>
      tpu.enqueue_indirect_dma source(%arg7 : memref<128x8xf32, #tpu.memory_space<vmem>>) target(%dma_start3A_54 : memref<10240x8xf32, #tpu.memory_space<vmem_shared>>) offsets(%dma_start3A_51 : memref<128xi32, #tpu.memory_space<vmem>>) semaphore(%arg9 : memref<!tpu.dma_semaphore, #tpu.memory_space<semaphore_mem>>) {add = true}
      %mul3A_55 = arith.constant 4 : i32
      %mul3A_56 = arith.muli %mul3A_55, %scan3A_15 : i32
      %add3A_57 = arith.constant 0 : i32
      %add3A_58 = arith.addi %mul3A_56, %add3A_57 : i32
      %dma_wait3A = arith.constant 0 : i32
      %dma_wait3A_59 = tpu.memref_slice %arg6[%add3A_58, %dma_wait3A] : memref<80x128xi32, #tpu.memory_space<vmem>> -> memref<1x128xi32, #tpu.memory_space<vmem>>
      %dma_wait3A_60 = tpu.memref_squeeze %dma_wait3A_59 : memref<1x128xi32, #tpu.memory_space<vmem>> -> memref<128xi32, #tpu.memory_space<vmem>>
      %dma_wait3A_61 = arith.constant 0 : i32
      %dma_wait3A_62 = arith.constant 0 : i32
      %dma_wait3A_63 = tpu.memref_slice %arg8[%dma_wait3A_61, %dma_wait3A_62] : memref<10240x8xf32, #tpu.memory_space<vmem_shared>> -> memref<10240x8xf32, #tpu.memory_space<vmem_shared>>
      tpu.wait_indirect_dma semaphore(%arg9 : memref<!tpu.dma_semaphore, #tpu.memory_space<semaphore_mem>>) src(%arg7 : memref<128x8xf32, #tpu.memory_space<vmem>>) dst(%dma_wait3A_63 : memref<10240x8xf32, #tpu.memory_space<vmem_shared>>)
      %mul3A_64 = arith.constant 4 : i32
      %mul3A_65 = arith.muli %mul3A_64, %scan3A_15 : i32
      %add3A_66 = arith.constant 1 : i32
      %add3A_67 = arith.addi %mul3A_65, %add3A_66 : i32
      %dma_wait3A_68 = arith.constant 0 : i32
      %dma_wait3A_69 = tpu.memref_slice %arg6[%add3A_67, %dma_wait3A_68] : memref<80x128xi32, #tpu.memory_space<vmem>> -> memref<1x128xi32, #tpu.memory_space<vmem>>
      %dma_wait3A_70 = tpu.memref_squeeze %dma_wait3A_69 : memref<1x128xi32, #tpu.memory_space<vmem>> -> memref<128xi32, #tpu.memory_space<vmem>>
      %dma_wait3A_71 = arith.constant 0 : i32
      %dma_wait3A_72 = arith.constant 0 : i32
      %dma_wait3A_73 = tpu.memref_slice %arg8[%dma_wait3A_71, %dma_wait3A_72] : memref<10240x8xf32, #tpu.memory_space<vmem_shared>> -> memref<10240x8xf32, #tpu.memory_space<vmem_shared>>
      tpu.wait_indirect_dma semaphore(%arg9 : memref<!tpu.dma_semaphore, #tpu.memory_space<semaphore_mem>>) src(%arg7 : memref<128x8xf32, #tpu.memory_space<vmem>>) dst(%dma_wait3A_73 : memref<10240x8xf32, #tpu.memory_space<vmem_shared>>)
      %mul3A_74 = arith.constant 4 : i32
      %mul3A_75 = arith.muli %mul3A_74, %scan3A_15 : i32
      %add3A_76 = arith.constant 2 : i32
      %add3A_77 = arith.addi %mul3A_75, %add3A_76 : i32
      %dma_wait3A_78 = arith.constant 0 : i32
      %dma_wait3A_79 = tpu.memref_slice %arg6[%add3A_77, %dma_wait3A_78] : memref<80x128xi32, #tpu.memory_space<vmem>> -> memref<1x128xi32, #tpu.memory_space<vmem>>
      %dma_wait3A_80 = tpu.memref_squeeze %dma_wait3A_79 : memref<1x128xi32, #tpu.memory_space<vmem>> -> memref<128xi32, #tpu.memory_space<vmem>>
      %dma_wait3A_81 = arith.constant 0 : i32
      %dma_wait3A_82 = arith.constant 0 : i32
      %dma_wait3A_83 = tpu.memref_slice %arg8[%dma_wait3A_81, %dma_wait3A_82] : memref<10240x8xf32, #tpu.memory_space<vmem_shared>> -> memref<10240x8xf32, #tpu.memory_space<vmem_shared>>
      tpu.wait_indirect_dma semaphore(%arg9 : memref<!tpu.dma_semaphore, #tpu.memory_space<semaphore_mem>>) src(%arg7 : memref<128x8xf32, #tpu.memory_space<vmem>>) dst(%dma_wait3A_83 : memref<10240x8xf32, #tpu.memory_space<vmem_shared>>)
      %mul3A_84 = arith.constant 4 : i32
      %mul3A_85 = arith.muli %mul3A_84, %scan3A_15 : i32
      %add3A_86 = arith.constant 3 : i32
      %add3A_87 = arith.addi %mul3A_85, %add3A_86 : i32
      %dma_wait3A_88 = arith.constant 0 : i32
      %dma_wait3A_89 = tpu.memref_slice %arg6[%add3A_87, %dma_wait3A_88] : memref<80x128xi32, #tpu.memory_space<vmem>> -> memref<1x128xi32, #tpu.memory_space<vmem>>
      %dma_wait3A_90 = tpu.memref_squeeze %dma_wait3A_89 : memref<1x128xi32, #tpu.memory_space<vmem>> -> memref<128xi32, #tpu.memory_space<vmem>>
      %dma_wait3A_91 = arith.constant 0 : i32
      %dma_wait3A_92 = arith.constant 0 : i32
      %dma_wait3A_93 = tpu.memref_slice %arg8[%dma_wait3A_91, %dma_wait3A_92] : memref<10240x8xf32, #tpu.memory_space<vmem_shared>> -> memref<10240x8xf32, #tpu.memory_space<vmem_shared>>
      tpu.wait_indirect_dma semaphore(%arg9 : memref<!tpu.dma_semaphore, #tpu.memory_space<semaphore_mem>>) src(%arg7 : memref<128x8xf32, #tpu.memory_space<vmem>>) dst(%dma_wait3A_93 : memref<10240x8xf32, #tpu.memory_space<vmem_shared>>)
    }
    %scan3A_9 = arith.constant 20 : i32
    %barrier3A_10 = arith.constant 0 : index
    tpu.barrier barrier_id(%barrier3A_10)
    %mul3A_11 = arith.constant 640 : i32
    %mul3A_12 = arith.muli %arg1, %mul3A_11 : i32
    %mul3A_13 = arith.constant 640 : i32
    %mul3A_14 = arith.muli %arg1, %mul3A_13 : i32
    "tpu.region"() ({
      %run_scoped3A = tpu.sem_alloc : memref<!tpu.dma_semaphore, #tpu.memory_space<semaphore_mem>>
      %dma_start3A = arith.constant 0 : i32
      %dma_start3A_15 = tpu.memref_slice %arg5[%arg0, %mul3A_14, %dma_start3A] : memref<2x10240x8xf32, #tpu.memory_space<hbm>> -> memref<1x640x8xf32, #tpu.memory_space<hbm>>
      %dma_start3A_16 = tpu.memref_squeeze %dma_start3A_15 : memref<1x640x8xf32, #tpu.memory_space<hbm>> -> memref<640x8xf32, #tpu.memory_space<hbm>>
      %dma_start3A_17 = arith.constant 0 : i32
      %dma_start3A_18 = tpu.memref_slice %arg8[%mul3A_12, %dma_start3A_17] : memref<10240x8xf32, #tpu.memory_space<vmem_shared>> -> memref<640x8xf32, #tpu.memory_space<vmem_shared>>
      tpu.enqueue_dma source(%dma_start3A_18 : memref<640x8xf32, #tpu.memory_space<vmem_shared>>) target(%dma_start3A_16 : memref<640x8xf32, #tpu.memory_space<hbm>>) target_semaphore(%run_scoped3A : memref<!tpu.dma_semaphore, #tpu.memory_space<semaphore_mem>>)
      %dma_wait3A = arith.constant 0 : i32
      %dma_wait3A_19 = tpu.memref_slice %arg5[%arg0, %mul3A_14, %dma_wait3A] : memref<2x10240x8xf32, #tpu.memory_space<hbm>> -> memref<1x640x8xf32, #tpu.memory_space<hbm>>
      %dma_wait3A_20 = tpu.memref_squeeze %dma_wait3A_19 : memref<1x640x8xf32, #tpu.memory_space<hbm>> -> memref<640x8xf32, #tpu.memory_space<hbm>>
      %dma_wait3A_21 = arith.constant 0 : i32
      %dma_wait3A_22 = tpu.memref_slice %arg8[%mul3A_12, %dma_wait3A_21] : memref<10240x8xf32, #tpu.memory_space<vmem_shared>> -> memref<640x8xf32, #tpu.memory_space<vmem_shared>>
      tpu.wait_dma2 semaphore(%run_scoped3A : memref<!tpu.dma_semaphore, #tpu.memory_space<semaphore_mem>>) src(%dma_wait3A_22 : memref<640x8xf32, #tpu.memory_space<vmem_shared>>) dst(%dma_wait3A_20 : memref<640x8xf32, #tpu.memory_space<hbm>>)
      tpu.yield
    }) : () -> ()
    return
  }
}

#map = affine_map<(d0, d1) -> (0, 0)>
#map1 = affine_map<(d0, d1) -> (0, 0, 0)>
module attributes {stable_mosaic.version = 14 : i64} {
  func.func @edge(%arg0: i32, %arg1: i32, %arg2: memref<10240x64xf32, #tpu.memory_space<hbm>>, %arg3: memref<32x80x128xi32, #tpu.memory_space<hbm>>, %arg4: memref<32x80x128xi32, #tpu.memory_space<hbm>>, %arg5: memref<10240x64xf32, #tpu.memory_space<hbm>>, %arg6: memref<2x10240x64xf32, #tpu.memory_space<hbm>>, %arg7: memref<80x128xi32, #tpu.memory_space<vmem>>, %arg8: memref<80x128xi32, #tpu.memory_space<vmem>>, %arg9: memref<2x128x64xf32, #tpu.memory_space<vmem>>, %arg10: memref<10240x64xf32, #tpu.memory_space<vmem_shared>>, %arg11: memref<10240x64xf32, #tpu.memory_space<vmem_shared>>, %arg12: memref<!tpu.dma_semaphore, #tpu.memory_space<semaphore_mem>>, %arg13: memref<!tpu.dma_semaphore, #tpu.memory_space<semaphore_mem>>) attributes {dimension_semantics = [#tpu.dimension_semantics<core_parallel>, #tpu.dimension_semantics<subcore_parallel>], iteration_bounds = array<i64: 2, 16>, scalar_prefetch = 0 : i64, scratch_operands = 7 : i64, tpu.core_type = #tpu.core_type<sc_vector_subcore>, window_params = [{transform_indices = #map}, {transform_indices = #map1}, {transform_indices = #map1}, {transform_indices = #map}, {transform_indices = #map1}]} {
    %mul3A = arith.constant 16 : i32
    %mul3A_0 = arith.muli %arg0, %mul3A : i32
    %add3A = arith.addi %mul3A_0, %arg1 : i32
    %mul3A_1 = arith.constant 640 : i32
    %mul3A_2 = arith.muli %arg1, %mul3A_1 : i32
    %mul3A_3 = arith.constant 640 : i32
    %mul3A_4 = arith.muli %arg1, %mul3A_3 : i32
    %mul3A_5 = arith.constant 640 : i32
    %mul3A_6 = arith.muli %arg1, %mul3A_5 : i32
    %mul3A_7 = arith.constant 640 : i32
    %mul3A_8 = arith.muli %arg1, %mul3A_7 : i32
    %dma_start3A = arith.constant 0 : i32
    %dma_start3A_9 = arith.constant 0 : i32
    %dma_start3A_10 = tpu.memref_slice %arg3[%add3A, %dma_start3A, %dma_start3A_9] : memref<32x80x128xi32, #tpu.memory_space<hbm>> -> memref<1x80x128xi32, #tpu.memory_space<hbm>>
    %dma_start3A_11 = tpu.memref_squeeze %dma_start3A_10 : memref<1x80x128xi32, #tpu.memory_space<hbm>> -> memref<80x128xi32, #tpu.memory_space<hbm>>
    %dma_start3A_12 = arith.constant 0 : i32
    %dma_start3A_13 = arith.constant 0 : i32
    %dma_start3A_14 = tpu.memref_slice %arg3[%add3A, %dma_start3A_12, %dma_start3A_13] : memref<32x80x128xi32, #tpu.memory_space<hbm>> -> memref<1x80x128xi32, #tpu.memory_space<hbm>>
    %dma_start3A_15 = tpu.memref_squeeze %dma_start3A_14 : memref<1x80x128xi32, #tpu.memory_space<hbm>> -> memref<80x128xi32, #tpu.memory_space<hbm>>
    tpu.enqueue_dma source(%dma_start3A_15 : memref<80x128xi32, #tpu.memory_space<hbm>>) target(%arg7 : memref<80x128xi32, #tpu.memory_space<vmem>>) target_semaphore(%arg12 : memref<!tpu.dma_semaphore, #tpu.memory_space<semaphore_mem>>)
    %dma_start3A_16 = arith.constant 0 : i32
    %dma_start3A_17 = arith.constant 0 : i32
    %dma_start3A_18 = tpu.memref_slice %arg4[%add3A, %dma_start3A_16, %dma_start3A_17] : memref<32x80x128xi32, #tpu.memory_space<hbm>> -> memref<1x80x128xi32, #tpu.memory_space<hbm>>
    %dma_start3A_19 = tpu.memref_squeeze %dma_start3A_18 : memref<1x80x128xi32, #tpu.memory_space<hbm>> -> memref<80x128xi32, #tpu.memory_space<hbm>>
    %dma_start3A_20 = arith.constant 0 : i32
    %dma_start3A_21 = arith.constant 0 : i32
    %dma_start3A_22 = tpu.memref_slice %arg4[%add3A, %dma_start3A_20, %dma_start3A_21] : memref<32x80x128xi32, #tpu.memory_space<hbm>> -> memref<1x80x128xi32, #tpu.memory_space<hbm>>
    %dma_start3A_23 = tpu.memref_squeeze %dma_start3A_22 : memref<1x80x128xi32, #tpu.memory_space<hbm>> -> memref<80x128xi32, #tpu.memory_space<hbm>>
    tpu.enqueue_dma source(%dma_start3A_23 : memref<80x128xi32, #tpu.memory_space<hbm>>) target(%arg8 : memref<80x128xi32, #tpu.memory_space<vmem>>) target_semaphore(%arg12 : memref<!tpu.dma_semaphore, #tpu.memory_space<semaphore_mem>>)
    %dma_start3A_24 = arith.constant 0 : i32
    %dma_start3A_25 = tpu.memref_slice %arg10[%mul3A_4, %dma_start3A_24] : memref<10240x64xf32, #tpu.memory_space<vmem_shared>> -> memref<640x64xf32, #tpu.memory_space<vmem_shared>>
    %dma_start3A_26 = arith.constant 0 : i32
    %dma_start3A_27 = tpu.memref_slice %arg5[%mul3A_2, %dma_start3A_26] : memref<10240x64xf32, #tpu.memory_space<hbm>> -> memref<640x64xf32, #tpu.memory_space<hbm>>
    tpu.enqueue_dma source(%dma_start3A_27 : memref<640x64xf32, #tpu.memory_space<hbm>>) target(%dma_start3A_25 : memref<640x64xf32, #tpu.memory_space<vmem_shared>>) target_semaphore(%arg13 : memref<!tpu.dma_semaphore, #tpu.memory_space<semaphore_mem>>)
    %dma_start3A_28 = arith.constant 0 : i32
    %dma_start3A_29 = tpu.memref_slice %arg11[%mul3A_8, %dma_start3A_28] : memref<10240x64xf32, #tpu.memory_space<vmem_shared>> -> memref<640x64xf32, #tpu.memory_space<vmem_shared>>
    %dma_start3A_30 = arith.constant 0 : i32
    %dma_start3A_31 = tpu.memref_slice %arg2[%mul3A_6, %dma_start3A_30] : memref<10240x64xf32, #tpu.memory_space<hbm>> -> memref<640x64xf32, #tpu.memory_space<hbm>>
    tpu.enqueue_dma source(%dma_start3A_31 : memref<640x64xf32, #tpu.memory_space<hbm>>) target(%dma_start3A_29 : memref<640x64xf32, #tpu.memory_space<vmem_shared>>) target_semaphore(%arg13 : memref<!tpu.dma_semaphore, #tpu.memory_space<semaphore_mem>>)
    %dma_wait3A = arith.constant 0 : i32
    %dma_wait3A_32 = arith.constant 0 : i32
    %dma_wait3A_33 = tpu.memref_slice %arg3[%add3A, %dma_wait3A, %dma_wait3A_32] : memref<32x80x128xi32, #tpu.memory_space<hbm>> -> memref<1x80x128xi32, #tpu.memory_space<hbm>>
    %dma_wait3A_34 = tpu.memref_squeeze %dma_wait3A_33 : memref<1x80x128xi32, #tpu.memory_space<hbm>> -> memref<80x128xi32, #tpu.memory_space<hbm>>
    %dma_wait3A_35 = arith.constant 0 : i32
    %dma_wait3A_36 = arith.constant 0 : i32
    %dma_wait3A_37 = tpu.memref_slice %arg3[%add3A, %dma_wait3A_35, %dma_wait3A_36] : memref<32x80x128xi32, #tpu.memory_space<hbm>> -> memref<1x80x128xi32, #tpu.memory_space<hbm>>
    %dma_wait3A_38 = tpu.memref_squeeze %dma_wait3A_37 : memref<1x80x128xi32, #tpu.memory_space<hbm>> -> memref<80x128xi32, #tpu.memory_space<hbm>>
    tpu.wait_dma2 semaphore(%arg12 : memref<!tpu.dma_semaphore, #tpu.memory_space<semaphore_mem>>) src(%dma_wait3A_38 : memref<80x128xi32, #tpu.memory_space<hbm>>) dst(%arg7 : memref<80x128xi32, #tpu.memory_space<vmem>>)
    %dma_wait3A_39 = arith.constant 0 : i32
    %dma_wait3A_40 = arith.constant 0 : i32
    %dma_wait3A_41 = tpu.memref_slice %arg4[%add3A, %dma_wait3A_39, %dma_wait3A_40] : memref<32x80x128xi32, #tpu.memory_space<hbm>> -> memref<1x80x128xi32, #tpu.memory_space<hbm>>
    %dma_wait3A_42 = tpu.memref_squeeze %dma_wait3A_41 : memref<1x80x128xi32, #tpu.memory_space<hbm>> -> memref<80x128xi32, #tpu.memory_space<hbm>>
    %dma_wait3A_43 = arith.constant 0 : i32
    %dma_wait3A_44 = arith.constant 0 : i32
    %dma_wait3A_45 = tpu.memref_slice %arg4[%add3A, %dma_wait3A_43, %dma_wait3A_44] : memref<32x80x128xi32, #tpu.memory_space<hbm>> -> memref<1x80x128xi32, #tpu.memory_space<hbm>>
    %dma_wait3A_46 = tpu.memref_squeeze %dma_wait3A_45 : memref<1x80x128xi32, #tpu.memory_space<hbm>> -> memref<80x128xi32, #tpu.memory_space<hbm>>
    tpu.wait_dma2 semaphore(%arg12 : memref<!tpu.dma_semaphore, #tpu.memory_space<semaphore_mem>>) src(%dma_wait3A_46 : memref<80x128xi32, #tpu.memory_space<hbm>>) dst(%arg8 : memref<80x128xi32, #tpu.memory_space<vmem>>)
    %dma_wait3A_47 = arith.constant 0 : i32
    %dma_wait3A_48 = tpu.memref_slice %arg10[%mul3A_4, %dma_wait3A_47] : memref<10240x64xf32, #tpu.memory_space<vmem_shared>> -> memref<640x64xf32, #tpu.memory_space<vmem_shared>>
    %dma_wait3A_49 = arith.constant 0 : i32
    %dma_wait3A_50 = tpu.memref_slice %arg5[%mul3A_2, %dma_wait3A_49] : memref<10240x64xf32, #tpu.memory_space<hbm>> -> memref<640x64xf32, #tpu.memory_space<hbm>>
    tpu.wait_dma2 semaphore(%arg13 : memref<!tpu.dma_semaphore, #tpu.memory_space<semaphore_mem>>) src(%dma_wait3A_50 : memref<640x64xf32, #tpu.memory_space<hbm>>) dst(%dma_wait3A_48 : memref<640x64xf32, #tpu.memory_space<vmem_shared>>)
    %dma_wait3A_51 = arith.constant 0 : i32
    %dma_wait3A_52 = tpu.memref_slice %arg11[%mul3A_8, %dma_wait3A_51] : memref<10240x64xf32, #tpu.memory_space<vmem_shared>> -> memref<640x64xf32, #tpu.memory_space<vmem_shared>>
    %dma_wait3A_53 = arith.constant 0 : i32
    %dma_wait3A_54 = tpu.memref_slice %arg2[%mul3A_6, %dma_wait3A_53] : memref<10240x64xf32, #tpu.memory_space<hbm>> -> memref<640x64xf32, #tpu.memory_space<hbm>>
    tpu.wait_dma2 semaphore(%arg13 : memref<!tpu.dma_semaphore, #tpu.memory_space<semaphore_mem>>) src(%dma_wait3A_54 : memref<640x64xf32, #tpu.memory_space<hbm>>) dst(%dma_wait3A_52 : memref<640x64xf32, #tpu.memory_space<vmem_shared>>)
    %barrier3A = arith.constant 0 : index
    tpu.barrier barrier_id(%barrier3A)
    %dma_start3A_55 = arith.constant 0 : i32
    %dma_start3A_56 = arith.constant 0 : i32
    %dma_start3A_57 = arith.constant 0 : i32
    %dma_start3A_58 = arith.constant 0 : i32
    %dma_start3A_59 = tpu.memref_slice %arg9[%dma_start3A_56, %dma_start3A_57, %dma_start3A_58] : memref<2x128x64xf32, #tpu.memory_space<vmem>> -> memref<1x128x64xf32, #tpu.memory_space<vmem>>
    %dma_start3A_60 = tpu.memref_squeeze %dma_start3A_59 : memref<1x128x64xf32, #tpu.memory_space<vmem>> -> memref<128x64xf32, #tpu.memory_space<vmem>>
    %dma_start3A_61 = arith.constant 0 : i32
    %dma_start3A_62 = tpu.memref_slice %arg7[%dma_start3A_55, %dma_start3A_61] : memref<80x128xi32, #tpu.memory_space<vmem>> -> memref<1x128xi32, #tpu.memory_space<vmem>>
    %dma_start3A_63 = tpu.memref_squeeze %dma_start3A_62 : memref<1x128xi32, #tpu.memory_space<vmem>> -> memref<128xi32, #tpu.memory_space<vmem>>
    %dma_start3A_64 = arith.constant 0 : i32
    %dma_start3A_65 = arith.constant 0 : i32
    %dma_start3A_66 = tpu.memref_slice %arg11[%dma_start3A_64, %dma_start3A_65] : memref<10240x64xf32, #tpu.memory_space<vmem_shared>> -> memref<10240x64xf32, #tpu.memory_space<vmem_shared>>
    tpu.enqueue_indirect_dma source(%dma_start3A_66 : memref<10240x64xf32, #tpu.memory_space<vmem_shared>>) target(%dma_start3A_60 : memref<128x64xf32, #tpu.memory_space<vmem>>) offsets(%dma_start3A_63 : memref<128xi32, #tpu.memory_space<vmem>>) semaphore(%arg12 : memref<!tpu.dma_semaphore, #tpu.memory_space<semaphore_mem>>)
    %scan3A = arith.constant 0 : i32
    %scan3A_67 = arith.constant 0 : i32
    %scan3A_68 = arith.constant 40 : i32
    %scan3A_69 = arith.addi %scan3A_67, %scan3A_68 : i32
    %scan3A_70 = arith.constant 1 : i32
    scf.for %scan3A_77 = %scan3A_67 to %scan3A_69 step %scan3A_70  : i32 {
      %mul3A_78 = arith.constant 2 : i32
      %mul3A_79 = arith.muli %mul3A_78, %scan3A_77 : i32
      %add3A_80 = arith.constant 1 : i32
      %add3A_81 = arith.addi %mul3A_79, %add3A_80 : i32
      %dma_wait3A_82 = arith.constant 0 : i32
      %dma_wait3A_83 = arith.constant 0 : i32
      %dma_wait3A_84 = arith.constant 0 : i32
      %dma_wait3A_85 = tpu.memref_slice %arg9[%dma_wait3A_82, %dma_wait3A_83, %dma_wait3A_84] : memref<2x128x64xf32, #tpu.memory_space<vmem>> -> memref<1x128x64xf32, #tpu.memory_space<vmem>>
      %dma_wait3A_86 = tpu.memref_squeeze %dma_wait3A_85 : memref<1x128x64xf32, #tpu.memory_space<vmem>> -> memref<128x64xf32, #tpu.memory_space<vmem>>
      %dma_wait3A_87 = arith.constant 0 : i32
      %dma_wait3A_88 = tpu.memref_slice %arg7[%mul3A_79, %dma_wait3A_87] : memref<80x128xi32, #tpu.memory_space<vmem>> -> memref<1x128xi32, #tpu.memory_space<vmem>>
      %dma_wait3A_89 = tpu.memref_squeeze %dma_wait3A_88 : memref<1x128xi32, #tpu.memory_space<vmem>> -> memref<128xi32, #tpu.memory_space<vmem>>
      %dma_wait3A_90 = arith.constant 0 : i32
      %dma_wait3A_91 = arith.constant 0 : i32
      %dma_wait3A_92 = tpu.memref_slice %arg11[%dma_wait3A_90, %dma_wait3A_91] : memref<10240x64xf32, #tpu.memory_space<vmem_shared>> -> memref<10240x64xf32, #tpu.memory_space<vmem_shared>>
      tpu.wait_indirect_dma semaphore(%arg12 : memref<!tpu.dma_semaphore, #tpu.memory_space<semaphore_mem>>) src(%dma_wait3A_92 : memref<10240x64xf32, #tpu.memory_space<vmem_shared>>) dst(%dma_wait3A_86 : memref<128x64xf32, #tpu.memory_space<vmem>>)
      %dma_start3A_93 = arith.constant 1 : i32
      %dma_start3A_94 = arith.constant 0 : i32
      %dma_start3A_95 = arith.constant 0 : i32
      %dma_start3A_96 = tpu.memref_slice %arg9[%dma_start3A_93, %dma_start3A_94, %dma_start3A_95] : memref<2x128x64xf32, #tpu.memory_space<vmem>> -> memref<1x128x64xf32, #tpu.memory_space<vmem>>
      %dma_start3A_97 = tpu.memref_squeeze %dma_start3A_96 : memref<1x128x64xf32, #tpu.memory_space<vmem>> -> memref<128x64xf32, #tpu.memory_space<vmem>>
      %dma_start3A_98 = arith.constant 0 : i32
      %dma_start3A_99 = tpu.memref_slice %arg7[%add3A_81, %dma_start3A_98] : memref<80x128xi32, #tpu.memory_space<vmem>> -> memref<1x128xi32, #tpu.memory_space<vmem>>
      %dma_start3A_100 = tpu.memref_squeeze %dma_start3A_99 : memref<1x128xi32, #tpu.memory_space<vmem>> -> memref<128xi32, #tpu.memory_space<vmem>>
      %dma_start3A_101 = arith.constant 0 : i32
      %dma_start3A_102 = arith.constant 0 : i32
      %dma_start3A_103 = tpu.memref_slice %arg11[%dma_start3A_101, %dma_start3A_102] : memref<10240x64xf32, #tpu.memory_space<vmem_shared>> -> memref<10240x64xf32, #tpu.memory_space<vmem_shared>>
      tpu.enqueue_indirect_dma source(%dma_start3A_103 : memref<10240x64xf32, #tpu.memory_space<vmem_shared>>) target(%dma_start3A_97 : memref<128x64xf32, #tpu.memory_space<vmem>>) offsets(%dma_start3A_100 : memref<128xi32, #tpu.memory_space<vmem>>) semaphore(%arg13 : memref<!tpu.dma_semaphore, #tpu.memory_space<semaphore_mem>>)
      %run_scoped3A = arith.constant 0 : i32
      "tpu.region"() ({
        %run_scoped3A_118 = tpu.sem_alloc : memref<!tpu.dma_semaphore, #tpu.memory_space<semaphore_mem>>
        %dma_start3A_119 = arith.constant 0 : i32
        %dma_start3A_120 = arith.constant 0 : i32
        %dma_start3A_121 = tpu.memref_slice %arg9[%run_scoped3A, %dma_start3A_119, %dma_start3A_120] : memref<2x128x64xf32, #tpu.memory_space<vmem>> -> memref<1x128x64xf32, #tpu.memory_space<vmem>>
        %dma_start3A_122 = tpu.memref_squeeze %dma_start3A_121 : memref<1x128x64xf32, #tpu.memory_space<vmem>> -> memref<128x64xf32, #tpu.memory_space<vmem>>
        %dma_start3A_123 = arith.constant 0 : i32
        %dma_start3A_124 = tpu.memref_slice %arg8[%mul3A_79, %dma_start3A_123] : memref<80x128xi32, #tpu.memory_space<vmem>> -> memref<1x128xi32, #tpu.memory_space<vmem>>
        %dma_start3A_125 = tpu.memref_squeeze %dma_start3A_124 : memref<1x128xi32, #tpu.memory_space<vmem>> -> memref<128xi32, #tpu.memory_space<vmem>>
        %dma_start3A_126 = arith.constant 0 : i32
        %dma_start3A_127 = arith.constant 0 : i32
        %dma_start3A_128 = tpu.memref_slice %arg10[%dma_start3A_126, %dma_start3A_127] : memref<10240x64xf32, #tpu.memory_space<vmem_shared>> -> memref<10240x64xf32, #tpu.memory_space<vmem_shared>>
        tpu.enqueue_indirect_dma source(%dma_start3A_122 : memref<128x64xf32, #tpu.memory_space<vmem>>) target(%dma_start3A_128 : memref<10240x64xf32, #tpu.memory_space<vmem_shared>>) offsets(%dma_start3A_125 : memref<128xi32, #tpu.memory_space<vmem>>) semaphore(%run_scoped3A_118 : memref<!tpu.dma_semaphore, #tpu.memory_space<semaphore_mem>>) {add = true}
        %dma_wait3A_129 = arith.constant 0 : i32
        %dma_wait3A_130 = arith.constant 0 : i32
        %dma_wait3A_131 = tpu.memref_slice %arg9[%run_scoped3A, %dma_wait3A_129, %dma_wait3A_130] : memref<2x128x64xf32, #tpu.memory_space<vmem>> -> memref<1x128x64xf32, #tpu.memory_space<vmem>>
        %dma_wait3A_132 = tpu.memref_squeeze %dma_wait3A_131 : memref<1x128x64xf32, #tpu.memory_space<vmem>> -> memref<128x64xf32, #tpu.memory_space<vmem>>
        %dma_wait3A_133 = arith.constant 0 : i32
        %dma_wait3A_134 = tpu.memref_slice %arg8[%mul3A_79, %dma_wait3A_133] : memref<80x128xi32, #tpu.memory_space<vmem>> -> memref<1x128xi32, #tpu.memory_space<vmem>>
        %dma_wait3A_135 = tpu.memref_squeeze %dma_wait3A_134 : memref<1x128xi32, #tpu.memory_space<vmem>> -> memref<128xi32, #tpu.memory_space<vmem>>
        %dma_wait3A_136 = arith.constant 0 : i32
        %dma_wait3A_137 = arith.constant 0 : i32
        %dma_wait3A_138 = tpu.memref_slice %arg10[%dma_wait3A_136, %dma_wait3A_137] : memref<10240x64xf32, #tpu.memory_space<vmem_shared>> -> memref<10240x64xf32, #tpu.memory_space<vmem_shared>>
        tpu.wait_indirect_dma semaphore(%run_scoped3A_118 : memref<!tpu.dma_semaphore, #tpu.memory_space<semaphore_mem>>) src(%dma_wait3A_132 : memref<128x64xf32, #tpu.memory_space<vmem>>) dst(%dma_wait3A_138 : memref<10240x64xf32, #tpu.memory_space<vmem_shared>>)
        tpu.yield
      }) : () -> ()
      %dma_wait3A_104 = arith.constant 1 : i32
      %dma_wait3A_105 = arith.constant 0 : i32
      %dma_wait3A_106 = arith.constant 0 : i32
      %dma_wait3A_107 = tpu.memref_slice %arg9[%dma_wait3A_104, %dma_wait3A_105, %dma_wait3A_106] : memref<2x128x64xf32, #tpu.memory_space<vmem>> -> memref<1x128x64xf32, #tpu.memory_space<vmem>>
      %dma_wait3A_108 = tpu.memref_squeeze %dma_wait3A_107 : memref<1x128x64xf32, #tpu.memory_space<vmem>> -> memref<128x64xf32, #tpu.memory_space<vmem>>
      %dma_wait3A_109 = arith.constant 0 : i32
      %dma_wait3A_110 = tpu.memref_slice %arg7[%add3A_81, %dma_wait3A_109] : memref<80x128xi32, #tpu.memory_space<vmem>> -> memref<1x128xi32, #tpu.memory_space<vmem>>
      %dma_wait3A_111 = tpu.memref_squeeze %dma_wait3A_110 : memref<1x128xi32, #tpu.memory_space<vmem>> -> memref<128xi32, #tpu.memory_space<vmem>>
      %dma_wait3A_112 = arith.constant 0 : i32
      %dma_wait3A_113 = arith.constant 0 : i32
      %dma_wait3A_114 = tpu.memref_slice %arg11[%dma_wait3A_112, %dma_wait3A_113] : memref<10240x64xf32, #tpu.memory_space<vmem_shared>> -> memref<10240x64xf32, #tpu.memory_space<vmem_shared>>
      tpu.wait_indirect_dma semaphore(%arg13 : memref<!tpu.dma_semaphore, #tpu.memory_space<semaphore_mem>>) src(%dma_wait3A_114 : memref<10240x64xf32, #tpu.memory_space<vmem_shared>>) dst(%dma_wait3A_108 : memref<128x64xf32, #tpu.memory_space<vmem>>)
      %lt3A = arith.constant 39 : i32
      %lt3A_115 = arith.cmpi slt, %scan3A_77, %lt3A : i32
      %convert_element_type3A = arith.extui %lt3A_115 : i1 to i32
      %cond3A = arith.constant 0 : i32
      %cond3A_116 = arith.cmpi ne, %convert_element_type3A, %cond3A : i32
      scf.if %cond3A_116 {
        %add3A_118 = arith.constant 1 : i32
        %add3A_119 = arith.addi %add3A_81, %add3A_118 : i32
        %dma_start3A_120 = arith.constant 0 : i32
        %dma_start3A_121 = arith.constant 0 : i32
        %dma_start3A_122 = arith.constant 0 : i32
        %dma_start3A_123 = tpu.memref_slice %arg9[%dma_start3A_120, %dma_start3A_121, %dma_start3A_122] : memref<2x128x64xf32, #tpu.memory_space<vmem>> -> memref<1x128x64xf32, #tpu.memory_space<vmem>>
        %dma_start3A_124 = tpu.memref_squeeze %dma_start3A_123 : memref<1x128x64xf32, #tpu.memory_space<vmem>> -> memref<128x64xf32, #tpu.memory_space<vmem>>
        %dma_start3A_125 = arith.constant 0 : i32
        %dma_start3A_126 = tpu.memref_slice %arg7[%add3A_119, %dma_start3A_125] : memref<80x128xi32, #tpu.memory_space<vmem>> -> memref<1x128xi32, #tpu.memory_space<vmem>>
        %dma_start3A_127 = tpu.memref_squeeze %dma_start3A_126 : memref<1x128xi32, #tpu.memory_space<vmem>> -> memref<128xi32, #tpu.memory_space<vmem>>
        %dma_start3A_128 = arith.constant 0 : i32
        %dma_start3A_129 = arith.constant 0 : i32
        %dma_start3A_130 = tpu.memref_slice %arg11[%dma_start3A_128, %dma_start3A_129] : memref<10240x64xf32, #tpu.memory_space<vmem_shared>> -> memref<10240x64xf32, #tpu.memory_space<vmem_shared>>
        tpu.enqueue_indirect_dma source(%dma_start3A_130 : memref<10240x64xf32, #tpu.memory_space<vmem_shared>>) target(%dma_start3A_124 : memref<128x64xf32, #tpu.memory_space<vmem>>) offsets(%dma_start3A_127 : memref<128xi32, #tpu.memory_space<vmem>>) semaphore(%arg12 : memref<!tpu.dma_semaphore, #tpu.memory_space<semaphore_mem>>)
      } else {
      }
      %run_scoped3A_117 = arith.constant 1 : i32
      "tpu.region"() ({
        %run_scoped3A_118 = tpu.sem_alloc : memref<!tpu.dma_semaphore, #tpu.memory_space<semaphore_mem>>
        %dma_start3A_119 = arith.constant 0 : i32
        %dma_start3A_120 = arith.constant 0 : i32
        %dma_start3A_121 = tpu.memref_slice %arg9[%run_scoped3A_117, %dma_start3A_119, %dma_start3A_120] : memref<2x128x64xf32, #tpu.memory_space<vmem>> -> memref<1x128x64xf32, #tpu.memory_space<vmem>>
        %dma_start3A_122 = tpu.memref_squeeze %dma_start3A_121 : memref<1x128x64xf32, #tpu.memory_space<vmem>> -> memref<128x64xf32, #tpu.memory_space<vmem>>
        %dma_start3A_123 = arith.constant 0 : i32
        %dma_start3A_124 = tpu.memref_slice %arg8[%add3A_81, %dma_start3A_123] : memref<80x128xi32, #tpu.memory_space<vmem>> -> memref<1x128xi32, #tpu.memory_space<vmem>>
        %dma_start3A_125 = tpu.memref_squeeze %dma_start3A_124 : memref<1x128xi32, #tpu.memory_space<vmem>> -> memref<128xi32, #tpu.memory_space<vmem>>
        %dma_start3A_126 = arith.constant 0 : i32
        %dma_start3A_127 = arith.constant 0 : i32
        %dma_start3A_128 = tpu.memref_slice %arg10[%dma_start3A_126, %dma_start3A_127] : memref<10240x64xf32, #tpu.memory_space<vmem_shared>> -> memref<10240x64xf32, #tpu.memory_space<vmem_shared>>
        tpu.enqueue_indirect_dma source(%dma_start3A_122 : memref<128x64xf32, #tpu.memory_space<vmem>>) target(%dma_start3A_128 : memref<10240x64xf32, #tpu.memory_space<vmem_shared>>) offsets(%dma_start3A_125 : memref<128xi32, #tpu.memory_space<vmem>>) semaphore(%run_scoped3A_118 : memref<!tpu.dma_semaphore, #tpu.memory_space<semaphore_mem>>) {add = true}
        %dma_wait3A_129 = arith.constant 0 : i32
        %dma_wait3A_130 = arith.constant 0 : i32
        %dma_wait3A_131 = tpu.memref_slice %arg9[%run_scoped3A_117, %dma_wait3A_129, %dma_wait3A_130] : memref<2x128x64xf32, #tpu.memory_space<vmem>> -> memref<1x128x64xf32, #tpu.memory_space<vmem>>
        %dma_wait3A_132 = tpu.memref_squeeze %dma_wait3A_131 : memref<1x128x64xf32, #tpu.memory_space<vmem>> -> memref<128x64xf32, #tpu.memory_space<vmem>>
        %dma_wait3A_133 = arith.constant 0 : i32
        %dma_wait3A_134 = tpu.memref_slice %arg8[%add3A_81, %dma_wait3A_133] : memref<80x128xi32, #tpu.memory_space<vmem>> -> memref<1x128xi32, #tpu.memory_space<vmem>>
        %dma_wait3A_135 = tpu.memref_squeeze %dma_wait3A_134 : memref<1x128xi32, #tpu.memory_space<vmem>> -> memref<128xi32, #tpu.memory_space<vmem>>
        %dma_wait3A_136 = arith.constant 0 : i32
        %dma_wait3A_137 = arith.constant 0 : i32
        %dma_wait3A_138 = tpu.memref_slice %arg10[%dma_wait3A_136, %dma_wait3A_137] : memref<10240x64xf32, #tpu.memory_space<vmem_shared>> -> memref<10240x64xf32, #tpu.memory_space<vmem_shared>>
        tpu.wait_indirect_dma semaphore(%run_scoped3A_118 : memref<!tpu.dma_semaphore, #tpu.memory_space<semaphore_mem>>) src(%dma_wait3A_132 : memref<128x64xf32, #tpu.memory_space<vmem>>) dst(%dma_wait3A_138 : memref<10240x64xf32, #tpu.memory_space<vmem_shared>>)
        tpu.yield
      }) : () -> ()
    }
    %scan3A_71 = arith.constant 40 : i32
    %barrier3A_72 = arith.constant 0 : index
    tpu.barrier barrier_id(%barrier3A_72)
    %mul3A_73 = arith.constant 640 : i32
    %mul3A_74 = arith.muli %arg1, %mul3A_73 : i32
    %mul3A_75 = arith.constant 640 : i32
    %mul3A_76 = arith.muli %arg1, %mul3A_75 : i32
    "tpu.region"() ({
      %run_scoped3A = tpu.sem_alloc : memref<!tpu.dma_semaphore, #tpu.memory_space<semaphore_mem>>
      %dma_start3A_77 = arith.constant 0 : i32
      %dma_start3A_78 = tpu.memref_slice %arg6[%arg0, %mul3A_76, %dma_start3A_77] : memref<2x10240x64xf32, #tpu.memory_space<hbm>> -> memref<1x640x64xf32, #tpu.memory_space<hbm>>
      %dma_start3A_79 = tpu.memref_squeeze %dma_start3A_78 : memref<1x640x64xf32, #tpu.memory_space<hbm>> -> memref<640x64xf32, #tpu.memory_space<hbm>>
      %dma_start3A_80 = arith.constant 0 : i32
      %dma_start3A_81 = tpu.memref_slice %arg10[%mul3A_74, %dma_start3A_80] : memref<10240x64xf32, #tpu.memory_space<vmem_shared>> -> memref<640x64xf32, #tpu.memory_space<vmem_shared>>
      tpu.enqueue_dma source(%dma_start3A_81 : memref<640x64xf32, #tpu.memory_space<vmem_shared>>) target(%dma_start3A_79 : memref<640x64xf32, #tpu.memory_space<hbm>>) target_semaphore(%run_scoped3A : memref<!tpu.dma_semaphore, #tpu.memory_space<semaphore_mem>>)
      %dma_wait3A_82 = arith.constant 0 : i32
      %dma_wait3A_83 = tpu.memref_slice %arg6[%arg0, %mul3A_76, %dma_wait3A_82] : memref<2x10240x64xf32, #tpu.memory_space<hbm>> -> memref<1x640x64xf32, #tpu.memory_space<hbm>>
      %dma_wait3A_84 = tpu.memref_squeeze %dma_wait3A_83 : memref<1x640x64xf32, #tpu.memory_space<hbm>> -> memref<640x64xf32, #tpu.memory_space<hbm>>
      %dma_wait3A_85 = arith.constant 0 : i32
      %dma_wait3A_86 = tpu.memref_slice %arg10[%mul3A_74, %dma_wait3A_85] : memref<10240x64xf32, #tpu.memory_space<vmem_shared>> -> memref<640x64xf32, #tpu.memory_space<vmem_shared>>
      tpu.wait_dma2 semaphore(%run_scoped3A : memref<!tpu.dma_semaphore, #tpu.memory_space<semaphore_mem>>) src(%dma_wait3A_86 : memref<640x64xf32, #tpu.memory_space<vmem_shared>>) dst(%dma_wait3A_84 : memref<640x64xf32, #tpu.memory_space<hbm>>)
      tpu.yield
    }) : () -> ()
    return
  }
}

#map = affine_map<(d0, d1) -> (0, 0)>
#map1 = affine_map<(d0, d1) -> (0, 0, 0)>
module attributes {stable_mosaic.version = 14 : i64} {
  func.func @edge(%arg0: i32, %arg1: i32, %arg2: memref<10240x64xf32, #tpu.memory_space<hbm>>, %arg3: memref<32x80x128xi32, #tpu.memory_space<hbm>>, %arg4: memref<32x80x128xi32, #tpu.memory_space<hbm>>, %arg5: memref<10240x64xf32, #tpu.memory_space<hbm>>, %arg6: memref<2x10240x64xf32, #tpu.memory_space<hbm>>, %arg7: memref<80x128xi32, #tpu.memory_space<vmem>>, %arg8: memref<80x128xi32, #tpu.memory_space<vmem>>, %arg9: memref<2x128x64xf32, #tpu.memory_space<vmem>>, %arg10: memref<10240x64xf32, #tpu.memory_space<vmem_shared>>, %arg11: memref<10240x64xf32, #tpu.memory_space<vmem_shared>>, %arg12: memref<!tpu.dma_semaphore, #tpu.memory_space<semaphore_mem>>, %arg13: memref<!tpu.dma_semaphore, #tpu.memory_space<semaphore_mem>>) attributes {dimension_semantics = [#tpu.dimension_semantics<core_parallel>, #tpu.dimension_semantics<subcore_parallel>], iteration_bounds = array<i64: 2, 16>, scalar_prefetch = 0 : i64, scratch_operands = 7 : i64, tpu.core_type = #tpu.core_type<sc_vector_subcore>, window_params = [{transform_indices = #map}, {transform_indices = #map1}, {transform_indices = #map1}, {transform_indices = #map}, {transform_indices = #map1}]} {
    %mul3A = arith.constant 16 : i32
    %mul3A_0 = arith.muli %arg0, %mul3A : i32
    %add3A = arith.addi %mul3A_0, %arg1 : i32
    %mul3A_1 = arith.constant 640 : i32
    %mul3A_2 = arith.muli %arg1, %mul3A_1 : i32
    %mul3A_3 = arith.constant 640 : i32
    %mul3A_4 = arith.muli %arg1, %mul3A_3 : i32
    %mul3A_5 = arith.constant 640 : i32
    %mul3A_6 = arith.muli %arg1, %mul3A_5 : i32
    %mul3A_7 = arith.constant 640 : i32
    %mul3A_8 = arith.muli %arg1, %mul3A_7 : i32
    %dma_start3A = arith.constant 0 : i32
    %dma_start3A_9 = arith.constant 0 : i32
    %dma_start3A_10 = tpu.memref_slice %arg3[%add3A, %dma_start3A, %dma_start3A_9] : memref<32x80x128xi32, #tpu.memory_space<hbm>> -> memref<1x80x128xi32, #tpu.memory_space<hbm>>
    %dma_start3A_11 = tpu.memref_squeeze %dma_start3A_10 : memref<1x80x128xi32, #tpu.memory_space<hbm>> -> memref<80x128xi32, #tpu.memory_space<hbm>>
    %dma_start3A_12 = arith.constant 0 : i32
    %dma_start3A_13 = arith.constant 0 : i32
    %dma_start3A_14 = tpu.memref_slice %arg3[%add3A, %dma_start3A_12, %dma_start3A_13] : memref<32x80x128xi32, #tpu.memory_space<hbm>> -> memref<1x80x128xi32, #tpu.memory_space<hbm>>
    %dma_start3A_15 = tpu.memref_squeeze %dma_start3A_14 : memref<1x80x128xi32, #tpu.memory_space<hbm>> -> memref<80x128xi32, #tpu.memory_space<hbm>>
    tpu.enqueue_dma source(%dma_start3A_15 : memref<80x128xi32, #tpu.memory_space<hbm>>) target(%arg7 : memref<80x128xi32, #tpu.memory_space<vmem>>) target_semaphore(%arg12 : memref<!tpu.dma_semaphore, #tpu.memory_space<semaphore_mem>>)
    %dma_start3A_16 = arith.constant 0 : i32
    %dma_start3A_17 = arith.constant 0 : i32
    %dma_start3A_18 = tpu.memref_slice %arg4[%add3A, %dma_start3A_16, %dma_start3A_17] : memref<32x80x128xi32, #tpu.memory_space<hbm>> -> memref<1x80x128xi32, #tpu.memory_space<hbm>>
    %dma_start3A_19 = tpu.memref_squeeze %dma_start3A_18 : memref<1x80x128xi32, #tpu.memory_space<hbm>> -> memref<80x128xi32, #tpu.memory_space<hbm>>
    %dma_start3A_20 = arith.constant 0 : i32
    %dma_start3A_21 = arith.constant 0 : i32
    %dma_start3A_22 = tpu.memref_slice %arg4[%add3A, %dma_start3A_20, %dma_start3A_21] : memref<32x80x128xi32, #tpu.memory_space<hbm>> -> memref<1x80x128xi32, #tpu.memory_space<hbm>>
    %dma_start3A_23 = tpu.memref_squeeze %dma_start3A_22 : memref<1x80x128xi32, #tpu.memory_space<hbm>> -> memref<80x128xi32, #tpu.memory_space<hbm>>
    tpu.enqueue_dma source(%dma_start3A_23 : memref<80x128xi32, #tpu.memory_space<hbm>>) target(%arg8 : memref<80x128xi32, #tpu.memory_space<vmem>>) target_semaphore(%arg12 : memref<!tpu.dma_semaphore, #tpu.memory_space<semaphore_mem>>)
    %dma_start3A_24 = arith.constant 0 : i32
    %dma_start3A_25 = tpu.memref_slice %arg10[%mul3A_4, %dma_start3A_24] : memref<10240x64xf32, #tpu.memory_space<vmem_shared>> -> memref<640x64xf32, #tpu.memory_space<vmem_shared>>
    %dma_start3A_26 = arith.constant 0 : i32
    %dma_start3A_27 = tpu.memref_slice %arg5[%mul3A_2, %dma_start3A_26] : memref<10240x64xf32, #tpu.memory_space<hbm>> -> memref<640x64xf32, #tpu.memory_space<hbm>>
    tpu.enqueue_dma source(%dma_start3A_27 : memref<640x64xf32, #tpu.memory_space<hbm>>) target(%dma_start3A_25 : memref<640x64xf32, #tpu.memory_space<vmem_shared>>) target_semaphore(%arg13 : memref<!tpu.dma_semaphore, #tpu.memory_space<semaphore_mem>>)
    %dma_start3A_28 = arith.constant 0 : i32
    %dma_start3A_29 = tpu.memref_slice %arg11[%mul3A_8, %dma_start3A_28] : memref<10240x64xf32, #tpu.memory_space<vmem_shared>> -> memref<640x64xf32, #tpu.memory_space<vmem_shared>>
    %dma_start3A_30 = arith.constant 0 : i32
    %dma_start3A_31 = tpu.memref_slice %arg2[%mul3A_6, %dma_start3A_30] : memref<10240x64xf32, #tpu.memory_space<hbm>> -> memref<640x64xf32, #tpu.memory_space<hbm>>
    tpu.enqueue_dma source(%dma_start3A_31 : memref<640x64xf32, #tpu.memory_space<hbm>>) target(%dma_start3A_29 : memref<640x64xf32, #tpu.memory_space<vmem_shared>>) target_semaphore(%arg13 : memref<!tpu.dma_semaphore, #tpu.memory_space<semaphore_mem>>)
    %dma_wait3A = arith.constant 0 : i32
    %dma_wait3A_32 = arith.constant 0 : i32
    %dma_wait3A_33 = tpu.memref_slice %arg3[%add3A, %dma_wait3A, %dma_wait3A_32] : memref<32x80x128xi32, #tpu.memory_space<hbm>> -> memref<1x80x128xi32, #tpu.memory_space<hbm>>
    %dma_wait3A_34 = tpu.memref_squeeze %dma_wait3A_33 : memref<1x80x128xi32, #tpu.memory_space<hbm>> -> memref<80x128xi32, #tpu.memory_space<hbm>>
    %dma_wait3A_35 = arith.constant 0 : i32
    %dma_wait3A_36 = arith.constant 0 : i32
    %dma_wait3A_37 = tpu.memref_slice %arg3[%add3A, %dma_wait3A_35, %dma_wait3A_36] : memref<32x80x128xi32, #tpu.memory_space<hbm>> -> memref<1x80x128xi32, #tpu.memory_space<hbm>>
    %dma_wait3A_38 = tpu.memref_squeeze %dma_wait3A_37 : memref<1x80x128xi32, #tpu.memory_space<hbm>> -> memref<80x128xi32, #tpu.memory_space<hbm>>
    tpu.wait_dma2 semaphore(%arg12 : memref<!tpu.dma_semaphore, #tpu.memory_space<semaphore_mem>>) src(%dma_wait3A_38 : memref<80x128xi32, #tpu.memory_space<hbm>>) dst(%arg7 : memref<80x128xi32, #tpu.memory_space<vmem>>)
    %dma_wait3A_39 = arith.constant 0 : i32
    %dma_wait3A_40 = arith.constant 0 : i32
    %dma_wait3A_41 = tpu.memref_slice %arg4[%add3A, %dma_wait3A_39, %dma_wait3A_40] : memref<32x80x128xi32, #tpu.memory_space<hbm>> -> memref<1x80x128xi32, #tpu.memory_space<hbm>>
    %dma_wait3A_42 = tpu.memref_squeeze %dma_wait3A_41 : memref<1x80x128xi32, #tpu.memory_space<hbm>> -> memref<80x128xi32, #tpu.memory_space<hbm>>
    %dma_wait3A_43 = arith.constant 0 : i32
    %dma_wait3A_44 = arith.constant 0 : i32
    %dma_wait3A_45 = tpu.memref_slice %arg4[%add3A, %dma_wait3A_43, %dma_wait3A_44] : memref<32x80x128xi32, #tpu.memory_space<hbm>> -> memref<1x80x128xi32, #tpu.memory_space<hbm>>
    %dma_wait3A_46 = tpu.memref_squeeze %dma_wait3A_45 : memref<1x80x128xi32, #tpu.memory_space<hbm>> -> memref<80x128xi32, #tpu.memory_space<hbm>>
    tpu.wait_dma2 semaphore(%arg12 : memref<!tpu.dma_semaphore, #tpu.memory_space<semaphore_mem>>) src(%dma_wait3A_46 : memref<80x128xi32, #tpu.memory_space<hbm>>) dst(%arg8 : memref<80x128xi32, #tpu.memory_space<vmem>>)
    %dma_wait3A_47 = arith.constant 0 : i32
    %dma_wait3A_48 = tpu.memref_slice %arg10[%mul3A_4, %dma_wait3A_47] : memref<10240x64xf32, #tpu.memory_space<vmem_shared>> -> memref<640x64xf32, #tpu.memory_space<vmem_shared>>
    %dma_wait3A_49 = arith.constant 0 : i32
    %dma_wait3A_50 = tpu.memref_slice %arg5[%mul3A_2, %dma_wait3A_49] : memref<10240x64xf32, #tpu.memory_space<hbm>> -> memref<640x64xf32, #tpu.memory_space<hbm>>
    tpu.wait_dma2 semaphore(%arg13 : memref<!tpu.dma_semaphore, #tpu.memory_space<semaphore_mem>>) src(%dma_wait3A_50 : memref<640x64xf32, #tpu.memory_space<hbm>>) dst(%dma_wait3A_48 : memref<640x64xf32, #tpu.memory_space<vmem_shared>>)
    %dma_wait3A_51 = arith.constant 0 : i32
    %dma_wait3A_52 = tpu.memref_slice %arg11[%mul3A_8, %dma_wait3A_51] : memref<10240x64xf32, #tpu.memory_space<vmem_shared>> -> memref<640x64xf32, #tpu.memory_space<vmem_shared>>
    %dma_wait3A_53 = arith.constant 0 : i32
    %dma_wait3A_54 = tpu.memref_slice %arg2[%mul3A_6, %dma_wait3A_53] : memref<10240x64xf32, #tpu.memory_space<hbm>> -> memref<640x64xf32, #tpu.memory_space<hbm>>
    tpu.wait_dma2 semaphore(%arg13 : memref<!tpu.dma_semaphore, #tpu.memory_space<semaphore_mem>>) src(%dma_wait3A_54 : memref<640x64xf32, #tpu.memory_space<hbm>>) dst(%dma_wait3A_52 : memref<640x64xf32, #tpu.memory_space<vmem_shared>>)
    %barrier3A = arith.constant 0 : index
    tpu.barrier barrier_id(%barrier3A)
    %dma_start3A_55 = arith.constant 0 : i32
    %dma_start3A_56 = arith.constant 0 : i32
    %dma_start3A_57 = arith.constant 0 : i32
    %dma_start3A_58 = arith.constant 0 : i32
    %dma_start3A_59 = tpu.memref_slice %arg9[%dma_start3A_56, %dma_start3A_57, %dma_start3A_58] : memref<2x128x64xf32, #tpu.memory_space<vmem>> -> memref<1x128x64xf32, #tpu.memory_space<vmem>>
    %dma_start3A_60 = tpu.memref_squeeze %dma_start3A_59 : memref<1x128x64xf32, #tpu.memory_space<vmem>> -> memref<128x64xf32, #tpu.memory_space<vmem>>
    %dma_start3A_61 = arith.constant 0 : i32
    %dma_start3A_62 = tpu.memref_slice %arg7[%dma_start3A_55, %dma_start3A_61] : memref<80x128xi32, #tpu.memory_space<vmem>> -> memref<1x128xi32, #tpu.memory_space<vmem>>
    %dma_start3A_63 = tpu.memref_squeeze %dma_start3A_62 : memref<1x128xi32, #tpu.memory_space<vmem>> -> memref<128xi32, #tpu.memory_space<vmem>>
    %dma_start3A_64 = arith.constant 0 : i32
    %dma_start3A_65 = arith.constant 0 : i32
    %dma_start3A_66 = tpu.memref_slice %arg11[%dma_start3A_64, %dma_start3A_65] : memref<10240x64xf32, #tpu.memory_space<vmem_shared>> -> memref<10240x64xf32, #tpu.memory_space<vmem_shared>>
    tpu.enqueue_indirect_dma source(%dma_start3A_66 : memref<10240x64xf32, #tpu.memory_space<vmem_shared>>) target(%dma_start3A_60 : memref<128x64xf32, #tpu.memory_space<vmem>>) offsets(%dma_start3A_63 : memref<128xi32, #tpu.memory_space<vmem>>) semaphore(%arg12 : memref<!tpu.dma_semaphore, #tpu.memory_space<semaphore_mem>>)
    %scan3A = arith.constant 0 : i32
    %scan3A_67 = arith.constant 0 : i32
    %scan3A_68 = arith.constant 40 : i32
    %scan3A_69 = arith.addi %scan3A_67, %scan3A_68 : i32
    %scan3A_70 = arith.constant 1 : i32
    scf.for %scan3A_77 = %scan3A_67 to %scan3A_69 step %scan3A_70  : i32 {
      %mul3A_78 = arith.constant 2 : i32
      %mul3A_79 = arith.muli %mul3A_78, %scan3A_77 : i32
      %add3A_80 = arith.constant 1 : i32
      %add3A_81 = arith.addi %mul3A_79, %add3A_80 : i32
      %dma_wait3A_82 = arith.constant 0 : i32
      %dma_wait3A_83 = arith.constant 0 : i32
      %dma_wait3A_84 = arith.constant 0 : i32
      %dma_wait3A_85 = tpu.memref_slice %arg9[%dma_wait3A_82, %dma_wait3A_83, %dma_wait3A_84] : memref<2x128x64xf32, #tpu.memory_space<vmem>> -> memref<1x128x64xf32, #tpu.memory_space<vmem>>
      %dma_wait3A_86 = tpu.memref_squeeze %dma_wait3A_85 : memref<1x128x64xf32, #tpu.memory_space<vmem>> -> memref<128x64xf32, #tpu.memory_space<vmem>>
      %dma_wait3A_87 = arith.constant 0 : i32
      %dma_wait3A_88 = tpu.memref_slice %arg7[%mul3A_79, %dma_wait3A_87] : memref<80x128xi32, #tpu.memory_space<vmem>> -> memref<1x128xi32, #tpu.memory_space<vmem>>
      %dma_wait3A_89 = tpu.memref_squeeze %dma_wait3A_88 : memref<1x128xi32, #tpu.memory_space<vmem>> -> memref<128xi32, #tpu.memory_space<vmem>>
      %dma_wait3A_90 = arith.constant 0 : i32
      %dma_wait3A_91 = arith.constant 0 : i32
      %dma_wait3A_92 = tpu.memref_slice %arg11[%dma_wait3A_90, %dma_wait3A_91] : memref<10240x64xf32, #tpu.memory_space<vmem_shared>> -> memref<10240x64xf32, #tpu.memory_space<vmem_shared>>
      tpu.wait_indirect_dma semaphore(%arg12 : memref<!tpu.dma_semaphore, #tpu.memory_space<semaphore_mem>>) src(%dma_wait3A_92 : memref<10240x64xf32, #tpu.memory_space<vmem_shared>>) dst(%dma_wait3A_86 : memref<128x64xf32, #tpu.memory_space<vmem>>)
      %dma_start3A_93 = arith.constant 1 : i32
      %dma_start3A_94 = arith.constant 0 : i32
      %dma_start3A_95 = arith.constant 0 : i32
      %dma_start3A_96 = tpu.memref_slice %arg9[%dma_start3A_93, %dma_start3A_94, %dma_start3A_95] : memref<2x128x64xf32, #tpu.memory_space<vmem>> -> memref<1x128x64xf32, #tpu.memory_space<vmem>>
      %dma_start3A_97 = tpu.memref_squeeze %dma_start3A_96 : memref<1x128x64xf32, #tpu.memory_space<vmem>> -> memref<128x64xf32, #tpu.memory_space<vmem>>
      %dma_start3A_98 = arith.constant 0 : i32
      %dma_start3A_99 = tpu.memref_slice %arg7[%add3A_81, %dma_start3A_98] : memref<80x128xi32, #tpu.memory_space<vmem>> -> memref<1x128xi32, #tpu.memory_space<vmem>>
      %dma_start3A_100 = tpu.memref_squeeze %dma_start3A_99 : memref<1x128xi32, #tpu.memory_space<vmem>> -> memref<128xi32, #tpu.memory_space<vmem>>
      %dma_start3A_101 = arith.constant 0 : i32
      %dma_start3A_102 = arith.constant 0 : i32
      %dma_start3A_103 = tpu.memref_slice %arg11[%dma_start3A_101, %dma_start3A_102] : memref<10240x64xf32, #tpu.memory_space<vmem_shared>> -> memref<10240x64xf32, #tpu.memory_space<vmem_shared>>
      tpu.enqueue_indirect_dma source(%dma_start3A_103 : memref<10240x64xf32, #tpu.memory_space<vmem_shared>>) target(%dma_start3A_97 : memref<128x64xf32, #tpu.memory_space<vmem>>) offsets(%dma_start3A_100 : memref<128xi32, #tpu.memory_space<vmem>>) semaphore(%arg13 : memref<!tpu.dma_semaphore, #tpu.memory_space<semaphore_mem>>)
      %run_scoped3A = arith.constant 0 : i32
      "tpu.region"() ({
        %run_scoped3A_118 = tpu.sem_alloc : memref<!tpu.dma_semaphore, #tpu.memory_space<semaphore_mem>>
        %dma_start3A_119 = arith.constant 0 : i32
        %dma_start3A_120 = arith.constant 0 : i32
        %dma_start3A_121 = tpu.memref_slice %arg9[%run_scoped3A, %dma_start3A_119, %dma_start3A_120] : memref<2x128x64xf32, #tpu.memory_space<vmem>> -> memref<1x128x64xf32, #tpu.memory_space<vmem>>
        %dma_start3A_122 = tpu.memref_squeeze %dma_start3A_121 : memref<1x128x64xf32, #tpu.memory_space<vmem>> -> memref<128x64xf32, #tpu.memory_space<vmem>>
        %dma_start3A_123 = arith.constant 0 : i32
        %dma_start3A_124 = tpu.memref_slice %arg8[%mul3A_79, %dma_start3A_123] : memref<80x128xi32, #tpu.memory_space<vmem>> -> memref<1x128xi32, #tpu.memory_space<vmem>>
        %dma_start3A_125 = tpu.memref_squeeze %dma_start3A_124 : memref<1x128xi32, #tpu.memory_space<vmem>> -> memref<128xi32, #tpu.memory_space<vmem>>
        %dma_start3A_126 = arith.constant 0 : i32
        %dma_start3A_127 = arith.constant 0 : i32
        %dma_start3A_128 = tpu.memref_slice %arg10[%dma_start3A_126, %dma_start3A_127] : memref<10240x64xf32, #tpu.memory_space<vmem_shared>> -> memref<10240x64xf32, #tpu.memory_space<vmem_shared>>
        tpu.enqueue_indirect_dma source(%dma_start3A_122 : memref<128x64xf32, #tpu.memory_space<vmem>>) target(%dma_start3A_128 : memref<10240x64xf32, #tpu.memory_space<vmem_shared>>) offsets(%dma_start3A_125 : memref<128xi32, #tpu.memory_space<vmem>>) semaphore(%run_scoped3A_118 : memref<!tpu.dma_semaphore, #tpu.memory_space<semaphore_mem>>) {add = true}
        %dma_wait3A_129 = arith.constant 0 : i32
        %dma_wait3A_130 = arith.constant 0 : i32
        %dma_wait3A_131 = tpu.memref_slice %arg9[%run_scoped3A, %dma_wait3A_129, %dma_wait3A_130] : memref<2x128x64xf32, #tpu.memory_space<vmem>> -> memref<1x128x64xf32, #tpu.memory_space<vmem>>
        %dma_wait3A_132 = tpu.memref_squeeze %dma_wait3A_131 : memref<1x128x64xf32, #tpu.memory_space<vmem>> -> memref<128x64xf32, #tpu.memory_space<vmem>>
        %dma_wait3A_133 = arith.constant 0 : i32
        %dma_wait3A_134 = tpu.memref_slice %arg8[%mul3A_79, %dma_wait3A_133] : memref<80x128xi32, #tpu.memory_space<vmem>> -> memref<1x128xi32, #tpu.memory_space<vmem>>
        %dma_wait3A_135 = tpu.memref_squeeze %dma_wait3A_134 : memref<1x128xi32, #tpu.memory_space<vmem>> -> memref<128xi32, #tpu.memory_space<vmem>>
        %dma_wait3A_136 = arith.constant 0 : i32
        %dma_wait3A_137 = arith.constant 0 : i32
        %dma_wait3A_138 = tpu.memref_slice %arg10[%dma_wait3A_136, %dma_wait3A_137] : memref<10240x64xf32, #tpu.memory_space<vmem_shared>> -> memref<10240x64xf32, #tpu.memory_space<vmem_shared>>
        tpu.wait_indirect_dma semaphore(%run_scoped3A_118 : memref<!tpu.dma_semaphore, #tpu.memory_space<semaphore_mem>>) src(%dma_wait3A_132 : memref<128x64xf32, #tpu.memory_space<vmem>>) dst(%dma_wait3A_138 : memref<10240x64xf32, #tpu.memory_space<vmem_shared>>)
        tpu.yield
      }) : () -> ()
      %dma_wait3A_104 = arith.constant 1 : i32
      %dma_wait3A_105 = arith.constant 0 : i32
      %dma_wait3A_106 = arith.constant 0 : i32
      %dma_wait3A_107 = tpu.memref_slice %arg9[%dma_wait3A_104, %dma_wait3A_105, %dma_wait3A_106] : memref<2x128x64xf32, #tpu.memory_space<vmem>> -> memref<1x128x64xf32, #tpu.memory_space<vmem>>
      %dma_wait3A_108 = tpu.memref_squeeze %dma_wait3A_107 : memref<1x128x64xf32, #tpu.memory_space<vmem>> -> memref<128x64xf32, #tpu.memory_space<vmem>>
      %dma_wait3A_109 = arith.constant 0 : i32
      %dma_wait3A_110 = tpu.memref_slice %arg7[%add3A_81, %dma_wait3A_109] : memref<80x128xi32, #tpu.memory_space<vmem>> -> memref<1x128xi32, #tpu.memory_space<vmem>>
      %dma_wait3A_111 = tpu.memref_squeeze %dma_wait3A_110 : memref<1x128xi32, #tpu.memory_space<vmem>> -> memref<128xi32, #tpu.memory_space<vmem>>
      %dma_wait3A_112 = arith.constant 0 : i32
      %dma_wait3A_113 = arith.constant 0 : i32
      %dma_wait3A_114 = tpu.memref_slice %arg11[%dma_wait3A_112, %dma_wait3A_113] : memref<10240x64xf32, #tpu.memory_space<vmem_shared>> -> memref<10240x64xf32, #tpu.memory_space<vmem_shared>>
      tpu.wait_indirect_dma semaphore(%arg13 : memref<!tpu.dma_semaphore, #tpu.memory_space<semaphore_mem>>) src(%dma_wait3A_114 : memref<10240x64xf32, #tpu.memory_space<vmem_shared>>) dst(%dma_wait3A_108 : memref<128x64xf32, #tpu.memory_space<vmem>>)
      %lt3A = arith.constant 39 : i32
      %lt3A_115 = arith.cmpi slt, %scan3A_77, %lt3A : i32
      %convert_element_type3A = arith.extui %lt3A_115 : i1 to i32
      %cond3A = arith.constant 0 : i32
      %cond3A_116 = arith.cmpi ne, %convert_element_type3A, %cond3A : i32
      scf.if %cond3A_116 {
        %add3A_118 = arith.constant 1 : i32
        %add3A_119 = arith.addi %add3A_81, %add3A_118 : i32
        %dma_start3A_120 = arith.constant 0 : i32
        %dma_start3A_121 = arith.constant 0 : i32
        %dma_start3A_122 = arith.constant 0 : i32
        %dma_start3A_123 = tpu.memref_slice %arg9[%dma_start3A_120, %dma_start3A_121, %dma_start3A_122] : memref<2x128x64xf32, #tpu.memory_space<vmem>> -> memref<1x128x64xf32, #tpu.memory_space<vmem>>
        %dma_start3A_124 = tpu.memref_squeeze %dma_start3A_123 : memref<1x128x64xf32, #tpu.memory_space<vmem>> -> memref<128x64xf32, #tpu.memory_space<vmem>>
        %dma_start3A_125 = arith.constant 0 : i32
        %dma_start3A_126 = tpu.memref_slice %arg7[%add3A_119, %dma_start3A_125] : memref<80x128xi32, #tpu.memory_space<vmem>> -> memref<1x128xi32, #tpu.memory_space<vmem>>
        %dma_start3A_127 = tpu.memref_squeeze %dma_start3A_126 : memref<1x128xi32, #tpu.memory_space<vmem>> -> memref<128xi32, #tpu.memory_space<vmem>>
        %dma_start3A_128 = arith.constant 0 : i32
        %dma_start3A_129 = arith.constant 0 : i32
        %dma_start3A_130 = tpu.memref_slice %arg11[%dma_start3A_128, %dma_start3A_129] : memref<10240x64xf32, #tpu.memory_space<vmem_shared>> -> memref<10240x64xf32, #tpu.memory_space<vmem_shared>>
        tpu.enqueue_indirect_dma source(%dma_start3A_130 : memref<10240x64xf32, #tpu.memory_space<vmem_shared>>) target(%dma_start3A_124 : memref<128x64xf32, #tpu.memory_space<vmem>>) offsets(%dma_start3A_127 : memref<128xi32, #tpu.memory_space<vmem>>) semaphore(%arg12 : memref<!tpu.dma_semaphore, #tpu.memory_space<semaphore_mem>>)
      } else {
      }
      %run_scoped3A_117 = arith.constant 1 : i32
      "tpu.region"() ({
        %run_scoped3A_118 = tpu.sem_alloc : memref<!tpu.dma_semaphore, #tpu.memory_space<semaphore_mem>>
        %dma_start3A_119 = arith.constant 0 : i32
        %dma_start3A_120 = arith.constant 0 : i32
        %dma_start3A_121 = tpu.memref_slice %arg9[%run_scoped3A_117, %dma_start3A_119, %dma_start3A_120] : memref<2x128x64xf32, #tpu.memory_space<vmem>> -> memref<1x128x64xf32, #tpu.memory_space<vmem>>
        %dma_start3A_122 = tpu.memref_squeeze %dma_start3A_121 : memref<1x128x64xf32, #tpu.memory_space<vmem>> -> memref<128x64xf32, #tpu.memory_space<vmem>>
        %dma_start3A_123 = arith.constant 0 : i32
        %dma_start3A_124 = tpu.memref_slice %arg8[%add3A_81, %dma_start3A_123] : memref<80x128xi32, #tpu.memory_space<vmem>> -> memref<1x128xi32, #tpu.memory_space<vmem>>
        %dma_start3A_125 = tpu.memref_squeeze %dma_start3A_124 : memref<1x128xi32, #tpu.memory_space<vmem>> -> memref<128xi32, #tpu.memory_space<vmem>>
        %dma_start3A_126 = arith.constant 0 : i32
        %dma_start3A_127 = arith.constant 0 : i32
        %dma_start3A_128 = tpu.memref_slice %arg10[%dma_start3A_126, %dma_start3A_127] : memref<10240x64xf32, #tpu.memory_space<vmem_shared>> -> memref<10240x64xf32, #tpu.memory_space<vmem_shared>>
        tpu.enqueue_indirect_dma source(%dma_start3A_122 : memref<128x64xf32, #tpu.memory_space<vmem>>) target(%dma_start3A_128 : memref<10240x64xf32, #tpu.memory_space<vmem_shared>>) offsets(%dma_start3A_125 : memref<128xi32, #tpu.memory_space<vmem>>) semaphore(%run_scoped3A_118 : memref<!tpu.dma_semaphore, #tpu.memory_space<semaphore_mem>>) {add = true}
        %dma_wait3A_129 = arith.constant 0 : i32
        %dma_wait3A_130 = arith.constant 0 : i32
        %dma_wait3A_131 = tpu.memref_slice %arg9[%run_scoped3A_117, %dma_wait3A_129, %dma_wait3A_130] : memref<2x128x64xf32, #tpu.memory_space<vmem>> -> memref<1x128x64xf32, #tpu.memory_space<vmem>>
        %dma_wait3A_132 = tpu.memref_squeeze %dma_wait3A_131 : memref<1x128x64xf32, #tpu.memory_space<vmem>> -> memref<128x64xf32, #tpu.memory_space<vmem>>
        %dma_wait3A_133 = arith.constant 0 : i32
        %dma_wait3A_134 = tpu.memref_slice %arg8[%add3A_81, %dma_wait3A_133] : memref<80x128xi32, #tpu.memory_space<vmem>> -> memref<1x128xi32, #tpu.memory_space<vmem>>
        %dma_wait3A_135 = tpu.memref_squeeze %dma_wait3A_134 : memref<1x128xi32, #tpu.memory_space<vmem>> -> memref<128xi32, #tpu.memory_space<vmem>>
        %dma_wait3A_136 = arith.constant 0 : i32
        %dma_wait3A_137 = arith.constant 0 : i32
        %dma_wait3A_138 = tpu.memref_slice %arg10[%dma_wait3A_136, %dma_wait3A_137] : memref<10240x64xf32, #tpu.memory_space<vmem_shared>> -> memref<10240x64xf32, #tpu.memory_space<vmem_shared>>
        tpu.wait_indirect_dma semaphore(%run_scoped3A_118 : memref<!tpu.dma_semaphore, #tpu.memory_space<semaphore_mem>>) src(%dma_wait3A_132 : memref<128x64xf32, #tpu.memory_space<vmem>>) dst(%dma_wait3A_138 : memref<10240x64xf32, #tpu.memory_space<vmem_shared>>)
        tpu.yield
      }) : () -> ()
    }
    %scan3A_71 = arith.constant 40 : i32
    %barrier3A_72 = arith.constant 0 : index
    tpu.barrier barrier_id(%barrier3A_72)
    %mul3A_73 = arith.constant 640 : i32
    %mul3A_74 = arith.muli %arg1, %mul3A_73 : i32
    %mul3A_75 = arith.constant 640 : i32
    %mul3A_76 = arith.muli %arg1, %mul3A_75 : i32
    "tpu.region"() ({
      %run_scoped3A = tpu.sem_alloc : memref<!tpu.dma_semaphore, #tpu.memory_space<semaphore_mem>>
      %dma_start3A_77 = arith.constant 0 : i32
      %dma_start3A_78 = tpu.memref_slice %arg6[%arg0, %mul3A_76, %dma_start3A_77] : memref<2x10240x64xf32, #tpu.memory_space<hbm>> -> memref<1x640x64xf32, #tpu.memory_space<hbm>>
      %dma_start3A_79 = tpu.memref_squeeze %dma_start3A_78 : memref<1x640x64xf32, #tpu.memory_space<hbm>> -> memref<640x64xf32, #tpu.memory_space<hbm>>
      %dma_start3A_80 = arith.constant 0 : i32
      %dma_start3A_81 = tpu.memref_slice %arg10[%mul3A_74, %dma_start3A_80] : memref<10240x64xf32, #tpu.memory_space<vmem_shared>> -> memref<640x64xf32, #tpu.memory_space<vmem_shared>>
      tpu.enqueue_dma source(%dma_start3A_81 : memref<640x64xf32, #tpu.memory_space<vmem_shared>>) target(%dma_start3A_79 : memref<640x64xf32, #tpu.memory_space<hbm>>) target_semaphore(%run_scoped3A : memref<!tpu.dma_semaphore, #tpu.memory_space<semaphore_mem>>)
      %dma_wait3A_82 = arith.constant 0 : i32
      %dma_wait3A_83 = tpu.memref_slice %arg6[%arg0, %mul3A_76, %dma_wait3A_82] : memref<2x10240x64xf32, #tpu.memory_space<hbm>> -> memref<1x640x64xf32, #tpu.memory_space<hbm>>
      %dma_wait3A_84 = tpu.memref_squeeze %dma_wait3A_83 : memref<1x640x64xf32, #tpu.memory_space<hbm>> -> memref<640x64xf32, #tpu.memory_space<hbm>>
      %dma_wait3A_85 = arith.constant 0 : i32
      %dma_wait3A_86 = tpu.memref_slice %arg10[%mul3A_74, %dma_wait3A_85] : memref<10240x64xf32, #tpu.memory_space<vmem_shared>> -> memref<640x64xf32, #tpu.memory_space<vmem_shared>>
      tpu.wait_dma2 semaphore(%run_scoped3A : memref<!tpu.dma_semaphore, #tpu.memory_space<semaphore_mem>>) src(%dma_wait3A_86 : memref<640x64xf32, #tpu.memory_space<vmem_shared>>) dst(%dma_wait3A_84 : memref<640x64xf32, #tpu.memory_space<hbm>>)
      tpu.yield
    }) : () -> ()
    return
  }
}

#map = affine_map<(d0, d1) -> (0, 0)>
#map1 = affine_map<(d0, d1) -> (0, 0, 0)>
module attributes {stable_mosaic.version = 14 : i64} {
  func.func @edge(%arg0: i32, %arg1: i32, %arg2: memref<10240x64xf32, #tpu.memory_space<hbm>>, %arg3: memref<32x80x128xi32, #tpu.memory_space<hbm>>, %arg4: memref<32x80x128xi32, #tpu.memory_space<hbm>>, %arg5: memref<10240x64xf32, #tpu.memory_space<hbm>>, %arg6: memref<2x10240x64xf32, #tpu.memory_space<hbm>>, %arg7: memref<80x128xi32, #tpu.memory_space<vmem>>, %arg8: memref<80x128xi32, #tpu.memory_space<vmem>>, %arg9: memref<2x128x64xf32, #tpu.memory_space<vmem>>, %arg10: memref<10240x64xf32, #tpu.memory_space<vmem_shared>>, %arg11: memref<10240x64xf32, #tpu.memory_space<vmem_shared>>, %arg12: memref<!tpu.dma_semaphore, #tpu.memory_space<semaphore_mem>>, %arg13: memref<!tpu.dma_semaphore, #tpu.memory_space<semaphore_mem>>) attributes {dimension_semantics = [#tpu.dimension_semantics<core_parallel>, #tpu.dimension_semantics<subcore_parallel>], iteration_bounds = array<i64: 2, 16>, scalar_prefetch = 0 : i64, scratch_operands = 7 : i64, tpu.core_type = #tpu.core_type<sc_vector_subcore>, window_params = [{transform_indices = #map}, {transform_indices = #map1}, {transform_indices = #map1}, {transform_indices = #map}, {transform_indices = #map1}]} {
    %mul3A = arith.constant 16 : i32
    %mul3A_0 = arith.muli %arg0, %mul3A : i32
    %add3A = arith.addi %mul3A_0, %arg1 : i32
    %mul3A_1 = arith.constant 640 : i32
    %mul3A_2 = arith.muli %arg1, %mul3A_1 : i32
    %mul3A_3 = arith.constant 640 : i32
    %mul3A_4 = arith.muli %arg1, %mul3A_3 : i32
    %mul3A_5 = arith.constant 640 : i32
    %mul3A_6 = arith.muli %arg1, %mul3A_5 : i32
    %mul3A_7 = arith.constant 640 : i32
    %mul3A_8 = arith.muli %arg1, %mul3A_7 : i32
    %dma_start3A = arith.constant 0 : i32
    %dma_start3A_9 = arith.constant 0 : i32
    %dma_start3A_10 = tpu.memref_slice %arg3[%add3A, %dma_start3A, %dma_start3A_9] : memref<32x80x128xi32, #tpu.memory_space<hbm>> -> memref<1x80x128xi32, #tpu.memory_space<hbm>>
    %dma_start3A_11 = tpu.memref_squeeze %dma_start3A_10 : memref<1x80x128xi32, #tpu.memory_space<hbm>> -> memref<80x128xi32, #tpu.memory_space<hbm>>
    %dma_start3A_12 = arith.constant 0 : i32
    %dma_start3A_13 = arith.constant 0 : i32
    %dma_start3A_14 = tpu.memref_slice %arg3[%add3A, %dma_start3A_12, %dma_start3A_13] : memref<32x80x128xi32, #tpu.memory_space<hbm>> -> memref<1x80x128xi32, #tpu.memory_space<hbm>>
    %dma_start3A_15 = tpu.memref_squeeze %dma_start3A_14 : memref<1x80x128xi32, #tpu.memory_space<hbm>> -> memref<80x128xi32, #tpu.memory_space<hbm>>
    tpu.enqueue_dma source(%dma_start3A_15 : memref<80x128xi32, #tpu.memory_space<hbm>>) target(%arg7 : memref<80x128xi32, #tpu.memory_space<vmem>>) target_semaphore(%arg12 : memref<!tpu.dma_semaphore, #tpu.memory_space<semaphore_mem>>)
    %dma_start3A_16 = arith.constant 0 : i32
    %dma_start3A_17 = arith.constant 0 : i32
    %dma_start3A_18 = tpu.memref_slice %arg4[%add3A, %dma_start3A_16, %dma_start3A_17] : memref<32x80x128xi32, #tpu.memory_space<hbm>> -> memref<1x80x128xi32, #tpu.memory_space<hbm>>
    %dma_start3A_19 = tpu.memref_squeeze %dma_start3A_18 : memref<1x80x128xi32, #tpu.memory_space<hbm>> -> memref<80x128xi32, #tpu.memory_space<hbm>>
    %dma_start3A_20 = arith.constant 0 : i32
    %dma_start3A_21 = arith.constant 0 : i32
    %dma_start3A_22 = tpu.memref_slice %arg4[%add3A, %dma_start3A_20, %dma_start3A_21] : memref<32x80x128xi32, #tpu.memory_space<hbm>> -> memref<1x80x128xi32, #tpu.memory_space<hbm>>
    %dma_start3A_23 = tpu.memref_squeeze %dma_start3A_22 : memref<1x80x128xi32, #tpu.memory_space<hbm>> -> memref<80x128xi32, #tpu.memory_space<hbm>>
    tpu.enqueue_dma source(%dma_start3A_23 : memref<80x128xi32, #tpu.memory_space<hbm>>) target(%arg8 : memref<80x128xi32, #tpu.memory_space<vmem>>) target_semaphore(%arg12 : memref<!tpu.dma_semaphore, #tpu.memory_space<semaphore_mem>>)
    %dma_start3A_24 = arith.constant 0 : i32
    %dma_start3A_25 = tpu.memref_slice %arg10[%mul3A_4, %dma_start3A_24] : memref<10240x64xf32, #tpu.memory_space<vmem_shared>> -> memref<640x64xf32, #tpu.memory_space<vmem_shared>>
    %dma_start3A_26 = arith.constant 0 : i32
    %dma_start3A_27 = tpu.memref_slice %arg5[%mul3A_2, %dma_start3A_26] : memref<10240x64xf32, #tpu.memory_space<hbm>> -> memref<640x64xf32, #tpu.memory_space<hbm>>
    tpu.enqueue_dma source(%dma_start3A_27 : memref<640x64xf32, #tpu.memory_space<hbm>>) target(%dma_start3A_25 : memref<640x64xf32, #tpu.memory_space<vmem_shared>>) target_semaphore(%arg13 : memref<!tpu.dma_semaphore, #tpu.memory_space<semaphore_mem>>)
    %dma_start3A_28 = arith.constant 0 : i32
    %dma_start3A_29 = tpu.memref_slice %arg11[%mul3A_8, %dma_start3A_28] : memref<10240x64xf32, #tpu.memory_space<vmem_shared>> -> memref<640x64xf32, #tpu.memory_space<vmem_shared>>
    %dma_start3A_30 = arith.constant 0 : i32
    %dma_start3A_31 = tpu.memref_slice %arg2[%mul3A_6, %dma_start3A_30] : memref<10240x64xf32, #tpu.memory_space<hbm>> -> memref<640x64xf32, #tpu.memory_space<hbm>>
    tpu.enqueue_dma source(%dma_start3A_31 : memref<640x64xf32, #tpu.memory_space<hbm>>) target(%dma_start3A_29 : memref<640x64xf32, #tpu.memory_space<vmem_shared>>) target_semaphore(%arg13 : memref<!tpu.dma_semaphore, #tpu.memory_space<semaphore_mem>>)
    %dma_wait3A = arith.constant 0 : i32
    %dma_wait3A_32 = arith.constant 0 : i32
    %dma_wait3A_33 = tpu.memref_slice %arg3[%add3A, %dma_wait3A, %dma_wait3A_32] : memref<32x80x128xi32, #tpu.memory_space<hbm>> -> memref<1x80x128xi32, #tpu.memory_space<hbm>>
    %dma_wait3A_34 = tpu.memref_squeeze %dma_wait3A_33 : memref<1x80x128xi32, #tpu.memory_space<hbm>> -> memref<80x128xi32, #tpu.memory_space<hbm>>
    %dma_wait3A_35 = arith.constant 0 : i32
    %dma_wait3A_36 = arith.constant 0 : i32
    %dma_wait3A_37 = tpu.memref_slice %arg3[%add3A, %dma_wait3A_35, %dma_wait3A_36] : memref<32x80x128xi32, #tpu.memory_space<hbm>> -> memref<1x80x128xi32, #tpu.memory_space<hbm>>
    %dma_wait3A_38 = tpu.memref_squeeze %dma_wait3A_37 : memref<1x80x128xi32, #tpu.memory_space<hbm>> -> memref<80x128xi32, #tpu.memory_space<hbm>>
    tpu.wait_dma2 semaphore(%arg12 : memref<!tpu.dma_semaphore, #tpu.memory_space<semaphore_mem>>) src(%dma_wait3A_38 : memref<80x128xi32, #tpu.memory_space<hbm>>) dst(%arg7 : memref<80x128xi32, #tpu.memory_space<vmem>>)
    %dma_wait3A_39 = arith.constant 0 : i32
    %dma_wait3A_40 = arith.constant 0 : i32
    %dma_wait3A_41 = tpu.memref_slice %arg4[%add3A, %dma_wait3A_39, %dma_wait3A_40] : memref<32x80x128xi32, #tpu.memory_space<hbm>> -> memref<1x80x128xi32, #tpu.memory_space<hbm>>
    %dma_wait3A_42 = tpu.memref_squeeze %dma_wait3A_41 : memref<1x80x128xi32, #tpu.memory_space<hbm>> -> memref<80x128xi32, #tpu.memory_space<hbm>>
    %dma_wait3A_43 = arith.constant 0 : i32
    %dma_wait3A_44 = arith.constant 0 : i32
    %dma_wait3A_45 = tpu.memref_slice %arg4[%add3A, %dma_wait3A_43, %dma_wait3A_44] : memref<32x80x128xi32, #tpu.memory_space<hbm>> -> memref<1x80x128xi32, #tpu.memory_space<hbm>>
    %dma_wait3A_46 = tpu.memref_squeeze %dma_wait3A_45 : memref<1x80x128xi32, #tpu.memory_space<hbm>> -> memref<80x128xi32, #tpu.memory_space<hbm>>
    tpu.wait_dma2 semaphore(%arg12 : memref<!tpu.dma_semaphore, #tpu.memory_space<semaphore_mem>>) src(%dma_wait3A_46 : memref<80x128xi32, #tpu.memory_space<hbm>>) dst(%arg8 : memref<80x128xi32, #tpu.memory_space<vmem>>)
    %dma_wait3A_47 = arith.constant 0 : i32
    %dma_wait3A_48 = tpu.memref_slice %arg10[%mul3A_4, %dma_wait3A_47] : memref<10240x64xf32, #tpu.memory_space<vmem_shared>> -> memref<640x64xf32, #tpu.memory_space<vmem_shared>>
    %dma_wait3A_49 = arith.constant 0 : i32
    %dma_wait3A_50 = tpu.memref_slice %arg5[%mul3A_2, %dma_wait3A_49] : memref<10240x64xf32, #tpu.memory_space<hbm>> -> memref<640x64xf32, #tpu.memory_space<hbm>>
    tpu.wait_dma2 semaphore(%arg13 : memref<!tpu.dma_semaphore, #tpu.memory_space<semaphore_mem>>) src(%dma_wait3A_50 : memref<640x64xf32, #tpu.memory_space<hbm>>) dst(%dma_wait3A_48 : memref<640x64xf32, #tpu.memory_space<vmem_shared>>)
    %dma_wait3A_51 = arith.constant 0 : i32
    %dma_wait3A_52 = tpu.memref_slice %arg11[%mul3A_8, %dma_wait3A_51] : memref<10240x64xf32, #tpu.memory_space<vmem_shared>> -> memref<640x64xf32, #tpu.memory_space<vmem_shared>>
    %dma_wait3A_53 = arith.constant 0 : i32
    %dma_wait3A_54 = tpu.memref_slice %arg2[%mul3A_6, %dma_wait3A_53] : memref<10240x64xf32, #tpu.memory_space<hbm>> -> memref<640x64xf32, #tpu.memory_space<hbm>>
    tpu.wait_dma2 semaphore(%arg13 : memref<!tpu.dma_semaphore, #tpu.memory_space<semaphore_mem>>) src(%dma_wait3A_54 : memref<640x64xf32, #tpu.memory_space<hbm>>) dst(%dma_wait3A_52 : memref<640x64xf32, #tpu.memory_space<vmem_shared>>)
    %barrier3A = arith.constant 0 : index
    tpu.barrier barrier_id(%barrier3A)
    %dma_start3A_55 = arith.constant 0 : i32
    %dma_start3A_56 = arith.constant 0 : i32
    %dma_start3A_57 = arith.constant 0 : i32
    %dma_start3A_58 = arith.constant 0 : i32
    %dma_start3A_59 = tpu.memref_slice %arg9[%dma_start3A_56, %dma_start3A_57, %dma_start3A_58] : memref<2x128x64xf32, #tpu.memory_space<vmem>> -> memref<1x128x64xf32, #tpu.memory_space<vmem>>
    %dma_start3A_60 = tpu.memref_squeeze %dma_start3A_59 : memref<1x128x64xf32, #tpu.memory_space<vmem>> -> memref<128x64xf32, #tpu.memory_space<vmem>>
    %dma_start3A_61 = arith.constant 0 : i32
    %dma_start3A_62 = tpu.memref_slice %arg7[%dma_start3A_55, %dma_start3A_61] : memref<80x128xi32, #tpu.memory_space<vmem>> -> memref<1x128xi32, #tpu.memory_space<vmem>>
    %dma_start3A_63 = tpu.memref_squeeze %dma_start3A_62 : memref<1x128xi32, #tpu.memory_space<vmem>> -> memref<128xi32, #tpu.memory_space<vmem>>
    %dma_start3A_64 = arith.constant 0 : i32
    %dma_start3A_65 = arith.constant 0 : i32
    %dma_start3A_66 = tpu.memref_slice %arg11[%dma_start3A_64, %dma_start3A_65] : memref<10240x64xf32, #tpu.memory_space<vmem_shared>> -> memref<10240x64xf32, #tpu.memory_space<vmem_shared>>
    tpu.enqueue_indirect_dma source(%dma_start3A_66 : memref<10240x64xf32, #tpu.memory_space<vmem_shared>>) target(%dma_start3A_60 : memref<128x64xf32, #tpu.memory_space<vmem>>) offsets(%dma_start3A_63 : memref<128xi32, #tpu.memory_space<vmem>>) semaphore(%arg12 : memref<!tpu.dma_semaphore, #tpu.memory_space<semaphore_mem>>)
    %scan3A = arith.constant 0 : i32
    %scan3A_67 = arith.constant 0 : i32
    %scan3A_68 = arith.constant 40 : i32
    %scan3A_69 = arith.addi %scan3A_67, %scan3A_68 : i32
    %scan3A_70 = arith.constant 1 : i32
    scf.for %scan3A_77 = %scan3A_67 to %scan3A_69 step %scan3A_70  : i32 {
      %mul3A_78 = arith.constant 2 : i32
      %mul3A_79 = arith.muli %mul3A_78, %scan3A_77 : i32
      %add3A_80 = arith.constant 1 : i32
      %add3A_81 = arith.addi %mul3A_79, %add3A_80 : i32
      %dma_wait3A_82 = arith.constant 0 : i32
      %dma_wait3A_83 = arith.constant 0 : i32
      %dma_wait3A_84 = arith.constant 0 : i32
      %dma_wait3A_85 = tpu.memref_slice %arg9[%dma_wait3A_82, %dma_wait3A_83, %dma_wait3A_84] : memref<2x128x64xf32, #tpu.memory_space<vmem>> -> memref<1x128x64xf32, #tpu.memory_space<vmem>>
      %dma_wait3A_86 = tpu.memref_squeeze %dma_wait3A_85 : memref<1x128x64xf32, #tpu.memory_space<vmem>> -> memref<128x64xf32, #tpu.memory_space<vmem>>
      %dma_wait3A_87 = arith.constant 0 : i32
      %dma_wait3A_88 = tpu.memref_slice %arg7[%mul3A_79, %dma_wait3A_87] : memref<80x128xi32, #tpu.memory_space<vmem>> -> memref<1x128xi32, #tpu.memory_space<vmem>>
      %dma_wait3A_89 = tpu.memref_squeeze %dma_wait3A_88 : memref<1x128xi32, #tpu.memory_space<vmem>> -> memref<128xi32, #tpu.memory_space<vmem>>
      %dma_wait3A_90 = arith.constant 0 : i32
      %dma_wait3A_91 = arith.constant 0 : i32
      %dma_wait3A_92 = tpu.memref_slice %arg11[%dma_wait3A_90, %dma_wait3A_91] : memref<10240x64xf32, #tpu.memory_space<vmem_shared>> -> memref<10240x64xf32, #tpu.memory_space<vmem_shared>>
      tpu.wait_indirect_dma semaphore(%arg12 : memref<!tpu.dma_semaphore, #tpu.memory_space<semaphore_mem>>) src(%dma_wait3A_92 : memref<10240x64xf32, #tpu.memory_space<vmem_shared>>) dst(%dma_wait3A_86 : memref<128x64xf32, #tpu.memory_space<vmem>>)
      %dma_start3A_93 = arith.constant 1 : i32
      %dma_start3A_94 = arith.constant 0 : i32
      %dma_start3A_95 = arith.constant 0 : i32
      %dma_start3A_96 = tpu.memref_slice %arg9[%dma_start3A_93, %dma_start3A_94, %dma_start3A_95] : memref<2x128x64xf32, #tpu.memory_space<vmem>> -> memref<1x128x64xf32, #tpu.memory_space<vmem>>
      %dma_start3A_97 = tpu.memref_squeeze %dma_start3A_96 : memref<1x128x64xf32, #tpu.memory_space<vmem>> -> memref<128x64xf32, #tpu.memory_space<vmem>>
      %dma_start3A_98 = arith.constant 0 : i32
      %dma_start3A_99 = tpu.memref_slice %arg7[%add3A_81, %dma_start3A_98] : memref<80x128xi32, #tpu.memory_space<vmem>> -> memref<1x128xi32, #tpu.memory_space<vmem>>
      %dma_start3A_100 = tpu.memref_squeeze %dma_start3A_99 : memref<1x128xi32, #tpu.memory_space<vmem>> -> memref<128xi32, #tpu.memory_space<vmem>>
      %dma_start3A_101 = arith.constant 0 : i32
      %dma_start3A_102 = arith.constant 0 : i32
      %dma_start3A_103 = tpu.memref_slice %arg11[%dma_start3A_101, %dma_start3A_102] : memref<10240x64xf32, #tpu.memory_space<vmem_shared>> -> memref<10240x64xf32, #tpu.memory_space<vmem_shared>>
      tpu.enqueue_indirect_dma source(%dma_start3A_103 : memref<10240x64xf32, #tpu.memory_space<vmem_shared>>) target(%dma_start3A_97 : memref<128x64xf32, #tpu.memory_space<vmem>>) offsets(%dma_start3A_100 : memref<128xi32, #tpu.memory_space<vmem>>) semaphore(%arg13 : memref<!tpu.dma_semaphore, #tpu.memory_space<semaphore_mem>>)
      %run_scoped3A = arith.constant 0 : i32
      "tpu.region"() ({
        %run_scoped3A_118 = tpu.sem_alloc : memref<!tpu.dma_semaphore, #tpu.memory_space<semaphore_mem>>
        %dma_start3A_119 = arith.constant 0 : i32
        %dma_start3A_120 = arith.constant 0 : i32
        %dma_start3A_121 = tpu.memref_slice %arg9[%run_scoped3A, %dma_start3A_119, %dma_start3A_120] : memref<2x128x64xf32, #tpu.memory_space<vmem>> -> memref<1x128x64xf32, #tpu.memory_space<vmem>>
        %dma_start3A_122 = tpu.memref_squeeze %dma_start3A_121 : memref<1x128x64xf32, #tpu.memory_space<vmem>> -> memref<128x64xf32, #tpu.memory_space<vmem>>
        %dma_start3A_123 = arith.constant 0 : i32
        %dma_start3A_124 = tpu.memref_slice %arg8[%mul3A_79, %dma_start3A_123] : memref<80x128xi32, #tpu.memory_space<vmem>> -> memref<1x128xi32, #tpu.memory_space<vmem>>
        %dma_start3A_125 = tpu.memref_squeeze %dma_start3A_124 : memref<1x128xi32, #tpu.memory_space<vmem>> -> memref<128xi32, #tpu.memory_space<vmem>>
        %dma_start3A_126 = arith.constant 0 : i32
        %dma_start3A_127 = arith.constant 0 : i32
        %dma_start3A_128 = tpu.memref_slice %arg10[%dma_start3A_126, %dma_start3A_127] : memref<10240x64xf32, #tpu.memory_space<vmem_shared>> -> memref<10240x64xf32, #tpu.memory_space<vmem_shared>>
        tpu.enqueue_indirect_dma source(%dma_start3A_122 : memref<128x64xf32, #tpu.memory_space<vmem>>) target(%dma_start3A_128 : memref<10240x64xf32, #tpu.memory_space<vmem_shared>>) offsets(%dma_start3A_125 : memref<128xi32, #tpu.memory_space<vmem>>) semaphore(%run_scoped3A_118 : memref<!tpu.dma_semaphore, #tpu.memory_space<semaphore_mem>>) {add = true}
        %dma_wait3A_129 = arith.constant 0 : i32
        %dma_wait3A_130 = arith.constant 0 : i32
        %dma_wait3A_131 = tpu.memref_slice %arg9[%run_scoped3A, %dma_wait3A_129, %dma_wait3A_130] : memref<2x128x64xf32, #tpu.memory_space<vmem>> -> memref<1x128x64xf32, #tpu.memory_space<vmem>>
        %dma_wait3A_132 = tpu.memref_squeeze %dma_wait3A_131 : memref<1x128x64xf32, #tpu.memory_space<vmem>> -> memref<128x64xf32, #tpu.memory_space<vmem>>
        %dma_wait3A_133 = arith.constant 0 : i32
        %dma_wait3A_134 = tpu.memref_slice %arg8[%mul3A_79, %dma_wait3A_133] : memref<80x128xi32, #tpu.memory_space<vmem>> -> memref<1x128xi32, #tpu.memory_space<vmem>>
        %dma_wait3A_135 = tpu.memref_squeeze %dma_wait3A_134 : memref<1x128xi32, #tpu.memory_space<vmem>> -> memref<128xi32, #tpu.memory_space<vmem>>
        %dma_wait3A_136 = arith.constant 0 : i32
        %dma_wait3A_137 = arith.constant 0 : i32
        %dma_wait3A_138 = tpu.memref_slice %arg10[%dma_wait3A_136, %dma_wait3A_137] : memref<10240x64xf32, #tpu.memory_space<vmem_shared>> -> memref<10240x64xf32, #tpu.memory_space<vmem_shared>>
        tpu.wait_indirect_dma semaphore(%run_scoped3A_118 : memref<!tpu.dma_semaphore, #tpu.memory_space<semaphore_mem>>) src(%dma_wait3A_132 : memref<128x64xf32, #tpu.memory_space<vmem>>) dst(%dma_wait3A_138 : memref<10240x64xf32, #tpu.memory_space<vmem_shared>>)
        tpu.yield
      }) : () -> ()
      %dma_wait3A_104 = arith.constant 1 : i32
      %dma_wait3A_105 = arith.constant 0 : i32
      %dma_wait3A_106 = arith.constant 0 : i32
      %dma_wait3A_107 = tpu.memref_slice %arg9[%dma_wait3A_104, %dma_wait3A_105, %dma_wait3A_106] : memref<2x128x64xf32, #tpu.memory_space<vmem>> -> memref<1x128x64xf32, #tpu.memory_space<vmem>>
      %dma_wait3A_108 = tpu.memref_squeeze %dma_wait3A_107 : memref<1x128x64xf32, #tpu.memory_space<vmem>> -> memref<128x64xf32, #tpu.memory_space<vmem>>
      %dma_wait3A_109 = arith.constant 0 : i32
      %dma_wait3A_110 = tpu.memref_slice %arg7[%add3A_81, %dma_wait3A_109] : memref<80x128xi32, #tpu.memory_space<vmem>> -> memref<1x128xi32, #tpu.memory_space<vmem>>
      %dma_wait3A_111 = tpu.memref_squeeze %dma_wait3A_110 : memref<1x128xi32, #tpu.memory_space<vmem>> -> memref<128xi32, #tpu.memory_space<vmem>>
      %dma_wait3A_112 = arith.constant 0 : i32
      %dma_wait3A_113 = arith.constant 0 : i32
      %dma_wait3A_114 = tpu.memref_slice %arg11[%dma_wait3A_112, %dma_wait3A_113] : memref<10240x64xf32, #tpu.memory_space<vmem_shared>> -> memref<10240x64xf32, #tpu.memory_space<vmem_shared>>
      tpu.wait_indirect_dma semaphore(%arg13 : memref<!tpu.dma_semaphore, #tpu.memory_space<semaphore_mem>>) src(%dma_wait3A_114 : memref<10240x64xf32, #tpu.memory_space<vmem_shared>>) dst(%dma_wait3A_108 : memref<128x64xf32, #tpu.memory_space<vmem>>)
      %lt3A = arith.constant 39 : i32
      %lt3A_115 = arith.cmpi slt, %scan3A_77, %lt3A : i32
      %convert_element_type3A = arith.extui %lt3A_115 : i1 to i32
      %cond3A = arith.constant 0 : i32
      %cond3A_116 = arith.cmpi ne, %convert_element_type3A, %cond3A : i32
      scf.if %cond3A_116 {
        %add3A_118 = arith.constant 1 : i32
        %add3A_119 = arith.addi %add3A_81, %add3A_118 : i32
        %dma_start3A_120 = arith.constant 0 : i32
        %dma_start3A_121 = arith.constant 0 : i32
        %dma_start3A_122 = arith.constant 0 : i32
        %dma_start3A_123 = tpu.memref_slice %arg9[%dma_start3A_120, %dma_start3A_121, %dma_start3A_122] : memref<2x128x64xf32, #tpu.memory_space<vmem>> -> memref<1x128x64xf32, #tpu.memory_space<vmem>>
        %dma_start3A_124 = tpu.memref_squeeze %dma_start3A_123 : memref<1x128x64xf32, #tpu.memory_space<vmem>> -> memref<128x64xf32, #tpu.memory_space<vmem>>
        %dma_start3A_125 = arith.constant 0 : i32
        %dma_start3A_126 = tpu.memref_slice %arg7[%add3A_119, %dma_start3A_125] : memref<80x128xi32, #tpu.memory_space<vmem>> -> memref<1x128xi32, #tpu.memory_space<vmem>>
        %dma_start3A_127 = tpu.memref_squeeze %dma_start3A_126 : memref<1x128xi32, #tpu.memory_space<vmem>> -> memref<128xi32, #tpu.memory_space<vmem>>
        %dma_start3A_128 = arith.constant 0 : i32
        %dma_start3A_129 = arith.constant 0 : i32
        %dma_start3A_130 = tpu.memref_slice %arg11[%dma_start3A_128, %dma_start3A_129] : memref<10240x64xf32, #tpu.memory_space<vmem_shared>> -> memref<10240x64xf32, #tpu.memory_space<vmem_shared>>
        tpu.enqueue_indirect_dma source(%dma_start3A_130 : memref<10240x64xf32, #tpu.memory_space<vmem_shared>>) target(%dma_start3A_124 : memref<128x64xf32, #tpu.memory_space<vmem>>) offsets(%dma_start3A_127 : memref<128xi32, #tpu.memory_space<vmem>>) semaphore(%arg12 : memref<!tpu.dma_semaphore, #tpu.memory_space<semaphore_mem>>)
      } else {
      }
      %run_scoped3A_117 = arith.constant 1 : i32
      "tpu.region"() ({
        %run_scoped3A_118 = tpu.sem_alloc : memref<!tpu.dma_semaphore, #tpu.memory_space<semaphore_mem>>
        %dma_start3A_119 = arith.constant 0 : i32
        %dma_start3A_120 = arith.constant 0 : i32
        %dma_start3A_121 = tpu.memref_slice %arg9[%run_scoped3A_117, %dma_start3A_119, %dma_start3A_120] : memref<2x128x64xf32, #tpu.memory_space<vmem>> -> memref<1x128x64xf32, #tpu.memory_space<vmem>>
        %dma_start3A_122 = tpu.memref_squeeze %dma_start3A_121 : memref<1x128x64xf32, #tpu.memory_space<vmem>> -> memref<128x64xf32, #tpu.memory_space<vmem>>
        %dma_start3A_123 = arith.constant 0 : i32
        %dma_start3A_124 = tpu.memref_slice %arg8[%add3A_81, %dma_start3A_123] : memref<80x128xi32, #tpu.memory_space<vmem>> -> memref<1x128xi32, #tpu.memory_space<vmem>>
        %dma_start3A_125 = tpu.memref_squeeze %dma_start3A_124 : memref<1x128xi32, #tpu.memory_space<vmem>> -> memref<128xi32, #tpu.memory_space<vmem>>
        %dma_start3A_126 = arith.constant 0 : i32
        %dma_start3A_127 = arith.constant 0 : i32
        %dma_start3A_128 = tpu.memref_slice %arg10[%dma_start3A_126, %dma_start3A_127] : memref<10240x64xf32, #tpu.memory_space<vmem_shared>> -> memref<10240x64xf32, #tpu.memory_space<vmem_shared>>
        tpu.enqueue_indirect_dma source(%dma_start3A_122 : memref<128x64xf32, #tpu.memory_space<vmem>>) target(%dma_start3A_128 : memref<10240x64xf32, #tpu.memory_space<vmem_shared>>) offsets(%dma_start3A_125 : memref<128xi32, #tpu.memory_space<vmem>>) semaphore(%run_scoped3A_118 : memref<!tpu.dma_semaphore, #tpu.memory_space<semaphore_mem>>) {add = true}
        %dma_wait3A_129 = arith.constant 0 : i32
        %dma_wait3A_130 = arith.constant 0 : i32
        %dma_wait3A_131 = tpu.memref_slice %arg9[%run_scoped3A_117, %dma_wait3A_129, %dma_wait3A_130] : memref<2x128x64xf32, #tpu.memory_space<vmem>> -> memref<1x128x64xf32, #tpu.memory_space<vmem>>
        %dma_wait3A_132 = tpu.memref_squeeze %dma_wait3A_131 : memref<1x128x64xf32, #tpu.memory_space<vmem>> -> memref<128x64xf32, #tpu.memory_space<vmem>>
        %dma_wait3A_133 = arith.constant 0 : i32
        %dma_wait3A_134 = tpu.memref_slice %arg8[%add3A_81, %dma_wait3A_133] : memref<80x128xi32, #tpu.memory_space<vmem>> -> memref<1x128xi32, #tpu.memory_space<vmem>>
        %dma_wait3A_135 = tpu.memref_squeeze %dma_wait3A_134 : memref<1x128xi32, #tpu.memory_space<vmem>> -> memref<128xi32, #tpu.memory_space<vmem>>
        %dma_wait3A_136 = arith.constant 0 : i32
        %dma_wait3A_137 = arith.constant 0 : i32
        %dma_wait3A_138 = tpu.memref_slice %arg10[%dma_wait3A_136, %dma_wait3A_137] : memref<10240x64xf32, #tpu.memory_space<vmem_shared>> -> memref<10240x64xf32, #tpu.memory_space<vmem_shared>>
        tpu.wait_indirect_dma semaphore(%run_scoped3A_118 : memref<!tpu.dma_semaphore, #tpu.memory_space<semaphore_mem>>) src(%dma_wait3A_132 : memref<128x64xf32, #tpu.memory_space<vmem>>) dst(%dma_wait3A_138 : memref<10240x64xf32, #tpu.memory_space<vmem_shared>>)
        tpu.yield
      }) : () -> ()
    }
    %scan3A_71 = arith.constant 40 : i32
    %barrier3A_72 = arith.constant 0 : index
    tpu.barrier barrier_id(%barrier3A_72)
    %mul3A_73 = arith.constant 640 : i32
    %mul3A_74 = arith.muli %arg1, %mul3A_73 : i32
    %mul3A_75 = arith.constant 640 : i32
    %mul3A_76 = arith.muli %arg1, %mul3A_75 : i32
    "tpu.region"() ({
      %run_scoped3A = tpu.sem_alloc : memref<!tpu.dma_semaphore, #tpu.memory_space<semaphore_mem>>
      %dma_start3A_77 = arith.constant 0 : i32
      %dma_start3A_78 = tpu.memref_slice %arg6[%arg0, %mul3A_76, %dma_start3A_77] : memref<2x10240x64xf32, #tpu.memory_space<hbm>> -> memref<1x640x64xf32, #tpu.memory_space<hbm>>
      %dma_start3A_79 = tpu.memref_squeeze %dma_start3A_78 : memref<1x640x64xf32, #tpu.memory_space<hbm>> -> memref<640x64xf32, #tpu.memory_space<hbm>>
      %dma_start3A_80 = arith.constant 0 : i32
      %dma_start3A_81 = tpu.memref_slice %arg10[%mul3A_74, %dma_start3A_80] : memref<10240x64xf32, #tpu.memory_space<vmem_shared>> -> memref<640x64xf32, #tpu.memory_space<vmem_shared>>
      tpu.enqueue_dma source(%dma_start3A_81 : memref<640x64xf32, #tpu.memory_space<vmem_shared>>) target(%dma_start3A_79 : memref<640x64xf32, #tpu.memory_space<hbm>>) target_semaphore(%run_scoped3A : memref<!tpu.dma_semaphore, #tpu.memory_space<semaphore_mem>>)
      %dma_wait3A_82 = arith.constant 0 : i32
      %dma_wait3A_83 = tpu.memref_slice %arg6[%arg0, %mul3A_76, %dma_wait3A_82] : memref<2x10240x64xf32, #tpu.memory_space<hbm>> -> memref<1x640x64xf32, #tpu.memory_space<hbm>>
      %dma_wait3A_84 = tpu.memref_squeeze %dma_wait3A_83 : memref<1x640x64xf32, #tpu.memory_space<hbm>> -> memref<640x64xf32, #tpu.memory_space<hbm>>
      %dma_wait3A_85 = arith.constant 0 : i32
      %dma_wait3A_86 = tpu.memref_slice %arg10[%mul3A_74, %dma_wait3A_85] : memref<10240x64xf32, #tpu.memory_space<vmem_shared>> -> memref<640x64xf32, #tpu.memory_space<vmem_shared>>
      tpu.wait_dma2 semaphore(%run_scoped3A : memref<!tpu.dma_semaphore, #tpu.memory_space<semaphore_mem>>) src(%dma_wait3A_86 : memref<640x64xf32, #tpu.memory_space<vmem_shared>>) dst(%dma_wait3A_84 : memref<640x64xf32, #tpu.memory_space<hbm>>)
      tpu.yield
    }) : () -> ()
    return
  }
}

#map = affine_map<(d0, d1) -> (0, 0)>
#map1 = affine_map<(d0, d1) -> (0, 0, 0)>
module attributes {stable_mosaic.version = 14 : i64} {
  func.func @edge(%arg0: i32, %arg1: i32, %arg2: memref<10240x64xf32, #tpu.memory_space<hbm>>, %arg3: memref<32x80x128xi32, #tpu.memory_space<hbm>>, %arg4: memref<32x80x128xi32, #tpu.memory_space<hbm>>, %arg5: memref<10240x64xf32, #tpu.memory_space<hbm>>, %arg6: memref<2x10240x64xf32, #tpu.memory_space<hbm>>, %arg7: memref<80x128xi32, #tpu.memory_space<vmem>>, %arg8: memref<80x128xi32, #tpu.memory_space<vmem>>, %arg9: memref<2x128x64xf32, #tpu.memory_space<vmem>>, %arg10: memref<10240x64xf32, #tpu.memory_space<vmem_shared>>, %arg11: memref<10240x64xf32, #tpu.memory_space<vmem_shared>>, %arg12: memref<!tpu.dma_semaphore, #tpu.memory_space<semaphore_mem>>, %arg13: memref<!tpu.dma_semaphore, #tpu.memory_space<semaphore_mem>>) attributes {dimension_semantics = [#tpu.dimension_semantics<core_parallel>, #tpu.dimension_semantics<subcore_parallel>], iteration_bounds = array<i64: 2, 16>, scalar_prefetch = 0 : i64, scratch_operands = 7 : i64, tpu.core_type = #tpu.core_type<sc_vector_subcore>, window_params = [{transform_indices = #map}, {transform_indices = #map1}, {transform_indices = #map1}, {transform_indices = #map}, {transform_indices = #map1}]} {
    %mul3A = arith.constant 16 : i32
    %mul3A_0 = arith.muli %arg0, %mul3A : i32
    %add3A = arith.addi %mul3A_0, %arg1 : i32
    %mul3A_1 = arith.constant 640 : i32
    %mul3A_2 = arith.muli %arg1, %mul3A_1 : i32
    %mul3A_3 = arith.constant 640 : i32
    %mul3A_4 = arith.muli %arg1, %mul3A_3 : i32
    %mul3A_5 = arith.constant 640 : i32
    %mul3A_6 = arith.muli %arg1, %mul3A_5 : i32
    %mul3A_7 = arith.constant 640 : i32
    %mul3A_8 = arith.muli %arg1, %mul3A_7 : i32
    %dma_start3A = arith.constant 0 : i32
    %dma_start3A_9 = arith.constant 0 : i32
    %dma_start3A_10 = tpu.memref_slice %arg3[%add3A, %dma_start3A, %dma_start3A_9] : memref<32x80x128xi32, #tpu.memory_space<hbm>> -> memref<1x80x128xi32, #tpu.memory_space<hbm>>
    %dma_start3A_11 = tpu.memref_squeeze %dma_start3A_10 : memref<1x80x128xi32, #tpu.memory_space<hbm>> -> memref<80x128xi32, #tpu.memory_space<hbm>>
    %dma_start3A_12 = arith.constant 0 : i32
    %dma_start3A_13 = arith.constant 0 : i32
    %dma_start3A_14 = tpu.memref_slice %arg3[%add3A, %dma_start3A_12, %dma_start3A_13] : memref<32x80x128xi32, #tpu.memory_space<hbm>> -> memref<1x80x128xi32, #tpu.memory_space<hbm>>
    %dma_start3A_15 = tpu.memref_squeeze %dma_start3A_14 : memref<1x80x128xi32, #tpu.memory_space<hbm>> -> memref<80x128xi32, #tpu.memory_space<hbm>>
    tpu.enqueue_dma source(%dma_start3A_15 : memref<80x128xi32, #tpu.memory_space<hbm>>) target(%arg7 : memref<80x128xi32, #tpu.memory_space<vmem>>) target_semaphore(%arg12 : memref<!tpu.dma_semaphore, #tpu.memory_space<semaphore_mem>>)
    %dma_start3A_16 = arith.constant 0 : i32
    %dma_start3A_17 = arith.constant 0 : i32
    %dma_start3A_18 = tpu.memref_slice %arg4[%add3A, %dma_start3A_16, %dma_start3A_17] : memref<32x80x128xi32, #tpu.memory_space<hbm>> -> memref<1x80x128xi32, #tpu.memory_space<hbm>>
    %dma_start3A_19 = tpu.memref_squeeze %dma_start3A_18 : memref<1x80x128xi32, #tpu.memory_space<hbm>> -> memref<80x128xi32, #tpu.memory_space<hbm>>
    %dma_start3A_20 = arith.constant 0 : i32
    %dma_start3A_21 = arith.constant 0 : i32
    %dma_start3A_22 = tpu.memref_slice %arg4[%add3A, %dma_start3A_20, %dma_start3A_21] : memref<32x80x128xi32, #tpu.memory_space<hbm>> -> memref<1x80x128xi32, #tpu.memory_space<hbm>>
    %dma_start3A_23 = tpu.memref_squeeze %dma_start3A_22 : memref<1x80x128xi32, #tpu.memory_space<hbm>> -> memref<80x128xi32, #tpu.memory_space<hbm>>
    tpu.enqueue_dma source(%dma_start3A_23 : memref<80x128xi32, #tpu.memory_space<hbm>>) target(%arg8 : memref<80x128xi32, #tpu.memory_space<vmem>>) target_semaphore(%arg12 : memref<!tpu.dma_semaphore, #tpu.memory_space<semaphore_mem>>)
    %dma_start3A_24 = arith.constant 0 : i32
    %dma_start3A_25 = tpu.memref_slice %arg10[%mul3A_4, %dma_start3A_24] : memref<10240x64xf32, #tpu.memory_space<vmem_shared>> -> memref<640x64xf32, #tpu.memory_space<vmem_shared>>
    %dma_start3A_26 = arith.constant 0 : i32
    %dma_start3A_27 = tpu.memref_slice %arg5[%mul3A_2, %dma_start3A_26] : memref<10240x64xf32, #tpu.memory_space<hbm>> -> memref<640x64xf32, #tpu.memory_space<hbm>>
    tpu.enqueue_dma source(%dma_start3A_27 : memref<640x64xf32, #tpu.memory_space<hbm>>) target(%dma_start3A_25 : memref<640x64xf32, #tpu.memory_space<vmem_shared>>) target_semaphore(%arg13 : memref<!tpu.dma_semaphore, #tpu.memory_space<semaphore_mem>>)
    %dma_start3A_28 = arith.constant 0 : i32
    %dma_start3A_29 = tpu.memref_slice %arg11[%mul3A_8, %dma_start3A_28] : memref<10240x64xf32, #tpu.memory_space<vmem_shared>> -> memref<640x64xf32, #tpu.memory_space<vmem_shared>>
    %dma_start3A_30 = arith.constant 0 : i32
    %dma_start3A_31 = tpu.memref_slice %arg2[%mul3A_6, %dma_start3A_30] : memref<10240x64xf32, #tpu.memory_space<hbm>> -> memref<640x64xf32, #tpu.memory_space<hbm>>
    tpu.enqueue_dma source(%dma_start3A_31 : memref<640x64xf32, #tpu.memory_space<hbm>>) target(%dma_start3A_29 : memref<640x64xf32, #tpu.memory_space<vmem_shared>>) target_semaphore(%arg13 : memref<!tpu.dma_semaphore, #tpu.memory_space<semaphore_mem>>)
    %dma_wait3A = arith.constant 0 : i32
    %dma_wait3A_32 = arith.constant 0 : i32
    %dma_wait3A_33 = tpu.memref_slice %arg3[%add3A, %dma_wait3A, %dma_wait3A_32] : memref<32x80x128xi32, #tpu.memory_space<hbm>> -> memref<1x80x128xi32, #tpu.memory_space<hbm>>
    %dma_wait3A_34 = tpu.memref_squeeze %dma_wait3A_33 : memref<1x80x128xi32, #tpu.memory_space<hbm>> -> memref<80x128xi32, #tpu.memory_space<hbm>>
    %dma_wait3A_35 = arith.constant 0 : i32
    %dma_wait3A_36 = arith.constant 0 : i32
    %dma_wait3A_37 = tpu.memref_slice %arg3[%add3A, %dma_wait3A_35, %dma_wait3A_36] : memref<32x80x128xi32, #tpu.memory_space<hbm>> -> memref<1x80x128xi32, #tpu.memory_space<hbm>>
    %dma_wait3A_38 = tpu.memref_squeeze %dma_wait3A_37 : memref<1x80x128xi32, #tpu.memory_space<hbm>> -> memref<80x128xi32, #tpu.memory_space<hbm>>
    tpu.wait_dma2 semaphore(%arg12 : memref<!tpu.dma_semaphore, #tpu.memory_space<semaphore_mem>>) src(%dma_wait3A_38 : memref<80x128xi32, #tpu.memory_space<hbm>>) dst(%arg7 : memref<80x128xi32, #tpu.memory_space<vmem>>)
    %dma_wait3A_39 = arith.constant 0 : i32
    %dma_wait3A_40 = arith.constant 0 : i32
    %dma_wait3A_41 = tpu.memref_slice %arg4[%add3A, %dma_wait3A_39, %dma_wait3A_40] : memref<32x80x128xi32, #tpu.memory_space<hbm>> -> memref<1x80x128xi32, #tpu.memory_space<hbm>>
    %dma_wait3A_42 = tpu.memref_squeeze %dma_wait3A_41 : memref<1x80x128xi32, #tpu.memory_space<hbm>> -> memref<80x128xi32, #tpu.memory_space<hbm>>
    %dma_wait3A_43 = arith.constant 0 : i32
    %dma_wait3A_44 = arith.constant 0 : i32
    %dma_wait3A_45 = tpu.memref_slice %arg4[%add3A, %dma_wait3A_43, %dma_wait3A_44] : memref<32x80x128xi32, #tpu.memory_space<hbm>> -> memref<1x80x128xi32, #tpu.memory_space<hbm>>
    %dma_wait3A_46 = tpu.memref_squeeze %dma_wait3A_45 : memref<1x80x128xi32, #tpu.memory_space<hbm>> -> memref<80x128xi32, #tpu.memory_space<hbm>>
    tpu.wait_dma2 semaphore(%arg12 : memref<!tpu.dma_semaphore, #tpu.memory_space<semaphore_mem>>) src(%dma_wait3A_46 : memref<80x128xi32, #tpu.memory_space<hbm>>) dst(%arg8 : memref<80x128xi32, #tpu.memory_space<vmem>>)
    %dma_wait3A_47 = arith.constant 0 : i32
    %dma_wait3A_48 = tpu.memref_slice %arg10[%mul3A_4, %dma_wait3A_47] : memref<10240x64xf32, #tpu.memory_space<vmem_shared>> -> memref<640x64xf32, #tpu.memory_space<vmem_shared>>
    %dma_wait3A_49 = arith.constant 0 : i32
    %dma_wait3A_50 = tpu.memref_slice %arg5[%mul3A_2, %dma_wait3A_49] : memref<10240x64xf32, #tpu.memory_space<hbm>> -> memref<640x64xf32, #tpu.memory_space<hbm>>
    tpu.wait_dma2 semaphore(%arg13 : memref<!tpu.dma_semaphore, #tpu.memory_space<semaphore_mem>>) src(%dma_wait3A_50 : memref<640x64xf32, #tpu.memory_space<hbm>>) dst(%dma_wait3A_48 : memref<640x64xf32, #tpu.memory_space<vmem_shared>>)
    %dma_wait3A_51 = arith.constant 0 : i32
    %dma_wait3A_52 = tpu.memref_slice %arg11[%mul3A_8, %dma_wait3A_51] : memref<10240x64xf32, #tpu.memory_space<vmem_shared>> -> memref<640x64xf32, #tpu.memory_space<vmem_shared>>
    %dma_wait3A_53 = arith.constant 0 : i32
    %dma_wait3A_54 = tpu.memref_slice %arg2[%mul3A_6, %dma_wait3A_53] : memref<10240x64xf32, #tpu.memory_space<hbm>> -> memref<640x64xf32, #tpu.memory_space<hbm>>
    tpu.wait_dma2 semaphore(%arg13 : memref<!tpu.dma_semaphore, #tpu.memory_space<semaphore_mem>>) src(%dma_wait3A_54 : memref<640x64xf32, #tpu.memory_space<hbm>>) dst(%dma_wait3A_52 : memref<640x64xf32, #tpu.memory_space<vmem_shared>>)
    %barrier3A = arith.constant 0 : index
    tpu.barrier barrier_id(%barrier3A)
    %dma_start3A_55 = arith.constant 0 : i32
    %dma_start3A_56 = arith.constant 0 : i32
    %dma_start3A_57 = arith.constant 0 : i32
    %dma_start3A_58 = arith.constant 0 : i32
    %dma_start3A_59 = tpu.memref_slice %arg9[%dma_start3A_56, %dma_start3A_57, %dma_start3A_58] : memref<2x128x64xf32, #tpu.memory_space<vmem>> -> memref<1x128x64xf32, #tpu.memory_space<vmem>>
    %dma_start3A_60 = tpu.memref_squeeze %dma_start3A_59 : memref<1x128x64xf32, #tpu.memory_space<vmem>> -> memref<128x64xf32, #tpu.memory_space<vmem>>
    %dma_start3A_61 = arith.constant 0 : i32
    %dma_start3A_62 = tpu.memref_slice %arg7[%dma_start3A_55, %dma_start3A_61] : memref<80x128xi32, #tpu.memory_space<vmem>> -> memref<1x128xi32, #tpu.memory_space<vmem>>
    %dma_start3A_63 = tpu.memref_squeeze %dma_start3A_62 : memref<1x128xi32, #tpu.memory_space<vmem>> -> memref<128xi32, #tpu.memory_space<vmem>>
    %dma_start3A_64 = arith.constant 0 : i32
    %dma_start3A_65 = arith.constant 0 : i32
    %dma_start3A_66 = tpu.memref_slice %arg11[%dma_start3A_64, %dma_start3A_65] : memref<10240x64xf32, #tpu.memory_space<vmem_shared>> -> memref<10240x64xf32, #tpu.memory_space<vmem_shared>>
    tpu.enqueue_indirect_dma source(%dma_start3A_66 : memref<10240x64xf32, #tpu.memory_space<vmem_shared>>) target(%dma_start3A_60 : memref<128x64xf32, #tpu.memory_space<vmem>>) offsets(%dma_start3A_63 : memref<128xi32, #tpu.memory_space<vmem>>) semaphore(%arg12 : memref<!tpu.dma_semaphore, #tpu.memory_space<semaphore_mem>>)
    %scan3A = arith.constant 0 : i32
    %scan3A_67 = arith.constant 0 : i32
    %scan3A_68 = arith.constant 40 : i32
    %scan3A_69 = arith.addi %scan3A_67, %scan3A_68 : i32
    %scan3A_70 = arith.constant 1 : i32
    scf.for %scan3A_77 = %scan3A_67 to %scan3A_69 step %scan3A_70  : i32 {
      %mul3A_78 = arith.constant 2 : i32
      %mul3A_79 = arith.muli %mul3A_78, %scan3A_77 : i32
      %add3A_80 = arith.constant 1 : i32
      %add3A_81 = arith.addi %mul3A_79, %add3A_80 : i32
      %dma_wait3A_82 = arith.constant 0 : i32
      %dma_wait3A_83 = arith.constant 0 : i32
      %dma_wait3A_84 = arith.constant 0 : i32
      %dma_wait3A_85 = tpu.memref_slice %arg9[%dma_wait3A_82, %dma_wait3A_83, %dma_wait3A_84] : memref<2x128x64xf32, #tpu.memory_space<vmem>> -> memref<1x128x64xf32, #tpu.memory_space<vmem>>
      %dma_wait3A_86 = tpu.memref_squeeze %dma_wait3A_85 : memref<1x128x64xf32, #tpu.memory_space<vmem>> -> memref<128x64xf32, #tpu.memory_space<vmem>>
      %dma_wait3A_87 = arith.constant 0 : i32
      %dma_wait3A_88 = tpu.memref_slice %arg7[%mul3A_79, %dma_wait3A_87] : memref<80x128xi32, #tpu.memory_space<vmem>> -> memref<1x128xi32, #tpu.memory_space<vmem>>
      %dma_wait3A_89 = tpu.memref_squeeze %dma_wait3A_88 : memref<1x128xi32, #tpu.memory_space<vmem>> -> memref<128xi32, #tpu.memory_space<vmem>>
      %dma_wait3A_90 = arith.constant 0 : i32
      %dma_wait3A_91 = arith.constant 0 : i32
      %dma_wait3A_92 = tpu.memref_slice %arg11[%dma_wait3A_90, %dma_wait3A_91] : memref<10240x64xf32, #tpu.memory_space<vmem_shared>> -> memref<10240x64xf32, #tpu.memory_space<vmem_shared>>
      tpu.wait_indirect_dma semaphore(%arg12 : memref<!tpu.dma_semaphore, #tpu.memory_space<semaphore_mem>>) src(%dma_wait3A_92 : memref<10240x64xf32, #tpu.memory_space<vmem_shared>>) dst(%dma_wait3A_86 : memref<128x64xf32, #tpu.memory_space<vmem>>)
      %dma_start3A_93 = arith.constant 1 : i32
      %dma_start3A_94 = arith.constant 0 : i32
      %dma_start3A_95 = arith.constant 0 : i32
      %dma_start3A_96 = tpu.memref_slice %arg9[%dma_start3A_93, %dma_start3A_94, %dma_start3A_95] : memref<2x128x64xf32, #tpu.memory_space<vmem>> -> memref<1x128x64xf32, #tpu.memory_space<vmem>>
      %dma_start3A_97 = tpu.memref_squeeze %dma_start3A_96 : memref<1x128x64xf32, #tpu.memory_space<vmem>> -> memref<128x64xf32, #tpu.memory_space<vmem>>
      %dma_start3A_98 = arith.constant 0 : i32
      %dma_start3A_99 = tpu.memref_slice %arg7[%add3A_81, %dma_start3A_98] : memref<80x128xi32, #tpu.memory_space<vmem>> -> memref<1x128xi32, #tpu.memory_space<vmem>>
      %dma_start3A_100 = tpu.memref_squeeze %dma_start3A_99 : memref<1x128xi32, #tpu.memory_space<vmem>> -> memref<128xi32, #tpu.memory_space<vmem>>
      %dma_start3A_101 = arith.constant 0 : i32
      %dma_start3A_102 = arith.constant 0 : i32
      %dma_start3A_103 = tpu.memref_slice %arg11[%dma_start3A_101, %dma_start3A_102] : memref<10240x64xf32, #tpu.memory_space<vmem_shared>> -> memref<10240x64xf32, #tpu.memory_space<vmem_shared>>
      tpu.enqueue_indirect_dma source(%dma_start3A_103 : memref<10240x64xf32, #tpu.memory_space<vmem_shared>>) target(%dma_start3A_97 : memref<128x64xf32, #tpu.memory_space<vmem>>) offsets(%dma_start3A_100 : memref<128xi32, #tpu.memory_space<vmem>>) semaphore(%arg13 : memref<!tpu.dma_semaphore, #tpu.memory_space<semaphore_mem>>)
      %run_scoped3A = arith.constant 0 : i32
      "tpu.region"() ({
        %run_scoped3A_118 = tpu.sem_alloc : memref<!tpu.dma_semaphore, #tpu.memory_space<semaphore_mem>>
        %dma_start3A_119 = arith.constant 0 : i32
        %dma_start3A_120 = arith.constant 0 : i32
        %dma_start3A_121 = tpu.memref_slice %arg9[%run_scoped3A, %dma_start3A_119, %dma_start3A_120] : memref<2x128x64xf32, #tpu.memory_space<vmem>> -> memref<1x128x64xf32, #tpu.memory_space<vmem>>
        %dma_start3A_122 = tpu.memref_squeeze %dma_start3A_121 : memref<1x128x64xf32, #tpu.memory_space<vmem>> -> memref<128x64xf32, #tpu.memory_space<vmem>>
        %dma_start3A_123 = arith.constant 0 : i32
        %dma_start3A_124 = tpu.memref_slice %arg8[%mul3A_79, %dma_start3A_123] : memref<80x128xi32, #tpu.memory_space<vmem>> -> memref<1x128xi32, #tpu.memory_space<vmem>>
        %dma_start3A_125 = tpu.memref_squeeze %dma_start3A_124 : memref<1x128xi32, #tpu.memory_space<vmem>> -> memref<128xi32, #tpu.memory_space<vmem>>
        %dma_start3A_126 = arith.constant 0 : i32
        %dma_start3A_127 = arith.constant 0 : i32
        %dma_start3A_128 = tpu.memref_slice %arg10[%dma_start3A_126, %dma_start3A_127] : memref<10240x64xf32, #tpu.memory_space<vmem_shared>> -> memref<10240x64xf32, #tpu.memory_space<vmem_shared>>
        tpu.enqueue_indirect_dma source(%dma_start3A_122 : memref<128x64xf32, #tpu.memory_space<vmem>>) target(%dma_start3A_128 : memref<10240x64xf32, #tpu.memory_space<vmem_shared>>) offsets(%dma_start3A_125 : memref<128xi32, #tpu.memory_space<vmem>>) semaphore(%run_scoped3A_118 : memref<!tpu.dma_semaphore, #tpu.memory_space<semaphore_mem>>) {add = true}
        %dma_wait3A_129 = arith.constant 0 : i32
        %dma_wait3A_130 = arith.constant 0 : i32
        %dma_wait3A_131 = tpu.memref_slice %arg9[%run_scoped3A, %dma_wait3A_129, %dma_wait3A_130] : memref<2x128x64xf32, #tpu.memory_space<vmem>> -> memref<1x128x64xf32, #tpu.memory_space<vmem>>
        %dma_wait3A_132 = tpu.memref_squeeze %dma_wait3A_131 : memref<1x128x64xf32, #tpu.memory_space<vmem>> -> memref<128x64xf32, #tpu.memory_space<vmem>>
        %dma_wait3A_133 = arith.constant 0 : i32
        %dma_wait3A_134 = tpu.memref_slice %arg8[%mul3A_79, %dma_wait3A_133] : memref<80x128xi32, #tpu.memory_space<vmem>> -> memref<1x128xi32, #tpu.memory_space<vmem>>
        %dma_wait3A_135 = tpu.memref_squeeze %dma_wait3A_134 : memref<1x128xi32, #tpu.memory_space<vmem>> -> memref<128xi32, #tpu.memory_space<vmem>>
        %dma_wait3A_136 = arith.constant 0 : i32
        %dma_wait3A_137 = arith.constant 0 : i32
        %dma_wait3A_138 = tpu.memref_slice %arg10[%dma_wait3A_136, %dma_wait3A_137] : memref<10240x64xf32, #tpu.memory_space<vmem_shared>> -> memref<10240x64xf32, #tpu.memory_space<vmem_shared>>
        tpu.wait_indirect_dma semaphore(%run_scoped3A_118 : memref<!tpu.dma_semaphore, #tpu.memory_space<semaphore_mem>>) src(%dma_wait3A_132 : memref<128x64xf32, #tpu.memory_space<vmem>>) dst(%dma_wait3A_138 : memref<10240x64xf32, #tpu.memory_space<vmem_shared>>)
        tpu.yield
      }) : () -> ()
      %dma_wait3A_104 = arith.constant 1 : i32
      %dma_wait3A_105 = arith.constant 0 : i32
      %dma_wait3A_106 = arith.constant 0 : i32
      %dma_wait3A_107 = tpu.memref_slice %arg9[%dma_wait3A_104, %dma_wait3A_105, %dma_wait3A_106] : memref<2x128x64xf32, #tpu.memory_space<vmem>> -> memref<1x128x64xf32, #tpu.memory_space<vmem>>
      %dma_wait3A_108 = tpu.memref_squeeze %dma_wait3A_107 : memref<1x128x64xf32, #tpu.memory_space<vmem>> -> memref<128x64xf32, #tpu.memory_space<vmem>>
      %dma_wait3A_109 = arith.constant 0 : i32
      %dma_wait3A_110 = tpu.memref_slice %arg7[%add3A_81, %dma_wait3A_109] : memref<80x128xi32, #tpu.memory_space<vmem>> -> memref<1x128xi32, #tpu.memory_space<vmem>>
      %dma_wait3A_111 = tpu.memref_squeeze %dma_wait3A_110 : memref<1x128xi32, #tpu.memory_space<vmem>> -> memref<128xi32, #tpu.memory_space<vmem>>
      %dma_wait3A_112 = arith.constant 0 : i32
      %dma_wait3A_113 = arith.constant 0 : i32
      %dma_wait3A_114 = tpu.memref_slice %arg11[%dma_wait3A_112, %dma_wait3A_113] : memref<10240x64xf32, #tpu.memory_space<vmem_shared>> -> memref<10240x64xf32, #tpu.memory_space<vmem_shared>>
      tpu.wait_indirect_dma semaphore(%arg13 : memref<!tpu.dma_semaphore, #tpu.memory_space<semaphore_mem>>) src(%dma_wait3A_114 : memref<10240x64xf32, #tpu.memory_space<vmem_shared>>) dst(%dma_wait3A_108 : memref<128x64xf32, #tpu.memory_space<vmem>>)
      %lt3A = arith.constant 39 : i32
      %lt3A_115 = arith.cmpi slt, %scan3A_77, %lt3A : i32
      %convert_element_type3A = arith.extui %lt3A_115 : i1 to i32
      %cond3A = arith.constant 0 : i32
      %cond3A_116 = arith.cmpi ne, %convert_element_type3A, %cond3A : i32
      scf.if %cond3A_116 {
        %add3A_118 = arith.constant 1 : i32
        %add3A_119 = arith.addi %add3A_81, %add3A_118 : i32
        %dma_start3A_120 = arith.constant 0 : i32
        %dma_start3A_121 = arith.constant 0 : i32
        %dma_start3A_122 = arith.constant 0 : i32
        %dma_start3A_123 = tpu.memref_slice %arg9[%dma_start3A_120, %dma_start3A_121, %dma_start3A_122] : memref<2x128x64xf32, #tpu.memory_space<vmem>> -> memref<1x128x64xf32, #tpu.memory_space<vmem>>
        %dma_start3A_124 = tpu.memref_squeeze %dma_start3A_123 : memref<1x128x64xf32, #tpu.memory_space<vmem>> -> memref<128x64xf32, #tpu.memory_space<vmem>>
        %dma_start3A_125 = arith.constant 0 : i32
        %dma_start3A_126 = tpu.memref_slice %arg7[%add3A_119, %dma_start3A_125] : memref<80x128xi32, #tpu.memory_space<vmem>> -> memref<1x128xi32, #tpu.memory_space<vmem>>
        %dma_start3A_127 = tpu.memref_squeeze %dma_start3A_126 : memref<1x128xi32, #tpu.memory_space<vmem>> -> memref<128xi32, #tpu.memory_space<vmem>>
        %dma_start3A_128 = arith.constant 0 : i32
        %dma_start3A_129 = arith.constant 0 : i32
        %dma_start3A_130 = tpu.memref_slice %arg11[%dma_start3A_128, %dma_start3A_129] : memref<10240x64xf32, #tpu.memory_space<vmem_shared>> -> memref<10240x64xf32, #tpu.memory_space<vmem_shared>>
        tpu.enqueue_indirect_dma source(%dma_start3A_130 : memref<10240x64xf32, #tpu.memory_space<vmem_shared>>) target(%dma_start3A_124 : memref<128x64xf32, #tpu.memory_space<vmem>>) offsets(%dma_start3A_127 : memref<128xi32, #tpu.memory_space<vmem>>) semaphore(%arg12 : memref<!tpu.dma_semaphore, #tpu.memory_space<semaphore_mem>>)
      } else {
      }
      %run_scoped3A_117 = arith.constant 1 : i32
      "tpu.region"() ({
        %run_scoped3A_118 = tpu.sem_alloc : memref<!tpu.dma_semaphore, #tpu.memory_space<semaphore_mem>>
        %dma_start3A_119 = arith.constant 0 : i32
        %dma_start3A_120 = arith.constant 0 : i32
        %dma_start3A_121 = tpu.memref_slice %arg9[%run_scoped3A_117, %dma_start3A_119, %dma_start3A_120] : memref<2x128x64xf32, #tpu.memory_space<vmem>> -> memref<1x128x64xf32, #tpu.memory_space<vmem>>
        %dma_start3A_122 = tpu.memref_squeeze %dma_start3A_121 : memref<1x128x64xf32, #tpu.memory_space<vmem>> -> memref<128x64xf32, #tpu.memory_space<vmem>>
        %dma_start3A_123 = arith.constant 0 : i32
        %dma_start3A_124 = tpu.memref_slice %arg8[%add3A_81, %dma_start3A_123] : memref<80x128xi32, #tpu.memory_space<vmem>> -> memref<1x128xi32, #tpu.memory_space<vmem>>
        %dma_start3A_125 = tpu.memref_squeeze %dma_start3A_124 : memref<1x128xi32, #tpu.memory_space<vmem>> -> memref<128xi32, #tpu.memory_space<vmem>>
        %dma_start3A_126 = arith.constant 0 : i32
        %dma_start3A_127 = arith.constant 0 : i32
        %dma_start3A_128 = tpu.memref_slice %arg10[%dma_start3A_126, %dma_start3A_127] : memref<10240x64xf32, #tpu.memory_space<vmem_shared>> -> memref<10240x64xf32, #tpu.memory_space<vmem_shared>>
        tpu.enqueue_indirect_dma source(%dma_start3A_122 : memref<128x64xf32, #tpu.memory_space<vmem>>) target(%dma_start3A_128 : memref<10240x64xf32, #tpu.memory_space<vmem_shared>>) offsets(%dma_start3A_125 : memref<128xi32, #tpu.memory_space<vmem>>) semaphore(%run_scoped3A_118 : memref<!tpu.dma_semaphore, #tpu.memory_space<semaphore_mem>>) {add = true}
        %dma_wait3A_129 = arith.constant 0 : i32
        %dma_wait3A_130 = arith.constant 0 : i32
        %dma_wait3A_131 = tpu.memref_slice %arg9[%run_scoped3A_117, %dma_wait3A_129, %dma_wait3A_130] : memref<2x128x64xf32, #tpu.memory_space<vmem>> -> memref<1x128x64xf32, #tpu.memory_space<vmem>>
        %dma_wait3A_132 = tpu.memref_squeeze %dma_wait3A_131 : memref<1x128x64xf32, #tpu.memory_space<vmem>> -> memref<128x64xf32, #tpu.memory_space<vmem>>
        %dma_wait3A_133 = arith.constant 0 : i32
        %dma_wait3A_134 = tpu.memref_slice %arg8[%add3A_81, %dma_wait3A_133] : memref<80x128xi32, #tpu.memory_space<vmem>> -> memref<1x128xi32, #tpu.memory_space<vmem>>
        %dma_wait3A_135 = tpu.memref_squeeze %dma_wait3A_134 : memref<1x128xi32, #tpu.memory_space<vmem>> -> memref<128xi32, #tpu.memory_space<vmem>>
        %dma_wait3A_136 = arith.constant 0 : i32
        %dma_wait3A_137 = arith.constant 0 : i32
        %dma_wait3A_138 = tpu.memref_slice %arg10[%dma_wait3A_136, %dma_wait3A_137] : memref<10240x64xf32, #tpu.memory_space<vmem_shared>> -> memref<10240x64xf32, #tpu.memory_space<vmem_shared>>
        tpu.wait_indirect_dma semaphore(%run_scoped3A_118 : memref<!tpu.dma_semaphore, #tpu.memory_space<semaphore_mem>>) src(%dma_wait3A_132 : memref<128x64xf32, #tpu.memory_space<vmem>>) dst(%dma_wait3A_138 : memref<10240x64xf32, #tpu.memory_space<vmem_shared>>)
        tpu.yield
      }) : () -> ()
    }
    %scan3A_71 = arith.constant 40 : i32
    %barrier3A_72 = arith.constant 0 : index
    tpu.barrier barrier_id(%barrier3A_72)
    %mul3A_73 = arith.constant 640 : i32
    %mul3A_74 = arith.muli %arg1, %mul3A_73 : i32
    %mul3A_75 = arith.constant 640 : i32
    %mul3A_76 = arith.muli %arg1, %mul3A_75 : i32
    "tpu.region"() ({
      %run_scoped3A = tpu.sem_alloc : memref<!tpu.dma_semaphore, #tpu.memory_space<semaphore_mem>>
      %dma_start3A_77 = arith.constant 0 : i32
      %dma_start3A_78 = tpu.memref_slice %arg6[%arg0, %mul3A_76, %dma_start3A_77] : memref<2x10240x64xf32, #tpu.memory_space<hbm>> -> memref<1x640x64xf32, #tpu.memory_space<hbm>>
      %dma_start3A_79 = tpu.memref_squeeze %dma_start3A_78 : memref<1x640x64xf32, #tpu.memory_space<hbm>> -> memref<640x64xf32, #tpu.memory_space<hbm>>
      %dma_start3A_80 = arith.constant 0 : i32
      %dma_start3A_81 = tpu.memref_slice %arg10[%mul3A_74, %dma_start3A_80] : memref<10240x64xf32, #tpu.memory_space<vmem_shared>> -> memref<640x64xf32, #tpu.memory_space<vmem_shared>>
      tpu.enqueue_dma source(%dma_start3A_81 : memref<640x64xf32, #tpu.memory_space<vmem_shared>>) target(%dma_start3A_79 : memref<640x64xf32, #tpu.memory_space<hbm>>) target_semaphore(%run_scoped3A : memref<!tpu.dma_semaphore, #tpu.memory_space<semaphore_mem>>)
      %dma_wait3A_82 = arith.constant 0 : i32
      %dma_wait3A_83 = tpu.memref_slice %arg6[%arg0, %mul3A_76, %dma_wait3A_82] : memref<2x10240x64xf32, #tpu.memory_space<hbm>> -> memref<1x640x64xf32, #tpu.memory_space<hbm>>
      %dma_wait3A_84 = tpu.memref_squeeze %dma_wait3A_83 : memref<1x640x64xf32, #tpu.memory_space<hbm>> -> memref<640x64xf32, #tpu.memory_space<hbm>>
      %dma_wait3A_85 = arith.constant 0 : i32
      %dma_wait3A_86 = tpu.memref_slice %arg10[%mul3A_74, %dma_wait3A_85] : memref<10240x64xf32, #tpu.memory_space<vmem_shared>> -> memref<640x64xf32, #tpu.memory_space<vmem_shared>>
      tpu.wait_dma2 semaphore(%run_scoped3A : memref<!tpu.dma_semaphore, #tpu.memory_space<semaphore_mem>>) src(%dma_wait3A_86 : memref<640x64xf32, #tpu.memory_space<vmem_shared>>) dst(%dma_wait3A_84 : memref<640x64xf32, #tpu.memory_space<hbm>>)
      tpu.yield
    }) : () -> ()
    return
  }
}

#map = affine_map<(d0, d1) -> (0, 0)>
#map1 = affine_map<(d0, d1) -> (0, 0, 0)>
module attributes {stable_mosaic.version = 14 : i64} {
  func.func @pool(%arg0: i32, %arg1: i32, %arg2: memref<5120x128xf32, #tpu.memory_space<hbm>>, %arg3: memref<32x320xi32, #tpu.memory_space<hbm>>, %arg4: memref<65x64xf32, #tpu.memory_space<hbm>>, %arg5: memref<10240x64xf32, #tpu.memory_space<hbm>>, %arg6: memref<32x65x64xf32, #tpu.memory_space<hbm>>, %arg7: memref<32x65x64xf32, #tpu.memory_space<hbm>>, %arg8: memref<32x65x64xf32, #tpu.memory_space<hbm>>, %arg9: memref<160x128xf32, #tpu.memory_space<vmem>>, %arg10: memref<320xi32, #tpu.memory_space<vmem>>, %arg11: memref<65x64xf32, #tpu.memory_space<vmem>>, %arg12: memref<65x64xf32, #tpu.memory_space<vmem>>, %arg13: memref<65x64xf32, #tpu.memory_space<vmem>>) attributes {dimension_semantics = [#tpu.dimension_semantics<core_parallel>, #tpu.dimension_semantics<subcore_parallel>], iteration_bounds = array<i64: 2, 16>, scalar_prefetch = 0 : i64, scratch_operands = 5 : i64, tpu.core_type = #tpu.core_type<sc_vector_subcore>, window_params = [{transform_indices = #map}, {transform_indices = #map}, {transform_indices = #map}, {transform_indices = #map}, {transform_indices = #map1}, {transform_indices = #map1}, {transform_indices = #map1}]} {
    %mul3A = arith.constant 16 : i32
    %mul3A_0 = arith.muli %arg0, %mul3A : i32
    %add3A = arith.addi %mul3A_0, %arg1 : i32
    %mul3A_1 = arith.constant 160 : i32
    %mul3A_2 = arith.muli %add3A, %mul3A_1 : i32
    "tpu.region"() ({
      %run_scoped3A = tpu.sem_alloc : memref<!tpu.dma_semaphore, #tpu.memory_space<semaphore_mem>>
      %dma_start3A = arith.constant 0 : i32
      %dma_start3A_8 = tpu.memref_slice %arg2[%mul3A_2, %dma_start3A] : memref<5120x128xf32, #tpu.memory_space<hbm>> -> memref<160x128xf32, #tpu.memory_space<hbm>>
      %dma_start3A_9 = arith.constant 0 : i32
      %dma_start3A_10 = tpu.memref_slice %arg2[%mul3A_2, %dma_start3A_9] : memref<5120x128xf32, #tpu.memory_space<hbm>> -> memref<160x128xf32, #tpu.memory_space<hbm>>
      tpu.enqueue_dma source(%dma_start3A_10 : memref<160x128xf32, #tpu.memory_space<hbm>>) target(%arg9 : memref<160x128xf32, #tpu.memory_space<vmem>>) target_semaphore(%run_scoped3A : memref<!tpu.dma_semaphore, #tpu.memory_space<semaphore_mem>>)
      %dma_wait3A = arith.constant 0 : i32
      %dma_wait3A_11 = tpu.memref_slice %arg2[%mul3A_2, %dma_wait3A] : memref<5120x128xf32, #tpu.memory_space<hbm>> -> memref<160x128xf32, #tpu.memory_space<hbm>>
      %dma_wait3A_12 = arith.constant 0 : i32
      %dma_wait3A_13 = tpu.memref_slice %arg2[%mul3A_2, %dma_wait3A_12] : memref<5120x128xf32, #tpu.memory_space<hbm>> -> memref<160x128xf32, #tpu.memory_space<hbm>>
      tpu.wait_dma2 semaphore(%run_scoped3A : memref<!tpu.dma_semaphore, #tpu.memory_space<semaphore_mem>>) src(%dma_wait3A_13 : memref<160x128xf32, #tpu.memory_space<hbm>>) dst(%arg9 : memref<160x128xf32, #tpu.memory_space<vmem>>)
      tpu.yield
    }) : () -> ()
    "tpu.region"() ({
      %run_scoped3A = tpu.sem_alloc : memref<!tpu.dma_semaphore, #tpu.memory_space<semaphore_mem>>
      %dma_start3A = arith.constant 0 : i32
      %dma_start3A_8 = tpu.memref_slice %arg3[%add3A, %dma_start3A] : memref<32x320xi32, #tpu.memory_space<hbm>> -> memref<1x320xi32, #tpu.memory_space<hbm>>
      %dma_start3A_9 = tpu.memref_squeeze %dma_start3A_8 : memref<1x320xi32, #tpu.memory_space<hbm>> -> memref<320xi32, #tpu.memory_space<hbm>>
      %dma_start3A_10 = arith.constant 0 : i32
      %dma_start3A_11 = tpu.memref_slice %arg3[%add3A, %dma_start3A_10] : memref<32x320xi32, #tpu.memory_space<hbm>> -> memref<1x320xi32, #tpu.memory_space<hbm>>
      %dma_start3A_12 = tpu.memref_squeeze %dma_start3A_11 : memref<1x320xi32, #tpu.memory_space<hbm>> -> memref<320xi32, #tpu.memory_space<hbm>>
      tpu.enqueue_dma source(%dma_start3A_12 : memref<320xi32, #tpu.memory_space<hbm>>) target(%arg10 : memref<320xi32, #tpu.memory_space<vmem>>) target_semaphore(%run_scoped3A : memref<!tpu.dma_semaphore, #tpu.memory_space<semaphore_mem>>)
      %dma_wait3A = arith.constant 0 : i32
      %dma_wait3A_13 = tpu.memref_slice %arg3[%add3A, %dma_wait3A] : memref<32x320xi32, #tpu.memory_space<hbm>> -> memref<1x320xi32, #tpu.memory_space<hbm>>
      %dma_wait3A_14 = tpu.memref_squeeze %dma_wait3A_13 : memref<1x320xi32, #tpu.memory_space<hbm>> -> memref<320xi32, #tpu.memory_space<hbm>>
      %dma_wait3A_15 = arith.constant 0 : i32
      %dma_wait3A_16 = tpu.memref_slice %arg3[%add3A, %dma_wait3A_15] : memref<32x320xi32, #tpu.memory_space<hbm>> -> memref<1x320xi32, #tpu.memory_space<hbm>>
      %dma_wait3A_17 = tpu.memref_squeeze %dma_wait3A_16 : memref<1x320xi32, #tpu.memory_space<hbm>> -> memref<320xi32, #tpu.memory_space<hbm>>
      tpu.wait_dma2 semaphore(%run_scoped3A : memref<!tpu.dma_semaphore, #tpu.memory_space<semaphore_mem>>) src(%dma_wait3A_17 : memref<320xi32, #tpu.memory_space<hbm>>) dst(%arg10 : memref<320xi32, #tpu.memory_space<vmem>>)
      tpu.yield
    }) : () -> ()
    "tpu.region"() ({
      %run_scoped3A = tpu.sem_alloc : memref<!tpu.dma_semaphore, #tpu.memory_space<semaphore_mem>>
      tpu.enqueue_dma source(%arg4 : memref<65x64xf32, #tpu.memory_space<hbm>>) target(%arg12 : memref<65x64xf32, #tpu.memory_space<vmem>>) target_semaphore(%run_scoped3A : memref<!tpu.dma_semaphore, #tpu.memory_space<semaphore_mem>>)
      tpu.wait_dma2 semaphore(%run_scoped3A : memref<!tpu.dma_semaphore, #tpu.memory_space<semaphore_mem>>) src(%arg4 : memref<65x64xf32, #tpu.memory_space<hbm>>) dst(%arg12 : memref<65x64xf32, #tpu.memory_space<vmem>>)
      tpu.yield
    }) : () -> ()
    "tpu.region"() ({
      %run_scoped3A = tpu.sem_alloc : memref<!tpu.dma_semaphore, #tpu.memory_space<semaphore_mem>>
      %dma_start3A = arith.constant 0 : i32
      %dma_start3A_8 = arith.constant 0 : i32
      %dma_start3A_9 = tpu.memref_slice %arg5[%dma_start3A, %dma_start3A_8] : memref<10240x64xf32, #tpu.memory_space<hbm>> -> memref<65x64xf32, #tpu.memory_space<hbm>>
      %dma_start3A_10 = arith.constant 0 : i32
      %dma_start3A_11 = arith.constant 0 : i32
      %dma_start3A_12 = tpu.memref_slice %arg5[%dma_start3A_10, %dma_start3A_11] : memref<10240x64xf32, #tpu.memory_space<hbm>> -> memref<65x64xf32, #tpu.memory_space<hbm>>
      tpu.enqueue_dma source(%dma_start3A_12 : memref<65x64xf32, #tpu.memory_space<hbm>>) target(%arg11 : memref<65x64xf32, #tpu.memory_space<vmem>>) target_semaphore(%run_scoped3A : memref<!tpu.dma_semaphore, #tpu.memory_space<semaphore_mem>>)
      %dma_wait3A = arith.constant 0 : i32
      %dma_wait3A_13 = arith.constant 0 : i32
      %dma_wait3A_14 = tpu.memref_slice %arg5[%dma_wait3A, %dma_wait3A_13] : memref<10240x64xf32, #tpu.memory_space<hbm>> -> memref<65x64xf32, #tpu.memory_space<hbm>>
      %dma_wait3A_15 = arith.constant 0 : i32
      %dma_wait3A_16 = arith.constant 0 : i32
      %dma_wait3A_17 = tpu.memref_slice %arg5[%dma_wait3A_15, %dma_wait3A_16] : memref<10240x64xf32, #tpu.memory_space<hbm>> -> memref<65x64xf32, #tpu.memory_space<hbm>>
      tpu.wait_dma2 semaphore(%run_scoped3A : memref<!tpu.dma_semaphore, #tpu.memory_space<semaphore_mem>>) src(%dma_wait3A_17 : memref<65x64xf32, #tpu.memory_space<hbm>>) dst(%arg11 : memref<65x64xf32, #tpu.memory_space<vmem>>)
      tpu.yield
    }) : () -> ()
    "tpu.region"() ({
      %run_scoped3A = tpu.sem_alloc : memref<!tpu.dma_semaphore, #tpu.memory_space<semaphore_mem>>
      %dma_start3A = arith.constant 0 : i32
      %dma_start3A_8 = arith.constant 0 : i32
      %dma_start3A_9 = tpu.memref_slice %arg5[%dma_start3A, %dma_start3A_8] : memref<10240x64xf32, #tpu.memory_space<hbm>> -> memref<65x64xf32, #tpu.memory_space<hbm>>
      %dma_start3A_10 = arith.constant 0 : i32
      %dma_start3A_11 = arith.constant 0 : i32
      %dma_start3A_12 = tpu.memref_slice %arg5[%dma_start3A_10, %dma_start3A_11] : memref<10240x64xf32, #tpu.memory_space<hbm>> -> memref<65x64xf32, #tpu.memory_space<hbm>>
      tpu.enqueue_dma source(%dma_start3A_12 : memref<65x64xf32, #tpu.memory_space<hbm>>) target(%arg13 : memref<65x64xf32, #tpu.memory_space<vmem>>) target_semaphore(%run_scoped3A : memref<!tpu.dma_semaphore, #tpu.memory_space<semaphore_mem>>)
      %dma_wait3A = arith.constant 0 : i32
      %dma_wait3A_13 = arith.constant 0 : i32
      %dma_wait3A_14 = tpu.memref_slice %arg5[%dma_wait3A, %dma_wait3A_13] : memref<10240x64xf32, #tpu.memory_space<hbm>> -> memref<65x64xf32, #tpu.memory_space<hbm>>
      %dma_wait3A_15 = arith.constant 0 : i32
      %dma_wait3A_16 = arith.constant 0 : i32
      %dma_wait3A_17 = tpu.memref_slice %arg5[%dma_wait3A_15, %dma_wait3A_16] : memref<10240x64xf32, #tpu.memory_space<hbm>> -> memref<65x64xf32, #tpu.memory_space<hbm>>
      tpu.wait_dma2 semaphore(%run_scoped3A : memref<!tpu.dma_semaphore, #tpu.memory_space<semaphore_mem>>) src(%dma_wait3A_17 : memref<65x64xf32, #tpu.memory_space<hbm>>) dst(%arg13 : memref<65x64xf32, #tpu.memory_space<vmem>>)
      tpu.yield
    }) : () -> ()
    %scan3A = arith.constant 0 : i32
    %scan3A_3 = arith.constant 0 : i32
    %scan3A_4 = arith.constant 20 : i32
    %scan3A_5 = arith.addi %scan3A_3, %scan3A_4 : i32
    %scan3A_6 = arith.constant 1 : i32
    scf.for %scan3A_8 = %scan3A_3 to %scan3A_5 step %scan3A_6  : i32 {
      %mul3A_9 = arith.constant 16 : i32
      %mul3A_10 = arith.muli %scan3A_8, %mul3A_9 : i32
      %mul3A_11 = arith.constant 8 : i32
      %mul3A_12 = arith.muli %scan3A_8, %mul3A_11 : i32
      %get3A = arith.index_cast %mul3A_10 : i32 to index
      %get3A_13 = tpu.vector_load %arg10[%get3A] {strides = array<i32>} : memref<320xi32, #tpu.memory_space<vmem>>, vector<16xi32>,
      %get3A_14 = vector.shape_cast %get3A_13 : vector<16xi32> to vector<16xi32>
      %slice3A = vector.extract_strided_slice %get3A_14 {offsets = [0], sizes = [1], strides = [1]} : vector<16xi32> to vector<1xi32>
      %squeeze3A = vector.extract %slice3A[0] : i32 from vector<1xi32>
      %add3A_15 = arith.constant 0 : i32
      %add3A_16 = arith.addi %mul3A_12, %add3A_15 : i32
      %get3A_17 = arith.index_cast %add3A_16 : i32 to index
      %get3A_18 = arith.constant 0 : index
      %get3A_19 = tpu.vector_load %arg9[%get3A_17, %get3A_18] {strides = array<i32>} : memref<160x128xf32, #tpu.memory_space<vmem>>, vector<1x16xf32>,
      %get3A_20 = vector.shape_cast %get3A_19 : vector<1x16xf32> to vector<16xf32>
      %get3A_21 = arith.index_cast %squeeze3A : i32 to index
      %get3A_22 = arith.constant 0 : index
      %get3A_23 = tpu.vector_load %arg11[%get3A_21, %get3A_22] {strides = array<i32>} : memref<65x64xf32, #tpu.memory_space<vmem>>, vector<1x16xf32>,
      %get3A_24 = vector.shape_cast %get3A_23 : vector<1x16xf32> to vector<16xf32>
      %add3A_25 = arith.addf %get3A_24, %get3A_20 : vector<16xf32>
      %swap3A = arith.index_cast %squeeze3A : i32 to index
      %swap3A_26 = arith.constant 0 : index
      %swap3A_27 = tpu.vector_load %arg11[%swap3A, %swap3A_26] {strides = array<i32>} : memref<65x64xf32, #tpu.memory_space<vmem>>, vector<1x16xf32>,
      %swap3A_28 = vector.shape_cast %swap3A_27 : vector<1x16xf32> to vector<16xf32>
      %swap3A_29 = vector.shape_cast %add3A_25 : vector<16xf32> to vector<1x16xf32>
      tpu.vector_store %arg11[%swap3A, %swap3A_26], %swap3A_29 {strides = array<i32>} : memref<65x64xf32, #tpu.memory_space<vmem>>, vector<1x16xf32>,
      %get3A_30 = arith.index_cast %squeeze3A : i32 to index
      %get3A_31 = arith.constant 0 : index
      %get3A_32 = tpu.vector_load %arg12[%get3A_30, %get3A_31] {strides = array<i32>} : memref<65x64xf32, #tpu.memory_space<vmem>>, vector<1x16xf32>,
      %get3A_33 = vector.shape_cast %get3A_32 : vector<1x16xf32> to vector<16xf32>
      %max3A = arith.maximumf %get3A_33, %get3A_20 : vector<16xf32>
      %swap3A_34 = arith.index_cast %squeeze3A : i32 to index
      %swap3A_35 = arith.constant 0 : index
      %swap3A_36 = tpu.vector_load %arg12[%swap3A_34, %swap3A_35] {strides = array<i32>} : memref<65x64xf32, #tpu.memory_space<vmem>>, vector<1x16xf32>,
      %swap3A_37 = vector.shape_cast %swap3A_36 : vector<1x16xf32> to vector<16xf32>
      %swap3A_38 = vector.shape_cast %max3A : vector<16xf32> to vector<1x16xf32>
      tpu.vector_store %arg12[%swap3A_34, %swap3A_35], %swap3A_38 {strides = array<i32>} : memref<65x64xf32, #tpu.memory_space<vmem>>, vector<1x16xf32>,
      %add3A_39 = arith.constant 0 : i32
      %add3A_40 = arith.addi %mul3A_12, %add3A_39 : i32
      %get3A_41 = arith.index_cast %add3A_40 : i32 to index
      %get3A_42 = arith.constant 16 : index
      %get3A_43 = tpu.vector_load %arg9[%get3A_41, %get3A_42] {strides = array<i32>} : memref<160x128xf32, #tpu.memory_space<vmem>>, vector<1x16xf32>,
      %get3A_44 = vector.shape_cast %get3A_43 : vector<1x16xf32> to vector<16xf32>
      %get3A_45 = arith.index_cast %squeeze3A : i32 to index
      %get3A_46 = arith.constant 16 : index
      %get3A_47 = tpu.vector_load %arg11[%get3A_45, %get3A_46] {strides = array<i32>} : memref<65x64xf32, #tpu.memory_space<vmem>>, vector<1x16xf32>,
      %get3A_48 = vector.shape_cast %get3A_47 : vector<1x16xf32> to vector<16xf32>
      %add3A_49 = arith.addf %get3A_48, %get3A_44 : vector<16xf32>
      %swap3A_50 = arith.index_cast %squeeze3A : i32 to index
      %swap3A_51 = arith.constant 16 : index
      %swap3A_52 = tpu.vector_load %arg11[%swap3A_50, %swap3A_51] {strides = array<i32>} : memref<65x64xf32, #tpu.memory_space<vmem>>, vector<1x16xf32>,
      %swap3A_53 = vector.shape_cast %swap3A_52 : vector<1x16xf32> to vector<16xf32>
      %swap3A_54 = vector.shape_cast %add3A_49 : vector<16xf32> to vector<1x16xf32>
      tpu.vector_store %arg11[%swap3A_50, %swap3A_51], %swap3A_54 {strides = array<i32>} : memref<65x64xf32, #tpu.memory_space<vmem>>, vector<1x16xf32>,
      %get3A_55 = arith.index_cast %squeeze3A : i32 to index
      %get3A_56 = arith.constant 16 : index
      %get3A_57 = tpu.vector_load %arg12[%get3A_55, %get3A_56] {strides = array<i32>} : memref<65x64xf32, #tpu.memory_space<vmem>>, vector<1x16xf32>,
      %get3A_58 = vector.shape_cast %get3A_57 : vector<1x16xf32> to vector<16xf32>
      %max3A_59 = arith.maximumf %get3A_58, %get3A_44 : vector<16xf32>
      %swap3A_60 = arith.index_cast %squeeze3A : i32 to index
      %swap3A_61 = arith.constant 16 : index
      %swap3A_62 = tpu.vector_load %arg12[%swap3A_60, %swap3A_61] {strides = array<i32>} : memref<65x64xf32, #tpu.memory_space<vmem>>, vector<1x16xf32>,
      %swap3A_63 = vector.shape_cast %swap3A_62 : vector<1x16xf32> to vector<16xf32>
      %swap3A_64 = vector.shape_cast %max3A_59 : vector<16xf32> to vector<1x16xf32>
      tpu.vector_store %arg12[%swap3A_60, %swap3A_61], %swap3A_64 {strides = array<i32>} : memref<65x64xf32, #tpu.memory_space<vmem>>, vector<1x16xf32>,
      %add3A_65 = arith.constant 0 : i32
      %add3A_66 = arith.addi %mul3A_12, %add3A_65 : i32
      %get3A_67 = arith.index_cast %add3A_66 : i32 to index
      %get3A_68 = arith.constant 32 : index
      %get3A_69 = tpu.vector_load %arg9[%get3A_67, %get3A_68] {strides = array<i32>} : memref<160x128xf32, #tpu.memory_space<vmem>>, vector<1x16xf32>,
      %get3A_70 = vector.shape_cast %get3A_69 : vector<1x16xf32> to vector<16xf32>
      %get3A_71 = arith.index_cast %squeeze3A : i32 to index
      %get3A_72 = arith.constant 32 : index
      %get3A_73 = tpu.vector_load %arg11[%get3A_71, %get3A_72] {strides = array<i32>} : memref<65x64xf32, #tpu.memory_space<vmem>>, vector<1x16xf32>,
      %get3A_74 = vector.shape_cast %get3A_73 : vector<1x16xf32> to vector<16xf32>
      %add3A_75 = arith.addf %get3A_74, %get3A_70 : vector<16xf32>
      %swap3A_76 = arith.index_cast %squeeze3A : i32 to index
      %swap3A_77 = arith.constant 32 : index
      %swap3A_78 = tpu.vector_load %arg11[%swap3A_76, %swap3A_77] {strides = array<i32>} : memref<65x64xf32, #tpu.memory_space<vmem>>, vector<1x16xf32>,
      %swap3A_79 = vector.shape_cast %swap3A_78 : vector<1x16xf32> to vector<16xf32>
      %swap3A_80 = vector.shape_cast %add3A_75 : vector<16xf32> to vector<1x16xf32>
      tpu.vector_store %arg11[%swap3A_76, %swap3A_77], %swap3A_80 {strides = array<i32>} : memref<65x64xf32, #tpu.memory_space<vmem>>, vector<1x16xf32>,
      %get3A_81 = arith.index_cast %squeeze3A : i32 to index
      %get3A_82 = arith.constant 32 : index
      %get3A_83 = tpu.vector_load %arg12[%get3A_81, %get3A_82] {strides = array<i32>} : memref<65x64xf32, #tpu.memory_space<vmem>>, vector<1x16xf32>,
      %get3A_84 = vector.shape_cast %get3A_83 : vector<1x16xf32> to vector<16xf32>
      %max3A_85 = arith.maximumf %get3A_84, %get3A_70 : vector<16xf32>
      %swap3A_86 = arith.index_cast %squeeze3A : i32 to index
      %swap3A_87 = arith.constant 32 : index
      %swap3A_88 = tpu.vector_load %arg12[%swap3A_86, %swap3A_87] {strides = array<i32>} : memref<65x64xf32, #tpu.memory_space<vmem>>, vector<1x16xf32>,
      %swap3A_89 = vector.shape_cast %swap3A_88 : vector<1x16xf32> to vector<16xf32>
      %swap3A_90 = vector.shape_cast %max3A_85 : vector<16xf32> to vector<1x16xf32>
      tpu.vector_store %arg12[%swap3A_86, %swap3A_87], %swap3A_90 {strides = array<i32>} : memref<65x64xf32, #tpu.memory_space<vmem>>, vector<1x16xf32>,
      %add3A_91 = arith.constant 0 : i32
      %add3A_92 = arith.addi %mul3A_12, %add3A_91 : i32
      %get3A_93 = arith.index_cast %add3A_92 : i32 to index
      %get3A_94 = arith.constant 48 : index
      %get3A_95 = tpu.vector_load %arg9[%get3A_93, %get3A_94] {strides = array<i32>} : memref<160x128xf32, #tpu.memory_space<vmem>>, vector<1x16xf32>,
      %get3A_96 = vector.shape_cast %get3A_95 : vector<1x16xf32> to vector<16xf32>
      %get3A_97 = arith.index_cast %squeeze3A : i32 to index
      %get3A_98 = arith.constant 48 : index
      %get3A_99 = tpu.vector_load %arg11[%get3A_97, %get3A_98] {strides = array<i32>} : memref<65x64xf32, #tpu.memory_space<vmem>>, vector<1x16xf32>,
      %get3A_100 = vector.shape_cast %get3A_99 : vector<1x16xf32> to vector<16xf32>
      %add3A_101 = arith.addf %get3A_100, %get3A_96 : vector<16xf32>
      %swap3A_102 = arith.index_cast %squeeze3A : i32 to index
      %swap3A_103 = arith.constant 48 : index
      %swap3A_104 = tpu.vector_load %arg11[%swap3A_102, %swap3A_103] {strides = array<i32>} : memref<65x64xf32, #tpu.memory_space<vmem>>, vector<1x16xf32>,
      %swap3A_105 = vector.shape_cast %swap3A_104 : vector<1x16xf32> to vector<16xf32>
      %swap3A_106 = vector.shape_cast %add3A_101 : vector<16xf32> to vector<1x16xf32>
      tpu.vector_store %arg11[%swap3A_102, %swap3A_103], %swap3A_106 {strides = array<i32>} : memref<65x64xf32, #tpu.memory_space<vmem>>, vector<1x16xf32>,
      %get3A_107 = arith.index_cast %squeeze3A : i32 to index
      %get3A_108 = arith.constant 48 : index
      %get3A_109 = tpu.vector_load %arg12[%get3A_107, %get3A_108] {strides = array<i32>} : memref<65x64xf32, #tpu.memory_space<vmem>>, vector<1x16xf32>,
      %get3A_110 = vector.shape_cast %get3A_109 : vector<1x16xf32> to vector<16xf32>
      %max3A_111 = arith.maximumf %get3A_110, %get3A_96 : vector<16xf32>
      %swap3A_112 = arith.index_cast %squeeze3A : i32 to index
      %swap3A_113 = arith.constant 48 : index
      %swap3A_114 = tpu.vector_load %arg12[%swap3A_112, %swap3A_113] {strides = array<i32>} : memref<65x64xf32, #tpu.memory_space<vmem>>, vector<1x16xf32>,
      %swap3A_115 = vector.shape_cast %swap3A_114 : vector<1x16xf32> to vector<16xf32>
      %swap3A_116 = vector.shape_cast %max3A_111 : vector<16xf32> to vector<1x16xf32>
      tpu.vector_store %arg12[%swap3A_112, %swap3A_113], %swap3A_116 {strides = array<i32>} : memref<65x64xf32, #tpu.memory_space<vmem>>, vector<1x16xf32>,
      %get3A_117 = arith.index_cast %squeeze3A : i32 to index
      %get3A_118 = arith.constant 0 : index
      %get3A_119 = tpu.vector_load %arg13[%get3A_117, %get3A_118] {strides = array<i32>} : memref<65x64xf32, #tpu.memory_space<vmem>>, vector<1x16xf32>,
      %get3A_120 = vector.shape_cast %get3A_119 : vector<1x16xf32> to vector<16xf32>
      %add3A_121 = arith.constant 1.000000e+00 : f32
      %add3A_122 = vector.broadcast %add3A_121 : f32 to vector<16xf32>
      %add3A_123 = arith.addf %get3A_120, %add3A_122 : vector<16xf32>
      %swap3A_124 = arith.index_cast %squeeze3A : i32 to index
      %swap3A_125 = arith.constant 0 : index
      %swap3A_126 = tpu.vector_load %arg13[%swap3A_124, %swap3A_125] {strides = array<i32>} : memref<65x64xf32, #tpu.memory_space<vmem>>, vector<1x16xf32>,
      %swap3A_127 = vector.shape_cast %swap3A_126 : vector<1x16xf32> to vector<16xf32>
      %swap3A_128 = vector.shape_cast %add3A_123 : vector<16xf32> to vector<1x16xf32>
      tpu.vector_store %arg13[%swap3A_124, %swap3A_125], %swap3A_128 {strides = array<i32>} : memref<65x64xf32, #tpu.memory_space<vmem>>, vector<1x16xf32>,
      %slice3A_129 = vector.extract_strided_slice %get3A_14 {offsets = [1], sizes = [1], strides = [1]} : vector<16xi32> to vector<1xi32>
      %squeeze3A_130 = vector.extract %slice3A_129[0] : i32 from vector<1xi32>
      %add3A_131 = arith.constant 0 : i32
      %add3A_132 = arith.addi %mul3A_12, %add3A_131 : i32
      %get3A_133 = arith.index_cast %add3A_132 : i32 to index
      %get3A_134 = arith.constant 64 : index
      %get3A_135 = tpu.vector_load %arg9[%get3A_133, %get3A_134] {strides = array<i32>} : memref<160x128xf32, #tpu.memory_space<vmem>>, vector<1x16xf32>,
      %get3A_136 = vector.shape_cast %get3A_135 : vector<1x16xf32> to vector<16xf32>
      %get3A_137 = arith.index_cast %squeeze3A_130 : i32 to index
      %get3A_138 = arith.constant 0 : index
      %get3A_139 = tpu.vector_load %arg11[%get3A_137, %get3A_138] {strides = array<i32>} : memref<65x64xf32, #tpu.memory_space<vmem>>, vector<1x16xf32>,
      %get3A_140 = vector.shape_cast %get3A_139 : vector<1x16xf32> to vector<16xf32>
      %add3A_141 = arith.addf %get3A_140, %get3A_136 : vector<16xf32>
      %swap3A_142 = arith.index_cast %squeeze3A_130 : i32 to index
      %swap3A_143 = arith.constant 0 : index
      %swap3A_144 = tpu.vector_load %arg11[%swap3A_142, %swap3A_143] {strides = array<i32>} : memref<65x64xf32, #tpu.memory_space<vmem>>, vector<1x16xf32>,
      %swap3A_145 = vector.shape_cast %swap3A_144 : vector<1x16xf32> to vector<16xf32>
      %swap3A_146 = vector.shape_cast %add3A_141 : vector<16xf32> to vector<1x16xf32>
      tpu.vector_store %arg11[%swap3A_142, %swap3A_143], %swap3A_146 {strides = array<i32>} : memref<65x64xf32, #tpu.memory_space<vmem>>, vector<1x16xf32>,
      %get3A_147 = arith.index_cast %squeeze3A_130 : i32 to index
      %get3A_148 = arith.constant 0 : index
      %get3A_149 = tpu.vector_load %arg12[%get3A_147, %get3A_148] {strides = array<i32>} : memref<65x64xf32, #tpu.memory_space<vmem>>, vector<1x16xf32>,
      %get3A_150 = vector.shape_cast %get3A_149 : vector<1x16xf32> to vector<16xf32>
      %max3A_151 = arith.maximumf %get3A_150, %get3A_136 : vector<16xf32>
      %swap3A_152 = arith.index_cast %squeeze3A_130 : i32 to index
      %swap3A_153 = arith.constant 0 : index
      %swap3A_154 = tpu.vector_load %arg12[%swap3A_152, %swap3A_153] {strides = array<i32>} : memref<65x64xf32, #tpu.memory_space<vmem>>, vector<1x16xf32>,
      %swap3A_155 = vector.shape_cast %swap3A_154 : vector<1x16xf32> to vector<16xf32>
      %swap3A_156 = vector.shape_cast %max3A_151 : vector<16xf32> to vector<1x16xf32>
      tpu.vector_store %arg12[%swap3A_152, %swap3A_153], %swap3A_156 {strides = array<i32>} : memref<65x64xf32, #tpu.memory_space<vmem>>, vector<1x16xf32>,
      %add3A_157 = arith.constant 0 : i32
      %add3A_158 = arith.addi %mul3A_12, %add3A_157 : i32
      %get3A_159 = arith.index_cast %add3A_158 : i32 to index
      %get3A_160 = arith.constant 80 : index
      %get3A_161 = tpu.vector_load %arg9[%get3A_159, %get3A_160] {strides = array<i32>} : memref<160x128xf32, #tpu.memory_space<vmem>>, vector<1x16xf32>,
      %get3A_162 = vector.shape_cast %get3A_161 : vector<1x16xf32> to vector<16xf32>
      %get3A_163 = arith.index_cast %squeeze3A_130 : i32 to index
      %get3A_164 = arith.constant 16 : index
      %get3A_165 = tpu.vector_load %arg11[%get3A_163, %get3A_164] {strides = array<i32>} : memref<65x64xf32, #tpu.memory_space<vmem>>, vector<1x16xf32>,
      %get3A_166 = vector.shape_cast %get3A_165 : vector<1x16xf32> to vector<16xf32>
      %add3A_167 = arith.addf %get3A_166, %get3A_162 : vector<16xf32>
      %swap3A_168 = arith.index_cast %squeeze3A_130 : i32 to index
      %swap3A_169 = arith.constant 16 : index
      %swap3A_170 = tpu.vector_load %arg11[%swap3A_168, %swap3A_169] {strides = array<i32>} : memref<65x64xf32, #tpu.memory_space<vmem>>, vector<1x16xf32>,
      %swap3A_171 = vector.shape_cast %swap3A_170 : vector<1x16xf32> to vector<16xf32>
      %swap3A_172 = vector.shape_cast %add3A_167 : vector<16xf32> to vector<1x16xf32>
      tpu.vector_store %arg11[%swap3A_168, %swap3A_169], %swap3A_172 {strides = array<i32>} : memref<65x64xf32, #tpu.memory_space<vmem>>, vector<1x16xf32>,
      %get3A_173 = arith.index_cast %squeeze3A_130 : i32 to index
      %get3A_174 = arith.constant 16 : index
      %get3A_175 = tpu.vector_load %arg12[%get3A_173, %get3A_174] {strides = array<i32>} : memref<65x64xf32, #tpu.memory_space<vmem>>, vector<1x16xf32>,
      %get3A_176 = vector.shape_cast %get3A_175 : vector<1x16xf32> to vector<16xf32>
      %max3A_177 = arith.maximumf %get3A_176, %get3A_162 : vector<16xf32>
      %swap3A_178 = arith.index_cast %squeeze3A_130 : i32 to index
      %swap3A_179 = arith.constant 16 : index
      %swap3A_180 = tpu.vector_load %arg12[%swap3A_178, %swap3A_179] {strides = array<i32>} : memref<65x64xf32, #tpu.memory_space<vmem>>, vector<1x16xf32>,
      %swap3A_181 = vector.shape_cast %swap3A_180 : vector<1x16xf32> to vector<16xf32>
      %swap3A_182 = vector.shape_cast %max3A_177 : vector<16xf32> to vector<1x16xf32>
      tpu.vector_store %arg12[%swap3A_178, %swap3A_179], %swap3A_182 {strides = array<i32>} : memref<65x64xf32, #tpu.memory_space<vmem>>, vector<1x16xf32>,
      %add3A_183 = arith.constant 0 : i32
      %add3A_184 = arith.addi %mul3A_12, %add3A_183 : i32
      %get3A_185 = arith.index_cast %add3A_184 : i32 to index
      %get3A_186 = arith.constant 96 : index
      %get3A_187 = tpu.vector_load %arg9[%get3A_185, %get3A_186] {strides = array<i32>} : memref<160x128xf32, #tpu.memory_space<vmem>>, vector<1x16xf32>,
      %get3A_188 = vector.shape_cast %get3A_187 : vector<1x16xf32> to vector<16xf32>
      %get3A_189 = arith.index_cast %squeeze3A_130 : i32 to index
      %get3A_190 = arith.constant 32 : index
      %get3A_191 = tpu.vector_load %arg11[%get3A_189, %get3A_190] {strides = array<i32>} : memref<65x64xf32, #tpu.memory_space<vmem>>, vector<1x16xf32>,
      %get3A_192 = vector.shape_cast %get3A_191 : vector<1x16xf32> to vector<16xf32>
      %add3A_193 = arith.addf %get3A_192, %get3A_188 : vector<16xf32>
      %swap3A_194 = arith.index_cast %squeeze3A_130 : i32 to index
      %swap3A_195 = arith.constant 32 : index
      %swap3A_196 = tpu.vector_load %arg11[%swap3A_194, %swap3A_195] {strides = array<i32>} : memref<65x64xf32, #tpu.memory_space<vmem>>, vector<1x16xf32>,
      %swap3A_197 = vector.shape_cast %swap3A_196 : vector<1x16xf32> to vector<16xf32>
      %swap3A_198 = vector.shape_cast %add3A_193 : vector<16xf32> to vector<1x16xf32>
      tpu.vector_store %arg11[%swap3A_194, %swap3A_195], %swap3A_198 {strides = array<i32>} : memref<65x64xf32, #tpu.memory_space<vmem>>, vector<1x16xf32>,
      %get3A_199 = arith.index_cast %squeeze3A_130 : i32 to index
      %get3A_200 = arith.constant 32 : index
      %get3A_201 = tpu.vector_load %arg12[%get3A_199, %get3A_200] {strides = array<i32>} : memref<65x64xf32, #tpu.memory_space<vmem>>, vector<1x16xf32>,
      %get3A_202 = vector.shape_cast %get3A_201 : vector<1x16xf32> to vector<16xf32>
      %max3A_203 = arith.maximumf %get3A_202, %get3A_188 : vector<16xf32>
      %swap3A_204 = arith.index_cast %squeeze3A_130 : i32 to index
      %swap3A_205 = arith.constant 32 : index
      %swap3A_206 = tpu.vector_load %arg12[%swap3A_204, %swap3A_205] {strides = array<i32>} : memref<65x64xf32, #tpu.memory_space<vmem>>, vector<1x16xf32>,
      %swap3A_207 = vector.shape_cast %swap3A_206 : vector<1x16xf32> to vector<16xf32>
      %swap3A_208 = vector.shape_cast %max3A_203 : vector<16xf32> to vector<1x16xf32>
      tpu.vector_store %arg12[%swap3A_204, %swap3A_205], %swap3A_208 {strides = array<i32>} : memref<65x64xf32, #tpu.memory_space<vmem>>, vector<1x16xf32>,
      %add3A_209 = arith.constant 0 : i32
      %add3A_210 = arith.addi %mul3A_12, %add3A_209 : i32
      %get3A_211 = arith.index_cast %add3A_210 : i32 to index
      %get3A_212 = arith.constant 112 : index
      %get3A_213 = tpu.vector_load %arg9[%get3A_211, %get3A_212] {strides = array<i32>} : memref<160x128xf32, #tpu.memory_space<vmem>>, vector<1x16xf32>,
      %get3A_214 = vector.shape_cast %get3A_213 : vector<1x16xf32> to vector<16xf32>
      %get3A_215 = arith.index_cast %squeeze3A_130 : i32 to index
      %get3A_216 = arith.constant 48 : index
      %get3A_217 = tpu.vector_load %arg11[%get3A_215, %get3A_216] {strides = array<i32>} : memref<65x64xf32, #tpu.memory_space<vmem>>, vector<1x16xf32>,
      %get3A_218 = vector.shape_cast %get3A_217 : vector<1x16xf32> to vector<16xf32>
      %add3A_219 = arith.addf %get3A_218, %get3A_214 : vector<16xf32>
      %swap3A_220 = arith.index_cast %squeeze3A_130 : i32 to index
      %swap3A_221 = arith.constant 48 : index
      %swap3A_222 = tpu.vector_load %arg11[%swap3A_220, %swap3A_221] {strides = array<i32>} : memref<65x64xf32, #tpu.memory_space<vmem>>, vector<1x16xf32>,
      %swap3A_223 = vector.shape_cast %swap3A_222 : vector<1x16xf32> to vector<16xf32>
      %swap3A_224 = vector.shape_cast %add3A_219 : vector<16xf32> to vector<1x16xf32>
      tpu.vector_store %arg11[%swap3A_220, %swap3A_221], %swap3A_224 {strides = array<i32>} : memref<65x64xf32, #tpu.memory_space<vmem>>, vector<1x16xf32>,
      %get3A_225 = arith.index_cast %squeeze3A_130 : i32 to index
      %get3A_226 = arith.constant 48 : index
      %get3A_227 = tpu.vector_load %arg12[%get3A_225, %get3A_226] {strides = array<i32>} : memref<65x64xf32, #tpu.memory_space<vmem>>, vector<1x16xf32>,
      %get3A_228 = vector.shape_cast %get3A_227 : vector<1x16xf32> to vector<16xf32>
      %max3A_229 = arith.maximumf %get3A_228, %get3A_214 : vector<16xf32>
      %swap3A_230 = arith.index_cast %squeeze3A_130 : i32 to index
      %swap3A_231 = arith.constant 48 : index
      %swap3A_232 = tpu.vector_load %arg12[%swap3A_230, %swap3A_231] {strides = array<i32>} : memref<65x64xf32, #tpu.memory_space<vmem>>, vector<1x16xf32>,
      %swap3A_233 = vector.shape_cast %swap3A_232 : vector<1x16xf32> to vector<16xf32>
      %swap3A_234 = vector.shape_cast %max3A_229 : vector<16xf32> to vector<1x16xf32>
      tpu.vector_store %arg12[%swap3A_230, %swap3A_231], %swap3A_234 {strides = array<i32>} : memref<65x64xf32, #tpu.memory_space<vmem>>, vector<1x16xf32>,
      %get3A_235 = arith.index_cast %squeeze3A_130 : i32 to index
      %get3A_236 = arith.constant 0 : index
      %get3A_237 = tpu.vector_load %arg13[%get3A_235, %get3A_236] {strides = array<i32>} : memref<65x64xf32, #tpu.memory_space<vmem>>, vector<1x16xf32>,
      %get3A_238 = vector.shape_cast %get3A_237 : vector<1x16xf32> to vector<16xf32>
      %add3A_239 = arith.constant 1.000000e+00 : f32
      %add3A_240 = vector.broadcast %add3A_239 : f32 to vector<16xf32>
      %add3A_241 = arith.addf %get3A_238, %add3A_240 : vector<16xf32>
      %swap3A_242 = arith.index_cast %squeeze3A_130 : i32 to index
      %swap3A_243 = arith.constant 0 : index
      %swap3A_244 = tpu.vector_load %arg13[%swap3A_242, %swap3A_243] {strides = array<i32>} : memref<65x64xf32, #tpu.memory_space<vmem>>, vector<1x16xf32>,
      %swap3A_245 = vector.shape_cast %swap3A_244 : vector<1x16xf32> to vector<16xf32>
      %swap3A_246 = vector.shape_cast %add3A_241 : vector<16xf32> to vector<1x16xf32>
      tpu.vector_store %arg13[%swap3A_242, %swap3A_243], %swap3A_246 {strides = array<i32>} : memref<65x64xf32, #tpu.memory_space<vmem>>, vector<1x16xf32>,
      %slice3A_247 = vector.extract_strided_slice %get3A_14 {offsets = [2], sizes = [1], strides = [1]} : vector<16xi32> to vector<1xi32>
      %squeeze3A_248 = vector.extract %slice3A_247[0] : i32 from vector<1xi32>
      %add3A_249 = arith.constant 1 : i32
      %add3A_250 = arith.addi %mul3A_12, %add3A_249 : i32
      %get3A_251 = arith.index_cast %add3A_250 : i32 to index
      %get3A_252 = arith.constant 0 : index
      %get3A_253 = tpu.vector_load %arg9[%get3A_251, %get3A_252] {strides = array<i32>} : memref<160x128xf32, #tpu.memory_space<vmem>>, vector<1x16xf32>,
      %get3A_254 = vector.shape_cast %get3A_253 : vector<1x16xf32> to vector<16xf32>
      %get3A_255 = arith.index_cast %squeeze3A_248 : i32 to index
      %get3A_256 = arith.constant 0 : index
      %get3A_257 = tpu.vector_load %arg11[%get3A_255, %get3A_256] {strides = array<i32>} : memref<65x64xf32, #tpu.memory_space<vmem>>, vector<1x16xf32>,
      %get3A_258 = vector.shape_cast %get3A_257 : vector<1x16xf32> to vector<16xf32>
      %add3A_259 = arith.addf %get3A_258, %get3A_254 : vector<16xf32>
      %swap3A_260 = arith.index_cast %squeeze3A_248 : i32 to index
      %swap3A_261 = arith.constant 0 : index
      %swap3A_262 = tpu.vector_load %arg11[%swap3A_260, %swap3A_261] {strides = array<i32>} : memref<65x64xf32, #tpu.memory_space<vmem>>, vector<1x16xf32>,
      %swap3A_263 = vector.shape_cast %swap3A_262 : vector<1x16xf32> to vector<16xf32>
      %swap3A_264 = vector.shape_cast %add3A_259 : vector<16xf32> to vector<1x16xf32>
      tpu.vector_store %arg11[%swap3A_260, %swap3A_261], %swap3A_264 {strides = array<i32>} : memref<65x64xf32, #tpu.memory_space<vmem>>, vector<1x16xf32>,
      %get3A_265 = arith.index_cast %squeeze3A_248 : i32 to index
      %get3A_266 = arith.constant 0 : index
      %get3A_267 = tpu.vector_load %arg12[%get3A_265, %get3A_266] {strides = array<i32>} : memref<65x64xf32, #tpu.memory_space<vmem>>, vector<1x16xf32>,
      %get3A_268 = vector.shape_cast %get3A_267 : vector<1x16xf32> to vector<16xf32>
      %max3A_269 = arith.maximumf %get3A_268, %get3A_254 : vector<16xf32>
      %swap3A_270 = arith.index_cast %squeeze3A_248 : i32 to index
      %swap3A_271 = arith.constant 0 : index
      %swap3A_272 = tpu.vector_load %arg12[%swap3A_270, %swap3A_271] {strides = array<i32>} : memref<65x64xf32, #tpu.memory_space<vmem>>, vector<1x16xf32>,
      %swap3A_273 = vector.shape_cast %swap3A_272 : vector<1x16xf32> to vector<16xf32>
      %swap3A_274 = vector.shape_cast %max3A_269 : vector<16xf32> to vector<1x16xf32>
      tpu.vector_store %arg12[%swap3A_270, %swap3A_271], %swap3A_274 {strides = array<i32>} : memref<65x64xf32, #tpu.memory_space<vmem>>, vector<1x16xf32>,
      %add3A_275 = arith.constant 1 : i32
      %add3A_276 = arith.addi %mul3A_12, %add3A_275 : i32
      %get3A_277 = arith.index_cast %add3A_276 : i32 to index
      %get3A_278 = arith.constant 16 : index
      %get3A_279 = tpu.vector_load %arg9[%get3A_277, %get3A_278] {strides = array<i32>} : memref<160x128xf32, #tpu.memory_space<vmem>>, vector<1x16xf32>,
      %get3A_280 = vector.shape_cast %get3A_279 : vector<1x16xf32> to vector<16xf32>
      %get3A_281 = arith.index_cast %squeeze3A_248 : i32 to index
      %get3A_282 = arith.constant 16 : index
      %get3A_283 = tpu.vector_load %arg11[%get3A_281, %get3A_282] {strides = array<i32>} : memref<65x64xf32, #tpu.memory_space<vmem>>, vector<1x16xf32>,
      %get3A_284 = vector.shape_cast %get3A_283 : vector<1x16xf32> to vector<16xf32>
      %add3A_285 = arith.addf %get3A_284, %get3A_280 : vector<16xf32>
      %swap3A_286 = arith.index_cast %squeeze3A_248 : i32 to index
      %swap3A_287 = arith.constant 16 : index
      %swap3A_288 = tpu.vector_load %arg11[%swap3A_286, %swap3A_287] {strides = array<i32>} : memref<65x64xf32, #tpu.memory_space<vmem>>, vector<1x16xf32>,
      %swap3A_289 = vector.shape_cast %swap3A_288 : vector<1x16xf32> to vector<16xf32>
      %swap3A_290 = vector.shape_cast %add3A_285 : vector<16xf32> to vector<1x16xf32>
      tpu.vector_store %arg11[%swap3A_286, %swap3A_287], %swap3A_290 {strides = array<i32>} : memref<65x64xf32, #tpu.memory_space<vmem>>, vector<1x16xf32>,
      %get3A_291 = arith.index_cast %squeeze3A_248 : i32 to index
      %get3A_292 = arith.constant 16 : index
      %get3A_293 = tpu.vector_load %arg12[%get3A_291, %get3A_292] {strides = array<i32>} : memref<65x64xf32, #tpu.memory_space<vmem>>, vector<1x16xf32>,
      %get3A_294 = vector.shape_cast %get3A_293 : vector<1x16xf32> to vector<16xf32>
      %max3A_295 = arith.maximumf %get3A_294, %get3A_280 : vector<16xf32>
      %swap3A_296 = arith.index_cast %squeeze3A_248 : i32 to index
      %swap3A_297 = arith.constant 16 : index
      %swap3A_298 = tpu.vector_load %arg12[%swap3A_296, %swap3A_297] {strides = array<i32>} : memref<65x64xf32, #tpu.memory_space<vmem>>, vector<1x16xf32>,
      %swap3A_299 = vector.shape_cast %swap3A_298 : vector<1x16xf32> to vector<16xf32>
      %swap3A_300 = vector.shape_cast %max3A_295 : vector<16xf32> to vector<1x16xf32>
      tpu.vector_store %arg12[%swap3A_296, %swap3A_297], %swap3A_300 {strides = array<i32>} : memref<65x64xf32, #tpu.memory_space<vmem>>, vector<1x16xf32>,
      %add3A_301 = arith.constant 1 : i32
      %add3A_302 = arith.addi %mul3A_12, %add3A_301 : i32
      %get3A_303 = arith.index_cast %add3A_302 : i32 to index
      %get3A_304 = arith.constant 32 : index
      %get3A_305 = tpu.vector_load %arg9[%get3A_303, %get3A_304] {strides = array<i32>} : memref<160x128xf32, #tpu.memory_space<vmem>>, vector<1x16xf32>,
      %get3A_306 = vector.shape_cast %get3A_305 : vector<1x16xf32> to vector<16xf32>
      %get3A_307 = arith.index_cast %squeeze3A_248 : i32 to index
      %get3A_308 = arith.constant 32 : index
      %get3A_309 = tpu.vector_load %arg11[%get3A_307, %get3A_308] {strides = array<i32>} : memref<65x64xf32, #tpu.memory_space<vmem>>, vector<1x16xf32>,
      %get3A_310 = vector.shape_cast %get3A_309 : vector<1x16xf32> to vector<16xf32>
      %add3A_311 = arith.addf %get3A_310, %get3A_306 : vector<16xf32>
      %swap3A_312 = arith.index_cast %squeeze3A_248 : i32 to index
      %swap3A_313 = arith.constant 32 : index
      %swap3A_314 = tpu.vector_load %arg11[%swap3A_312, %swap3A_313] {strides = array<i32>} : memref<65x64xf32, #tpu.memory_space<vmem>>, vector<1x16xf32>,
      %swap3A_315 = vector.shape_cast %swap3A_314 : vector<1x16xf32> to vector<16xf32>
      %swap3A_316 = vector.shape_cast %add3A_311 : vector<16xf32> to vector<1x16xf32>
      tpu.vector_store %arg11[%swap3A_312, %swap3A_313], %swap3A_316 {strides = array<i32>} : memref<65x64xf32, #tpu.memory_space<vmem>>, vector<1x16xf32>,
      %get3A_317 = arith.index_cast %squeeze3A_248 : i32 to index
      %get3A_318 = arith.constant 32 : index
      %get3A_319 = tpu.vector_load %arg12[%get3A_317, %get3A_318] {strides = array<i32>} : memref<65x64xf32, #tpu.memory_space<vmem>>, vector<1x16xf32>,
      %get3A_320 = vector.shape_cast %get3A_319 : vector<1x16xf32> to vector<16xf32>
      %max3A_321 = arith.maximumf %get3A_320, %get3A_306 : vector<16xf32>
      %swap3A_322 = arith.index_cast %squeeze3A_248 : i32 to index
      %swap3A_323 = arith.constant 32 : index
      %swap3A_324 = tpu.vector_load %arg12[%swap3A_322, %swap3A_323] {strides = array<i32>} : memref<65x64xf32, #tpu.memory_space<vmem>>, vector<1x16xf32>,
      %swap3A_325 = vector.shape_cast %swap3A_324 : vector<1x16xf32> to vector<16xf32>
      %swap3A_326 = vector.shape_cast %max3A_321 : vector<16xf32> to vector<1x16xf32>
      tpu.vector_store %arg12[%swap3A_322, %swap3A_323], %swap3A_326 {strides = array<i32>} : memref<65x64xf32, #tpu.memory_space<vmem>>, vector<1x16xf32>,
      %add3A_327 = arith.constant 1 : i32
      %add3A_328 = arith.addi %mul3A_12, %add3A_327 : i32
      %get3A_329 = arith.index_cast %add3A_328 : i32 to index
      %get3A_330 = arith.constant 48 : index
      %get3A_331 = tpu.vector_load %arg9[%get3A_329, %get3A_330] {strides = array<i32>} : memref<160x128xf32, #tpu.memory_space<vmem>>, vector<1x16xf32>,
      %get3A_332 = vector.shape_cast %get3A_331 : vector<1x16xf32> to vector<16xf32>
      %get3A_333 = arith.index_cast %squeeze3A_248 : i32 to index
      %get3A_334 = arith.constant 48 : index
      %get3A_335 = tpu.vector_load %arg11[%get3A_333, %get3A_334] {strides = array<i32>} : memref<65x64xf32, #tpu.memory_space<vmem>>, vector<1x16xf32>,
      %get3A_336 = vector.shape_cast %get3A_335 : vector<1x16xf32> to vector<16xf32>
      %add3A_337 = arith.addf %get3A_336, %get3A_332 : vector<16xf32>
      %swap3A_338 = arith.index_cast %squeeze3A_248 : i32 to index
      %swap3A_339 = arith.constant 48 : index
      %swap3A_340 = tpu.vector_load %arg11[%swap3A_338, %swap3A_339] {strides = array<i32>} : memref<65x64xf32, #tpu.memory_space<vmem>>, vector<1x16xf32>,
      %swap3A_341 = vector.shape_cast %swap3A_340 : vector<1x16xf32> to vector<16xf32>
      %swap3A_342 = vector.shape_cast %add3A_337 : vector<16xf32> to vector<1x16xf32>
      tpu.vector_store %arg11[%swap3A_338, %swap3A_339], %swap3A_342 {strides = array<i32>} : memref<65x64xf32, #tpu.memory_space<vmem>>, vector<1x16xf32>,
      %get3A_343 = arith.index_cast %squeeze3A_248 : i32 to index
      %get3A_344 = arith.constant 48 : index
      %get3A_345 = tpu.vector_load %arg12[%get3A_343, %get3A_344] {strides = array<i32>} : memref<65x64xf32, #tpu.memory_space<vmem>>, vector<1x16xf32>,
      %get3A_346 = vector.shape_cast %get3A_345 : vector<1x16xf32> to vector<16xf32>
      %max3A_347 = arith.maximumf %get3A_346, %get3A_332 : vector<16xf32>
      %swap3A_348 = arith.index_cast %squeeze3A_248 : i32 to index
      %swap3A_349 = arith.constant 48 : index
      %swap3A_350 = tpu.vector_load %arg12[%swap3A_348, %swap3A_349] {strides = array<i32>} : memref<65x64xf32, #tpu.memory_space<vmem>>, vector<1x16xf32>,
      %swap3A_351 = vector.shape_cast %swap3A_350 : vector<1x16xf32> to vector<16xf32>
      %swap3A_352 = vector.shape_cast %max3A_347 : vector<16xf32> to vector<1x16xf32>
      tpu.vector_store %arg12[%swap3A_348, %swap3A_349], %swap3A_352 {strides = array<i32>} : memref<65x64xf32, #tpu.memory_space<vmem>>, vector<1x16xf32>,
      %get3A_353 = arith.index_cast %squeeze3A_248 : i32 to index
      %get3A_354 = arith.constant 0 : index
      %get3A_355 = tpu.vector_load %arg13[%get3A_353, %get3A_354] {strides = array<i32>} : memref<65x64xf32, #tpu.memory_space<vmem>>, vector<1x16xf32>,
      %get3A_356 = vector.shape_cast %get3A_355 : vector<1x16xf32> to vector<16xf32>
      %add3A_357 = arith.constant 1.000000e+00 : f32
      %add3A_358 = vector.broadcast %add3A_357 : f32 to vector<16xf32>
      %add3A_359 = arith.addf %get3A_356, %add3A_358 : vector<16xf32>
      %swap3A_360 = arith.index_cast %squeeze3A_248 : i32 to index
      %swap3A_361 = arith.constant 0 : index
      %swap3A_362 = tpu.vector_load %arg13[%swap3A_360, %swap3A_361] {strides = array<i32>} : memref<65x64xf32, #tpu.memory_space<vmem>>, vector<1x16xf32>,
      %swap3A_363 = vector.shape_cast %swap3A_362 : vector<1x16xf32> to vector<16xf32>
      %swap3A_364 = vector.shape_cast %add3A_359 : vector<16xf32> to vector<1x16xf32>
      tpu.vector_store %arg13[%swap3A_360, %swap3A_361], %swap3A_364 {strides = array<i32>} : memref<65x64xf32, #tpu.memory_space<vmem>>, vector<1x16xf32>,
      %slice3A_365 = vector.extract_strided_slice %get3A_14 {offsets = [3], sizes = [1], strides = [1]} : vector<16xi32> to vector<1xi32>
      %squeeze3A_366 = vector.extract %slice3A_365[0] : i32 from vector<1xi32>
      %add3A_367 = arith.constant 1 : i32
      %add3A_368 = arith.addi %mul3A_12, %add3A_367 : i32
      %get3A_369 = arith.index_cast %add3A_368 : i32 to index
      %get3A_370 = arith.constant 64 : index
      %get3A_371 = tpu.vector_load %arg9[%get3A_369, %get3A_370] {strides = array<i32>} : memref<160x128xf32, #tpu.memory_space<vmem>>, vector<1x16xf32>,
      %get3A_372 = vector.shape_cast %get3A_371 : vector<1x16xf32> to vector<16xf32>
      %get3A_373 = arith.index_cast %squeeze3A_366 : i32 to index
      %get3A_374 = arith.constant 0 : index
      %get3A_375 = tpu.vector_load %arg11[%get3A_373, %get3A_374] {strides = array<i32>} : memref<65x64xf32, #tpu.memory_space<vmem>>, vector<1x16xf32>,
      %get3A_376 = vector.shape_cast %get3A_375 : vector<1x16xf32> to vector<16xf32>
      %add3A_377 = arith.addf %get3A_376, %get3A_372 : vector<16xf32>
      %swap3A_378 = arith.index_cast %squeeze3A_366 : i32 to index
      %swap3A_379 = arith.constant 0 : index
      %swap3A_380 = tpu.vector_load %arg11[%swap3A_378, %swap3A_379] {strides = array<i32>} : memref<65x64xf32, #tpu.memory_space<vmem>>, vector<1x16xf32>,
      %swap3A_381 = vector.shape_cast %swap3A_380 : vector<1x16xf32> to vector<16xf32>
      %swap3A_382 = vector.shape_cast %add3A_377 : vector<16xf32> to vector<1x16xf32>
      tpu.vector_store %arg11[%swap3A_378, %swap3A_379], %swap3A_382 {strides = array<i32>} : memref<65x64xf32, #tpu.memory_space<vmem>>, vector<1x16xf32>,
      %get3A_383 = arith.index_cast %squeeze3A_366 : i32 to index
      %get3A_384 = arith.constant 0 : index
      %get3A_385 = tpu.vector_load %arg12[%get3A_383, %get3A_384] {strides = array<i32>} : memref<65x64xf32, #tpu.memory_space<vmem>>, vector<1x16xf32>,
      %get3A_386 = vector.shape_cast %get3A_385 : vector<1x16xf32> to vector<16xf32>
      %max3A_387 = arith.maximumf %get3A_386, %get3A_372 : vector<16xf32>
      %swap3A_388 = arith.index_cast %squeeze3A_366 : i32 to index
      %swap3A_389 = arith.constant 0 : index
      %swap3A_390 = tpu.vector_load %arg12[%swap3A_388, %swap3A_389] {strides = array<i32>} : memref<65x64xf32, #tpu.memory_space<vmem>>, vector<1x16xf32>,
      %swap3A_391 = vector.shape_cast %swap3A_390 : vector<1x16xf32> to vector<16xf32>
      %swap3A_392 = vector.shape_cast %max3A_387 : vector<16xf32> to vector<1x16xf32>
      tpu.vector_store %arg12[%swap3A_388, %swap3A_389], %swap3A_392 {strides = array<i32>} : memref<65x64xf32, #tpu.memory_space<vmem>>, vector<1x16xf32>,
      %add3A_393 = arith.constant 1 : i32
      %add3A_394 = arith.addi %mul3A_12, %add3A_393 : i32
      %get3A_395 = arith.index_cast %add3A_394 : i32 to index
      %get3A_396 = arith.constant 80 : index
      %get3A_397 = tpu.vector_load %arg9[%get3A_395, %get3A_396] {strides = array<i32>} : memref<160x128xf32, #tpu.memory_space<vmem>>, vector<1x16xf32>,
      %get3A_398 = vector.shape_cast %get3A_397 : vector<1x16xf32> to vector<16xf32>
      %get3A_399 = arith.index_cast %squeeze3A_366 : i32 to index
      %get3A_400 = arith.constant 16 : index
      %get3A_401 = tpu.vector_load %arg11[%get3A_399, %get3A_400] {strides = array<i32>} : memref<65x64xf32, #tpu.memory_space<vmem>>, vector<1x16xf32>,
      %get3A_402 = vector.shape_cast %get3A_401 : vector<1x16xf32> to vector<16xf32>
      %add3A_403 = arith.addf %get3A_402, %get3A_398 : vector<16xf32>
      %swap3A_404 = arith.index_cast %squeeze3A_366 : i32 to index
      %swap3A_405 = arith.constant 16 : index
      %swap3A_406 = tpu.vector_load %arg11[%swap3A_404, %swap3A_405] {strides = array<i32>} : memref<65x64xf32, #tpu.memory_space<vmem>>, vector<1x16xf32>,
      %swap3A_407 = vector.shape_cast %swap3A_406 : vector<1x16xf32> to vector<16xf32>
      %swap3A_408 = vector.shape_cast %add3A_403 : vector<16xf32> to vector<1x16xf32>
      tpu.vector_store %arg11[%swap3A_404, %swap3A_405], %swap3A_408 {strides = array<i32>} : memref<65x64xf32, #tpu.memory_space<vmem>>, vector<1x16xf32>,
      %get3A_409 = arith.index_cast %squeeze3A_366 : i32 to index
      %get3A_410 = arith.constant 16 : index
      %get3A_411 = tpu.vector_load %arg12[%get3A_409, %get3A_410] {strides = array<i32>} : memref<65x64xf32, #tpu.memory_space<vmem>>, vector<1x16xf32>,
      %get3A_412 = vector.shape_cast %get3A_411 : vector<1x16xf32> to vector<16xf32>
      %max3A_413 = arith.maximumf %get3A_412, %get3A_398 : vector<16xf32>
      %swap3A_414 = arith.index_cast %squeeze3A_366 : i32 to index
      %swap3A_415 = arith.constant 16 : index
      %swap3A_416 = tpu.vector_load %arg12[%swap3A_414, %swap3A_415] {strides = array<i32>} : memref<65x64xf32, #tpu.memory_space<vmem>>, vector<1x16xf32>,
      %swap3A_417 = vector.shape_cast %swap3A_416 : vector<1x16xf32> to vector<16xf32>
      %swap3A_418 = vector.shape_cast %max3A_413 : vector<16xf32> to vector<1x16xf32>
      tpu.vector_store %arg12[%swap3A_414, %swap3A_415], %swap3A_418 {strides = array<i32>} : memref<65x64xf32, #tpu.memory_space<vmem>>, vector<1x16xf32>,
      %add3A_419 = arith.constant 1 : i32
      %add3A_420 = arith.addi %mul3A_12, %add3A_419 : i32
      %get3A_421 = arith.index_cast %add3A_420 : i32 to index
      %get3A_422 = arith.constant 96 : index
      %get3A_423 = tpu.vector_load %arg9[%get3A_421, %get3A_422] {strides = array<i32>} : memref<160x128xf32, #tpu.memory_space<vmem>>, vector<1x16xf32>,
      %get3A_424 = vector.shape_cast %get3A_423 : vector<1x16xf32> to vector<16xf32>
      %get3A_425 = arith.index_cast %squeeze3A_366 : i32 to index
      %get3A_426 = arith.constant 32 : index
      %get3A_427 = tpu.vector_load %arg11[%get3A_425, %get3A_426] {strides = array<i32>} : memref<65x64xf32, #tpu.memory_space<vmem>>, vector<1x16xf32>,
      %get3A_428 = vector.shape_cast %get3A_427 : vector<1x16xf32> to vector<16xf32>
      %add3A_429 = arith.addf %get3A_428, %get3A_424 : vector<16xf32>
      %swap3A_430 = arith.index_cast %squeeze3A_366 : i32 to index
      %swap3A_431 = arith.constant 32 : index
      %swap3A_432 = tpu.vector_load %arg11[%swap3A_430, %swap3A_431] {strides = array<i32>} : memref<65x64xf32, #tpu.memory_space<vmem>>, vector<1x16xf32>,
      %swap3A_433 = vector.shape_cast %swap3A_432 : vector<1x16xf32> to vector<16xf32>
      %swap3A_434 = vector.shape_cast %add3A_429 : vector<16xf32> to vector<1x16xf32>
      tpu.vector_store %arg11[%swap3A_430, %swap3A_431], %swap3A_434 {strides = array<i32>} : memref<65x64xf32, #tpu.memory_space<vmem>>, vector<1x16xf32>,
      %get3A_435 = arith.index_cast %squeeze3A_366 : i32 to index
      %get3A_436 = arith.constant 32 : index
      %get3A_437 = tpu.vector_load %arg12[%get3A_435, %get3A_436] {strides = array<i32>} : memref<65x64xf32, #tpu.memory_space<vmem>>, vector<1x16xf32>,
      %get3A_438 = vector.shape_cast %get3A_437 : vector<1x16xf32> to vector<16xf32>
      %max3A_439 = arith.maximumf %get3A_438, %get3A_424 : vector<16xf32>
      %swap3A_440 = arith.index_cast %squeeze3A_366 : i32 to index
      %swap3A_441 = arith.constant 32 : index
      %swap3A_442 = tpu.vector_load %arg12[%swap3A_440, %swap3A_441] {strides = array<i32>} : memref<65x64xf32, #tpu.memory_space<vmem>>, vector<1x16xf32>,
      %swap3A_443 = vector.shape_cast %swap3A_442 : vector<1x16xf32> to vector<16xf32>
      %swap3A_444 = vector.shape_cast %max3A_439 : vector<16xf32> to vector<1x16xf32>
      tpu.vector_store %arg12[%swap3A_440, %swap3A_441], %swap3A_444 {strides = array<i32>} : memref<65x64xf32, #tpu.memory_space<vmem>>, vector<1x16xf32>,
      %add3A_445 = arith.constant 1 : i32
      %add3A_446 = arith.addi %mul3A_12, %add3A_445 : i32
      %get3A_447 = arith.index_cast %add3A_446 : i32 to index
      %get3A_448 = arith.constant 112 : index
      %get3A_449 = tpu.vector_load %arg9[%get3A_447, %get3A_448] {strides = array<i32>} : memref<160x128xf32, #tpu.memory_space<vmem>>, vector<1x16xf32>,
      %get3A_450 = vector.shape_cast %get3A_449 : vector<1x16xf32> to vector<16xf32>
      %get3A_451 = arith.index_cast %squeeze3A_366 : i32 to index
      %get3A_452 = arith.constant 48 : index
      %get3A_453 = tpu.vector_load %arg11[%get3A_451, %get3A_452] {strides = array<i32>} : memref<65x64xf32, #tpu.memory_space<vmem>>, vector<1x16xf32>,
      %get3A_454 = vector.shape_cast %get3A_453 : vector<1x16xf32> to vector<16xf32>
      %add3A_455 = arith.addf %get3A_454, %get3A_450 : vector<16xf32>
      %swap3A_456 = arith.index_cast %squeeze3A_366 : i32 to index
      %swap3A_457 = arith.constant 48 : index
      %swap3A_458 = tpu.vector_load %arg11[%swap3A_456, %swap3A_457] {strides = array<i32>} : memref<65x64xf32, #tpu.memory_space<vmem>>, vector<1x16xf32>,
      %swap3A_459 = vector.shape_cast %swap3A_458 : vector<1x16xf32> to vector<16xf32>
      %swap3A_460 = vector.shape_cast %add3A_455 : vector<16xf32> to vector<1x16xf32>
      tpu.vector_store %arg11[%swap3A_456, %swap3A_457], %swap3A_460 {strides = array<i32>} : memref<65x64xf32, #tpu.memory_space<vmem>>, vector<1x16xf32>,
      %get3A_461 = arith.index_cast %squeeze3A_366 : i32 to index
      %get3A_462 = arith.constant 48 : index
      %get3A_463 = tpu.vector_load %arg12[%get3A_461, %get3A_462] {strides = array<i32>} : memref<65x64xf32, #tpu.memory_space<vmem>>, vector<1x16xf32>,
      %get3A_464 = vector.shape_cast %get3A_463 : vector<1x16xf32> to vector<16xf32>
      %max3A_465 = arith.maximumf %get3A_464, %get3A_450 : vector<16xf32>
      %swap3A_466 = arith.index_cast %squeeze3A_366 : i32 to index
      %swap3A_467 = arith.constant 48 : index
      %swap3A_468 = tpu.vector_load %arg12[%swap3A_466, %swap3A_467] {strides = array<i32>} : memref<65x64xf32, #tpu.memory_space<vmem>>, vector<1x16xf32>,
      %swap3A_469 = vector.shape_cast %swap3A_468 : vector<1x16xf32> to vector<16xf32>
      %swap3A_470 = vector.shape_cast %max3A_465 : vector<16xf32> to vector<1x16xf32>
      tpu.vector_store %arg12[%swap3A_466, %swap3A_467], %swap3A_470 {strides = array<i32>} : memref<65x64xf32, #tpu.memory_space<vmem>>, vector<1x16xf32>,
      %get3A_471 = arith.index_cast %squeeze3A_366 : i32 to index
      %get3A_472 = arith.constant 0 : index
      %get3A_473 = tpu.vector_load %arg13[%get3A_471, %get3A_472] {strides = array<i32>} : memref<65x64xf32, #tpu.memory_space<vmem>>, vector<1x16xf32>,
      %get3A_474 = vector.shape_cast %get3A_473 : vector<1x16xf32> to vector<16xf32>
      %add3A_475 = arith.constant 1.000000e+00 : f32
      %add3A_476 = vector.broadcast %add3A_475 : f32 to vector<16xf32>
      %add3A_477 = arith.addf %get3A_474, %add3A_476 : vector<16xf32>
      %swap3A_478 = arith.index_cast %squeeze3A_366 : i32 to index
      %swap3A_479 = arith.constant 0 : index
      %swap3A_480 = tpu.vector_load %arg13[%swap3A_478, %swap3A_479] {strides = array<i32>} : memref<65x64xf32, #tpu.memory_space<vmem>>, vector<1x16xf32>,
      %swap3A_481 = vector.shape_cast %swap3A_480 : vector<1x16xf32> to vector<16xf32>
      %swap3A_482 = vector.shape_cast %add3A_477 : vector<16xf32> to vector<1x16xf32>
      tpu.vector_store %arg13[%swap3A_478, %swap3A_479], %swap3A_482 {strides = array<i32>} : memref<65x64xf32, #tpu.memory_space<vmem>>, vector<1x16xf32>,
      %slice3A_483 = vector.extract_strided_slice %get3A_14 {offsets = [4], sizes = [1], strides = [1]} : vector<16xi32> to vector<1xi32>
      %squeeze3A_484 = vector.extract %slice3A_483[0] : i32 from vector<1xi32>
      %add3A_485 = arith.constant 2 : i32
      %add3A_486 = arith.addi %mul3A_12, %add3A_485 : i32
      %get3A_487 = arith.index_cast %add3A_486 : i32 to index
      %get3A_488 = arith.constant 0 : index
      %get3A_489 = tpu.vector_load %arg9[%get3A_487, %get3A_488] {strides = array<i32>} : memref<160x128xf32, #tpu.memory_space<vmem>>, vector<1x16xf32>,
      %get3A_490 = vector.shape_cast %get3A_489 : vector<1x16xf32> to vector<16xf32>
      %get3A_491 = arith.index_cast %squeeze3A_484 : i32 to index
      %get3A_492 = arith.constant 0 : index
      %get3A_493 = tpu.vector_load %arg11[%get3A_491, %get3A_492] {strides = array<i32>} : memref<65x64xf32, #tpu.memory_space<vmem>>, vector<1x16xf32>,
      %get3A_494 = vector.shape_cast %get3A_493 : vector<1x16xf32> to vector<16xf32>
      %add3A_495 = arith.addf %get3A_494, %get3A_490 : vector<16xf32>
      %swap3A_496 = arith.index_cast %squeeze3A_484 : i32 to index
      %swap3A_497 = arith.constant 0 : index
      %swap3A_498 = tpu.vector_load %arg11[%swap3A_496, %swap3A_497] {strides = array<i32>} : memref<65x64xf32, #tpu.memory_space<vmem>>, vector<1x16xf32>,
      %swap3A_499 = vector.shape_cast %swap3A_498 : vector<1x16xf32> to vector<16xf32>
      %swap3A_500 = vector.shape_cast %add3A_495 : vector<16xf32> to vector<1x16xf32>
      tpu.vector_store %arg11[%swap3A_496, %swap3A_497], %swap3A_500 {strides = array<i32>} : memref<65x64xf32, #tpu.memory_space<vmem>>, vector<1x16xf32>,
      %get3A_501 = arith.index_cast %squeeze3A_484 : i32 to index
      %get3A_502 = arith.constant 0 : index
      %get3A_503 = tpu.vector_load %arg12[%get3A_501, %get3A_502] {strides = array<i32>} : memref<65x64xf32, #tpu.memory_space<vmem>>, vector<1x16xf32>,
      %get3A_504 = vector.shape_cast %get3A_503 : vector<1x16xf32> to vector<16xf32>
      %max3A_505 = arith.maximumf %get3A_504, %get3A_490 : vector<16xf32>
      %swap3A_506 = arith.index_cast %squeeze3A_484 : i32 to index
      %swap3A_507 = arith.constant 0 : index
      %swap3A_508 = tpu.vector_load %arg12[%swap3A_506, %swap3A_507] {strides = array<i32>} : memref<65x64xf32, #tpu.memory_space<vmem>>, vector<1x16xf32>,
      %swap3A_509 = vector.shape_cast %swap3A_508 : vector<1x16xf32> to vector<16xf32>
      %swap3A_510 = vector.shape_cast %max3A_505 : vector<16xf32> to vector<1x16xf32>
      tpu.vector_store %arg12[%swap3A_506, %swap3A_507], %swap3A_510 {strides = array<i32>} : memref<65x64xf32, #tpu.memory_space<vmem>>, vector<1x16xf32>,
      %add3A_511 = arith.constant 2 : i32
      %add3A_512 = arith.addi %mul3A_12, %add3A_511 : i32
      %get3A_513 = arith.index_cast %add3A_512 : i32 to index
      %get3A_514 = arith.constant 16 : index
      %get3A_515 = tpu.vector_load %arg9[%get3A_513, %get3A_514] {strides = array<i32>} : memref<160x128xf32, #tpu.memory_space<vmem>>, vector<1x16xf32>,
      %get3A_516 = vector.shape_cast %get3A_515 : vector<1x16xf32> to vector<16xf32>
      %get3A_517 = arith.index_cast %squeeze3A_484 : i32 to index
      %get3A_518 = arith.constant 16 : index
      %get3A_519 = tpu.vector_load %arg11[%get3A_517, %get3A_518] {strides = array<i32>} : memref<65x64xf32, #tpu.memory_space<vmem>>, vector<1x16xf32>,
      %get3A_520 = vector.shape_cast %get3A_519 : vector<1x16xf32> to vector<16xf32>
      %add3A_521 = arith.addf %get3A_520, %get3A_516 : vector<16xf32>
      %swap3A_522 = arith.index_cast %squeeze3A_484 : i32 to index
      %swap3A_523 = arith.constant 16 : index
      %swap3A_524 = tpu.vector_load %arg11[%swap3A_522, %swap3A_523] {strides = array<i32>} : memref<65x64xf32, #tpu.memory_space<vmem>>, vector<1x16xf32>,
      %swap3A_525 = vector.shape_cast %swap3A_524 : vector<1x16xf32> to vector<16xf32>
      %swap3A_526 = vector.shape_cast %add3A_521 : vector<16xf32> to vector<1x16xf32>
      tpu.vector_store %arg11[%swap3A_522, %swap3A_523], %swap3A_526 {strides = array<i32>} : memref<65x64xf32, #tpu.memory_space<vmem>>, vector<1x16xf32>,
      %get3A_527 = arith.index_cast %squeeze3A_484 : i32 to index
      %get3A_528 = arith.constant 16 : index
      %get3A_529 = tpu.vector_load %arg12[%get3A_527, %get3A_528] {strides = array<i32>} : memref<65x64xf32, #tpu.memory_space<vmem>>, vector<1x16xf32>,
      %get3A_530 = vector.shape_cast %get3A_529 : vector<1x16xf32> to vector<16xf32>
      %max3A_531 = arith.maximumf %get3A_530, %get3A_516 : vector<16xf32>
      %swap3A_532 = arith.index_cast %squeeze3A_484 : i32 to index
      %swap3A_533 = arith.constant 16 : index
      %swap3A_534 = tpu.vector_load %arg12[%swap3A_532, %swap3A_533] {strides = array<i32>} : memref<65x64xf32, #tpu.memory_space<vmem>>, vector<1x16xf32>,
      %swap3A_535 = vector.shape_cast %swap3A_534 : vector<1x16xf32> to vector<16xf32>
      %swap3A_536 = vector.shape_cast %max3A_531 : vector<16xf32> to vector<1x16xf32>
      tpu.vector_store %arg12[%swap3A_532, %swap3A_533], %swap3A_536 {strides = array<i32>} : memref<65x64xf32, #tpu.memory_space<vmem>>, vector<1x16xf32>,
      %add3A_537 = arith.constant 2 : i32
      %add3A_538 = arith.addi %mul3A_12, %add3A_537 : i32
      %get3A_539 = arith.index_cast %add3A_538 : i32 to index
      %get3A_540 = arith.constant 32 : index
      %get3A_541 = tpu.vector_load %arg9[%get3A_539, %get3A_540] {strides = array<i32>} : memref<160x128xf32, #tpu.memory_space<vmem>>, vector<1x16xf32>,
      %get3A_542 = vector.shape_cast %get3A_541 : vector<1x16xf32> to vector<16xf32>
      %get3A_543 = arith.index_cast %squeeze3A_484 : i32 to index
      %get3A_544 = arith.constant 32 : index
      %get3A_545 = tpu.vector_load %arg11[%get3A_543, %get3A_544] {strides = array<i32>} : memref<65x64xf32, #tpu.memory_space<vmem>>, vector<1x16xf32>,
      %get3A_546 = vector.shape_cast %get3A_545 : vector<1x16xf32> to vector<16xf32>
      %add3A_547 = arith.addf %get3A_546, %get3A_542 : vector<16xf32>
      %swap3A_548 = arith.index_cast %squeeze3A_484 : i32 to index
      %swap3A_549 = arith.constant 32 : index
      %swap3A_550 = tpu.vector_load %arg11[%swap3A_548, %swap3A_549] {strides = array<i32>} : memref<65x64xf32, #tpu.memory_space<vmem>>, vector<1x16xf32>,
      %swap3A_551 = vector.shape_cast %swap3A_550 : vector<1x16xf32> to vector<16xf32>
      %swap3A_552 = vector.shape_cast %add3A_547 : vector<16xf32> to vector<1x16xf32>
      tpu.vector_store %arg11[%swap3A_548, %swap3A_549], %swap3A_552 {strides = array<i32>} : memref<65x64xf32, #tpu.memory_space<vmem>>, vector<1x16xf32>,
      %get3A_553 = arith.index_cast %squeeze3A_484 : i32 to index
      %get3A_554 = arith.constant 32 : index
      %get3A_555 = tpu.vector_load %arg12[%get3A_553, %get3A_554] {strides = array<i32>} : memref<65x64xf32, #tpu.memory_space<vmem>>, vector<1x16xf32>,
      %get3A_556 = vector.shape_cast %get3A_555 : vector<1x16xf32> to vector<16xf32>
      %max3A_557 = arith.maximumf %get3A_556, %get3A_542 : vector<16xf32>
      %swap3A_558 = arith.index_cast %squeeze3A_484 : i32 to index
      %swap3A_559 = arith.constant 32 : index
      %swap3A_560 = tpu.vector_load %arg12[%swap3A_558, %swap3A_559] {strides = array<i32>} : memref<65x64xf32, #tpu.memory_space<vmem>>, vector<1x16xf32>,
      %swap3A_561 = vector.shape_cast %swap3A_560 : vector<1x16xf32> to vector<16xf32>
      %swap3A_562 = vector.shape_cast %max3A_557 : vector<16xf32> to vector<1x16xf32>
      tpu.vector_store %arg12[%swap3A_558, %swap3A_559], %swap3A_562 {strides = array<i32>} : memref<65x64xf32, #tpu.memory_space<vmem>>, vector<1x16xf32>,
      %add3A_563 = arith.constant 2 : i32
      %add3A_564 = arith.addi %mul3A_12, %add3A_563 : i32
      %get3A_565 = arith.index_cast %add3A_564 : i32 to index
      %get3A_566 = arith.constant 48 : index
      %get3A_567 = tpu.vector_load %arg9[%get3A_565, %get3A_566] {strides = array<i32>} : memref<160x128xf32, #tpu.memory_space<vmem>>, vector<1x16xf32>,
      %get3A_568 = vector.shape_cast %get3A_567 : vector<1x16xf32> to vector<16xf32>
      %get3A_569 = arith.index_cast %squeeze3A_484 : i32 to index
      %get3A_570 = arith.constant 48 : index
      %get3A_571 = tpu.vector_load %arg11[%get3A_569, %get3A_570] {strides = array<i32>} : memref<65x64xf32, #tpu.memory_space<vmem>>, vector<1x16xf32>,
      %get3A_572 = vector.shape_cast %get3A_571 : vector<1x16xf32> to vector<16xf32>
      %add3A_573 = arith.addf %get3A_572, %get3A_568 : vector<16xf32>
      %swap3A_574 = arith.index_cast %squeeze3A_484 : i32 to index
      %swap3A_575 = arith.constant 48 : index
      %swap3A_576 = tpu.vector_load %arg11[%swap3A_574, %swap3A_575] {strides = array<i32>} : memref<65x64xf32, #tpu.memory_space<vmem>>, vector<1x16xf32>,
      %swap3A_577 = vector.shape_cast %swap3A_576 : vector<1x16xf32> to vector<16xf32>
      %swap3A_578 = vector.shape_cast %add3A_573 : vector<16xf32> to vector<1x16xf32>
      tpu.vector_store %arg11[%swap3A_574, %swap3A_575], %swap3A_578 {strides = array<i32>} : memref<65x64xf32, #tpu.memory_space<vmem>>, vector<1x16xf32>,
      %get3A_579 = arith.index_cast %squeeze3A_484 : i32 to index
      %get3A_580 = arith.constant 48 : index
      %get3A_581 = tpu.vector_load %arg12[%get3A_579, %get3A_580] {strides = array<i32>} : memref<65x64xf32, #tpu.memory_space<vmem>>, vector<1x16xf32>,
      %get3A_582 = vector.shape_cast %get3A_581 : vector<1x16xf32> to vector<16xf32>
      %max3A_583 = arith.maximumf %get3A_582, %get3A_568 : vector<16xf32>
      %swap3A_584 = arith.index_cast %squeeze3A_484 : i32 to index
      %swap3A_585 = arith.constant 48 : index
      %swap3A_586 = tpu.vector_load %arg12[%swap3A_584, %swap3A_585] {strides = array<i32>} : memref<65x64xf32, #tpu.memory_space<vmem>>, vector<1x16xf32>,
      %swap3A_587 = vector.shape_cast %swap3A_586 : vector<1x16xf32> to vector<16xf32>
      %swap3A_588 = vector.shape_cast %max3A_583 : vector<16xf32> to vector<1x16xf32>
      tpu.vector_store %arg12[%swap3A_584, %swap3A_585], %swap3A_588 {strides = array<i32>} : memref<65x64xf32, #tpu.memory_space<vmem>>, vector<1x16xf32>,
      %get3A_589 = arith.index_cast %squeeze3A_484 : i32 to index
      %get3A_590 = arith.constant 0 : index
      %get3A_591 = tpu.vector_load %arg13[%get3A_589, %get3A_590] {strides = array<i32>} : memref<65x64xf32, #tpu.memory_space<vmem>>, vector<1x16xf32>,
      %get3A_592 = vector.shape_cast %get3A_591 : vector<1x16xf32> to vector<16xf32>
      %add3A_593 = arith.constant 1.000000e+00 : f32
      %add3A_594 = vector.broadcast %add3A_593 : f32 to vector<16xf32>
      %add3A_595 = arith.addf %get3A_592, %add3A_594 : vector<16xf32>
      %swap3A_596 = arith.index_cast %squeeze3A_484 : i32 to index
      %swap3A_597 = arith.constant 0 : index
      %swap3A_598 = tpu.vector_load %arg13[%swap3A_596, %swap3A_597] {strides = array<i32>} : memref<65x64xf32, #tpu.memory_space<vmem>>, vector<1x16xf32>,
      %swap3A_599 = vector.shape_cast %swap3A_598 : vector<1x16xf32> to vector<16xf32>
      %swap3A_600 = vector.shape_cast %add3A_595 : vector<16xf32> to vector<1x16xf32>
      tpu.vector_store %arg13[%swap3A_596, %swap3A_597], %swap3A_600 {strides = array<i32>} : memref<65x64xf32, #tpu.memory_space<vmem>>, vector<1x16xf32>,
      %slice3A_601 = vector.extract_strided_slice %get3A_14 {offsets = [5], sizes = [1], strides = [1]} : vector<16xi32> to vector<1xi32>
      %squeeze3A_602 = vector.extract %slice3A_601[0] : i32 from vector<1xi32>
      %add3A_603 = arith.constant 2 : i32
      %add3A_604 = arith.addi %mul3A_12, %add3A_603 : i32
      %get3A_605 = arith.index_cast %add3A_604 : i32 to index
      %get3A_606 = arith.constant 64 : index
      %get3A_607 = tpu.vector_load %arg9[%get3A_605, %get3A_606] {strides = array<i32>} : memref<160x128xf32, #tpu.memory_space<vmem>>, vector<1x16xf32>,
      %get3A_608 = vector.shape_cast %get3A_607 : vector<1x16xf32> to vector<16xf32>
      %get3A_609 = arith.index_cast %squeeze3A_602 : i32 to index
      %get3A_610 = arith.constant 0 : index
      %get3A_611 = tpu.vector_load %arg11[%get3A_609, %get3A_610] {strides = array<i32>} : memref<65x64xf32, #tpu.memory_space<vmem>>, vector<1x16xf32>,
      %get3A_612 = vector.shape_cast %get3A_611 : vector<1x16xf32> to vector<16xf32>
      %add3A_613 = arith.addf %get3A_612, %get3A_608 : vector<16xf32>
      %swap3A_614 = arith.index_cast %squeeze3A_602 : i32 to index
      %swap3A_615 = arith.constant 0 : index
      %swap3A_616 = tpu.vector_load %arg11[%swap3A_614, %swap3A_615] {strides = array<i32>} : memref<65x64xf32, #tpu.memory_space<vmem>>, vector<1x16xf32>,
      %swap3A_617 = vector.shape_cast %swap3A_616 : vector<1x16xf32> to vector<16xf32>
      %swap3A_618 = vector.shape_cast %add3A_613 : vector<16xf32> to vector<1x16xf32>
      tpu.vector_store %arg11[%swap3A_614, %swap3A_615], %swap3A_618 {strides = array<i32>} : memref<65x64xf32, #tpu.memory_space<vmem>>, vector<1x16xf32>,
      %get3A_619 = arith.index_cast %squeeze3A_602 : i32 to index
      %get3A_620 = arith.constant 0 : index
      %get3A_621 = tpu.vector_load %arg12[%get3A_619, %get3A_620] {strides = array<i32>} : memref<65x64xf32, #tpu.memory_space<vmem>>, vector<1x16xf32>,
      %get3A_622 = vector.shape_cast %get3A_621 : vector<1x16xf32> to vector<16xf32>
      %max3A_623 = arith.maximumf %get3A_622, %get3A_608 : vector<16xf32>
      %swap3A_624 = arith.index_cast %squeeze3A_602 : i32 to index
      %swap3A_625 = arith.constant 0 : index
      %swap3A_626 = tpu.vector_load %arg12[%swap3A_624, %swap3A_625] {strides = array<i32>} : memref<65x64xf32, #tpu.memory_space<vmem>>, vector<1x16xf32>,
      %swap3A_627 = vector.shape_cast %swap3A_626 : vector<1x16xf32> to vector<16xf32>
      %swap3A_628 = vector.shape_cast %max3A_623 : vector<16xf32> to vector<1x16xf32>
      tpu.vector_store %arg12[%swap3A_624, %swap3A_625], %swap3A_628 {strides = array<i32>} : memref<65x64xf32, #tpu.memory_space<vmem>>, vector<1x16xf32>,
      %add3A_629 = arith.constant 2 : i32
      %add3A_630 = arith.addi %mul3A_12, %add3A_629 : i32
      %get3A_631 = arith.index_cast %add3A_630 : i32 to index
      %get3A_632 = arith.constant 80 : index
      %get3A_633 = tpu.vector_load %arg9[%get3A_631, %get3A_632] {strides = array<i32>} : memref<160x128xf32, #tpu.memory_space<vmem>>, vector<1x16xf32>,
      %get3A_634 = vector.shape_cast %get3A_633 : vector<1x16xf32> to vector<16xf32>
      %get3A_635 = arith.index_cast %squeeze3A_602 : i32 to index
      %get3A_636 = arith.constant 16 : index
      %get3A_637 = tpu.vector_load %arg11[%get3A_635, %get3A_636] {strides = array<i32>} : memref<65x64xf32, #tpu.memory_space<vmem>>, vector<1x16xf32>,
      %get3A_638 = vector.shape_cast %get3A_637 : vector<1x16xf32> to vector<16xf32>
      %add3A_639 = arith.addf %get3A_638, %get3A_634 : vector<16xf32>
      %swap3A_640 = arith.index_cast %squeeze3A_602 : i32 to index
      %swap3A_641 = arith.constant 16 : index
      %swap3A_642 = tpu.vector_load %arg11[%swap3A_640, %swap3A_641] {strides = array<i32>} : memref<65x64xf32, #tpu.memory_space<vmem>>, vector<1x16xf32>,
      %swap3A_643 = vector.shape_cast %swap3A_642 : vector<1x16xf32> to vector<16xf32>
      %swap3A_644 = vector.shape_cast %add3A_639 : vector<16xf32> to vector<1x16xf32>
      tpu.vector_store %arg11[%swap3A_640, %swap3A_641], %swap3A_644 {strides = array<i32>} : memref<65x64xf32, #tpu.memory_space<vmem>>, vector<1x16xf32>,
      %get3A_645 = arith.index_cast %squeeze3A_602 : i32 to index
      %get3A_646 = arith.constant 16 : index
      %get3A_647 = tpu.vector_load %arg12[%get3A_645, %get3A_646] {strides = array<i32>} : memref<65x64xf32, #tpu.memory_space<vmem>>, vector<1x16xf32>,
      %get3A_648 = vector.shape_cast %get3A_647 : vector<1x16xf32> to vector<16xf32>
      %max3A_649 = arith.maximumf %get3A_648, %get3A_634 : vector<16xf32>
      %swap3A_650 = arith.index_cast %squeeze3A_602 : i32 to index
      %swap3A_651 = arith.constant 16 : index
      %swap3A_652 = tpu.vector_load %arg12[%swap3A_650, %swap3A_651] {strides = array<i32>} : memref<65x64xf32, #tpu.memory_space<vmem>>, vector<1x16xf32>,
      %swap3A_653 = vector.shape_cast %swap3A_652 : vector<1x16xf32> to vector<16xf32>
      %swap3A_654 = vector.shape_cast %max3A_649 : vector<16xf32> to vector<1x16xf32>
      tpu.vector_store %arg12[%swap3A_650, %swap3A_651], %swap3A_654 {strides = array<i32>} : memref<65x64xf32, #tpu.memory_space<vmem>>, vector<1x16xf32>,
      %add3A_655 = arith.constant 2 : i32
      %add3A_656 = arith.addi %mul3A_12, %add3A_655 : i32
      %get3A_657 = arith.index_cast %add3A_656 : i32 to index
      %get3A_658 = arith.constant 96 : index
      %get3A_659 = tpu.vector_load %arg9[%get3A_657, %get3A_658] {strides = array<i32>} : memref<160x128xf32, #tpu.memory_space<vmem>>, vector<1x16xf32>,
      %get3A_660 = vector.shape_cast %get3A_659 : vector<1x16xf32> to vector<16xf32>
      %get3A_661 = arith.index_cast %squeeze3A_602 : i32 to index
      %get3A_662 = arith.constant 32 : index
      %get3A_663 = tpu.vector_load %arg11[%get3A_661, %get3A_662] {strides = array<i32>} : memref<65x64xf32, #tpu.memory_space<vmem>>, vector<1x16xf32>,
      %get3A_664 = vector.shape_cast %get3A_663 : vector<1x16xf32> to vector<16xf32>
      %add3A_665 = arith.addf %get3A_664, %get3A_660 : vector<16xf32>
      %swap3A_666 = arith.index_cast %squeeze3A_602 : i32 to index
      %swap3A_667 = arith.constant 32 : index
      %swap3A_668 = tpu.vector_load %arg11[%swap3A_666, %swap3A_667] {strides = array<i32>} : memref<65x64xf32, #tpu.memory_space<vmem>>, vector<1x16xf32>,
      %swap3A_669 = vector.shape_cast %swap3A_668 : vector<1x16xf32> to vector<16xf32>
      %swap3A_670 = vector.shape_cast %add3A_665 : vector<16xf32> to vector<1x16xf32>
      tpu.vector_store %arg11[%swap3A_666, %swap3A_667], %swap3A_670 {strides = array<i32>} : memref<65x64xf32, #tpu.memory_space<vmem>>, vector<1x16xf32>,
      %get3A_671 = arith.index_cast %squeeze3A_602 : i32 to index
      %get3A_672 = arith.constant 32 : index
      %get3A_673 = tpu.vector_load %arg12[%get3A_671, %get3A_672] {strides = array<i32>} : memref<65x64xf32, #tpu.memory_space<vmem>>, vector<1x16xf32>,
      %get3A_674 = vector.shape_cast %get3A_673 : vector<1x16xf32> to vector<16xf32>
      %max3A_675 = arith.maximumf %get3A_674, %get3A_660 : vector<16xf32>
      %swap3A_676 = arith.index_cast %squeeze3A_602 : i32 to index
      %swap3A_677 = arith.constant 32 : index
      %swap3A_678 = tpu.vector_load %arg12[%swap3A_676, %swap3A_677] {strides = array<i32>} : memref<65x64xf32, #tpu.memory_space<vmem>>, vector<1x16xf32>,
      %swap3A_679 = vector.shape_cast %swap3A_678 : vector<1x16xf32> to vector<16xf32>
      %swap3A_680 = vector.shape_cast %max3A_675 : vector<16xf32> to vector<1x16xf32>
      tpu.vector_store %arg12[%swap3A_676, %swap3A_677], %swap3A_680 {strides = array<i32>} : memref<65x64xf32, #tpu.memory_space<vmem>>, vector<1x16xf32>,
      %add3A_681 = arith.constant 2 : i32
      %add3A_682 = arith.addi %mul3A_12, %add3A_681 : i32
      %get3A_683 = arith.index_cast %add3A_682 : i32 to index
      %get3A_684 = arith.constant 112 : index
      %get3A_685 = tpu.vector_load %arg9[%get3A_683, %get3A_684] {strides = array<i32>} : memref<160x128xf32, #tpu.memory_space<vmem>>, vector<1x16xf32>,
      %get3A_686 = vector.shape_cast %get3A_685 : vector<1x16xf32> to vector<16xf32>
      %get3A_687 = arith.index_cast %squeeze3A_602 : i32 to index
      %get3A_688 = arith.constant 48 : index
      %get3A_689 = tpu.vector_load %arg11[%get3A_687, %get3A_688] {strides = array<i32>} : memref<65x64xf32, #tpu.memory_space<vmem>>, vector<1x16xf32>,
      %get3A_690 = vector.shape_cast %get3A_689 : vector<1x16xf32> to vector<16xf32>
      %add3A_691 = arith.addf %get3A_690, %get3A_686 : vector<16xf32>
      %swap3A_692 = arith.index_cast %squeeze3A_602 : i32 to index
      %swap3A_693 = arith.constant 48 : index
      %swap3A_694 = tpu.vector_load %arg11[%swap3A_692, %swap3A_693] {strides = array<i32>} : memref<65x64xf32, #tpu.memory_space<vmem>>, vector<1x16xf32>,
      %swap3A_695 = vector.shape_cast %swap3A_694 : vector<1x16xf32> to vector<16xf32>
      %swap3A_696 = vector.shape_cast %add3A_691 : vector<16xf32> to vector<1x16xf32>
      tpu.vector_store %arg11[%swap3A_692, %swap3A_693], %swap3A_696 {strides = array<i32>} : memref<65x64xf32, #tpu.memory_space<vmem>>, vector<1x16xf32>,
      %get3A_697 = arith.index_cast %squeeze3A_602 : i32 to index
      %get3A_698 = arith.constant 48 : index
      %get3A_699 = tpu.vector_load %arg12[%get3A_697, %get3A_698] {strides = array<i32>} : memref<65x64xf32, #tpu.memory_space<vmem>>, vector<1x16xf32>,
      %get3A_700 = vector.shape_cast %get3A_699 : vector<1x16xf32> to vector<16xf32>
      %max3A_701 = arith.maximumf %get3A_700, %get3A_686 : vector<16xf32>
      %swap3A_702 = arith.index_cast %squeeze3A_602 : i32 to index
      %swap3A_703 = arith.constant 48 : index
      %swap3A_704 = tpu.vector_load %arg12[%swap3A_702, %swap3A_703] {strides = array<i32>} : memref<65x64xf32, #tpu.memory_space<vmem>>, vector<1x16xf32>,
      %swap3A_705 = vector.shape_cast %swap3A_704 : vector<1x16xf32> to vector<16xf32>
      %swap3A_706 = vector.shape_cast %max3A_701 : vector<16xf32> to vector<1x16xf32>
      tpu.vector_store %arg12[%swap3A_702, %swap3A_703], %swap3A_706 {strides = array<i32>} : memref<65x64xf32, #tpu.memory_space<vmem>>, vector<1x16xf32>,
      %get3A_707 = arith.index_cast %squeeze3A_602 : i32 to index
      %get3A_708 = arith.constant 0 : index
      %get3A_709 = tpu.vector_load %arg13[%get3A_707, %get3A_708] {strides = array<i32>} : memref<65x64xf32, #tpu.memory_space<vmem>>, vector<1x16xf32>,
      %get3A_710 = vector.shape_cast %get3A_709 : vector<1x16xf32> to vector<16xf32>
      %add3A_711 = arith.constant 1.000000e+00 : f32
      %add3A_712 = vector.broadcast %add3A_711 : f32 to vector<16xf32>
      %add3A_713 = arith.addf %get3A_710, %add3A_712 : vector<16xf32>
      %swap3A_714 = arith.index_cast %squeeze3A_602 : i32 to index
      %swap3A_715 = arith.constant 0 : index
      %swap3A_716 = tpu.vector_load %arg13[%swap3A_714, %swap3A_715] {strides = array<i32>} : memref<65x64xf32, #tpu.memory_space<vmem>>, vector<1x16xf32>,
      %swap3A_717 = vector.shape_cast %swap3A_716 : vector<1x16xf32> to vector<16xf32>
      %swap3A_718 = vector.shape_cast %add3A_713 : vector<16xf32> to vector<1x16xf32>
      tpu.vector_store %arg13[%swap3A_714, %swap3A_715], %swap3A_718 {strides = array<i32>} : memref<65x64xf32, #tpu.memory_space<vmem>>, vector<1x16xf32>,
      %slice3A_719 = vector.extract_strided_slice %get3A_14 {offsets = [6], sizes = [1], strides = [1]} : vector<16xi32> to vector<1xi32>
      %squeeze3A_720 = vector.extract %slice3A_719[0] : i32 from vector<1xi32>
      %add3A_721 = arith.constant 3 : i32
      %add3A_722 = arith.addi %mul3A_12, %add3A_721 : i32
      %get3A_723 = arith.index_cast %add3A_722 : i32 to index
      %get3A_724 = arith.constant 0 : index
      %get3A_725 = tpu.vector_load %arg9[%get3A_723, %get3A_724] {strides = array<i32>} : memref<160x128xf32, #tpu.memory_space<vmem>>, vector<1x16xf32>,
      %get3A_726 = vector.shape_cast %get3A_725 : vector<1x16xf32> to vector<16xf32>
      %get3A_727 = arith.index_cast %squeeze3A_720 : i32 to index
      %get3A_728 = arith.constant 0 : index
      %get3A_729 = tpu.vector_load %arg11[%get3A_727, %get3A_728] {strides = array<i32>} : memref<65x64xf32, #tpu.memory_space<vmem>>, vector<1x16xf32>,
      %get3A_730 = vector.shape_cast %get3A_729 : vector<1x16xf32> to vector<16xf32>
      %add3A_731 = arith.addf %get3A_730, %get3A_726 : vector<16xf32>
      %swap3A_732 = arith.index_cast %squeeze3A_720 : i32 to index
      %swap3A_733 = arith.constant 0 : index
      %swap3A_734 = tpu.vector_load %arg11[%swap3A_732, %swap3A_733] {strides = array<i32>} : memref<65x64xf32, #tpu.memory_space<vmem>>, vector<1x16xf32>,
      %swap3A_735 = vector.shape_cast %swap3A_734 : vector<1x16xf32> to vector<16xf32>
      %swap3A_736 = vector.shape_cast %add3A_731 : vector<16xf32> to vector<1x16xf32>
      tpu.vector_store %arg11[%swap3A_732, %swap3A_733], %swap3A_736 {strides = array<i32>} : memref<65x64xf32, #tpu.memory_space<vmem>>, vector<1x16xf32>,
      %get3A_737 = arith.index_cast %squeeze3A_720 : i32 to index
      %get3A_738 = arith.constant 0 : index
      %get3A_739 = tpu.vector_load %arg12[%get3A_737, %get3A_738] {strides = array<i32>} : memref<65x64xf32, #tpu.memory_space<vmem>>, vector<1x16xf32>,
      %get3A_740 = vector.shape_cast %get3A_739 : vector<1x16xf32> to vector<16xf32>
      %max3A_741 = arith.maximumf %get3A_740, %get3A_726 : vector<16xf32>
      %swap3A_742 = arith.index_cast %squeeze3A_720 : i32 to index
      %swap3A_743 = arith.constant 0 : index
      %swap3A_744 = tpu.vector_load %arg12[%swap3A_742, %swap3A_743] {strides = array<i32>} : memref<65x64xf32, #tpu.memory_space<vmem>>, vector<1x16xf32>,
      %swap3A_745 = vector.shape_cast %swap3A_744 : vector<1x16xf32> to vector<16xf32>
      %swap3A_746 = vector.shape_cast %max3A_741 : vector<16xf32> to vector<1x16xf32>
      tpu.vector_store %arg12[%swap3A_742, %swap3A_743], %swap3A_746 {strides = array<i32>} : memref<65x64xf32, #tpu.memory_space<vmem>>, vector<1x16xf32>,
      %add3A_747 = arith.constant 3 : i32
      %add3A_748 = arith.addi %mul3A_12, %add3A_747 : i32
      %get3A_749 = arith.index_cast %add3A_748 : i32 to index
      %get3A_750 = arith.constant 16 : index
      %get3A_751 = tpu.vector_load %arg9[%get3A_749, %get3A_750] {strides = array<i32>} : memref<160x128xf32, #tpu.memory_space<vmem>>, vector<1x16xf32>,
      %get3A_752 = vector.shape_cast %get3A_751 : vector<1x16xf32> to vector<16xf32>
      %get3A_753 = arith.index_cast %squeeze3A_720 : i32 to index
      %get3A_754 = arith.constant 16 : index
      %get3A_755 = tpu.vector_load %arg11[%get3A_753, %get3A_754] {strides = array<i32>} : memref<65x64xf32, #tpu.memory_space<vmem>>, vector<1x16xf32>,
      %get3A_756 = vector.shape_cast %get3A_755 : vector<1x16xf32> to vector<16xf32>
      %add3A_757 = arith.addf %get3A_756, %get3A_752 : vector<16xf32>
      %swap3A_758 = arith.index_cast %squeeze3A_720 : i32 to index
      %swap3A_759 = arith.constant 16 : index
      %swap3A_760 = tpu.vector_load %arg11[%swap3A_758, %swap3A_759] {strides = array<i32>} : memref<65x64xf32, #tpu.memory_space<vmem>>, vector<1x16xf32>,
      %swap3A_761 = vector.shape_cast %swap3A_760 : vector<1x16xf32> to vector<16xf32>
      %swap3A_762 = vector.shape_cast %add3A_757 : vector<16xf32> to vector<1x16xf32>
      tpu.vector_store %arg11[%swap3A_758, %swap3A_759], %swap3A_762 {strides = array<i32>} : memref<65x64xf32, #tpu.memory_space<vmem>>, vector<1x16xf32>,
      %get3A_763 = arith.index_cast %squeeze3A_720 : i32 to index
      %get3A_764 = arith.constant 16 : index
      %get3A_765 = tpu.vector_load %arg12[%get3A_763, %get3A_764] {strides = array<i32>} : memref<65x64xf32, #tpu.memory_space<vmem>>, vector<1x16xf32>,
      %get3A_766 = vector.shape_cast %get3A_765 : vector<1x16xf32> to vector<16xf32>
      %max3A_767 = arith.maximumf %get3A_766, %get3A_752 : vector<16xf32>
      %swap3A_768 = arith.index_cast %squeeze3A_720 : i32 to index
      %swap3A_769 = arith.constant 16 : index
      %swap3A_770 = tpu.vector_load %arg12[%swap3A_768, %swap3A_769] {strides = array<i32>} : memref<65x64xf32, #tpu.memory_space<vmem>>, vector<1x16xf32>,
      %swap3A_771 = vector.shape_cast %swap3A_770 : vector<1x16xf32> to vector<16xf32>
      %swap3A_772 = vector.shape_cast %max3A_767 : vector<16xf32> to vector<1x16xf32>
      tpu.vector_store %arg12[%swap3A_768, %swap3A_769], %swap3A_772 {strides = array<i32>} : memref<65x64xf32, #tpu.memory_space<vmem>>, vector<1x16xf32>,
      %add3A_773 = arith.constant 3 : i32
      %add3A_774 = arith.addi %mul3A_12, %add3A_773 : i32
      %get3A_775 = arith.index_cast %add3A_774 : i32 to index
      %get3A_776 = arith.constant 32 : index
      %get3A_777 = tpu.vector_load %arg9[%get3A_775, %get3A_776] {strides = array<i32>} : memref<160x128xf32, #tpu.memory_space<vmem>>, vector<1x16xf32>,
      %get3A_778 = vector.shape_cast %get3A_777 : vector<1x16xf32> to vector<16xf32>
      %get3A_779 = arith.index_cast %squeeze3A_720 : i32 to index
      %get3A_780 = arith.constant 32 : index
      %get3A_781 = tpu.vector_load %arg11[%get3A_779, %get3A_780] {strides = array<i32>} : memref<65x64xf32, #tpu.memory_space<vmem>>, vector<1x16xf32>,
      %get3A_782 = vector.shape_cast %get3A_781 : vector<1x16xf32> to vector<16xf32>
      %add3A_783 = arith.addf %get3A_782, %get3A_778 : vector<16xf32>
      %swap3A_784 = arith.index_cast %squeeze3A_720 : i32 to index
      %swap3A_785 = arith.constant 32 : index
      %swap3A_786 = tpu.vector_load %arg11[%swap3A_784, %swap3A_785] {strides = array<i32>} : memref<65x64xf32, #tpu.memory_space<vmem>>, vector<1x16xf32>,
      %swap3A_787 = vector.shape_cast %swap3A_786 : vector<1x16xf32> to vector<16xf32>
      %swap3A_788 = vector.shape_cast %add3A_783 : vector<16xf32> to vector<1x16xf32>
      tpu.vector_store %arg11[%swap3A_784, %swap3A_785], %swap3A_788 {strides = array<i32>} : memref<65x64xf32, #tpu.memory_space<vmem>>, vector<1x16xf32>,
      %get3A_789 = arith.index_cast %squeeze3A_720 : i32 to index
      %get3A_790 = arith.constant 32 : index
      %get3A_791 = tpu.vector_load %arg12[%get3A_789, %get3A_790] {strides = array<i32>} : memref<65x64xf32, #tpu.memory_space<vmem>>, vector<1x16xf32>,
      %get3A_792 = vector.shape_cast %get3A_791 : vector<1x16xf32> to vector<16xf32>
      %max3A_793 = arith.maximumf %get3A_792, %get3A_778 : vector<16xf32>
      %swap3A_794 = arith.index_cast %squeeze3A_720 : i32 to index
      %swap3A_795 = arith.constant 32 : index
      %swap3A_796 = tpu.vector_load %arg12[%swap3A_794, %swap3A_795] {strides = array<i32>} : memref<65x64xf32, #tpu.memory_space<vmem>>, vector<1x16xf32>,
      %swap3A_797 = vector.shape_cast %swap3A_796 : vector<1x16xf32> to vector<16xf32>
      %swap3A_798 = vector.shape_cast %max3A_793 : vector<16xf32> to vector<1x16xf32>
      tpu.vector_store %arg12[%swap3A_794, %swap3A_795], %swap3A_798 {strides = array<i32>} : memref<65x64xf32, #tpu.memory_space<vmem>>, vector<1x16xf32>,
      %add3A_799 = arith.constant 3 : i32
      %add3A_800 = arith.addi %mul3A_12, %add3A_799 : i32
      %get3A_801 = arith.index_cast %add3A_800 : i32 to index
      %get3A_802 = arith.constant 48 : index
      %get3A_803 = tpu.vector_load %arg9[%get3A_801, %get3A_802] {strides = array<i32>} : memref<160x128xf32, #tpu.memory_space<vmem>>, vector<1x16xf32>,
      %get3A_804 = vector.shape_cast %get3A_803 : vector<1x16xf32> to vector<16xf32>
      %get3A_805 = arith.index_cast %squeeze3A_720 : i32 to index
      %get3A_806 = arith.constant 48 : index
      %get3A_807 = tpu.vector_load %arg11[%get3A_805, %get3A_806] {strides = array<i32>} : memref<65x64xf32, #tpu.memory_space<vmem>>, vector<1x16xf32>,
      %get3A_808 = vector.shape_cast %get3A_807 : vector<1x16xf32> to vector<16xf32>
      %add3A_809 = arith.addf %get3A_808, %get3A_804 : vector<16xf32>
      %swap3A_810 = arith.index_cast %squeeze3A_720 : i32 to index
      %swap3A_811 = arith.constant 48 : index
      %swap3A_812 = tpu.vector_load %arg11[%swap3A_810, %swap3A_811] {strides = array<i32>} : memref<65x64xf32, #tpu.memory_space<vmem>>, vector<1x16xf32>,
      %swap3A_813 = vector.shape_cast %swap3A_812 : vector<1x16xf32> to vector<16xf32>
      %swap3A_814 = vector.shape_cast %add3A_809 : vector<16xf32> to vector<1x16xf32>
      tpu.vector_store %arg11[%swap3A_810, %swap3A_811], %swap3A_814 {strides = array<i32>} : memref<65x64xf32, #tpu.memory_space<vmem>>, vector<1x16xf32>,
      %get3A_815 = arith.index_cast %squeeze3A_720 : i32 to index
      %get3A_816 = arith.constant 48 : index
      %get3A_817 = tpu.vector_load %arg12[%get3A_815, %get3A_816] {strides = array<i32>} : memref<65x64xf32, #tpu.memory_space<vmem>>, vector<1x16xf32>,
      %get3A_818 = vector.shape_cast %get3A_817 : vector<1x16xf32> to vector<16xf32>
      %max3A_819 = arith.maximumf %get3A_818, %get3A_804 : vector<16xf32>
      %swap3A_820 = arith.index_cast %squeeze3A_720 : i32 to index
      %swap3A_821 = arith.constant 48 : index
      %swap3A_822 = tpu.vector_load %arg12[%swap3A_820, %swap3A_821] {strides = array<i32>} : memref<65x64xf32, #tpu.memory_space<vmem>>, vector<1x16xf32>,
      %swap3A_823 = vector.shape_cast %swap3A_822 : vector<1x16xf32> to vector<16xf32>
      %swap3A_824 = vector.shape_cast %max3A_819 : vector<16xf32> to vector<1x16xf32>
      tpu.vector_store %arg12[%swap3A_820, %swap3A_821], %swap3A_824 {strides = array<i32>} : memref<65x64xf32, #tpu.memory_space<vmem>>, vector<1x16xf32>,
      %get3A_825 = arith.index_cast %squeeze3A_720 : i32 to index
      %get3A_826 = arith.constant 0 : index
      %get3A_827 = tpu.vector_load %arg13[%get3A_825, %get3A_826] {strides = array<i32>} : memref<65x64xf32, #tpu.memory_space<vmem>>, vector<1x16xf32>,
      %get3A_828 = vector.shape_cast %get3A_827 : vector<1x16xf32> to vector<16xf32>
      %add3A_829 = arith.constant 1.000000e+00 : f32
      %add3A_830 = vector.broadcast %add3A_829 : f32 to vector<16xf32>
      %add3A_831 = arith.addf %get3A_828, %add3A_830 : vector<16xf32>
      %swap3A_832 = arith.index_cast %squeeze3A_720 : i32 to index
      %swap3A_833 = arith.constant 0 : index
      %swap3A_834 = tpu.vector_load %arg13[%swap3A_832, %swap3A_833] {strides = array<i32>} : memref<65x64xf32, #tpu.memory_space<vmem>>, vector<1x16xf32>,
      %swap3A_835 = vector.shape_cast %swap3A_834 : vector<1x16xf32> to vector<16xf32>
      %swap3A_836 = vector.shape_cast %add3A_831 : vector<16xf32> to vector<1x16xf32>
      tpu.vector_store %arg13[%swap3A_832, %swap3A_833], %swap3A_836 {strides = array<i32>} : memref<65x64xf32, #tpu.memory_space<vmem>>, vector<1x16xf32>,
      %slice3A_837 = vector.extract_strided_slice %get3A_14 {offsets = [7], sizes = [1], strides = [1]} : vector<16xi32> to vector<1xi32>
      %squeeze3A_838 = vector.extract %slice3A_837[0] : i32 from vector<1xi32>
      %add3A_839 = arith.constant 3 : i32
      %add3A_840 = arith.addi %mul3A_12, %add3A_839 : i32
      %get3A_841 = arith.index_cast %add3A_840 : i32 to index
      %get3A_842 = arith.constant 64 : index
      %get3A_843 = tpu.vector_load %arg9[%get3A_841, %get3A_842] {strides = array<i32>} : memref<160x128xf32, #tpu.memory_space<vmem>>, vector<1x16xf32>,
      %get3A_844 = vector.shape_cast %get3A_843 : vector<1x16xf32> to vector<16xf32>
      %get3A_845 = arith.index_cast %squeeze3A_838 : i32 to index
      %get3A_846 = arith.constant 0 : index
      %get3A_847 = tpu.vector_load %arg11[%get3A_845, %get3A_846] {strides = array<i32>} : memref<65x64xf32, #tpu.memory_space<vmem>>, vector<1x16xf32>,
      %get3A_848 = vector.shape_cast %get3A_847 : vector<1x16xf32> to vector<16xf32>
      %add3A_849 = arith.addf %get3A_848, %get3A_844 : vector<16xf32>
      %swap3A_850 = arith.index_cast %squeeze3A_838 : i32 to index
      %swap3A_851 = arith.constant 0 : index
      %swap3A_852 = tpu.vector_load %arg11[%swap3A_850, %swap3A_851] {strides = array<i32>} : memref<65x64xf32, #tpu.memory_space<vmem>>, vector<1x16xf32>,
      %swap3A_853 = vector.shape_cast %swap3A_852 : vector<1x16xf32> to vector<16xf32>
      %swap3A_854 = vector.shape_cast %add3A_849 : vector<16xf32> to vector<1x16xf32>
      tpu.vector_store %arg11[%swap3A_850, %swap3A_851], %swap3A_854 {strides = array<i32>} : memref<65x64xf32, #tpu.memory_space<vmem>>, vector<1x16xf32>,
      %get3A_855 = arith.index_cast %squeeze3A_838 : i32 to index
      %get3A_856 = arith.constant 0 : index
      %get3A_857 = tpu.vector_load %arg12[%get3A_855, %get3A_856] {strides = array<i32>} : memref<65x64xf32, #tpu.memory_space<vmem>>, vector<1x16xf32>,
      %get3A_858 = vector.shape_cast %get3A_857 : vector<1x16xf32> to vector<16xf32>
      %max3A_859 = arith.maximumf %get3A_858, %get3A_844 : vector<16xf32>
      %swap3A_860 = arith.index_cast %squeeze3A_838 : i32 to index
      %swap3A_861 = arith.constant 0 : index
      %swap3A_862 = tpu.vector_load %arg12[%swap3A_860, %swap3A_861] {strides = array<i32>} : memref<65x64xf32, #tpu.memory_space<vmem>>, vector<1x16xf32>,
      %swap3A_863 = vector.shape_cast %swap3A_862 : vector<1x16xf32> to vector<16xf32>
      %swap3A_864 = vector.shape_cast %max3A_859 : vector<16xf32> to vector<1x16xf32>
      tpu.vector_store %arg12[%swap3A_860, %swap3A_861], %swap3A_864 {strides = array<i32>} : memref<65x64xf32, #tpu.memory_space<vmem>>, vector<1x16xf32>,
      %add3A_865 = arith.constant 3 : i32
      %add3A_866 = arith.addi %mul3A_12, %add3A_865 : i32
      %get3A_867 = arith.index_cast %add3A_866 : i32 to index
      %get3A_868 = arith.constant 80 : index
      %get3A_869 = tpu.vector_load %arg9[%get3A_867, %get3A_868] {strides = array<i32>} : memref<160x128xf32, #tpu.memory_space<vmem>>, vector<1x16xf32>,
      %get3A_870 = vector.shape_cast %get3A_869 : vector<1x16xf32> to vector<16xf32>
      %get3A_871 = arith.index_cast %squeeze3A_838 : i32 to index
      %get3A_872 = arith.constant 16 : index
      %get3A_873 = tpu.vector_load %arg11[%get3A_871, %get3A_872] {strides = array<i32>} : memref<65x64xf32, #tpu.memory_space<vmem>>, vector<1x16xf32>,
      %get3A_874 = vector.shape_cast %get3A_873 : vector<1x16xf32> to vector<16xf32>
      %add3A_875 = arith.addf %get3A_874, %get3A_870 : vector<16xf32>
      %swap3A_876 = arith.index_cast %squeeze3A_838 : i32 to index
      %swap3A_877 = arith.constant 16 : index
      %swap3A_878 = tpu.vector_load %arg11[%swap3A_876, %swap3A_877] {strides = array<i32>} : memref<65x64xf32, #tpu.memory_space<vmem>>, vector<1x16xf32>,
      %swap3A_879 = vector.shape_cast %swap3A_878 : vector<1x16xf32> to vector<16xf32>
      %swap3A_880 = vector.shape_cast %add3A_875 : vector<16xf32> to vector<1x16xf32>
      tpu.vector_store %arg11[%swap3A_876, %swap3A_877], %swap3A_880 {strides = array<i32>} : memref<65x64xf32, #tpu.memory_space<vmem>>, vector<1x16xf32>,
      %get3A_881 = arith.index_cast %squeeze3A_838 : i32 to index
      %get3A_882 = arith.constant 16 : index
      %get3A_883 = tpu.vector_load %arg12[%get3A_881, %get3A_882] {strides = array<i32>} : memref<65x64xf32, #tpu.memory_space<vmem>>, vector<1x16xf32>,
      %get3A_884 = vector.shape_cast %get3A_883 : vector<1x16xf32> to vector<16xf32>
      %max3A_885 = arith.maximumf %get3A_884, %get3A_870 : vector<16xf32>
      %swap3A_886 = arith.index_cast %squeeze3A_838 : i32 to index
      %swap3A_887 = arith.constant 16 : index
      %swap3A_888 = tpu.vector_load %arg12[%swap3A_886, %swap3A_887] {strides = array<i32>} : memref<65x64xf32, #tpu.memory_space<vmem>>, vector<1x16xf32>,
      %swap3A_889 = vector.shape_cast %swap3A_888 : vector<1x16xf32> to vector<16xf32>
      %swap3A_890 = vector.shape_cast %max3A_885 : vector<16xf32> to vector<1x16xf32>
      tpu.vector_store %arg12[%swap3A_886, %swap3A_887], %swap3A_890 {strides = array<i32>} : memref<65x64xf32, #tpu.memory_space<vmem>>, vector<1x16xf32>,
      %add3A_891 = arith.constant 3 : i32
      %add3A_892 = arith.addi %mul3A_12, %add3A_891 : i32
      %get3A_893 = arith.index_cast %add3A_892 : i32 to index
      %get3A_894 = arith.constant 96 : index
      %get3A_895 = tpu.vector_load %arg9[%get3A_893, %get3A_894] {strides = array<i32>} : memref<160x128xf32, #tpu.memory_space<vmem>>, vector<1x16xf32>,
      %get3A_896 = vector.shape_cast %get3A_895 : vector<1x16xf32> to vector<16xf32>
      %get3A_897 = arith.index_cast %squeeze3A_838 : i32 to index
      %get3A_898 = arith.constant 32 : index
      %get3A_899 = tpu.vector_load %arg11[%get3A_897, %get3A_898] {strides = array<i32>} : memref<65x64xf32, #tpu.memory_space<vmem>>, vector<1x16xf32>,
      %get3A_900 = vector.shape_cast %get3A_899 : vector<1x16xf32> to vector<16xf32>
      %add3A_901 = arith.addf %get3A_900, %get3A_896 : vector<16xf32>
      %swap3A_902 = arith.index_cast %squeeze3A_838 : i32 to index
      %swap3A_903 = arith.constant 32 : index
      %swap3A_904 = tpu.vector_load %arg11[%swap3A_902, %swap3A_903] {strides = array<i32>} : memref<65x64xf32, #tpu.memory_space<vmem>>, vector<1x16xf32>,
      %swap3A_905 = vector.shape_cast %swap3A_904 : vector<1x16xf32> to vector<16xf32>
      %swap3A_906 = vector.shape_cast %add3A_901 : vector<16xf32> to vector<1x16xf32>
      tpu.vector_store %arg11[%swap3A_902, %swap3A_903], %swap3A_906 {strides = array<i32>} : memref<65x64xf32, #tpu.memory_space<vmem>>, vector<1x16xf32>,
      %get3A_907 = arith.index_cast %squeeze3A_838 : i32 to index
      %get3A_908 = arith.constant 32 : index
      %get3A_909 = tpu.vector_load %arg12[%get3A_907, %get3A_908] {strides = array<i32>} : memref<65x64xf32, #tpu.memory_space<vmem>>, vector<1x16xf32>,
      %get3A_910 = vector.shape_cast %get3A_909 : vector<1x16xf32> to vector<16xf32>
      %max3A_911 = arith.maximumf %get3A_910, %get3A_896 : vector<16xf32>
      %swap3A_912 = arith.index_cast %squeeze3A_838 : i32 to index
      %swap3A_913 = arith.constant 32 : index
      %swap3A_914 = tpu.vector_load %arg12[%swap3A_912, %swap3A_913] {strides = array<i32>} : memref<65x64xf32, #tpu.memory_space<vmem>>, vector<1x16xf32>,
      %swap3A_915 = vector.shape_cast %swap3A_914 : vector<1x16xf32> to vector<16xf32>
      %swap3A_916 = vector.shape_cast %max3A_911 : vector<16xf32> to vector<1x16xf32>
      tpu.vector_store %arg12[%swap3A_912, %swap3A_913], %swap3A_916 {strides = array<i32>} : memref<65x64xf32, #tpu.memory_space<vmem>>, vector<1x16xf32>,
      %add3A_917 = arith.constant 3 : i32
      %add3A_918 = arith.addi %mul3A_12, %add3A_917 : i32
      %get3A_919 = arith.index_cast %add3A_918 : i32 to index
      %get3A_920 = arith.constant 112 : index
      %get3A_921 = tpu.vector_load %arg9[%get3A_919, %get3A_920] {strides = array<i32>} : memref<160x128xf32, #tpu.memory_space<vmem>>, vector<1x16xf32>,
      %get3A_922 = vector.shape_cast %get3A_921 : vector<1x16xf32> to vector<16xf32>
      %get3A_923 = arith.index_cast %squeeze3A_838 : i32 to index
      %get3A_924 = arith.constant 48 : index
      %get3A_925 = tpu.vector_load %arg11[%get3A_923, %get3A_924] {strides = array<i32>} : memref<65x64xf32, #tpu.memory_space<vmem>>, vector<1x16xf32>,
      %get3A_926 = vector.shape_cast %get3A_925 : vector<1x16xf32> to vector<16xf32>
      %add3A_927 = arith.addf %get3A_926, %get3A_922 : vector<16xf32>
      %swap3A_928 = arith.index_cast %squeeze3A_838 : i32 to index
      %swap3A_929 = arith.constant 48 : index
      %swap3A_930 = tpu.vector_load %arg11[%swap3A_928, %swap3A_929] {strides = array<i32>} : memref<65x64xf32, #tpu.memory_space<vmem>>, vector<1x16xf32>,
      %swap3A_931 = vector.shape_cast %swap3A_930 : vector<1x16xf32> to vector<16xf32>
      %swap3A_932 = vector.shape_cast %add3A_927 : vector<16xf32> to vector<1x16xf32>
      tpu.vector_store %arg11[%swap3A_928, %swap3A_929], %swap3A_932 {strides = array<i32>} : memref<65x64xf32, #tpu.memory_space<vmem>>, vector<1x16xf32>,
      %get3A_933 = arith.index_cast %squeeze3A_838 : i32 to index
      %get3A_934 = arith.constant 48 : index
      %get3A_935 = tpu.vector_load %arg12[%get3A_933, %get3A_934] {strides = array<i32>} : memref<65x64xf32, #tpu.memory_space<vmem>>, vector<1x16xf32>,
      %get3A_936 = vector.shape_cast %get3A_935 : vector<1x16xf32> to vector<16xf32>
      %max3A_937 = arith.maximumf %get3A_936, %get3A_922 : vector<16xf32>
      %swap3A_938 = arith.index_cast %squeeze3A_838 : i32 to index
      %swap3A_939 = arith.constant 48 : index
      %swap3A_940 = tpu.vector_load %arg12[%swap3A_938, %swap3A_939] {strides = array<i32>} : memref<65x64xf32, #tpu.memory_space<vmem>>, vector<1x16xf32>,
      %swap3A_941 = vector.shape_cast %swap3A_940 : vector<1x16xf32> to vector<16xf32>
      %swap3A_942 = vector.shape_cast %max3A_937 : vector<16xf32> to vector<1x16xf32>
      tpu.vector_store %arg12[%swap3A_938, %swap3A_939], %swap3A_942 {strides = array<i32>} : memref<65x64xf32, #tpu.memory_space<vmem>>, vector<1x16xf32>,
      %get3A_943 = arith.index_cast %squeeze3A_838 : i32 to index
      %get3A_944 = arith.constant 0 : index
      %get3A_945 = tpu.vector_load %arg13[%get3A_943, %get3A_944] {strides = array<i32>} : memref<65x64xf32, #tpu.memory_space<vmem>>, vector<1x16xf32>,
      %get3A_946 = vector.shape_cast %get3A_945 : vector<1x16xf32> to vector<16xf32>
      %add3A_947 = arith.constant 1.000000e+00 : f32
      %add3A_948 = vector.broadcast %add3A_947 : f32 to vector<16xf32>
      %add3A_949 = arith.addf %get3A_946, %add3A_948 : vector<16xf32>
      %swap3A_950 = arith.index_cast %squeeze3A_838 : i32 to index
      %swap3A_951 = arith.constant 0 : index
      %swap3A_952 = tpu.vector_load %arg13[%swap3A_950, %swap3A_951] {strides = array<i32>} : memref<65x64xf32, #tpu.memory_space<vmem>>, vector<1x16xf32>,
      %swap3A_953 = vector.shape_cast %swap3A_952 : vector<1x16xf32> to vector<16xf32>
      %swap3A_954 = vector.shape_cast %add3A_949 : vector<16xf32> to vector<1x16xf32>
      tpu.vector_store %arg13[%swap3A_950, %swap3A_951], %swap3A_954 {strides = array<i32>} : memref<65x64xf32, #tpu.memory_space<vmem>>, vector<1x16xf32>,
      %slice3A_955 = vector.extract_strided_slice %get3A_14 {offsets = [8], sizes = [1], strides = [1]} : vector<16xi32> to vector<1xi32>
      %squeeze3A_956 = vector.extract %slice3A_955[0] : i32 from vector<1xi32>
      %add3A_957 = arith.constant 4 : i32
      %add3A_958 = arith.addi %mul3A_12, %add3A_957 : i32
      %get3A_959 = arith.index_cast %add3A_958 : i32 to index
      %get3A_960 = arith.constant 0 : index
      %get3A_961 = tpu.vector_load %arg9[%get3A_959, %get3A_960] {strides = array<i32>} : memref<160x128xf32, #tpu.memory_space<vmem>>, vector<1x16xf32>,
      %get3A_962 = vector.shape_cast %get3A_961 : vector<1x16xf32> to vector<16xf32>
      %get3A_963 = arith.index_cast %squeeze3A_956 : i32 to index
      %get3A_964 = arith.constant 0 : index
      %get3A_965 = tpu.vector_load %arg11[%get3A_963, %get3A_964] {strides = array<i32>} : memref<65x64xf32, #tpu.memory_space<vmem>>, vector<1x16xf32>,
      %get3A_966 = vector.shape_cast %get3A_965 : vector<1x16xf32> to vector<16xf32>
      %add3A_967 = arith.addf %get3A_966, %get3A_962 : vector<16xf32>
      %swap3A_968 = arith.index_cast %squeeze3A_956 : i32 to index
      %swap3A_969 = arith.constant 0 : index
      %swap3A_970 = tpu.vector_load %arg11[%swap3A_968, %swap3A_969] {strides = array<i32>} : memref<65x64xf32, #tpu.memory_space<vmem>>, vector<1x16xf32>,
      %swap3A_971 = vector.shape_cast %swap3A_970 : vector<1x16xf32> to vector<16xf32>
      %swap3A_972 = vector.shape_cast %add3A_967 : vector<16xf32> to vector<1x16xf32>
      tpu.vector_store %arg11[%swap3A_968, %swap3A_969], %swap3A_972 {strides = array<i32>} : memref<65x64xf32, #tpu.memory_space<vmem>>, vector<1x16xf32>,
      %get3A_973 = arith.index_cast %squeeze3A_956 : i32 to index
      %get3A_974 = arith.constant 0 : index
      %get3A_975 = tpu.vector_load %arg12[%get3A_973, %get3A_974] {strides = array<i32>} : memref<65x64xf32, #tpu.memory_space<vmem>>, vector<1x16xf32>,
      %get3A_976 = vector.shape_cast %get3A_975 : vector<1x16xf32> to vector<16xf32>
      %max3A_977 = arith.maximumf %get3A_976, %get3A_962 : vector<16xf32>
      %swap3A_978 = arith.index_cast %squeeze3A_956 : i32 to index
      %swap3A_979 = arith.constant 0 : index
      %swap3A_980 = tpu.vector_load %arg12[%swap3A_978, %swap3A_979] {strides = array<i32>} : memref<65x64xf32, #tpu.memory_space<vmem>>, vector<1x16xf32>,
      %swap3A_981 = vector.shape_cast %swap3A_980 : vector<1x16xf32> to vector<16xf32>
      %swap3A_982 = vector.shape_cast %max3A_977 : vector<16xf32> to vector<1x16xf32>
      tpu.vector_store %arg12[%swap3A_978, %swap3A_979], %swap3A_982 {strides = array<i32>} : memref<65x64xf32, #tpu.memory_space<vmem>>, vector<1x16xf32>,
      %add3A_983 = arith.constant 4 : i32
      %add3A_984 = arith.addi %mul3A_12, %add3A_983 : i32
      %get3A_985 = arith.index_cast %add3A_984 : i32 to index
      %get3A_986 = arith.constant 16 : index
      %get3A_987 = tpu.vector_load %arg9[%get3A_985, %get3A_986] {strides = array<i32>} : memref<160x128xf32, #tpu.memory_space<vmem>>, vector<1x16xf32>,
      %get3A_988 = vector.shape_cast %get3A_987 : vector<1x16xf32> to vector<16xf32>
      %get3A_989 = arith.index_cast %squeeze3A_956 : i32 to index
      %get3A_990 = arith.constant 16 : index
      %get3A_991 = tpu.vector_load %arg11[%get3A_989, %get3A_990] {strides = array<i32>} : memref<65x64xf32, #tpu.memory_space<vmem>>, vector<1x16xf32>,
      %get3A_992 = vector.shape_cast %get3A_991 : vector<1x16xf32> to vector<16xf32>
      %add3A_993 = arith.addf %get3A_992, %get3A_988 : vector<16xf32>
      %swap3A_994 = arith.index_cast %squeeze3A_956 : i32 to index
      %swap3A_995 = arith.constant 16 : index
      %swap3A_996 = tpu.vector_load %arg11[%swap3A_994, %swap3A_995] {strides = array<i32>} : memref<65x64xf32, #tpu.memory_space<vmem>>, vector<1x16xf32>,
      %swap3A_997 = vector.shape_cast %swap3A_996 : vector<1x16xf32> to vector<16xf32>
      %swap3A_998 = vector.shape_cast %add3A_993 : vector<16xf32> to vector<1x16xf32>
      tpu.vector_store %arg11[%swap3A_994, %swap3A_995], %swap3A_998 {strides = array<i32>} : memref<65x64xf32, #tpu.memory_space<vmem>>, vector<1x16xf32>,
      %get3A_999 = arith.index_cast %squeeze3A_956 : i32 to index
      %get3A_1000 = arith.constant 16 : index
      %get3A_1001 = tpu.vector_load %arg12[%get3A_999, %get3A_1000] {strides = array<i32>} : memref<65x64xf32, #tpu.memory_space<vmem>>, vector<1x16xf32>,
      %get3A_1002 = vector.shape_cast %get3A_1001 : vector<1x16xf32> to vector<16xf32>
      %max3A_1003 = arith.maximumf %get3A_1002, %get3A_988 : vector<16xf32>
      %swap3A_1004 = arith.index_cast %squeeze3A_956 : i32 to index
      %swap3A_1005 = arith.constant 16 : index
      %swap3A_1006 = tpu.vector_load %arg12[%swap3A_1004, %swap3A_1005] {strides = array<i32>} : memref<65x64xf32, #tpu.memory_space<vmem>>, vector<1x16xf32>,
      %swap3A_1007 = vector.shape_cast %swap3A_1006 : vector<1x16xf32> to vector<16xf32>
      %swap3A_1008 = vector.shape_cast %max3A_1003 : vector<16xf32> to vector<1x16xf32>
      tpu.vector_store %arg12[%swap3A_1004, %swap3A_1005], %swap3A_1008 {strides = array<i32>} : memref<65x64xf32, #tpu.memory_space<vmem>>, vector<1x16xf32>,
      %add3A_1009 = arith.constant 4 : i32
      %add3A_1010 = arith.addi %mul3A_12, %add3A_1009 : i32
      %get3A_1011 = arith.index_cast %add3A_1010 : i32 to index
      %get3A_1012 = arith.constant 32 : index
      %get3A_1013 = tpu.vector_load %arg9[%get3A_1011, %get3A_1012] {strides = array<i32>} : memref<160x128xf32, #tpu.memory_space<vmem>>, vector<1x16xf32>,
      %get3A_1014 = vector.shape_cast %get3A_1013 : vector<1x16xf32> to vector<16xf32>
      %get3A_1015 = arith.index_cast %squeeze3A_956 : i32 to index
      %get3A_1016 = arith.constant 32 : index
      %get3A_1017 = tpu.vector_load %arg11[%get3A_1015, %get3A_1016] {strides = array<i32>} : memref<65x64xf32, #tpu.memory_space<vmem>>, vector<1x16xf32>,
      %get3A_1018 = vector.shape_cast %get3A_1017 : vector<1x16xf32> to vector<16xf32>
      %add3A_1019 = arith.addf %get3A_1018, %get3A_1014 : vector<16xf32>
      %swap3A_1020 = arith.index_cast %squeeze3A_956 : i32 to index
      %swap3A_1021 = arith.constant 32 : index
      %swap3A_1022 = tpu.vector_load %arg11[%swap3A_1020, %swap3A_1021] {strides = array<i32>} : memref<65x64xf32, #tpu.memory_space<vmem>>, vector<1x16xf32>,
      %swap3A_1023 = vector.shape_cast %swap3A_1022 : vector<1x16xf32> to vector<16xf32>
      %swap3A_1024 = vector.shape_cast %add3A_1019 : vector<16xf32> to vector<1x16xf32>
      tpu.vector_store %arg11[%swap3A_1020, %swap3A_1021], %swap3A_1024 {strides = array<i32>} : memref<65x64xf32, #tpu.memory_space<vmem>>, vector<1x16xf32>,
      %get3A_1025 = arith.index_cast %squeeze3A_956 : i32 to index
      %get3A_1026 = arith.constant 32 : index
      %get3A_1027 = tpu.vector_load %arg12[%get3A_1025, %get3A_1026] {strides = array<i32>} : memref<65x64xf32, #tpu.memory_space<vmem>>, vector<1x16xf32>,
      %get3A_1028 = vector.shape_cast %get3A_1027 : vector<1x16xf32> to vector<16xf32>
      %max3A_1029 = arith.maximumf %get3A_1028, %get3A_1014 : vector<16xf32>
      %swap3A_1030 = arith.index_cast %squeeze3A_956 : i32 to index
      %swap3A_1031 = arith.constant 32 : index
      %swap3A_1032 = tpu.vector_load %arg12[%swap3A_1030, %swap3A_1031] {strides = array<i32>} : memref<65x64xf32, #tpu.memory_space<vmem>>, vector<1x16xf32>,
      %swap3A_1033 = vector.shape_cast %swap3A_1032 : vector<1x16xf32> to vector<16xf32>
      %swap3A_1034 = vector.shape_cast %max3A_1029 : vector<16xf32> to vector<1x16xf32>
      tpu.vector_store %arg12[%swap3A_1030, %swap3A_1031], %swap3A_1034 {strides = array<i32>} : memref<65x64xf32, #tpu.memory_space<vmem>>, vector<1x16xf32>,
      %add3A_1035 = arith.constant 4 : i32
      %add3A_1036 = arith.addi %mul3A_12, %add3A_1035 : i32
      %get3A_1037 = arith.index_cast %add3A_1036 : i32 to index
      %get3A_1038 = arith.constant 48 : index
      %get3A_1039 = tpu.vector_load %arg9[%get3A_1037, %get3A_1038] {strides = array<i32>} : memref<160x128xf32, #tpu.memory_space<vmem>>, vector<1x16xf32>,
      %get3A_1040 = vector.shape_cast %get3A_1039 : vector<1x16xf32> to vector<16xf32>
      %get3A_1041 = arith.index_cast %squeeze3A_956 : i32 to index
      %get3A_1042 = arith.constant 48 : index
      %get3A_1043 = tpu.vector_load %arg11[%get3A_1041, %get3A_1042] {strides = array<i32>} : memref<65x64xf32, #tpu.memory_space<vmem>>, vector<1x16xf32>,
      %get3A_1044 = vector.shape_cast %get3A_1043 : vector<1x16xf32> to vector<16xf32>
      %add3A_1045 = arith.addf %get3A_1044, %get3A_1040 : vector<16xf32>
      %swap3A_1046 = arith.index_cast %squeeze3A_956 : i32 to index
      %swap3A_1047 = arith.constant 48 : index
      %swap3A_1048 = tpu.vector_load %arg11[%swap3A_1046, %swap3A_1047] {strides = array<i32>} : memref<65x64xf32, #tpu.memory_space<vmem>>, vector<1x16xf32>,
      %swap3A_1049 = vector.shape_cast %swap3A_1048 : vector<1x16xf32> to vector<16xf32>
      %swap3A_1050 = vector.shape_cast %add3A_1045 : vector<16xf32> to vector<1x16xf32>
      tpu.vector_store %arg11[%swap3A_1046, %swap3A_1047], %swap3A_1050 {strides = array<i32>} : memref<65x64xf32, #tpu.memory_space<vmem>>, vector<1x16xf32>,
      %get3A_1051 = arith.index_cast %squeeze3A_956 : i32 to index
      %get3A_1052 = arith.constant 48 : index
      %get3A_1053 = tpu.vector_load %arg12[%get3A_1051, %get3A_1052] {strides = array<i32>} : memref<65x64xf32, #tpu.memory_space<vmem>>, vector<1x16xf32>,
      %get3A_1054 = vector.shape_cast %get3A_1053 : vector<1x16xf32> to vector<16xf32>
      %max3A_1055 = arith.maximumf %get3A_1054, %get3A_1040 : vector<16xf32>
      %swap3A_1056 = arith.index_cast %squeeze3A_956 : i32 to index
      %swap3A_1057 = arith.constant 48 : index
      %swap3A_1058 = tpu.vector_load %arg12[%swap3A_1056, %swap3A_1057] {strides = array<i32>} : memref<65x64xf32, #tpu.memory_space<vmem>>, vector<1x16xf32>,
      %swap3A_1059 = vector.shape_cast %swap3A_1058 : vector<1x16xf32> to vector<16xf32>
      %swap3A_1060 = vector.shape_cast %max3A_1055 : vector<16xf32> to vector<1x16xf32>
      tpu.vector_store %arg12[%swap3A_1056, %swap3A_1057], %swap3A_1060 {strides = array<i32>} : memref<65x64xf32, #tpu.memory_space<vmem>>, vector<1x16xf32>,
      %get3A_1061 = arith.index_cast %squeeze3A_956 : i32 to index
      %get3A_1062 = arith.constant 0 : index
      %get3A_1063 = tpu.vector_load %arg13[%get3A_1061, %get3A_1062] {strides = array<i32>} : memref<65x64xf32, #tpu.memory_space<vmem>>, vector<1x16xf32>,
      %get3A_1064 = vector.shape_cast %get3A_1063 : vector<1x16xf32> to vector<16xf32>
      %add3A_1065 = arith.constant 1.000000e+00 : f32
      %add3A_1066 = vector.broadcast %add3A_1065 : f32 to vector<16xf32>
      %add3A_1067 = arith.addf %get3A_1064, %add3A_1066 : vector<16xf32>
      %swap3A_1068 = arith.index_cast %squeeze3A_956 : i32 to index
      %swap3A_1069 = arith.constant 0 : index
      %swap3A_1070 = tpu.vector_load %arg13[%swap3A_1068, %swap3A_1069] {strides = array<i32>} : memref<65x64xf32, #tpu.memory_space<vmem>>, vector<1x16xf32>,
      %swap3A_1071 = vector.shape_cast %swap3A_1070 : vector<1x16xf32> to vector<16xf32>
      %swap3A_1072 = vector.shape_cast %add3A_1067 : vector<16xf32> to vector<1x16xf32>
      tpu.vector_store %arg13[%swap3A_1068, %swap3A_1069], %swap3A_1072 {strides = array<i32>} : memref<65x64xf32, #tpu.memory_space<vmem>>, vector<1x16xf32>,
      %slice3A_1073 = vector.extract_strided_slice %get3A_14 {offsets = [9], sizes = [1], strides = [1]} : vector<16xi32> to vector<1xi32>
      %squeeze3A_1074 = vector.extract %slice3A_1073[0] : i32 from vector<1xi32>
      %add3A_1075 = arith.constant 4 : i32
      %add3A_1076 = arith.addi %mul3A_12, %add3A_1075 : i32
      %get3A_1077 = arith.index_cast %add3A_1076 : i32 to index
      %get3A_1078 = arith.constant 64 : index
      %get3A_1079 = tpu.vector_load %arg9[%get3A_1077, %get3A_1078] {strides = array<i32>} : memref<160x128xf32, #tpu.memory_space<vmem>>, vector<1x16xf32>,
      %get3A_1080 = vector.shape_cast %get3A_1079 : vector<1x16xf32> to vector<16xf32>
      %get3A_1081 = arith.index_cast %squeeze3A_1074 : i32 to index
      %get3A_1082 = arith.constant 0 : index
      %get3A_1083 = tpu.vector_load %arg11[%get3A_1081, %get3A_1082] {strides = array<i32>} : memref<65x64xf32, #tpu.memory_space<vmem>>, vector<1x16xf32>,
      %get3A_1084 = vector.shape_cast %get3A_1083 : vector<1x16xf32> to vector<16xf32>
      %add3A_1085 = arith.addf %get3A_1084, %get3A_1080 : vector<16xf32>
      %swap3A_1086 = arith.index_cast %squeeze3A_1074 : i32 to index
      %swap3A_1087 = arith.constant 0 : index
      %swap3A_1088 = tpu.vector_load %arg11[%swap3A_1086, %swap3A_1087] {strides = array<i32>} : memref<65x64xf32, #tpu.memory_space<vmem>>, vector<1x16xf32>,
      %swap3A_1089 = vector.shape_cast %swap3A_1088 : vector<1x16xf32> to vector<16xf32>
      %swap3A_1090 = vector.shape_cast %add3A_1085 : vector<16xf32> to vector<1x16xf32>
      tpu.vector_store %arg11[%swap3A_1086, %swap3A_1087], %swap3A_1090 {strides = array<i32>} : memref<65x64xf32, #tpu.memory_space<vmem>>, vector<1x16xf32>,
      %get3A_1091 = arith.index_cast %squeeze3A_1074 : i32 to index
      %get3A_1092 = arith.constant 0 : index
      %get3A_1093 = tpu.vector_load %arg12[%get3A_1091, %get3A_1092] {strides = array<i32>} : memref<65x64xf32, #tpu.memory_space<vmem>>, vector<1x16xf32>,
      %get3A_1094 = vector.shape_cast %get3A_1093 : vector<1x16xf32> to vector<16xf32>
      %max3A_1095 = arith.maximumf %get3A_1094, %get3A_1080 : vector<16xf32>
      %swap3A_1096 = arith.index_cast %squeeze3A_1074 : i32 to index
      %swap3A_1097 = arith.constant 0 : index
      %swap3A_1098 = tpu.vector_load %arg12[%swap3A_1096, %swap3A_1097] {strides = array<i32>} : memref<65x64xf32, #tpu.memory_space<vmem>>, vector<1x16xf32>,
      %swap3A_1099 = vector.shape_cast %swap3A_1098 : vector<1x16xf32> to vector<16xf32>
      %swap3A_1100 = vector.shape_cast %max3A_1095 : vector<16xf32> to vector<1x16xf32>
      tpu.vector_store %arg12[%swap3A_1096, %swap3A_1097], %swap3A_1100 {strides = array<i32>} : memref<65x64xf32, #tpu.memory_space<vmem>>, vector<1x16xf32>,
      %add3A_1101 = arith.constant 4 : i32
      %add3A_1102 = arith.addi %mul3A_12, %add3A_1101 : i32
      %get3A_1103 = arith.index_cast %add3A_1102 : i32 to index
      %get3A_1104 = arith.constant 80 : index
      %get3A_1105 = tpu.vector_load %arg9[%get3A_1103, %get3A_1104] {strides = array<i32>} : memref<160x128xf32, #tpu.memory_space<vmem>>, vector<1x16xf32>,
      %get3A_1106 = vector.shape_cast %get3A_1105 : vector<1x16xf32> to vector<16xf32>
      %get3A_1107 = arith.index_cast %squeeze3A_1074 : i32 to index
      %get3A_1108 = arith.constant 16 : index
      %get3A_1109 = tpu.vector_load %arg11[%get3A_1107, %get3A_1108] {strides = array<i32>} : memref<65x64xf32, #tpu.memory_space<vmem>>, vector<1x16xf32>,
      %get3A_1110 = vector.shape_cast %get3A_1109 : vector<1x16xf32> to vector<16xf32>
      %add3A_1111 = arith.addf %get3A_1110, %get3A_1106 : vector<16xf32>
      %swap3A_1112 = arith.index_cast %squeeze3A_1074 : i32 to index
      %swap3A_1113 = arith.constant 16 : index
      %swap3A_1114 = tpu.vector_load %arg11[%swap3A_1112, %swap3A_1113] {strides = array<i32>} : memref<65x64xf32, #tpu.memory_space<vmem>>, vector<1x16xf32>,
      %swap3A_1115 = vector.shape_cast %swap3A_1114 : vector<1x16xf32> to vector<16xf32>
      %swap3A_1116 = vector.shape_cast %add3A_1111 : vector<16xf32> to vector<1x16xf32>
      tpu.vector_store %arg11[%swap3A_1112, %swap3A_1113], %swap3A_1116 {strides = array<i32>} : memref<65x64xf32, #tpu.memory_space<vmem>>, vector<1x16xf32>,
      %get3A_1117 = arith.index_cast %squeeze3A_1074 : i32 to index
      %get3A_1118 = arith.constant 16 : index
      %get3A_1119 = tpu.vector_load %arg12[%get3A_1117, %get3A_1118] {strides = array<i32>} : memref<65x64xf32, #tpu.memory_space<vmem>>, vector<1x16xf32>,
      %get3A_1120 = vector.shape_cast %get3A_1119 : vector<1x16xf32> to vector<16xf32>
      %max3A_1121 = arith.maximumf %get3A_1120, %get3A_1106 : vector<16xf32>
      %swap3A_1122 = arith.index_cast %squeeze3A_1074 : i32 to index
      %swap3A_1123 = arith.constant 16 : index
      %swap3A_1124 = tpu.vector_load %arg12[%swap3A_1122, %swap3A_1123] {strides = array<i32>} : memref<65x64xf32, #tpu.memory_space<vmem>>, vector<1x16xf32>,
      %swap3A_1125 = vector.shape_cast %swap3A_1124 : vector<1x16xf32> to vector<16xf32>
      %swap3A_1126 = vector.shape_cast %max3A_1121 : vector<16xf32> to vector<1x16xf32>
      tpu.vector_store %arg12[%swap3A_1122, %swap3A_1123], %swap3A_1126 {strides = array<i32>} : memref<65x64xf32, #tpu.memory_space<vmem>>, vector<1x16xf32>,
      %add3A_1127 = arith.constant 4 : i32
      %add3A_1128 = arith.addi %mul3A_12, %add3A_1127 : i32
      %get3A_1129 = arith.index_cast %add3A_1128 : i32 to index
      %get3A_1130 = arith.constant 96 : index
      %get3A_1131 = tpu.vector_load %arg9[%get3A_1129, %get3A_1130] {strides = array<i32>} : memref<160x128xf32, #tpu.memory_space<vmem>>, vector<1x16xf32>,
      %get3A_1132 = vector.shape_cast %get3A_1131 : vector<1x16xf32> to vector<16xf32>
      %get3A_1133 = arith.index_cast %squeeze3A_1074 : i32 to index
      %get3A_1134 = arith.constant 32 : index
      %get3A_1135 = tpu.vector_load %arg11[%get3A_1133, %get3A_1134] {strides = array<i32>} : memref<65x64xf32, #tpu.memory_space<vmem>>, vector<1x16xf32>,
      %get3A_1136 = vector.shape_cast %get3A_1135 : vector<1x16xf32> to vector<16xf32>
      %add3A_1137 = arith.addf %get3A_1136, %get3A_1132 : vector<16xf32>
      %swap3A_1138 = arith.index_cast %squeeze3A_1074 : i32 to index
      %swap3A_1139 = arith.constant 32 : index
      %swap3A_1140 = tpu.vector_load %arg11[%swap3A_1138, %swap3A_1139] {strides = array<i32>} : memref<65x64xf32, #tpu.memory_space<vmem>>, vector<1x16xf32>,
      %swap3A_1141 = vector.shape_cast %swap3A_1140 : vector<1x16xf32> to vector<16xf32>
      %swap3A_1142 = vector.shape_cast %add3A_1137 : vector<16xf32> to vector<1x16xf32>
      tpu.vector_store %arg11[%swap3A_1138, %swap3A_1139], %swap3A_1142 {strides = array<i32>} : memref<65x64xf32, #tpu.memory_space<vmem>>, vector<1x16xf32>,
      %get3A_1143 = arith.index_cast %squeeze3A_1074 : i32 to index
      %get3A_1144 = arith.constant 32 : index
      %get3A_1145 = tpu.vector_load %arg12[%get3A_1143, %get3A_1144] {strides = array<i32>} : memref<65x64xf32, #tpu.memory_space<vmem>>, vector<1x16xf32>,
      %get3A_1146 = vector.shape_cast %get3A_1145 : vector<1x16xf32> to vector<16xf32>
      %max3A_1147 = arith.maximumf %get3A_1146, %get3A_1132 : vector<16xf32>
      %swap3A_1148 = arith.index_cast %squeeze3A_1074 : i32 to index
      %swap3A_1149 = arith.constant 32 : index
      %swap3A_1150 = tpu.vector_load %arg12[%swap3A_1148, %swap3A_1149] {strides = array<i32>} : memref<65x64xf32, #tpu.memory_space<vmem>>, vector<1x16xf32>,
      %swap3A_1151 = vector.shape_cast %swap3A_1150 : vector<1x16xf32> to vector<16xf32>
      %swap3A_1152 = vector.shape_cast %max3A_1147 : vector<16xf32> to vector<1x16xf32>
      tpu.vector_store %arg12[%swap3A_1148, %swap3A_1149], %swap3A_1152 {strides = array<i32>} : memref<65x64xf32, #tpu.memory_space<vmem>>, vector<1x16xf32>,
      %add3A_1153 = arith.constant 4 : i32
      %add3A_1154 = arith.addi %mul3A_12, %add3A_1153 : i32
      %get3A_1155 = arith.index_cast %add3A_1154 : i32 to index
      %get3A_1156 = arith.constant 112 : index
      %get3A_1157 = tpu.vector_load %arg9[%get3A_1155, %get3A_1156] {strides = array<i32>} : memref<160x128xf32, #tpu.memory_space<vmem>>, vector<1x16xf32>,
      %get3A_1158 = vector.shape_cast %get3A_1157 : vector<1x16xf32> to vector<16xf32>
      %get3A_1159 = arith.index_cast %squeeze3A_1074 : i32 to index
      %get3A_1160 = arith.constant 48 : index
      %get3A_1161 = tpu.vector_load %arg11[%get3A_1159, %get3A_1160] {strides = array<i32>} : memref<65x64xf32, #tpu.memory_space<vmem>>, vector<1x16xf32>,
      %get3A_1162 = vector.shape_cast %get3A_1161 : vector<1x16xf32> to vector<16xf32>
      %add3A_1163 = arith.addf %get3A_1162, %get3A_1158 : vector<16xf32>
      %swap3A_1164 = arith.index_cast %squeeze3A_1074 : i32 to index
      %swap3A_1165 = arith.constant 48 : index
      %swap3A_1166 = tpu.vector_load %arg11[%swap3A_1164, %swap3A_1165] {strides = array<i32>} : memref<65x64xf32, #tpu.memory_space<vmem>>, vector<1x16xf32>,
      %swap3A_1167 = vector.shape_cast %swap3A_1166 : vector<1x16xf32> to vector<16xf32>
      %swap3A_1168 = vector.shape_cast %add3A_1163 : vector<16xf32> to vector<1x16xf32>
      tpu.vector_store %arg11[%swap3A_1164, %swap3A_1165], %swap3A_1168 {strides = array<i32>} : memref<65x64xf32, #tpu.memory_space<vmem>>, vector<1x16xf32>,
      %get3A_1169 = arith.index_cast %squeeze3A_1074 : i32 to index
      %get3A_1170 = arith.constant 48 : index
      %get3A_1171 = tpu.vector_load %arg12[%get3A_1169, %get3A_1170] {strides = array<i32>} : memref<65x64xf32, #tpu.memory_space<vmem>>, vector<1x16xf32>,
      %get3A_1172 = vector.shape_cast %get3A_1171 : vector<1x16xf32> to vector<16xf32>
      %max3A_1173 = arith.maximumf %get3A_1172, %get3A_1158 : vector<16xf32>
      %swap3A_1174 = arith.index_cast %squeeze3A_1074 : i32 to index
      %swap3A_1175 = arith.constant 48 : index
      %swap3A_1176 = tpu.vector_load %arg12[%swap3A_1174, %swap3A_1175] {strides = array<i32>} : memref<65x64xf32, #tpu.memory_space<vmem>>, vector<1x16xf32>,
      %swap3A_1177 = vector.shape_cast %swap3A_1176 : vector<1x16xf32> to vector<16xf32>
      %swap3A_1178 = vector.shape_cast %max3A_1173 : vector<16xf32> to vector<1x16xf32>
      tpu.vector_store %arg12[%swap3A_1174, %swap3A_1175], %swap3A_1178 {strides = array<i32>} : memref<65x64xf32, #tpu.memory_space<vmem>>, vector<1x16xf32>,
      %get3A_1179 = arith.index_cast %squeeze3A_1074 : i32 to index
      %get3A_1180 = arith.constant 0 : index
      %get3A_1181 = tpu.vector_load %arg13[%get3A_1179, %get3A_1180] {strides = array<i32>} : memref<65x64xf32, #tpu.memory_space<vmem>>, vector<1x16xf32>,
      %get3A_1182 = vector.shape_cast %get3A_1181 : vector<1x16xf32> to vector<16xf32>
      %add3A_1183 = arith.constant 1.000000e+00 : f32
      %add3A_1184 = vector.broadcast %add3A_1183 : f32 to vector<16xf32>
      %add3A_1185 = arith.addf %get3A_1182, %add3A_1184 : vector<16xf32>
      %swap3A_1186 = arith.index_cast %squeeze3A_1074 : i32 to index
      %swap3A_1187 = arith.constant 0 : index
      %swap3A_1188 = tpu.vector_load %arg13[%swap3A_1186, %swap3A_1187] {strides = array<i32>} : memref<65x64xf32, #tpu.memory_space<vmem>>, vector<1x16xf32>,
      %swap3A_1189 = vector.shape_cast %swap3A_1188 : vector<1x16xf32> to vector<16xf32>
      %swap3A_1190 = vector.shape_cast %add3A_1185 : vector<16xf32> to vector<1x16xf32>
      tpu.vector_store %arg13[%swap3A_1186, %swap3A_1187], %swap3A_1190 {strides = array<i32>} : memref<65x64xf32, #tpu.memory_space<vmem>>, vector<1x16xf32>,
      %slice3A_1191 = vector.extract_strided_slice %get3A_14 {offsets = [10], sizes = [1], strides = [1]} : vector<16xi32> to vector<1xi32>
      %squeeze3A_1192 = vector.extract %slice3A_1191[0] : i32 from vector<1xi32>
      %add3A_1193 = arith.constant 5 : i32
      %add3A_1194 = arith.addi %mul3A_12, %add3A_1193 : i32
      %get3A_1195 = arith.index_cast %add3A_1194 : i32 to index
      %get3A_1196 = arith.constant 0 : index
      %get3A_1197 = tpu.vector_load %arg9[%get3A_1195, %get3A_1196] {strides = array<i32>} : memref<160x128xf32, #tpu.memory_space<vmem>>, vector<1x16xf32>,
      %get3A_1198 = vector.shape_cast %get3A_1197 : vector<1x16xf32> to vector<16xf32>
      %get3A_1199 = arith.index_cast %squeeze3A_1192 : i32 to index
      %get3A_1200 = arith.constant 0 : index
      %get3A_1201 = tpu.vector_load %arg11[%get3A_1199, %get3A_1200] {strides = array<i32>} : memref<65x64xf32, #tpu.memory_space<vmem>>, vector<1x16xf32>,
      %get3A_1202 = vector.shape_cast %get3A_1201 : vector<1x16xf32> to vector<16xf32>
      %add3A_1203 = arith.addf %get3A_1202, %get3A_1198 : vector<16xf32>
      %swap3A_1204 = arith.index_cast %squeeze3A_1192 : i32 to index
      %swap3A_1205 = arith.constant 0 : index
      %swap3A_1206 = tpu.vector_load %arg11[%swap3A_1204, %swap3A_1205] {strides = array<i32>} : memref<65x64xf32, #tpu.memory_space<vmem>>, vector<1x16xf32>,
      %swap3A_1207 = vector.shape_cast %swap3A_1206 : vector<1x16xf32> to vector<16xf32>
      %swap3A_1208 = vector.shape_cast %add3A_1203 : vector<16xf32> to vector<1x16xf32>
      tpu.vector_store %arg11[%swap3A_1204, %swap3A_1205], %swap3A_1208 {strides = array<i32>} : memref<65x64xf32, #tpu.memory_space<vmem>>, vector<1x16xf32>,
      %get3A_1209 = arith.index_cast %squeeze3A_1192 : i32 to index
      %get3A_1210 = arith.constant 0 : index
      %get3A_1211 = tpu.vector_load %arg12[%get3A_1209, %get3A_1210] {strides = array<i32>} : memref<65x64xf32, #tpu.memory_space<vmem>>, vector<1x16xf32>,
      %get3A_1212 = vector.shape_cast %get3A_1211 : vector<1x16xf32> to vector<16xf32>
      %max3A_1213 = arith.maximumf %get3A_1212, %get3A_1198 : vector<16xf32>
      %swap3A_1214 = arith.index_cast %squeeze3A_1192 : i32 to index
      %swap3A_1215 = arith.constant 0 : index
      %swap3A_1216 = tpu.vector_load %arg12[%swap3A_1214, %swap3A_1215] {strides = array<i32>} : memref<65x64xf32, #tpu.memory_space<vmem>>, vector<1x16xf32>,
      %swap3A_1217 = vector.shape_cast %swap3A_1216 : vector<1x16xf32> to vector<16xf32>
      %swap3A_1218 = vector.shape_cast %max3A_1213 : vector<16xf32> to vector<1x16xf32>
      tpu.vector_store %arg12[%swap3A_1214, %swap3A_1215], %swap3A_1218 {strides = array<i32>} : memref<65x64xf32, #tpu.memory_space<vmem>>, vector<1x16xf32>,
      %add3A_1219 = arith.constant 5 : i32
      %add3A_1220 = arith.addi %mul3A_12, %add3A_1219 : i32
      %get3A_1221 = arith.index_cast %add3A_1220 : i32 to index
      %get3A_1222 = arith.constant 16 : index
      %get3A_1223 = tpu.vector_load %arg9[%get3A_1221, %get3A_1222] {strides = array<i32>} : memref<160x128xf32, #tpu.memory_space<vmem>>, vector<1x16xf32>,
      %get3A_1224 = vector.shape_cast %get3A_1223 : vector<1x16xf32> to vector<16xf32>
      %get3A_1225 = arith.index_cast %squeeze3A_1192 : i32 to index
      %get3A_1226 = arith.constant 16 : index
      %get3A_1227 = tpu.vector_load %arg11[%get3A_1225, %get3A_1226] {strides = array<i32>} : memref<65x64xf32, #tpu.memory_space<vmem>>, vector<1x16xf32>,
      %get3A_1228 = vector.shape_cast %get3A_1227 : vector<1x16xf32> to vector<16xf32>
      %add3A_1229 = arith.addf %get3A_1228, %get3A_1224 : vector<16xf32>
      %swap3A_1230 = arith.index_cast %squeeze3A_1192 : i32 to index
      %swap3A_1231 = arith.constant 16 : index
      %swap3A_1232 = tpu.vector_load %arg11[%swap3A_1230, %swap3A_1231] {strides = array<i32>} : memref<65x64xf32, #tpu.memory_space<vmem>>, vector<1x16xf32>,
      %swap3A_1233 = vector.shape_cast %swap3A_1232 : vector<1x16xf32> to vector<16xf32>
      %swap3A_1234 = vector.shape_cast %add3A_1229 : vector<16xf32> to vector<1x16xf32>
      tpu.vector_store %arg11[%swap3A_1230, %swap3A_1231], %swap3A_1234 {strides = array<i32>} : memref<65x64xf32, #tpu.memory_space<vmem>>, vector<1x16xf32>,
      %get3A_1235 = arith.index_cast %squeeze3A_1192 : i32 to index
      %get3A_1236 = arith.constant 16 : index
      %get3A_1237 = tpu.vector_load %arg12[%get3A_1235, %get3A_1236] {strides = array<i32>} : memref<65x64xf32, #tpu.memory_space<vmem>>, vector<1x16xf32>,
      %get3A_1238 = vector.shape_cast %get3A_1237 : vector<1x16xf32> to vector<16xf32>
      %max3A_1239 = arith.maximumf %get3A_1238, %get3A_1224 : vector<16xf32>
      %swap3A_1240 = arith.index_cast %squeeze3A_1192 : i32 to index
      %swap3A_1241 = arith.constant 16 : index
      %swap3A_1242 = tpu.vector_load %arg12[%swap3A_1240, %swap3A_1241] {strides = array<i32>} : memref<65x64xf32, #tpu.memory_space<vmem>>, vector<1x16xf32>,
      %swap3A_1243 = vector.shape_cast %swap3A_1242 : vector<1x16xf32> to vector<16xf32>
      %swap3A_1244 = vector.shape_cast %max3A_1239 : vector<16xf32> to vector<1x16xf32>
      tpu.vector_store %arg12[%swap3A_1240, %swap3A_1241], %swap3A_1244 {strides = array<i32>} : memref<65x64xf32, #tpu.memory_space<vmem>>, vector<1x16xf32>,
      %add3A_1245 = arith.constant 5 : i32
      %add3A_1246 = arith.addi %mul3A_12, %add3A_1245 : i32
      %get3A_1247 = arith.index_cast %add3A_1246 : i32 to index
      %get3A_1248 = arith.constant 32 : index
      %get3A_1249 = tpu.vector_load %arg9[%get3A_1247, %get3A_1248] {strides = array<i32>} : memref<160x128xf32, #tpu.memory_space<vmem>>, vector<1x16xf32>,
      %get3A_1250 = vector.shape_cast %get3A_1249 : vector<1x16xf32> to vector<16xf32>
      %get3A_1251 = arith.index_cast %squeeze3A_1192 : i32 to index
      %get3A_1252 = arith.constant 32 : index
      %get3A_1253 = tpu.vector_load %arg11[%get3A_1251, %get3A_1252] {strides = array<i32>} : memref<65x64xf32, #tpu.memory_space<vmem>>, vector<1x16xf32>,
      %get3A_1254 = vector.shape_cast %get3A_1253 : vector<1x16xf32> to vector<16xf32>
      %add3A_1255 = arith.addf %get3A_1254, %get3A_1250 : vector<16xf32>
      %swap3A_1256 = arith.index_cast %squeeze3A_1192 : i32 to index
      %swap3A_1257 = arith.constant 32 : index
      %swap3A_1258 = tpu.vector_load %arg11[%swap3A_1256, %swap3A_1257] {strides = array<i32>} : memref<65x64xf32, #tpu.memory_space<vmem>>, vector<1x16xf32>,
      %swap3A_1259 = vector.shape_cast %swap3A_1258 : vector<1x16xf32> to vector<16xf32>
      %swap3A_1260 = vector.shape_cast %add3A_1255 : vector<16xf32> to vector<1x16xf32>
      tpu.vector_store %arg11[%swap3A_1256, %swap3A_1257], %swap3A_1260 {strides = array<i32>} : memref<65x64xf32, #tpu.memory_space<vmem>>, vector<1x16xf32>,
      %get3A_1261 = arith.index_cast %squeeze3A_1192 : i32 to index
      %get3A_1262 = arith.constant 32 : index
      %get3A_1263 = tpu.vector_load %arg12[%get3A_1261, %get3A_1262] {strides = array<i32>} : memref<65x64xf32, #tpu.memory_space<vmem>>, vector<1x16xf32>,
      %get3A_1264 = vector.shape_cast %get3A_1263 : vector<1x16xf32> to vector<16xf32>
      %max3A_1265 = arith.maximumf %get3A_1264, %get3A_1250 : vector<16xf32>
      %swap3A_1266 = arith.index_cast %squeeze3A_1192 : i32 to index
      %swap3A_1267 = arith.constant 32 : index
      %swap3A_1268 = tpu.vector_load %arg12[%swap3A_1266, %swap3A_1267] {strides = array<i32>} : memref<65x64xf32, #tpu.memory_space<vmem>>, vector<1x16xf32>,
      %swap3A_1269 = vector.shape_cast %swap3A_1268 : vector<1x16xf32> to vector<16xf32>
      %swap3A_1270 = vector.shape_cast %max3A_1265 : vector<16xf32> to vector<1x16xf32>
      tpu.vector_store %arg12[%swap3A_1266, %swap3A_1267], %swap3A_1270 {strides = array<i32>} : memref<65x64xf32, #tpu.memory_space<vmem>>, vector<1x16xf32>,
      %add3A_1271 = arith.constant 5 : i32
      %add3A_1272 = arith.addi %mul3A_12, %add3A_1271 : i32
      %get3A_1273 = arith.index_cast %add3A_1272 : i32 to index
      %get3A_1274 = arith.constant 48 : index
      %get3A_1275 = tpu.vector_load %arg9[%get3A_1273, %get3A_1274] {strides = array<i32>} : memref<160x128xf32, #tpu.memory_space<vmem>>, vector<1x16xf32>,
      %get3A_1276 = vector.shape_cast %get3A_1275 : vector<1x16xf32> to vector<16xf32>
      %get3A_1277 = arith.index_cast %squeeze3A_1192 : i32 to index
      %get3A_1278 = arith.constant 48 : index
      %get3A_1279 = tpu.vector_load %arg11[%get3A_1277, %get3A_1278] {strides = array<i32>} : memref<65x64xf32, #tpu.memory_space<vmem>>, vector<1x16xf32>,
      %get3A_1280 = vector.shape_cast %get3A_1279 : vector<1x16xf32> to vector<16xf32>
      %add3A_1281 = arith.addf %get3A_1280, %get3A_1276 : vector<16xf32>
      %swap3A_1282 = arith.index_cast %squeeze3A_1192 : i32 to index
      %swap3A_1283 = arith.constant 48 : index
      %swap3A_1284 = tpu.vector_load %arg11[%swap3A_1282, %swap3A_1283] {strides = array<i32>} : memref<65x64xf32, #tpu.memory_space<vmem>>, vector<1x16xf32>,
      %swap3A_1285 = vector.shape_cast %swap3A_1284 : vector<1x16xf32> to vector<16xf32>
      %swap3A_1286 = vector.shape_cast %add3A_1281 : vector<16xf32> to vector<1x16xf32>
      tpu.vector_store %arg11[%swap3A_1282, %swap3A_1283], %swap3A_1286 {strides = array<i32>} : memref<65x64xf32, #tpu.memory_space<vmem>>, vector<1x16xf32>,
      %get3A_1287 = arith.index_cast %squeeze3A_1192 : i32 to index
      %get3A_1288 = arith.constant 48 : index
      %get3A_1289 = tpu.vector_load %arg12[%get3A_1287, %get3A_1288] {strides = array<i32>} : memref<65x64xf32, #tpu.memory_space<vmem>>, vector<1x16xf32>,
      %get3A_1290 = vector.shape_cast %get3A_1289 : vector<1x16xf32> to vector<16xf32>
      %max3A_1291 = arith.maximumf %get3A_1290, %get3A_1276 : vector<16xf32>
      %swap3A_1292 = arith.index_cast %squeeze3A_1192 : i32 to index
      %swap3A_1293 = arith.constant 48 : index
      %swap3A_1294 = tpu.vector_load %arg12[%swap3A_1292, %swap3A_1293] {strides = array<i32>} : memref<65x64xf32, #tpu.memory_space<vmem>>, vector<1x16xf32>,
      %swap3A_1295 = vector.shape_cast %swap3A_1294 : vector<1x16xf32> to vector<16xf32>
      %swap3A_1296 = vector.shape_cast %max3A_1291 : vector<16xf32> to vector<1x16xf32>
      tpu.vector_store %arg12[%swap3A_1292, %swap3A_1293], %swap3A_1296 {strides = array<i32>} : memref<65x64xf32, #tpu.memory_space<vmem>>, vector<1x16xf32>,
      %get3A_1297 = arith.index_cast %squeeze3A_1192 : i32 to index
      %get3A_1298 = arith.constant 0 : index
      %get3A_1299 = tpu.vector_load %arg13[%get3A_1297, %get3A_1298] {strides = array<i32>} : memref<65x64xf32, #tpu.memory_space<vmem>>, vector<1x16xf32>,
      %get3A_1300 = vector.shape_cast %get3A_1299 : vector<1x16xf32> to vector<16xf32>
      %add3A_1301 = arith.constant 1.000000e+00 : f32
      %add3A_1302 = vector.broadcast %add3A_1301 : f32 to vector<16xf32>
      %add3A_1303 = arith.addf %get3A_1300, %add3A_1302 : vector<16xf32>
      %swap3A_1304 = arith.index_cast %squeeze3A_1192 : i32 to index
      %swap3A_1305 = arith.constant 0 : index
      %swap3A_1306 = tpu.vector_load %arg13[%swap3A_1304, %swap3A_1305] {strides = array<i32>} : memref<65x64xf32, #tpu.memory_space<vmem>>, vector<1x16xf32>,
      %swap3A_1307 = vector.shape_cast %swap3A_1306 : vector<1x16xf32> to vector<16xf32>
      %swap3A_1308 = vector.shape_cast %add3A_1303 : vector<16xf32> to vector<1x16xf32>
      tpu.vector_store %arg13[%swap3A_1304, %swap3A_1305], %swap3A_1308 {strides = array<i32>} : memref<65x64xf32, #tpu.memory_space<vmem>>, vector<1x16xf32>,
      %slice3A_1309 = vector.extract_strided_slice %get3A_14 {offsets = [11], sizes = [1], strides = [1]} : vector<16xi32> to vector<1xi32>
      %squeeze3A_1310 = vector.extract %slice3A_1309[0] : i32 from vector<1xi32>
      %add3A_1311 = arith.constant 5 : i32
      %add3A_1312 = arith.addi %mul3A_12, %add3A_1311 : i32
      %get3A_1313 = arith.index_cast %add3A_1312 : i32 to index
      %get3A_1314 = arith.constant 64 : index
      %get3A_1315 = tpu.vector_load %arg9[%get3A_1313, %get3A_1314] {strides = array<i32>} : memref<160x128xf32, #tpu.memory_space<vmem>>, vector<1x16xf32>,
      %get3A_1316 = vector.shape_cast %get3A_1315 : vector<1x16xf32> to vector<16xf32>
      %get3A_1317 = arith.index_cast %squeeze3A_1310 : i32 to index
      %get3A_1318 = arith.constant 0 : index
      %get3A_1319 = tpu.vector_load %arg11[%get3A_1317, %get3A_1318] {strides = array<i32>} : memref<65x64xf32, #tpu.memory_space<vmem>>, vector<1x16xf32>,
      %get3A_1320 = vector.shape_cast %get3A_1319 : vector<1x16xf32> to vector<16xf32>
      %add3A_1321 = arith.addf %get3A_1320, %get3A_1316 : vector<16xf32>
      %swap3A_1322 = arith.index_cast %squeeze3A_1310 : i32 to index
      %swap3A_1323 = arith.constant 0 : index
      %swap3A_1324 = tpu.vector_load %arg11[%swap3A_1322, %swap3A_1323] {strides = array<i32>} : memref<65x64xf32, #tpu.memory_space<vmem>>, vector<1x16xf32>,
      %swap3A_1325 = vector.shape_cast %swap3A_1324 : vector<1x16xf32> to vector<16xf32>
      %swap3A_1326 = vector.shape_cast %add3A_1321 : vector<16xf32> to vector<1x16xf32>
      tpu.vector_store %arg11[%swap3A_1322, %swap3A_1323], %swap3A_1326 {strides = array<i32>} : memref<65x64xf32, #tpu.memory_space<vmem>>, vector<1x16xf32>,
      %get3A_1327 = arith.index_cast %squeeze3A_1310 : i32 to index
      %get3A_1328 = arith.constant 0 : index
      %get3A_1329 = tpu.vector_load %arg12[%get3A_1327, %get3A_1328] {strides = array<i32>} : memref<65x64xf32, #tpu.memory_space<vmem>>, vector<1x16xf32>,
      %get3A_1330 = vector.shape_cast %get3A_1329 : vector<1x16xf32> to vector<16xf32>
      %max3A_1331 = arith.maximumf %get3A_1330, %get3A_1316 : vector<16xf32>
      %swap3A_1332 = arith.index_cast %squeeze3A_1310 : i32 to index
      %swap3A_1333 = arith.constant 0 : index
      %swap3A_1334 = tpu.vector_load %arg12[%swap3A_1332, %swap3A_1333] {strides = array<i32>} : memref<65x64xf32, #tpu.memory_space<vmem>>, vector<1x16xf32>,
      %swap3A_1335 = vector.shape_cast %swap3A_1334 : vector<1x16xf32> to vector<16xf32>
      %swap3A_1336 = vector.shape_cast %max3A_1331 : vector<16xf32> to vector<1x16xf32>
      tpu.vector_store %arg12[%swap3A_1332, %swap3A_1333], %swap3A_1336 {strides = array<i32>} : memref<65x64xf32, #tpu.memory_space<vmem>>, vector<1x16xf32>,
      %add3A_1337 = arith.constant 5 : i32
      %add3A_1338 = arith.addi %mul3A_12, %add3A_1337 : i32
      %get3A_1339 = arith.index_cast %add3A_1338 : i32 to index
      %get3A_1340 = arith.constant 80 : index
      %get3A_1341 = tpu.vector_load %arg9[%get3A_1339, %get3A_1340] {strides = array<i32>} : memref<160x128xf32, #tpu.memory_space<vmem>>, vector<1x16xf32>,
      %get3A_1342 = vector.shape_cast %get3A_1341 : vector<1x16xf32> to vector<16xf32>
      %get3A_1343 = arith.index_cast %squeeze3A_1310 : i32 to index
      %get3A_1344 = arith.constant 16 : index
      %get3A_1345 = tpu.vector_load %arg11[%get3A_1343, %get3A_1344] {strides = array<i32>} : memref<65x64xf32, #tpu.memory_space<vmem>>, vector<1x16xf32>,
      %get3A_1346 = vector.shape_cast %get3A_1345 : vector<1x16xf32> to vector<16xf32>
      %add3A_1347 = arith.addf %get3A_1346, %get3A_1342 : vector<16xf32>
      %swap3A_1348 = arith.index_cast %squeeze3A_1310 : i32 to index
      %swap3A_1349 = arith.constant 16 : index
      %swap3A_1350 = tpu.vector_load %arg11[%swap3A_1348, %swap3A_1349] {strides = array<i32>} : memref<65x64xf32, #tpu.memory_space<vmem>>, vector<1x16xf32>,
      %swap3A_1351 = vector.shape_cast %swap3A_1350 : vector<1x16xf32> to vector<16xf32>
      %swap3A_1352 = vector.shape_cast %add3A_1347 : vector<16xf32> to vector<1x16xf32>
      tpu.vector_store %arg11[%swap3A_1348, %swap3A_1349], %swap3A_1352 {strides = array<i32>} : memref<65x64xf32, #tpu.memory_space<vmem>>, vector<1x16xf32>,
      %get3A_1353 = arith.index_cast %squeeze3A_1310 : i32 to index
      %get3A_1354 = arith.constant 16 : index
      %get3A_1355 = tpu.vector_load %arg12[%get3A_1353, %get3A_1354] {strides = array<i32>} : memref<65x64xf32, #tpu.memory_space<vmem>>, vector<1x16xf32>,
      %get3A_1356 = vector.shape_cast %get3A_1355 : vector<1x16xf32> to vector<16xf32>
      %max3A_1357 = arith.maximumf %get3A_1356, %get3A_1342 : vector<16xf32>
      %swap3A_1358 = arith.index_cast %squeeze3A_1310 : i32 to index
      %swap3A_1359 = arith.constant 16 : index
      %swap3A_1360 = tpu.vector_load %arg12[%swap3A_1358, %swap3A_1359] {strides = array<i32>} : memref<65x64xf32, #tpu.memory_space<vmem>>, vector<1x16xf32>,
      %swap3A_1361 = vector.shape_cast %swap3A_1360 : vector<1x16xf32> to vector<16xf32>
      %swap3A_1362 = vector.shape_cast %max3A_1357 : vector<16xf32> to vector<1x16xf32>
      tpu.vector_store %arg12[%swap3A_1358, %swap3A_1359], %swap3A_1362 {strides = array<i32>} : memref<65x64xf32, #tpu.memory_space<vmem>>, vector<1x16xf32>,
      %add3A_1363 = arith.constant 5 : i32
      %add3A_1364 = arith.addi %mul3A_12, %add3A_1363 : i32
      %get3A_1365 = arith.index_cast %add3A_1364 : i32 to index
      %get3A_1366 = arith.constant 96 : index
      %get3A_1367 = tpu.vector_load %arg9[%get3A_1365, %get3A_1366] {strides = array<i32>} : memref<160x128xf32, #tpu.memory_space<vmem>>, vector<1x16xf32>,
      %get3A_1368 = vector.shape_cast %get3A_1367 : vector<1x16xf32> to vector<16xf32>
      %get3A_1369 = arith.index_cast %squeeze3A_1310 : i32 to index
      %get3A_1370 = arith.constant 32 : index
      %get3A_1371 = tpu.vector_load %arg11[%get3A_1369, %get3A_1370] {strides = array<i32>} : memref<65x64xf32, #tpu.memory_space<vmem>>, vector<1x16xf32>,
      %get3A_1372 = vector.shape_cast %get3A_1371 : vector<1x16xf32> to vector<16xf32>
      %add3A_1373 = arith.addf %get3A_1372, %get3A_1368 : vector<16xf32>
      %swap3A_1374 = arith.index_cast %squeeze3A_1310 : i32 to index
      %swap3A_1375 = arith.constant 32 : index
      %swap3A_1376 = tpu.vector_load %arg11[%swap3A_1374, %swap3A_1375] {strides = array<i32>} : memref<65x64xf32, #tpu.memory_space<vmem>>, vector<1x16xf32>,
      %swap3A_1377 = vector.shape_cast %swap3A_1376 : vector<1x16xf32> to vector<16xf32>
      %swap3A_1378 = vector.shape_cast %add3A_1373 : vector<16xf32> to vector<1x16xf32>
      tpu.vector_store %arg11[%swap3A_1374, %swap3A_1375], %swap3A_1378 {strides = array<i32>} : memref<65x64xf32, #tpu.memory_space<vmem>>, vector<1x16xf32>,
      %get3A_1379 = arith.index_cast %squeeze3A_1310 : i32 to index
      %get3A_1380 = arith.constant 32 : index
      %get3A_1381 = tpu.vector_load %arg12[%get3A_1379, %get3A_1380] {strides = array<i32>} : memref<65x64xf32, #tpu.memory_space<vmem>>, vector<1x16xf32>,
      %get3A_1382 = vector.shape_cast %get3A_1381 : vector<1x16xf32> to vector<16xf32>
      %max3A_1383 = arith.maximumf %get3A_1382, %get3A_1368 : vector<16xf32>
      %swap3A_1384 = arith.index_cast %squeeze3A_1310 : i32 to index
      %swap3A_1385 = arith.constant 32 : index
      %swap3A_1386 = tpu.vector_load %arg12[%swap3A_1384, %swap3A_1385] {strides = array<i32>} : memref<65x64xf32, #tpu.memory_space<vmem>>, vector<1x16xf32>,
      %swap3A_1387 = vector.shape_cast %swap3A_1386 : vector<1x16xf32> to vector<16xf32>
      %swap3A_1388 = vector.shape_cast %max3A_1383 : vector<16xf32> to vector<1x16xf32>
      tpu.vector_store %arg12[%swap3A_1384, %swap3A_1385], %swap3A_1388 {strides = array<i32>} : memref<65x64xf32, #tpu.memory_space<vmem>>, vector<1x16xf32>,
      %add3A_1389 = arith.constant 5 : i32
      %add3A_1390 = arith.addi %mul3A_12, %add3A_1389 : i32
      %get3A_1391 = arith.index_cast %add3A_1390 : i32 to index
      %get3A_1392 = arith.constant 112 : index
      %get3A_1393 = tpu.vector_load %arg9[%get3A_1391, %get3A_1392] {strides = array<i32>} : memref<160x128xf32, #tpu.memory_space<vmem>>, vector<1x16xf32>,
      %get3A_1394 = vector.shape_cast %get3A_1393 : vector<1x16xf32> to vector<16xf32>
      %get3A_1395 = arith.index_cast %squeeze3A_1310 : i32 to index
      %get3A_1396 = arith.constant 48 : index
      %get3A_1397 = tpu.vector_load %arg11[%get3A_1395, %get3A_1396] {strides = array<i32>} : memref<65x64xf32, #tpu.memory_space<vmem>>, vector<1x16xf32>,
      %get3A_1398 = vector.shape_cast %get3A_1397 : vector<1x16xf32> to vector<16xf32>
      %add3A_1399 = arith.addf %get3A_1398, %get3A_1394 : vector<16xf32>
      %swap3A_1400 = arith.index_cast %squeeze3A_1310 : i32 to index
      %swap3A_1401 = arith.constant 48 : index
      %swap3A_1402 = tpu.vector_load %arg11[%swap3A_1400, %swap3A_1401] {strides = array<i32>} : memref<65x64xf32, #tpu.memory_space<vmem>>, vector<1x16xf32>,
      %swap3A_1403 = vector.shape_cast %swap3A_1402 : vector<1x16xf32> to vector<16xf32>
      %swap3A_1404 = vector.shape_cast %add3A_1399 : vector<16xf32> to vector<1x16xf32>
      tpu.vector_store %arg11[%swap3A_1400, %swap3A_1401], %swap3A_1404 {strides = array<i32>} : memref<65x64xf32, #tpu.memory_space<vmem>>, vector<1x16xf32>,
      %get3A_1405 = arith.index_cast %squeeze3A_1310 : i32 to index
      %get3A_1406 = arith.constant 48 : index
      %get3A_1407 = tpu.vector_load %arg12[%get3A_1405, %get3A_1406] {strides = array<i32>} : memref<65x64xf32, #tpu.memory_space<vmem>>, vector<1x16xf32>,
      %get3A_1408 = vector.shape_cast %get3A_1407 : vector<1x16xf32> to vector<16xf32>
      %max3A_1409 = arith.maximumf %get3A_1408, %get3A_1394 : vector<16xf32>
      %swap3A_1410 = arith.index_cast %squeeze3A_1310 : i32 to index
      %swap3A_1411 = arith.constant 48 : index
      %swap3A_1412 = tpu.vector_load %arg12[%swap3A_1410, %swap3A_1411] {strides = array<i32>} : memref<65x64xf32, #tpu.memory_space<vmem>>, vector<1x16xf32>,
      %swap3A_1413 = vector.shape_cast %swap3A_1412 : vector<1x16xf32> to vector<16xf32>
      %swap3A_1414 = vector.shape_cast %max3A_1409 : vector<16xf32> to vector<1x16xf32>
      tpu.vector_store %arg12[%swap3A_1410, %swap3A_1411], %swap3A_1414 {strides = array<i32>} : memref<65x64xf32, #tpu.memory_space<vmem>>, vector<1x16xf32>,
      %get3A_1415 = arith.index_cast %squeeze3A_1310 : i32 to index
      %get3A_1416 = arith.constant 0 : index
      %get3A_1417 = tpu.vector_load %arg13[%get3A_1415, %get3A_1416] {strides = array<i32>} : memref<65x64xf32, #tpu.memory_space<vmem>>, vector<1x16xf32>,
      %get3A_1418 = vector.shape_cast %get3A_1417 : vector<1x16xf32> to vector<16xf32>
      %add3A_1419 = arith.constant 1.000000e+00 : f32
      %add3A_1420 = vector.broadcast %add3A_1419 : f32 to vector<16xf32>
      %add3A_1421 = arith.addf %get3A_1418, %add3A_1420 : vector<16xf32>
      %swap3A_1422 = arith.index_cast %squeeze3A_1310 : i32 to index
      %swap3A_1423 = arith.constant 0 : index
      %swap3A_1424 = tpu.vector_load %arg13[%swap3A_1422, %swap3A_1423] {strides = array<i32>} : memref<65x64xf32, #tpu.memory_space<vmem>>, vector<1x16xf32>,
      %swap3A_1425 = vector.shape_cast %swap3A_1424 : vector<1x16xf32> to vector<16xf32>
      %swap3A_1426 = vector.shape_cast %add3A_1421 : vector<16xf32> to vector<1x16xf32>
      tpu.vector_store %arg13[%swap3A_1422, %swap3A_1423], %swap3A_1426 {strides = array<i32>} : memref<65x64xf32, #tpu.memory_space<vmem>>, vector<1x16xf32>,
      %slice3A_1427 = vector.extract_strided_slice %get3A_14 {offsets = [12], sizes = [1], strides = [1]} : vector<16xi32> to vector<1xi32>
      %squeeze3A_1428 = vector.extract %slice3A_1427[0] : i32 from vector<1xi32>
      %add3A_1429 = arith.constant 6 : i32
      %add3A_1430 = arith.addi %mul3A_12, %add3A_1429 : i32
      %get3A_1431 = arith.index_cast %add3A_1430 : i32 to index
      %get3A_1432 = arith.constant 0 : index
      %get3A_1433 = tpu.vector_load %arg9[%get3A_1431, %get3A_1432] {strides = array<i32>} : memref<160x128xf32, #tpu.memory_space<vmem>>, vector<1x16xf32>,
      %get3A_1434 = vector.shape_cast %get3A_1433 : vector<1x16xf32> to vector<16xf32>
      %get3A_1435 = arith.index_cast %squeeze3A_1428 : i32 to index
      %get3A_1436 = arith.constant 0 : index
      %get3A_1437 = tpu.vector_load %arg11[%get3A_1435, %get3A_1436] {strides = array<i32>} : memref<65x64xf32, #tpu.memory_space<vmem>>, vector<1x16xf32>,
      %get3A_1438 = vector.shape_cast %get3A_1437 : vector<1x16xf32> to vector<16xf32>
      %add3A_1439 = arith.addf %get3A_1438, %get3A_1434 : vector<16xf32>
      %swap3A_1440 = arith.index_cast %squeeze3A_1428 : i32 to index
      %swap3A_1441 = arith.constant 0 : index
      %swap3A_1442 = tpu.vector_load %arg11[%swap3A_1440, %swap3A_1441] {strides = array<i32>} : memref<65x64xf32, #tpu.memory_space<vmem>>, vector<1x16xf32>,
      %swap3A_1443 = vector.shape_cast %swap3A_1442 : vector<1x16xf32> to vector<16xf32>
      %swap3A_1444 = vector.shape_cast %add3A_1439 : vector<16xf32> to vector<1x16xf32>
      tpu.vector_store %arg11[%swap3A_1440, %swap3A_1441], %swap3A_1444 {strides = array<i32>} : memref<65x64xf32, #tpu.memory_space<vmem>>, vector<1x16xf32>,
      %get3A_1445 = arith.index_cast %squeeze3A_1428 : i32 to index
      %get3A_1446 = arith.constant 0 : index
      %get3A_1447 = tpu.vector_load %arg12[%get3A_1445, %get3A_1446] {strides = array<i32>} : memref<65x64xf32, #tpu.memory_space<vmem>>, vector<1x16xf32>,
      %get3A_1448 = vector.shape_cast %get3A_1447 : vector<1x16xf32> to vector<16xf32>
      %max3A_1449 = arith.maximumf %get3A_1448, %get3A_1434 : vector<16xf32>
      %swap3A_1450 = arith.index_cast %squeeze3A_1428 : i32 to index
      %swap3A_1451 = arith.constant 0 : index
      %swap3A_1452 = tpu.vector_load %arg12[%swap3A_1450, %swap3A_1451] {strides = array<i32>} : memref<65x64xf32, #tpu.memory_space<vmem>>, vector<1x16xf32>,
      %swap3A_1453 = vector.shape_cast %swap3A_1452 : vector<1x16xf32> to vector<16xf32>
      %swap3A_1454 = vector.shape_cast %max3A_1449 : vector<16xf32> to vector<1x16xf32>
      tpu.vector_store %arg12[%swap3A_1450, %swap3A_1451], %swap3A_1454 {strides = array<i32>} : memref<65x64xf32, #tpu.memory_space<vmem>>, vector<1x16xf32>,
      %add3A_1455 = arith.constant 6 : i32
      %add3A_1456 = arith.addi %mul3A_12, %add3A_1455 : i32
      %get3A_1457 = arith.index_cast %add3A_1456 : i32 to index
      %get3A_1458 = arith.constant 16 : index
      %get3A_1459 = tpu.vector_load %arg9[%get3A_1457, %get3A_1458] {strides = array<i32>} : memref<160x128xf32, #tpu.memory_space<vmem>>, vector<1x16xf32>,
      %get3A_1460 = vector.shape_cast %get3A_1459 : vector<1x16xf32> to vector<16xf32>
      %get3A_1461 = arith.index_cast %squeeze3A_1428 : i32 to index
      %get3A_1462 = arith.constant 16 : index
      %get3A_1463 = tpu.vector_load %arg11[%get3A_1461, %get3A_1462] {strides = array<i32>} : memref<65x64xf32, #tpu.memory_space<vmem>>, vector<1x16xf32>,
      %get3A_1464 = vector.shape_cast %get3A_1463 : vector<1x16xf32> to vector<16xf32>
      %add3A_1465 = arith.addf %get3A_1464, %get3A_1460 : vector<16xf32>
      %swap3A_1466 = arith.index_cast %squeeze3A_1428 : i32 to index
      %swap3A_1467 = arith.constant 16 : index
      %swap3A_1468 = tpu.vector_load %arg11[%swap3A_1466, %swap3A_1467] {strides = array<i32>} : memref<65x64xf32, #tpu.memory_space<vmem>>, vector<1x16xf32>,
      %swap3A_1469 = vector.shape_cast %swap3A_1468 : vector<1x16xf32> to vector<16xf32>
      %swap3A_1470 = vector.shape_cast %add3A_1465 : vector<16xf32> to vector<1x16xf32>
      tpu.vector_store %arg11[%swap3A_1466, %swap3A_1467], %swap3A_1470 {strides = array<i32>} : memref<65x64xf32, #tpu.memory_space<vmem>>, vector<1x16xf32>,
      %get3A_1471 = arith.index_cast %squeeze3A_1428 : i32 to index
      %get3A_1472 = arith.constant 16 : index
      %get3A_1473 = tpu.vector_load %arg12[%get3A_1471, %get3A_1472] {strides = array<i32>} : memref<65x64xf32, #tpu.memory_space<vmem>>, vector<1x16xf32>,
      %get3A_1474 = vector.shape_cast %get3A_1473 : vector<1x16xf32> to vector<16xf32>
      %max3A_1475 = arith.maximumf %get3A_1474, %get3A_1460 : vector<16xf32>
      %swap3A_1476 = arith.index_cast %squeeze3A_1428 : i32 to index
      %swap3A_1477 = arith.constant 16 : index
      %swap3A_1478 = tpu.vector_load %arg12[%swap3A_1476, %swap3A_1477] {strides = array<i32>} : memref<65x64xf32, #tpu.memory_space<vmem>>, vector<1x16xf32>,
      %swap3A_1479 = vector.shape_cast %swap3A_1478 : vector<1x16xf32> to vector<16xf32>
      %swap3A_1480 = vector.shape_cast %max3A_1475 : vector<16xf32> to vector<1x16xf32>
      tpu.vector_store %arg12[%swap3A_1476, %swap3A_1477], %swap3A_1480 {strides = array<i32>} : memref<65x64xf32, #tpu.memory_space<vmem>>, vector<1x16xf32>,
      %add3A_1481 = arith.constant 6 : i32
      %add3A_1482 = arith.addi %mul3A_12, %add3A_1481 : i32
      %get3A_1483 = arith.index_cast %add3A_1482 : i32 to index
      %get3A_1484 = arith.constant 32 : index
      %get3A_1485 = tpu.vector_load %arg9[%get3A_1483, %get3A_1484] {strides = array<i32>} : memref<160x128xf32, #tpu.memory_space<vmem>>, vector<1x16xf32>,
      %get3A_1486 = vector.shape_cast %get3A_1485 : vector<1x16xf32> to vector<16xf32>
      %get3A_1487 = arith.index_cast %squeeze3A_1428 : i32 to index
      %get3A_1488 = arith.constant 32 : index
      %get3A_1489 = tpu.vector_load %arg11[%get3A_1487, %get3A_1488] {strides = array<i32>} : memref<65x64xf32, #tpu.memory_space<vmem>>, vector<1x16xf32>,
      %get3A_1490 = vector.shape_cast %get3A_1489 : vector<1x16xf32> to vector<16xf32>
      %add3A_1491 = arith.addf %get3A_1490, %get3A_1486 : vector<16xf32>
      %swap3A_1492 = arith.index_cast %squeeze3A_1428 : i32 to index
      %swap3A_1493 = arith.constant 32 : index
      %swap3A_1494 = tpu.vector_load %arg11[%swap3A_1492, %swap3A_1493] {strides = array<i32>} : memref<65x64xf32, #tpu.memory_space<vmem>>, vector<1x16xf32>,
      %swap3A_1495 = vector.shape_cast %swap3A_1494 : vector<1x16xf32> to vector<16xf32>
      %swap3A_1496 = vector.shape_cast %add3A_1491 : vector<16xf32> to vector<1x16xf32>
      tpu.vector_store %arg11[%swap3A_1492, %swap3A_1493], %swap3A_1496 {strides = array<i32>} : memref<65x64xf32, #tpu.memory_space<vmem>>, vector<1x16xf32>,
      %get3A_1497 = arith.index_cast %squeeze3A_1428 : i32 to index
      %get3A_1498 = arith.constant 32 : index
      %get3A_1499 = tpu.vector_load %arg12[%get3A_1497, %get3A_1498] {strides = array<i32>} : memref<65x64xf32, #tpu.memory_space<vmem>>, vector<1x16xf32>,
      %get3A_1500 = vector.shape_cast %get3A_1499 : vector<1x16xf32> to vector<16xf32>
      %max3A_1501 = arith.maximumf %get3A_1500, %get3A_1486 : vector<16xf32>
      %swap3A_1502 = arith.index_cast %squeeze3A_1428 : i32 to index
      %swap3A_1503 = arith.constant 32 : index
      %swap3A_1504 = tpu.vector_load %arg12[%swap3A_1502, %swap3A_1503] {strides = array<i32>} : memref<65x64xf32, #tpu.memory_space<vmem>>, vector<1x16xf32>,
      %swap3A_1505 = vector.shape_cast %swap3A_1504 : vector<1x16xf32> to vector<16xf32>
      %swap3A_1506 = vector.shape_cast %max3A_1501 : vector<16xf32> to vector<1x16xf32>
      tpu.vector_store %arg12[%swap3A_1502, %swap3A_1503], %swap3A_1506 {strides = array<i32>} : memref<65x64xf32, #tpu.memory_space<vmem>>, vector<1x16xf32>,
      %add3A_1507 = arith.constant 6 : i32
      %add3A_1508 = arith.addi %mul3A_12, %add3A_1507 : i32
      %get3A_1509 = arith.index_cast %add3A_1508 : i32 to index
      %get3A_1510 = arith.constant 48 : index
      %get3A_1511 = tpu.vector_load %arg9[%get3A_1509, %get3A_1510] {strides = array<i32>} : memref<160x128xf32, #tpu.memory_space<vmem>>, vector<1x16xf32>,
      %get3A_1512 = vector.shape_cast %get3A_1511 : vector<1x16xf32> to vector<16xf32>
      %get3A_1513 = arith.index_cast %squeeze3A_1428 : i32 to index
      %get3A_1514 = arith.constant 48 : index
      %get3A_1515 = tpu.vector_load %arg11[%get3A_1513, %get3A_1514] {strides = array<i32>} : memref<65x64xf32, #tpu.memory_space<vmem>>, vector<1x16xf32>,
      %get3A_1516 = vector.shape_cast %get3A_1515 : vector<1x16xf32> to vector<16xf32>
      %add3A_1517 = arith.addf %get3A_1516, %get3A_1512 : vector<16xf32>
      %swap3A_1518 = arith.index_cast %squeeze3A_1428 : i32 to index
      %swap3A_1519 = arith.constant 48 : index
      %swap3A_1520 = tpu.vector_load %arg11[%swap3A_1518, %swap3A_1519] {strides = array<i32>} : memref<65x64xf32, #tpu.memory_space<vmem>>, vector<1x16xf32>,
      %swap3A_1521 = vector.shape_cast %swap3A_1520 : vector<1x16xf32> to vector<16xf32>
      %swap3A_1522 = vector.shape_cast %add3A_1517 : vector<16xf32> to vector<1x16xf32>
      tpu.vector_store %arg11[%swap3A_1518, %swap3A_1519], %swap3A_1522 {strides = array<i32>} : memref<65x64xf32, #tpu.memory_space<vmem>>, vector<1x16xf32>,
      %get3A_1523 = arith.index_cast %squeeze3A_1428 : i32 to index
      %get3A_1524 = arith.constant 48 : index
      %get3A_1525 = tpu.vector_load %arg12[%get3A_1523, %get3A_1524] {strides = array<i32>} : memref<65x64xf32, #tpu.memory_space<vmem>>, vector<1x16xf32>,
      %get3A_1526 = vector.shape_cast %get3A_1525 : vector<1x16xf32> to vector<16xf32>
      %max3A_1527 = arith.maximumf %get3A_1526, %get3A_1512 : vector<16xf32>
      %swap3A_1528 = arith.index_cast %squeeze3A_1428 : i32 to index
      %swap3A_1529 = arith.constant 48 : index
      %swap3A_1530 = tpu.vector_load %arg12[%swap3A_1528, %swap3A_1529] {strides = array<i32>} : memref<65x64xf32, #tpu.memory_space<vmem>>, vector<1x16xf32>,
      %swap3A_1531 = vector.shape_cast %swap3A_1530 : vector<1x16xf32> to vector<16xf32>
      %swap3A_1532 = vector.shape_cast %max3A_1527 : vector<16xf32> to vector<1x16xf32>
      tpu.vector_store %arg12[%swap3A_1528, %swap3A_1529], %swap3A_1532 {strides = array<i32>} : memref<65x64xf32, #tpu.memory_space<vmem>>, vector<1x16xf32>,
      %get3A_1533 = arith.index_cast %squeeze3A_1428 : i32 to index
      %get3A_1534 = arith.constant 0 : index
      %get3A_1535 = tpu.vector_load %arg13[%get3A_1533, %get3A_1534] {strides = array<i32>} : memref<65x64xf32, #tpu.memory_space<vmem>>, vector<1x16xf32>,
      %get3A_1536 = vector.shape_cast %get3A_1535 : vector<1x16xf32> to vector<16xf32>
      %add3A_1537 = arith.constant 1.000000e+00 : f32
      %add3A_1538 = vector.broadcast %add3A_1537 : f32 to vector<16xf32>
      %add3A_1539 = arith.addf %get3A_1536, %add3A_1538 : vector<16xf32>
      %swap3A_1540 = arith.index_cast %squeeze3A_1428 : i32 to index
      %swap3A_1541 = arith.constant 0 : index
      %swap3A_1542 = tpu.vector_load %arg13[%swap3A_1540, %swap3A_1541] {strides = array<i32>} : memref<65x64xf32, #tpu.memory_space<vmem>>, vector<1x16xf32>,
      %swap3A_1543 = vector.shape_cast %swap3A_1542 : vector<1x16xf32> to vector<16xf32>
      %swap3A_1544 = vector.shape_cast %add3A_1539 : vector<16xf32> to vector<1x16xf32>
      tpu.vector_store %arg13[%swap3A_1540, %swap3A_1541], %swap3A_1544 {strides = array<i32>} : memref<65x64xf32, #tpu.memory_space<vmem>>, vector<1x16xf32>,
      %slice3A_1545 = vector.extract_strided_slice %get3A_14 {offsets = [13], sizes = [1], strides = [1]} : vector<16xi32> to vector<1xi32>
      %squeeze3A_1546 = vector.extract %slice3A_1545[0] : i32 from vector<1xi32>
      %add3A_1547 = arith.constant 6 : i32
      %add3A_1548 = arith.addi %mul3A_12, %add3A_1547 : i32
      %get3A_1549 = arith.index_cast %add3A_1548 : i32 to index
      %get3A_1550 = arith.constant 64 : index
      %get3A_1551 = tpu.vector_load %arg9[%get3A_1549, %get3A_1550] {strides = array<i32>} : memref<160x128xf32, #tpu.memory_space<vmem>>, vector<1x16xf32>,
      %get3A_1552 = vector.shape_cast %get3A_1551 : vector<1x16xf32> to vector<16xf32>
      %get3A_1553 = arith.index_cast %squeeze3A_1546 : i32 to index
      %get3A_1554 = arith.constant 0 : index
      %get3A_1555 = tpu.vector_load %arg11[%get3A_1553, %get3A_1554] {strides = array<i32>} : memref<65x64xf32, #tpu.memory_space<vmem>>, vector<1x16xf32>,
      %get3A_1556 = vector.shape_cast %get3A_1555 : vector<1x16xf32> to vector<16xf32>
      %add3A_1557 = arith.addf %get3A_1556, %get3A_1552 : vector<16xf32>
      %swap3A_1558 = arith.index_cast %squeeze3A_1546 : i32 to index
      %swap3A_1559 = arith.constant 0 : index
      %swap3A_1560 = tpu.vector_load %arg11[%swap3A_1558, %swap3A_1559] {strides = array<i32>} : memref<65x64xf32, #tpu.memory_space<vmem>>, vector<1x16xf32>,
      %swap3A_1561 = vector.shape_cast %swap3A_1560 : vector<1x16xf32> to vector<16xf32>
      %swap3A_1562 = vector.shape_cast %add3A_1557 : vector<16xf32> to vector<1x16xf32>
      tpu.vector_store %arg11[%swap3A_1558, %swap3A_1559], %swap3A_1562 {strides = array<i32>} : memref<65x64xf32, #tpu.memory_space<vmem>>, vector<1x16xf32>,
      %get3A_1563 = arith.index_cast %squeeze3A_1546 : i32 to index
      %get3A_1564 = arith.constant 0 : index
      %get3A_1565 = tpu.vector_load %arg12[%get3A_1563, %get3A_1564] {strides = array<i32>} : memref<65x64xf32, #tpu.memory_space<vmem>>, vector<1x16xf32>,
      %get3A_1566 = vector.shape_cast %get3A_1565 : vector<1x16xf32> to vector<16xf32>
      %max3A_1567 = arith.maximumf %get3A_1566, %get3A_1552 : vector<16xf32>
      %swap3A_1568 = arith.index_cast %squeeze3A_1546 : i32 to index
      %swap3A_1569 = arith.constant 0 : index
      %swap3A_1570 = tpu.vector_load %arg12[%swap3A_1568, %swap3A_1569] {strides = array<i32>} : memref<65x64xf32, #tpu.memory_space<vmem>>, vector<1x16xf32>,
      %swap3A_1571 = vector.shape_cast %swap3A_1570 : vector<1x16xf32> to vector<16xf32>
      %swap3A_1572 = vector.shape_cast %max3A_1567 : vector<16xf32> to vector<1x16xf32>
      tpu.vector_store %arg12[%swap3A_1568, %swap3A_1569], %swap3A_1572 {strides = array<i32>} : memref<65x64xf32, #tpu.memory_space<vmem>>, vector<1x16xf32>,
      %add3A_1573 = arith.constant 6 : i32
      %add3A_1574 = arith.addi %mul3A_12, %add3A_1573 : i32
      %get3A_1575 = arith.index_cast %add3A_1574 : i32 to index
      %get3A_1576 = arith.constant 80 : index
      %get3A_1577 = tpu.vector_load %arg9[%get3A_1575, %get3A_1576] {strides = array<i32>} : memref<160x128xf32, #tpu.memory_space<vmem>>, vector<1x16xf32>,
      %get3A_1578 = vector.shape_cast %get3A_1577 : vector<1x16xf32> to vector<16xf32>
      %get3A_1579 = arith.index_cast %squeeze3A_1546 : i32 to index
      %get3A_1580 = arith.constant 16 : index
      %get3A_1581 = tpu.vector_load %arg11[%get3A_1579, %get3A_1580] {strides = array<i32>} : memref<65x64xf32, #tpu.memory_space<vmem>>, vector<1x16xf32>,
      %get3A_1582 = vector.shape_cast %get3A_1581 : vector<1x16xf32> to vector<16xf32>
      %add3A_1583 = arith.addf %get3A_1582, %get3A_1578 : vector<16xf32>
      %swap3A_1584 = arith.index_cast %squeeze3A_1546 : i32 to index
      %swap3A_1585 = arith.constant 16 : index
      %swap3A_1586 = tpu.vector_load %arg11[%swap3A_1584, %swap3A_1585] {strides = array<i32>} : memref<65x64xf32, #tpu.memory_space<vmem>>, vector<1x16xf32>,
      %swap3A_1587 = vector.shape_cast %swap3A_1586 : vector<1x16xf32> to vector<16xf32>
      %swap3A_1588 = vector.shape_cast %add3A_1583 : vector<16xf32> to vector<1x16xf32>
      tpu.vector_store %arg11[%swap3A_1584, %swap3A_1585], %swap3A_1588 {strides = array<i32>} : memref<65x64xf32, #tpu.memory_space<vmem>>, vector<1x16xf32>,
      %get3A_1589 = arith.index_cast %squeeze3A_1546 : i32 to index
      %get3A_1590 = arith.constant 16 : index
      %get3A_1591 = tpu.vector_load %arg12[%get3A_1589, %get3A_1590] {strides = array<i32>} : memref<65x64xf32, #tpu.memory_space<vmem>>, vector<1x16xf32>,
      %get3A_1592 = vector.shape_cast %get3A_1591 : vector<1x16xf32> to vector<16xf32>
      %max3A_1593 = arith.maximumf %get3A_1592, %get3A_1578 : vector<16xf32>
      %swap3A_1594 = arith.index_cast %squeeze3A_1546 : i32 to index
      %swap3A_1595 = arith.constant 16 : index
      %swap3A_1596 = tpu.vector_load %arg12[%swap3A_1594, %swap3A_1595] {strides = array<i32>} : memref<65x64xf32, #tpu.memory_space<vmem>>, vector<1x16xf32>,
      %swap3A_1597 = vector.shape_cast %swap3A_1596 : vector<1x16xf32> to vector<16xf32>
      %swap3A_1598 = vector.shape_cast %max3A_1593 : vector<16xf32> to vector<1x16xf32>
      tpu.vector_store %arg12[%swap3A_1594, %swap3A_1595], %swap3A_1598 {strides = array<i32>} : memref<65x64xf32, #tpu.memory_space<vmem>>, vector<1x16xf32>,
      %add3A_1599 = arith.constant 6 : i32
      %add3A_1600 = arith.addi %mul3A_12, %add3A_1599 : i32
      %get3A_1601 = arith.index_cast %add3A_1600 : i32 to index
      %get3A_1602 = arith.constant 96 : index
      %get3A_1603 = tpu.vector_load %arg9[%get3A_1601, %get3A_1602] {strides = array<i32>} : memref<160x128xf32, #tpu.memory_space<vmem>>, vector<1x16xf32>,
      %get3A_1604 = vector.shape_cast %get3A_1603 : vector<1x16xf32> to vector<16xf32>
      %get3A_1605 = arith.index_cast %squeeze3A_1546 : i32 to index
      %get3A_1606 = arith.constant 32 : index
      %get3A_1607 = tpu.vector_load %arg11[%get3A_1605, %get3A_1606] {strides = array<i32>} : memref<65x64xf32, #tpu.memory_space<vmem>>, vector<1x16xf32>,
      %get3A_1608 = vector.shape_cast %get3A_1607 : vector<1x16xf32> to vector<16xf32>
      %add3A_1609 = arith.addf %get3A_1608, %get3A_1604 : vector<16xf32>
      %swap3A_1610 = arith.index_cast %squeeze3A_1546 : i32 to index
      %swap3A_1611 = arith.constant 32 : index
      %swap3A_1612 = tpu.vector_load %arg11[%swap3A_1610, %swap3A_1611] {strides = array<i32>} : memref<65x64xf32, #tpu.memory_space<vmem>>, vector<1x16xf32>,
      %swap3A_1613 = vector.shape_cast %swap3A_1612 : vector<1x16xf32> to vector<16xf32>
      %swap3A_1614 = vector.shape_cast %add3A_1609 : vector<16xf32> to vector<1x16xf32>
      tpu.vector_store %arg11[%swap3A_1610, %swap3A_1611], %swap3A_1614 {strides = array<i32>} : memref<65x64xf32, #tpu.memory_space<vmem>>, vector<1x16xf32>,
      %get3A_1615 = arith.index_cast %squeeze3A_1546 : i32 to index
      %get3A_1616 = arith.constant 32 : index
      %get3A_1617 = tpu.vector_load %arg12[%get3A_1615, %get3A_1616] {strides = array<i32>} : memref<65x64xf32, #tpu.memory_space<vmem>>, vector<1x16xf32>,
      %get3A_1618 = vector.shape_cast %get3A_1617 : vector<1x16xf32> to vector<16xf32>
      %max3A_1619 = arith.maximumf %get3A_1618, %get3A_1604 : vector<16xf32>
      %swap3A_1620 = arith.index_cast %squeeze3A_1546 : i32 to index
      %swap3A_1621 = arith.constant 32 : index
      %swap3A_1622 = tpu.vector_load %arg12[%swap3A_1620, %swap3A_1621] {strides = array<i32>} : memref<65x64xf32, #tpu.memory_space<vmem>>, vector<1x16xf32>,
      %swap3A_1623 = vector.shape_cast %swap3A_1622 : vector<1x16xf32> to vector<16xf32>
      %swap3A_1624 = vector.shape_cast %max3A_1619 : vector<16xf32> to vector<1x16xf32>
      tpu.vector_store %arg12[%swap3A_1620, %swap3A_1621], %swap3A_1624 {strides = array<i32>} : memref<65x64xf32, #tpu.memory_space<vmem>>, vector<1x16xf32>,
      %add3A_1625 = arith.constant 6 : i32
      %add3A_1626 = arith.addi %mul3A_12, %add3A_1625 : i32
      %get3A_1627 = arith.index_cast %add3A_1626 : i32 to index
      %get3A_1628 = arith.constant 112 : index
      %get3A_1629 = tpu.vector_load %arg9[%get3A_1627, %get3A_1628] {strides = array<i32>} : memref<160x128xf32, #tpu.memory_space<vmem>>, vector<1x16xf32>,
      %get3A_1630 = vector.shape_cast %get3A_1629 : vector<1x16xf32> to vector<16xf32>
      %get3A_1631 = arith.index_cast %squeeze3A_1546 : i32 to index
      %get3A_1632 = arith.constant 48 : index
      %get3A_1633 = tpu.vector_load %arg11[%get3A_1631, %get3A_1632] {strides = array<i32>} : memref<65x64xf32, #tpu.memory_space<vmem>>, vector<1x16xf32>,
      %get3A_1634 = vector.shape_cast %get3A_1633 : vector<1x16xf32> to vector<16xf32>
      %add3A_1635 = arith.addf %get3A_1634, %get3A_1630 : vector<16xf32>
      %swap3A_1636 = arith.index_cast %squeeze3A_1546 : i32 to index
      %swap3A_1637 = arith.constant 48 : index
      %swap3A_1638 = tpu.vector_load %arg11[%swap3A_1636, %swap3A_1637] {strides = array<i32>} : memref<65x64xf32, #tpu.memory_space<vmem>>, vector<1x16xf32>,
      %swap3A_1639 = vector.shape_cast %swap3A_1638 : vector<1x16xf32> to vector<16xf32>
      %swap3A_1640 = vector.shape_cast %add3A_1635 : vector<16xf32> to vector<1x16xf32>
      tpu.vector_store %arg11[%swap3A_1636, %swap3A_1637], %swap3A_1640 {strides = array<i32>} : memref<65x64xf32, #tpu.memory_space<vmem>>, vector<1x16xf32>,
      %get3A_1641 = arith.index_cast %squeeze3A_1546 : i32 to index
      %get3A_1642 = arith.constant 48 : index
      %get3A_1643 = tpu.vector_load %arg12[%get3A_1641, %get3A_1642] {strides = array<i32>} : memref<65x64xf32, #tpu.memory_space<vmem>>, vector<1x16xf32>,
      %get3A_1644 = vector.shape_cast %get3A_1643 : vector<1x16xf32> to vector<16xf32>
      %max3A_1645 = arith.maximumf %get3A_1644, %get3A_1630 : vector<16xf32>
      %swap3A_1646 = arith.index_cast %squeeze3A_1546 : i32 to index
      %swap3A_1647 = arith.constant 48 : index
      %swap3A_1648 = tpu.vector_load %arg12[%swap3A_1646, %swap3A_1647] {strides = array<i32>} : memref<65x64xf32, #tpu.memory_space<vmem>>, vector<1x16xf32>,
      %swap3A_1649 = vector.shape_cast %swap3A_1648 : vector<1x16xf32> to vector<16xf32>
      %swap3A_1650 = vector.shape_cast %max3A_1645 : vector<16xf32> to vector<1x16xf32>
      tpu.vector_store %arg12[%swap3A_1646, %swap3A_1647], %swap3A_1650 {strides = array<i32>} : memref<65x64xf32, #tpu.memory_space<vmem>>, vector<1x16xf32>,
      %get3A_1651 = arith.index_cast %squeeze3A_1546 : i32 to index
      %get3A_1652 = arith.constant 0 : index
      %get3A_1653 = tpu.vector_load %arg13[%get3A_1651, %get3A_1652] {strides = array<i32>} : memref<65x64xf32, #tpu.memory_space<vmem>>, vector<1x16xf32>,
      %get3A_1654 = vector.shape_cast %get3A_1653 : vector<1x16xf32> to vector<16xf32>
      %add3A_1655 = arith.constant 1.000000e+00 : f32
      %add3A_1656 = vector.broadcast %add3A_1655 : f32 to vector<16xf32>
      %add3A_1657 = arith.addf %get3A_1654, %add3A_1656 : vector<16xf32>
      %swap3A_1658 = arith.index_cast %squeeze3A_1546 : i32 to index
      %swap3A_1659 = arith.constant 0 : index
      %swap3A_1660 = tpu.vector_load %arg13[%swap3A_1658, %swap3A_1659] {strides = array<i32>} : memref<65x64xf32, #tpu.memory_space<vmem>>, vector<1x16xf32>,
      %swap3A_1661 = vector.shape_cast %swap3A_1660 : vector<1x16xf32> to vector<16xf32>
      %swap3A_1662 = vector.shape_cast %add3A_1657 : vector<16xf32> to vector<1x16xf32>
      tpu.vector_store %arg13[%swap3A_1658, %swap3A_1659], %swap3A_1662 {strides = array<i32>} : memref<65x64xf32, #tpu.memory_space<vmem>>, vector<1x16xf32>,
      %slice3A_1663 = vector.extract_strided_slice %get3A_14 {offsets = [14], sizes = [1], strides = [1]} : vector<16xi32> to vector<1xi32>
      %squeeze3A_1664 = vector.extract %slice3A_1663[0] : i32 from vector<1xi32>
      %add3A_1665 = arith.constant 7 : i32
      %add3A_1666 = arith.addi %mul3A_12, %add3A_1665 : i32
      %get3A_1667 = arith.index_cast %add3A_1666 : i32 to index
      %get3A_1668 = arith.constant 0 : index
      %get3A_1669 = tpu.vector_load %arg9[%get3A_1667, %get3A_1668] {strides = array<i32>} : memref<160x128xf32, #tpu.memory_space<vmem>>, vector<1x16xf32>,
      %get3A_1670 = vector.shape_cast %get3A_1669 : vector<1x16xf32> to vector<16xf32>
      %get3A_1671 = arith.index_cast %squeeze3A_1664 : i32 to index
      %get3A_1672 = arith.constant 0 : index
      %get3A_1673 = tpu.vector_load %arg11[%get3A_1671, %get3A_1672] {strides = array<i32>} : memref<65x64xf32, #tpu.memory_space<vmem>>, vector<1x16xf32>,
      %get3A_1674 = vector.shape_cast %get3A_1673 : vector<1x16xf32> to vector<16xf32>
      %add3A_1675 = arith.addf %get3A_1674, %get3A_1670 : vector<16xf32>
      %swap3A_1676 = arith.index_cast %squeeze3A_1664 : i32 to index
      %swap3A_1677 = arith.constant 0 : index
      %swap3A_1678 = tpu.vector_load %arg11[%swap3A_1676, %swap3A_1677] {strides = array<i32>} : memref<65x64xf32, #tpu.memory_space<vmem>>, vector<1x16xf32>,
      %swap3A_1679 = vector.shape_cast %swap3A_1678 : vector<1x16xf32> to vector<16xf32>
      %swap3A_1680 = vector.shape_cast %add3A_1675 : vector<16xf32> to vector<1x16xf32>
      tpu.vector_store %arg11[%swap3A_1676, %swap3A_1677], %swap3A_1680 {strides = array<i32>} : memref<65x64xf32, #tpu.memory_space<vmem>>, vector<1x16xf32>,
      %get3A_1681 = arith.index_cast %squeeze3A_1664 : i32 to index
      %get3A_1682 = arith.constant 0 : index
      %get3A_1683 = tpu.vector_load %arg12[%get3A_1681, %get3A_1682] {strides = array<i32>} : memref<65x64xf32, #tpu.memory_space<vmem>>, vector<1x16xf32>,
      %get3A_1684 = vector.shape_cast %get3A_1683 : vector<1x16xf32> to vector<16xf32>
      %max3A_1685 = arith.maximumf %get3A_1684, %get3A_1670 : vector<16xf32>
      %swap3A_1686 = arith.index_cast %squeeze3A_1664 : i32 to index
      %swap3A_1687 = arith.constant 0 : index
      %swap3A_1688 = tpu.vector_load %arg12[%swap3A_1686, %swap3A_1687] {strides = array<i32>} : memref<65x64xf32, #tpu.memory_space<vmem>>, vector<1x16xf32>,
      %swap3A_1689 = vector.shape_cast %swap3A_1688 : vector<1x16xf32> to vector<16xf32>
      %swap3A_1690 = vector.shape_cast %max3A_1685 : vector<16xf32> to vector<1x16xf32>
      tpu.vector_store %arg12[%swap3A_1686, %swap3A_1687], %swap3A_1690 {strides = array<i32>} : memref<65x64xf32, #tpu.memory_space<vmem>>, vector<1x16xf32>,
      %add3A_1691 = arith.constant 7 : i32
      %add3A_1692 = arith.addi %mul3A_12, %add3A_1691 : i32
      %get3A_1693 = arith.index_cast %add3A_1692 : i32 to index
      %get3A_1694 = arith.constant 16 : index
      %get3A_1695 = tpu.vector_load %arg9[%get3A_1693, %get3A_1694] {strides = array<i32>} : memref<160x128xf32, #tpu.memory_space<vmem>>, vector<1x16xf32>,
      %get3A_1696 = vector.shape_cast %get3A_1695 : vector<1x16xf32> to vector<16xf32>
      %get3A_1697 = arith.index_cast %squeeze3A_1664 : i32 to index
      %get3A_1698 = arith.constant 16 : index
      %get3A_1699 = tpu.vector_load %arg11[%get3A_1697, %get3A_1698] {strides = array<i32>} : memref<65x64xf32, #tpu.memory_space<vmem>>, vector<1x16xf32>,
      %get3A_1700 = vector.shape_cast %get3A_1699 : vector<1x16xf32> to vector<16xf32>
      %add3A_1701 = arith.addf %get3A_1700, %get3A_1696 : vector<16xf32>
      %swap3A_1702 = arith.index_cast %squeeze3A_1664 : i32 to index
      %swap3A_1703 = arith.constant 16 : index
      %swap3A_1704 = tpu.vector_load %arg11[%swap3A_1702, %swap3A_1703] {strides = array<i32>} : memref<65x64xf32, #tpu.memory_space<vmem>>, vector<1x16xf32>,
      %swap3A_1705 = vector.shape_cast %swap3A_1704 : vector<1x16xf32> to vector<16xf32>
      %swap3A_1706 = vector.shape_cast %add3A_1701 : vector<16xf32> to vector<1x16xf32>
      tpu.vector_store %arg11[%swap3A_1702, %swap3A_1703], %swap3A_1706 {strides = array<i32>} : memref<65x64xf32, #tpu.memory_space<vmem>>, vector<1x16xf32>,
      %get3A_1707 = arith.index_cast %squeeze3A_1664 : i32 to index
      %get3A_1708 = arith.constant 16 : index
      %get3A_1709 = tpu.vector_load %arg12[%get3A_1707, %get3A_1708] {strides = array<i32>} : memref<65x64xf32, #tpu.memory_space<vmem>>, vector<1x16xf32>,
      %get3A_1710 = vector.shape_cast %get3A_1709 : vector<1x16xf32> to vector<16xf32>
      %max3A_1711 = arith.maximumf %get3A_1710, %get3A_1696 : vector<16xf32>
      %swap3A_1712 = arith.index_cast %squeeze3A_1664 : i32 to index
      %swap3A_1713 = arith.constant 16 : index
      %swap3A_1714 = tpu.vector_load %arg12[%swap3A_1712, %swap3A_1713] {strides = array<i32>} : memref<65x64xf32, #tpu.memory_space<vmem>>, vector<1x16xf32>,
      %swap3A_1715 = vector.shape_cast %swap3A_1714 : vector<1x16xf32> to vector<16xf32>
      %swap3A_1716 = vector.shape_cast %max3A_1711 : vector<16xf32> to vector<1x16xf32>
      tpu.vector_store %arg12[%swap3A_1712, %swap3A_1713], %swap3A_1716 {strides = array<i32>} : memref<65x64xf32, #tpu.memory_space<vmem>>, vector<1x16xf32>,
      %add3A_1717 = arith.constant 7 : i32
      %add3A_1718 = arith.addi %mul3A_12, %add3A_1717 : i32
      %get3A_1719 = arith.index_cast %add3A_1718 : i32 to index
      %get3A_1720 = arith.constant 32 : index
      %get3A_1721 = tpu.vector_load %arg9[%get3A_1719, %get3A_1720] {strides = array<i32>} : memref<160x128xf32, #tpu.memory_space<vmem>>, vector<1x16xf32>,
      %get3A_1722 = vector.shape_cast %get3A_1721 : vector<1x16xf32> to vector<16xf32>
      %get3A_1723 = arith.index_cast %squeeze3A_1664 : i32 to index
      %get3A_1724 = arith.constant 32 : index
      %get3A_1725 = tpu.vector_load %arg11[%get3A_1723, %get3A_1724] {strides = array<i32>} : memref<65x64xf32, #tpu.memory_space<vmem>>, vector<1x16xf32>,
      %get3A_1726 = vector.shape_cast %get3A_1725 : vector<1x16xf32> to vector<16xf32>
      %add3A_1727 = arith.addf %get3A_1726, %get3A_1722 : vector<16xf32>
      %swap3A_1728 = arith.index_cast %squeeze3A_1664 : i32 to index
      %swap3A_1729 = arith.constant 32 : index
      %swap3A_1730 = tpu.vector_load %arg11[%swap3A_1728, %swap3A_1729] {strides = array<i32>} : memref<65x64xf32, #tpu.memory_space<vmem>>, vector<1x16xf32>,
      %swap3A_1731 = vector.shape_cast %swap3A_1730 : vector<1x16xf32> to vector<16xf32>
      %swap3A_1732 = vector.shape_cast %add3A_1727 : vector<16xf32> to vector<1x16xf32>
      tpu.vector_store %arg11[%swap3A_1728, %swap3A_1729], %swap3A_1732 {strides = array<i32>} : memref<65x64xf32, #tpu.memory_space<vmem>>, vector<1x16xf32>,
      %get3A_1733 = arith.index_cast %squeeze3A_1664 : i32 to index
      %get3A_1734 = arith.constant 32 : index
      %get3A_1735 = tpu.vector_load %arg12[%get3A_1733, %get3A_1734] {strides = array<i32>} : memref<65x64xf32, #tpu.memory_space<vmem>>, vector<1x16xf32>,
      %get3A_1736 = vector.shape_cast %get3A_1735 : vector<1x16xf32> to vector<16xf32>
      %max3A_1737 = arith.maximumf %get3A_1736, %get3A_1722 : vector<16xf32>
      %swap3A_1738 = arith.index_cast %squeeze3A_1664 : i32 to index
      %swap3A_1739 = arith.constant 32 : index
      %swap3A_1740 = tpu.vector_load %arg12[%swap3A_1738, %swap3A_1739] {strides = array<i32>} : memref<65x64xf32, #tpu.memory_space<vmem>>, vector<1x16xf32>,
      %swap3A_1741 = vector.shape_cast %swap3A_1740 : vector<1x16xf32> to vector<16xf32>
      %swap3A_1742 = vector.shape_cast %max3A_1737 : vector<16xf32> to vector<1x16xf32>
      tpu.vector_store %arg12[%swap3A_1738, %swap3A_1739], %swap3A_1742 {strides = array<i32>} : memref<65x64xf32, #tpu.memory_space<vmem>>, vector<1x16xf32>,
      %add3A_1743 = arith.constant 7 : i32
      %add3A_1744 = arith.addi %mul3A_12, %add3A_1743 : i32
      %get3A_1745 = arith.index_cast %add3A_1744 : i32 to index
      %get3A_1746 = arith.constant 48 : index
      %get3A_1747 = tpu.vector_load %arg9[%get3A_1745, %get3A_1746] {strides = array<i32>} : memref<160x128xf32, #tpu.memory_space<vmem>>, vector<1x16xf32>,
      %get3A_1748 = vector.shape_cast %get3A_1747 : vector<1x16xf32> to vector<16xf32>
      %get3A_1749 = arith.index_cast %squeeze3A_1664 : i32 to index
      %get3A_1750 = arith.constant 48 : index
      %get3A_1751 = tpu.vector_load %arg11[%get3A_1749, %get3A_1750] {strides = array<i32>} : memref<65x64xf32, #tpu.memory_space<vmem>>, vector<1x16xf32>,
      %get3A_1752 = vector.shape_cast %get3A_1751 : vector<1x16xf32> to vector<16xf32>
      %add3A_1753 = arith.addf %get3A_1752, %get3A_1748 : vector<16xf32>
      %swap3A_1754 = arith.index_cast %squeeze3A_1664 : i32 to index
      %swap3A_1755 = arith.constant 48 : index
      %swap3A_1756 = tpu.vector_load %arg11[%swap3A_1754, %swap3A_1755] {strides = array<i32>} : memref<65x64xf32, #tpu.memory_space<vmem>>, vector<1x16xf32>,
      %swap3A_1757 = vector.shape_cast %swap3A_1756 : vector<1x16xf32> to vector<16xf32>
      %swap3A_1758 = vector.shape_cast %add3A_1753 : vector<16xf32> to vector<1x16xf32>
      tpu.vector_store %arg11[%swap3A_1754, %swap3A_1755], %swap3A_1758 {strides = array<i32>} : memref<65x64xf32, #tpu.memory_space<vmem>>, vector<1x16xf32>,
      %get3A_1759 = arith.index_cast %squeeze3A_1664 : i32 to index
      %get3A_1760 = arith.constant 48 : index
      %get3A_1761 = tpu.vector_load %arg12[%get3A_1759, %get3A_1760] {strides = array<i32>} : memref<65x64xf32, #tpu.memory_space<vmem>>, vector<1x16xf32>,
      %get3A_1762 = vector.shape_cast %get3A_1761 : vector<1x16xf32> to vector<16xf32>
      %max3A_1763 = arith.maximumf %get3A_1762, %get3A_1748 : vector<16xf32>
      %swap3A_1764 = arith.index_cast %squeeze3A_1664 : i32 to index
      %swap3A_1765 = arith.constant 48 : index
      %swap3A_1766 = tpu.vector_load %arg12[%swap3A_1764, %swap3A_1765] {strides = array<i32>} : memref<65x64xf32, #tpu.memory_space<vmem>>, vector<1x16xf32>,
      %swap3A_1767 = vector.shape_cast %swap3A_1766 : vector<1x16xf32> to vector<16xf32>
      %swap3A_1768 = vector.shape_cast %max3A_1763 : vector<16xf32> to vector<1x16xf32>
      tpu.vector_store %arg12[%swap3A_1764, %swap3A_1765], %swap3A_1768 {strides = array<i32>} : memref<65x64xf32, #tpu.memory_space<vmem>>, vector<1x16xf32>,
      %get3A_1769 = arith.index_cast %squeeze3A_1664 : i32 to index
      %get3A_1770 = arith.constant 0 : index
      %get3A_1771 = tpu.vector_load %arg13[%get3A_1769, %get3A_1770] {strides = array<i32>} : memref<65x64xf32, #tpu.memory_space<vmem>>, vector<1x16xf32>,
      %get3A_1772 = vector.shape_cast %get3A_1771 : vector<1x16xf32> to vector<16xf32>
      %add3A_1773 = arith.constant 1.000000e+00 : f32
      %add3A_1774 = vector.broadcast %add3A_1773 : f32 to vector<16xf32>
      %add3A_1775 = arith.addf %get3A_1772, %add3A_1774 : vector<16xf32>
      %swap3A_1776 = arith.index_cast %squeeze3A_1664 : i32 to index
      %swap3A_1777 = arith.constant 0 : index
      %swap3A_1778 = tpu.vector_load %arg13[%swap3A_1776, %swap3A_1777] {strides = array<i32>} : memref<65x64xf32, #tpu.memory_space<vmem>>, vector<1x16xf32>,
      %swap3A_1779 = vector.shape_cast %swap3A_1778 : vector<1x16xf32> to vector<16xf32>
      %swap3A_1780 = vector.shape_cast %add3A_1775 : vector<16xf32> to vector<1x16xf32>
      tpu.vector_store %arg13[%swap3A_1776, %swap3A_1777], %swap3A_1780 {strides = array<i32>} : memref<65x64xf32, #tpu.memory_space<vmem>>, vector<1x16xf32>,
      %slice3A_1781 = vector.extract_strided_slice %get3A_14 {offsets = [15], sizes = [1], strides = [1]} : vector<16xi32> to vector<1xi32>
      %squeeze3A_1782 = vector.extract %slice3A_1781[0] : i32 from vector<1xi32>
      %add3A_1783 = arith.constant 7 : i32
      %add3A_1784 = arith.addi %mul3A_12, %add3A_1783 : i32
      %get3A_1785 = arith.index_cast %add3A_1784 : i32 to index
      %get3A_1786 = arith.constant 64 : index
      %get3A_1787 = tpu.vector_load %arg9[%get3A_1785, %get3A_1786] {strides = array<i32>} : memref<160x128xf32, #tpu.memory_space<vmem>>, vector<1x16xf32>,
      %get3A_1788 = vector.shape_cast %get3A_1787 : vector<1x16xf32> to vector<16xf32>
      %get3A_1789 = arith.index_cast %squeeze3A_1782 : i32 to index
      %get3A_1790 = arith.constant 0 : index
      %get3A_1791 = tpu.vector_load %arg11[%get3A_1789, %get3A_1790] {strides = array<i32>} : memref<65x64xf32, #tpu.memory_space<vmem>>, vector<1x16xf32>,
      %get3A_1792 = vector.shape_cast %get3A_1791 : vector<1x16xf32> to vector<16xf32>
      %add3A_1793 = arith.addf %get3A_1792, %get3A_1788 : vector<16xf32>
      %swap3A_1794 = arith.index_cast %squeeze3A_1782 : i32 to index
      %swap3A_1795 = arith.constant 0 : index
      %swap3A_1796 = tpu.vector_load %arg11[%swap3A_1794, %swap3A_1795] {strides = array<i32>} : memref<65x64xf32, #tpu.memory_space<vmem>>, vector<1x16xf32>,
      %swap3A_1797 = vector.shape_cast %swap3A_1796 : vector<1x16xf32> to vector<16xf32>
      %swap3A_1798 = vector.shape_cast %add3A_1793 : vector<16xf32> to vector<1x16xf32>
      tpu.vector_store %arg11[%swap3A_1794, %swap3A_1795], %swap3A_1798 {strides = array<i32>} : memref<65x64xf32, #tpu.memory_space<vmem>>, vector<1x16xf32>,
      %get3A_1799 = arith.index_cast %squeeze3A_1782 : i32 to index
      %get3A_1800 = arith.constant 0 : index
      %get3A_1801 = tpu.vector_load %arg12[%get3A_1799, %get3A_1800] {strides = array<i32>} : memref<65x64xf32, #tpu.memory_space<vmem>>, vector<1x16xf32>,
      %get3A_1802 = vector.shape_cast %get3A_1801 : vector<1x16xf32> to vector<16xf32>
      %max3A_1803 = arith.maximumf %get3A_1802, %get3A_1788 : vector<16xf32>
      %swap3A_1804 = arith.index_cast %squeeze3A_1782 : i32 to index
      %swap3A_1805 = arith.constant 0 : index
      %swap3A_1806 = tpu.vector_load %arg12[%swap3A_1804, %swap3A_1805] {strides = array<i32>} : memref<65x64xf32, #tpu.memory_space<vmem>>, vector<1x16xf32>,
      %swap3A_1807 = vector.shape_cast %swap3A_1806 : vector<1x16xf32> to vector<16xf32>
      %swap3A_1808 = vector.shape_cast %max3A_1803 : vector<16xf32> to vector<1x16xf32>
      tpu.vector_store %arg12[%swap3A_1804, %swap3A_1805], %swap3A_1808 {strides = array<i32>} : memref<65x64xf32, #tpu.memory_space<vmem>>, vector<1x16xf32>,
      %add3A_1809 = arith.constant 7 : i32
      %add3A_1810 = arith.addi %mul3A_12, %add3A_1809 : i32
      %get3A_1811 = arith.index_cast %add3A_1810 : i32 to index
      %get3A_1812 = arith.constant 80 : index
      %get3A_1813 = tpu.vector_load %arg9[%get3A_1811, %get3A_1812] {strides = array<i32>} : memref<160x128xf32, #tpu.memory_space<vmem>>, vector<1x16xf32>,
      %get3A_1814 = vector.shape_cast %get3A_1813 : vector<1x16xf32> to vector<16xf32>
      %get3A_1815 = arith.index_cast %squeeze3A_1782 : i32 to index
      %get3A_1816 = arith.constant 16 : index
      %get3A_1817 = tpu.vector_load %arg11[%get3A_1815, %get3A_1816] {strides = array<i32>} : memref<65x64xf32, #tpu.memory_space<vmem>>, vector<1x16xf32>,
      %get3A_1818 = vector.shape_cast %get3A_1817 : vector<1x16xf32> to vector<16xf32>
      %add3A_1819 = arith.addf %get3A_1818, %get3A_1814 : vector<16xf32>
      %swap3A_1820 = arith.index_cast %squeeze3A_1782 : i32 to index
      %swap3A_1821 = arith.constant 16 : index
      %swap3A_1822 = tpu.vector_load %arg11[%swap3A_1820, %swap3A_1821] {strides = array<i32>} : memref<65x64xf32, #tpu.memory_space<vmem>>, vector<1x16xf32>,
      %swap3A_1823 = vector.shape_cast %swap3A_1822 : vector<1x16xf32> to vector<16xf32>
      %swap3A_1824 = vector.shape_cast %add3A_1819 : vector<16xf32> to vector<1x16xf32>
      tpu.vector_store %arg11[%swap3A_1820, %swap3A_1821], %swap3A_1824 {strides = array<i32>} : memref<65x64xf32, #tpu.memory_space<vmem>>, vector<1x16xf32>,
      %get3A_1825 = arith.index_cast %squeeze3A_1782 : i32 to index
      %get3A_1826 = arith.constant 16 : index
      %get3A_1827 = tpu.vector_load %arg12[%get3A_1825, %get3A_1826] {strides = array<i32>} : memref<65x64xf32, #tpu.memory_space<vmem>>, vector<1x16xf32>,
      %get3A_1828 = vector.shape_cast %get3A_1827 : vector<1x16xf32> to vector<16xf32>
      %max3A_1829 = arith.maximumf %get3A_1828, %get3A_1814 : vector<16xf32>
      %swap3A_1830 = arith.index_cast %squeeze3A_1782 : i32 to index
      %swap3A_1831 = arith.constant 16 : index
      %swap3A_1832 = tpu.vector_load %arg12[%swap3A_1830, %swap3A_1831] {strides = array<i32>} : memref<65x64xf32, #tpu.memory_space<vmem>>, vector<1x16xf32>,
      %swap3A_1833 = vector.shape_cast %swap3A_1832 : vector<1x16xf32> to vector<16xf32>
      %swap3A_1834 = vector.shape_cast %max3A_1829 : vector<16xf32> to vector<1x16xf32>
      tpu.vector_store %arg12[%swap3A_1830, %swap3A_1831], %swap3A_1834 {strides = array<i32>} : memref<65x64xf32, #tpu.memory_space<vmem>>, vector<1x16xf32>,
      %add3A_1835 = arith.constant 7 : i32
      %add3A_1836 = arith.addi %mul3A_12, %add3A_1835 : i32
      %get3A_1837 = arith.index_cast %add3A_1836 : i32 to index
      %get3A_1838 = arith.constant 96 : index
      %get3A_1839 = tpu.vector_load %arg9[%get3A_1837, %get3A_1838] {strides = array<i32>} : memref<160x128xf32, #tpu.memory_space<vmem>>, vector<1x16xf32>,
      %get3A_1840 = vector.shape_cast %get3A_1839 : vector<1x16xf32> to vector<16xf32>
      %get3A_1841 = arith.index_cast %squeeze3A_1782 : i32 to index
      %get3A_1842 = arith.constant 32 : index
      %get3A_1843 = tpu.vector_load %arg11[%get3A_1841, %get3A_1842] {strides = array<i32>} : memref<65x64xf32, #tpu.memory_space<vmem>>, vector<1x16xf32>,
      %get3A_1844 = vector.shape_cast %get3A_1843 : vector<1x16xf32> to vector<16xf32>
      %add3A_1845 = arith.addf %get3A_1844, %get3A_1840 : vector<16xf32>
      %swap3A_1846 = arith.index_cast %squeeze3A_1782 : i32 to index
      %swap3A_1847 = arith.constant 32 : index
      %swap3A_1848 = tpu.vector_load %arg11[%swap3A_1846, %swap3A_1847] {strides = array<i32>} : memref<65x64xf32, #tpu.memory_space<vmem>>, vector<1x16xf32>,
      %swap3A_1849 = vector.shape_cast %swap3A_1848 : vector<1x16xf32> to vector<16xf32>
      %swap3A_1850 = vector.shape_cast %add3A_1845 : vector<16xf32> to vector<1x16xf32>
      tpu.vector_store %arg11[%swap3A_1846, %swap3A_1847], %swap3A_1850 {strides = array<i32>} : memref<65x64xf32, #tpu.memory_space<vmem>>, vector<1x16xf32>,
      %get3A_1851 = arith.index_cast %squeeze3A_1782 : i32 to index
      %get3A_1852 = arith.constant 32 : index
      %get3A_1853 = tpu.vector_load %arg12[%get3A_1851, %get3A_1852] {strides = array<i32>} : memref<65x64xf32, #tpu.memory_space<vmem>>, vector<1x16xf32>,
      %get3A_1854 = vector.shape_cast %get3A_1853 : vector<1x16xf32> to vector<16xf32>
      %max3A_1855 = arith.maximumf %get3A_1854, %get3A_1840 : vector<16xf32>
      %swap3A_1856 = arith.index_cast %squeeze3A_1782 : i32 to index
      %swap3A_1857 = arith.constant 32 : index
      %swap3A_1858 = tpu.vector_load %arg12[%swap3A_1856, %swap3A_1857] {strides = array<i32>} : memref<65x64xf32, #tpu.memory_space<vmem>>, vector<1x16xf32>,
      %swap3A_1859 = vector.shape_cast %swap3A_1858 : vector<1x16xf32> to vector<16xf32>
      %swap3A_1860 = vector.shape_cast %max3A_1855 : vector<16xf32> to vector<1x16xf32>
      tpu.vector_store %arg12[%swap3A_1856, %swap3A_1857], %swap3A_1860 {strides = array<i32>} : memref<65x64xf32, #tpu.memory_space<vmem>>, vector<1x16xf32>,
      %add3A_1861 = arith.constant 7 : i32
      %add3A_1862 = arith.addi %mul3A_12, %add3A_1861 : i32
      %get3A_1863 = arith.index_cast %add3A_1862 : i32 to index
      %get3A_1864 = arith.constant 112 : index
      %get3A_1865 = tpu.vector_load %arg9[%get3A_1863, %get3A_1864] {strides = array<i32>} : memref<160x128xf32, #tpu.memory_space<vmem>>, vector<1x16xf32>,
      %get3A_1866 = vector.shape_cast %get3A_1865 : vector<1x16xf32> to vector<16xf32>
      %get3A_1867 = arith.index_cast %squeeze3A_1782 : i32 to index
      %get3A_1868 = arith.constant 48 : index
      %get3A_1869 = tpu.vector_load %arg11[%get3A_1867, %get3A_1868] {strides = array<i32>} : memref<65x64xf32, #tpu.memory_space<vmem>>, vector<1x16xf32>,
      %get3A_1870 = vector.shape_cast %get3A_1869 : vector<1x16xf32> to vector<16xf32>
      %add3A_1871 = arith.addf %get3A_1870, %get3A_1866 : vector<16xf32>
      %swap3A_1872 = arith.index_cast %squeeze3A_1782 : i32 to index
      %swap3A_1873 = arith.constant 48 : index
      %swap3A_1874 = tpu.vector_load %arg11[%swap3A_1872, %swap3A_1873] {strides = array<i32>} : memref<65x64xf32, #tpu.memory_space<vmem>>, vector<1x16xf32>,
      %swap3A_1875 = vector.shape_cast %swap3A_1874 : vector<1x16xf32> to vector<16xf32>
      %swap3A_1876 = vector.shape_cast %add3A_1871 : vector<16xf32> to vector<1x16xf32>
      tpu.vector_store %arg11[%swap3A_1872, %swap3A_1873], %swap3A_1876 {strides = array<i32>} : memref<65x64xf32, #tpu.memory_space<vmem>>, vector<1x16xf32>,
      %get3A_1877 = arith.index_cast %squeeze3A_1782 : i32 to index
      %get3A_1878 = arith.constant 48 : index
      %get3A_1879 = tpu.vector_load %arg12[%get3A_1877, %get3A_1878] {strides = array<i32>} : memref<65x64xf32, #tpu.memory_space<vmem>>, vector<1x16xf32>,
      %get3A_1880 = vector.shape_cast %get3A_1879 : vector<1x16xf32> to vector<16xf32>
      %max3A_1881 = arith.maximumf %get3A_1880, %get3A_1866 : vector<16xf32>
      %swap3A_1882 = arith.index_cast %squeeze3A_1782 : i32 to index
      %swap3A_1883 = arith.constant 48 : index
      %swap3A_1884 = tpu.vector_load %arg12[%swap3A_1882, %swap3A_1883] {strides = array<i32>} : memref<65x64xf32, #tpu.memory_space<vmem>>, vector<1x16xf32>,
      %swap3A_1885 = vector.shape_cast %swap3A_1884 : vector<1x16xf32> to vector<16xf32>
      %swap3A_1886 = vector.shape_cast %max3A_1881 : vector<16xf32> to vector<1x16xf32>
      tpu.vector_store %arg12[%swap3A_1882, %swap3A_1883], %swap3A_1886 {strides = array<i32>} : memref<65x64xf32, #tpu.memory_space<vmem>>, vector<1x16xf32>,
      %get3A_1887 = arith.index_cast %squeeze3A_1782 : i32 to index
      %get3A_1888 = arith.constant 0 : index
      %get3A_1889 = tpu.vector_load %arg13[%get3A_1887, %get3A_1888] {strides = array<i32>} : memref<65x64xf32, #tpu.memory_space<vmem>>, vector<1x16xf32>,
      %get3A_1890 = vector.shape_cast %get3A_1889 : vector<1x16xf32> to vector<16xf32>
      %add3A_1891 = arith.constant 1.000000e+00 : f32
      %add3A_1892 = vector.broadcast %add3A_1891 : f32 to vector<16xf32>
      %add3A_1893 = arith.addf %get3A_1890, %add3A_1892 : vector<16xf32>
      %swap3A_1894 = arith.index_cast %squeeze3A_1782 : i32 to index
      %swap3A_1895 = arith.constant 0 : index
      %swap3A_1896 = tpu.vector_load %arg13[%swap3A_1894, %swap3A_1895] {strides = array<i32>} : memref<65x64xf32, #tpu.memory_space<vmem>>, vector<1x16xf32>,
      %swap3A_1897 = vector.shape_cast %swap3A_1896 : vector<1x16xf32> to vector<16xf32>
      %swap3A_1898 = vector.shape_cast %add3A_1893 : vector<16xf32> to vector<1x16xf32>
      tpu.vector_store %arg13[%swap3A_1894, %swap3A_1895], %swap3A_1898 {strides = array<i32>} : memref<65x64xf32, #tpu.memory_space<vmem>>, vector<1x16xf32>,
    }
    %scan3A_7 = arith.constant 20 : i32
    "tpu.region"() ({
      %run_scoped3A = tpu.sem_alloc : memref<!tpu.dma_semaphore, #tpu.memory_space<semaphore_mem>>
      %dma_start3A = arith.constant 0 : i32
      %dma_start3A_8 = arith.constant 0 : i32
      %dma_start3A_9 = tpu.memref_slice %arg6[%add3A, %dma_start3A, %dma_start3A_8] : memref<32x65x64xf32, #tpu.memory_space<hbm>> -> memref<1x65x64xf32, #tpu.memory_space<hbm>>
      %dma_start3A_10 = tpu.memref_squeeze %dma_start3A_9 : memref<1x65x64xf32, #tpu.memory_space<hbm>> -> memref<65x64xf32, #tpu.memory_space<hbm>>
      %dma_start3A_11 = arith.constant 0 : i32
      %dma_start3A_12 = arith.constant 0 : i32
      %dma_start3A_13 = tpu.memref_slice %arg6[%add3A, %dma_start3A_11, %dma_start3A_12] : memref<32x65x64xf32, #tpu.memory_space<hbm>> -> memref<1x65x64xf32, #tpu.memory_space<hbm>>
      %dma_start3A_14 = tpu.memref_squeeze %dma_start3A_13 : memref<1x65x64xf32, #tpu.memory_space<hbm>> -> memref<65x64xf32, #tpu.memory_space<hbm>>
      tpu.enqueue_dma source(%arg11 : memref<65x64xf32, #tpu.memory_space<vmem>>) target(%dma_start3A_14 : memref<65x64xf32, #tpu.memory_space<hbm>>) target_semaphore(%run_scoped3A : memref<!tpu.dma_semaphore, #tpu.memory_space<semaphore_mem>>)
      %dma_wait3A = arith.constant 0 : i32
      %dma_wait3A_15 = arith.constant 0 : i32
      %dma_wait3A_16 = tpu.memref_slice %arg6[%add3A, %dma_wait3A, %dma_wait3A_15] : memref<32x65x64xf32, #tpu.memory_space<hbm>> -> memref<1x65x64xf32, #tpu.memory_space<hbm>>
      %dma_wait3A_17 = tpu.memref_squeeze %dma_wait3A_16 : memref<1x65x64xf32, #tpu.memory_space<hbm>> -> memref<65x64xf32, #tpu.memory_space<hbm>>
      %dma_wait3A_18 = arith.constant 0 : i32
      %dma_wait3A_19 = arith.constant 0 : i32
      %dma_wait3A_20 = tpu.memref_slice %arg6[%add3A, %dma_wait3A_18, %dma_wait3A_19] : memref<32x65x64xf32, #tpu.memory_space<hbm>> -> memref<1x65x64xf32, #tpu.memory_space<hbm>>
      %dma_wait3A_21 = tpu.memref_squeeze %dma_wait3A_20 : memref<1x65x64xf32, #tpu.memory_space<hbm>> -> memref<65x64xf32, #tpu.memory_space<hbm>>
      tpu.wait_dma2 semaphore(%run_scoped3A : memref<!tpu.dma_semaphore, #tpu.memory_space<semaphore_mem>>) src(%arg11 : memref<65x64xf32, #tpu.memory_space<vmem>>) dst(%dma_wait3A_21 : memref<65x64xf32, #tpu.memory_space<hbm>>)
      tpu.yield
    }) : () -> ()
    "tpu.region"() ({
      %run_scoped3A = tpu.sem_alloc : memref<!tpu.dma_semaphore, #tpu.memory_space<semaphore_mem>>
      %dma_start3A = arith.constant 0 : i32
      %dma_start3A_8 = arith.constant 0 : i32
      %dma_start3A_9 = tpu.memref_slice %arg7[%add3A, %dma_start3A, %dma_start3A_8] : memref<32x65x64xf32, #tpu.memory_space<hbm>> -> memref<1x65x64xf32, #tpu.memory_space<hbm>>
      %dma_start3A_10 = tpu.memref_squeeze %dma_start3A_9 : memref<1x65x64xf32, #tpu.memory_space<hbm>> -> memref<65x64xf32, #tpu.memory_space<hbm>>
      %dma_start3A_11 = arith.constant 0 : i32
      %dma_start3A_12 = arith.constant 0 : i32
      %dma_start3A_13 = tpu.memref_slice %arg7[%add3A, %dma_start3A_11, %dma_start3A_12] : memref<32x65x64xf32, #tpu.memory_space<hbm>> -> memref<1x65x64xf32, #tpu.memory_space<hbm>>
      %dma_start3A_14 = tpu.memref_squeeze %dma_start3A_13 : memref<1x65x64xf32, #tpu.memory_space<hbm>> -> memref<65x64xf32, #tpu.memory_space<hbm>>
      tpu.enqueue_dma source(%arg12 : memref<65x64xf32, #tpu.memory_space<vmem>>) target(%dma_start3A_14 : memref<65x64xf32, #tpu.memory_space<hbm>>) target_semaphore(%run_scoped3A : memref<!tpu.dma_semaphore, #tpu.memory_space<semaphore_mem>>)
      %dma_wait3A = arith.constant 0 : i32
      %dma_wait3A_15 = arith.constant 0 : i32
      %dma_wait3A_16 = tpu.memref_slice %arg7[%add3A, %dma_wait3A, %dma_wait3A_15] : memref<32x65x64xf32, #tpu.memory_space<hbm>> -> memref<1x65x64xf32, #tpu.memory_space<hbm>>
      %dma_wait3A_17 = tpu.memref_squeeze %dma_wait3A_16 : memref<1x65x64xf32, #tpu.memory_space<hbm>> -> memref<65x64xf32, #tpu.memory_space<hbm>>
      %dma_wait3A_18 = arith.constant 0 : i32
      %dma_wait3A_19 = arith.constant 0 : i32
      %dma_wait3A_20 = tpu.memref_slice %arg7[%add3A, %dma_wait3A_18, %dma_wait3A_19] : memref<32x65x64xf32, #tpu.memory_space<hbm>> -> memref<1x65x64xf32, #tpu.memory_space<hbm>>
      %dma_wait3A_21 = tpu.memref_squeeze %dma_wait3A_20 : memref<1x65x64xf32, #tpu.memory_space<hbm>> -> memref<65x64xf32, #tpu.memory_space<hbm>>
      tpu.wait_dma2 semaphore(%run_scoped3A : memref<!tpu.dma_semaphore, #tpu.memory_space<semaphore_mem>>) src(%arg12 : memref<65x64xf32, #tpu.memory_space<vmem>>) dst(%dma_wait3A_21 : memref<65x64xf32, #tpu.memory_space<hbm>>)
      tpu.yield
    }) : () -> ()
    "tpu.region"() ({
      %run_scoped3A = tpu.sem_alloc : memref<!tpu.dma_semaphore, #tpu.memory_space<semaphore_mem>>
      %dma_start3A = arith.constant 0 : i32
      %dma_start3A_8 = arith.constant 0 : i32
      %dma_start3A_9 = tpu.memref_slice %arg8[%add3A, %dma_start3A, %dma_start3A_8] : memref<32x65x64xf32, #tpu.memory_space<hbm>> -> memref<1x65x64xf32, #tpu.memory_space<hbm>>
      %dma_start3A_10 = tpu.memref_squeeze %dma_start3A_9 : memref<1x65x64xf32, #tpu.memory_space<hbm>> -> memref<65x64xf32, #tpu.memory_space<hbm>>
      %dma_start3A_11 = arith.constant 0 : i32
      %dma_start3A_12 = arith.constant 0 : i32
      %dma_start3A_13 = tpu.memref_slice %arg8[%add3A, %dma_start3A_11, %dma_start3A_12] : memref<32x65x64xf32, #tpu.memory_space<hbm>> -> memref<1x65x64xf32, #tpu.memory_space<hbm>>
      %dma_start3A_14 = tpu.memref_squeeze %dma_start3A_13 : memref<1x65x64xf32, #tpu.memory_space<hbm>> -> memref<65x64xf32, #tpu.memory_space<hbm>>
      tpu.enqueue_dma source(%arg13 : memref<65x64xf32, #tpu.memory_space<vmem>>) target(%dma_start3A_14 : memref<65x64xf32, #tpu.memory_space<hbm>>) target_semaphore(%run_scoped3A : memref<!tpu.dma_semaphore, #tpu.memory_space<semaphore_mem>>)
      %dma_wait3A = arith.constant 0 : i32
      %dma_wait3A_15 = arith.constant 0 : i32
      %dma_wait3A_16 = tpu.memref_slice %arg8[%add3A, %dma_wait3A, %dma_wait3A_15] : memref<32x65x64xf32, #tpu.memory_space<hbm>> -> memref<1x65x64xf32, #tpu.memory_space<hbm>>
      %dma_wait3A_17 = tpu.memref_squeeze %dma_wait3A_16 : memref<1x65x64xf32, #tpu.memory_space<hbm>> -> memref<65x64xf32, #tpu.memory_space<hbm>>
      %dma_wait3A_18 = arith.constant 0 : i32
      %dma_wait3A_19 = arith.constant 0 : i32
      %dma_wait3A_20 = tpu.memref_slice %arg8[%add3A, %dma_wait3A_18, %dma_wait3A_19] : memref<32x65x64xf32, #tpu.memory_space<hbm>> -> memref<1x65x64xf32, #tpu.memory_space<hbm>>
      %dma_wait3A_21 = tpu.memref_squeeze %dma_wait3A_20 : memref<1x65x64xf32, #tpu.memory_space<hbm>> -> memref<65x64xf32, #tpu.memory_space<hbm>>
      tpu.wait_dma2 semaphore(%run_scoped3A : memref<!tpu.dma_semaphore, #tpu.memory_space<semaphore_mem>>) src(%arg13 : memref<65x64xf32, #tpu.memory_space<vmem>>) dst(%dma_wait3A_21 : memref<65x64xf32, #tpu.memory_space<hbm>>)
      tpu.yield
    }) : () -> ()
    return
  }
}

module attributes {stable_mosaic.version = 14 : i64} {
  func.func @_tc1a_body(%arg0: i32, %arg1: memref<512x256xf32, #tpu.memory_space<vmem>>, %arg2: memref<256x128xf32, #tpu.memory_space<vmem>>, %arg3: memref<512x128xf32, #tpu.memory_space<vmem>>) attributes {dimension_semantics = [#tpu.dimension_semantics<arbitrary>], iteration_bounds = array<i64: 10>, scalar_prefetch = 0 : i64, scratch_operands = 0 : i64, tpu.core_type = #tpu.core_type<tc>, window_params = [{transform_indices = @transform_0, window_bounds = array<i64: 512, 256>}, {pipeline_mode = #tpu.pipeline_mode<synchronous>, transform_indices = @transform_1, window_bounds = array<i64: 256, 128>}, {transform_indices = @transform_2, window_bounds = array<i64: 512, 128>}]} {
    %get3A = arith.constant 0 : index
    %get3A_0 = arith.constant 0 : index
    %get3A_1 = vector.load %arg1[%get3A, %get3A_0] : memref<512x256xf32, #tpu.memory_space<vmem>>, vector<512x256xf32>
    %get3A_2 = arith.constant 0 : index
    %get3A_3 = arith.constant 0 : index
    %get3A_4 = vector.load %arg2[%get3A_2, %get3A_3] : memref<256x128xf32, #tpu.memory_space<vmem>>, vector<256x128xf32>
    %dot_general3A = arith.constant dense<0.000000e+00> : vector<512x128xf32>
    %dot_general3A_5 = tpu.matmul %get3A_1, %get3A_4, %dot_general3A {dimension_numbers = #tpu.dot_dimension_numbers<[1], [0], [0], [1], [0, 0, 1, 1], [], []>, transpose_lhs_hint = false} : vector<512x256xf32>, vector<256x128xf32>, vector<512x128xf32> -> vector<512x128xf32>
    %swap3A = arith.constant 0 : index
    %swap3A_6 = arith.constant 0 : index
    %swap3A_7 = vector.load %arg3[%swap3A, %swap3A_6] : memref<512x128xf32, #tpu.memory_space<vmem>>, vector<512x128xf32>
    tpu.vector_store %arg3[%swap3A, %swap3A_6], %dot_general3A_5 {strides = array<i32>} : memref<512x128xf32, #tpu.memory_space<vmem>>, vector<512x128xf32>,
    return
  }
  func.func @transform_0(%arg0: i32) -> (i32, i32) {
    %c0_i32 = arith.constant 0 : i32
    %c0_i32_0 = arith.constant 0 : i32
    return %arg0, %c0_i32 : i32, i32
  }
  func.func @transform_1(%arg0: i32) -> (i32, i32) {
    %c0_i32 = arith.constant 0 : i32
    %c0_i32_0 = arith.constant 0 : i32
    %c0_i32_1 = arith.constant 0 : i32
    return %c0_i32, %c0_i32_0 : i32, i32
  }
  func.func @transform_2(%arg0: i32) -> (i32, i32) {
    %c0_i32 = arith.constant 0 : i32
    %c0_i32_0 = arith.constant 0 : i32
    return %arg0, %c0_i32 : i32, i32
  }
}

module attributes {stable_mosaic.version = 14 : i64} {
  func.func @_tc1b_body(%arg0: i32, %arg1: memref<512x128xf32, #tpu.memory_space<vmem>>, %arg2: memref<2x512x16xf32, #tpu.memory_space<vmem>>, %arg3: memref<512x128xf32, #tpu.memory_space<vmem>>, %arg4: memref<512x128xf32, #tpu.memory_space<vmem>>) attributes {dimension_semantics = [#tpu.dimension_semantics<arbitrary>], iteration_bounds = array<i64: 10>, scalar_prefetch = 0 : i64, scratch_operands = 0 : i64, tpu.core_type = #tpu.core_type<tc>, window_params = [{transform_indices = @transform_0, window_bounds = array<i64: 512, 128>}, {transform_indices = @transform_1, window_bounds = array<i64: 2, 512, 16>}, {transform_indices = @transform_2, window_bounds = array<i64: 512, 128>}, {transform_indices = @transform_3, window_bounds = array<i64: 512, 128>}]} {
    %get3A = arith.constant 0 : index
    %get3A_0 = arith.constant 0 : index
    %get3A_1 = arith.constant 0 : index
    %get3A_2 = vector.load %arg2[%get3A, %get3A_0, %get3A_1] : memref<2x512x16xf32, #tpu.memory_space<vmem>>, vector<2x512x16xf32>
    %slice3A = vector.extract_strided_slice %get3A_2 {offsets = [0, 0, 0], sizes = [1, 512, 16], strides = [1, 1, 1]} : vector<2x512x16xf32> to vector<1x512x16xf32>
    %squeeze3A = vector.shape_cast %slice3A : vector<1x512x16xf32> to vector<512x16xf32>
    %slice3A_3 = vector.extract_strided_slice %get3A_2 {offsets = [1, 0, 0], sizes = [1, 512, 16], strides = [1, 1, 1]} : vector<2x512x16xf32> to vector<1x512x16xf32>
    %squeeze3A_4 = vector.shape_cast %slice3A_3 : vector<1x512x16xf32> to vector<512x16xf32>
    %add3A = arith.addf %squeeze3A, %squeeze3A_4 : vector<512x16xf32>
    %add3A_5 = arith.constant 1.000000e+00 : f32
    %add3A_6 = vector.broadcast %add3A_5 : f32 to vector<512x16xf32>
    %add3A_7 = arith.addf %add3A, %add3A_6 : vector<512x16xf32>
    %rsqrt3A = math.rsqrt %add3A_7 : vector<512x16xf32>
    %slice3A_8 = vector.extract_strided_slice %rsqrt3A {offsets = [0, 0], sizes = [512, 1], strides = [1, 1]} : vector<512x16xf32> to vector<512x1xf32>
    %broadcast_in_dim3A = vector.shape_cast %slice3A_8 : vector<512x1xf32> to vector<512x1xf32>
    %broadcast_in_dim3A_9 = vector.broadcast %broadcast_in_dim3A : vector<512x1xf32> to vector<512x64xf32>
    %slice3A_10 = vector.extract_strided_slice %rsqrt3A {offsets = [0, 8], sizes = [512, 1], strides = [1, 1]} : vector<512x16xf32> to vector<512x1xf32>
    %broadcast_in_dim3A_11 = vector.shape_cast %slice3A_10 : vector<512x1xf32> to vector<512x1xf32>
    %broadcast_in_dim3A_12 = vector.broadcast %broadcast_in_dim3A_11 : vector<512x1xf32> to vector<512x64xf32>
    %concatenate3A = tpu.concatenate %broadcast_in_dim3A_9, %broadcast_in_dim3A_12 in 1 : vector<512x64xf32>, vector<512x64xf32> -> vector<512x128xf32>
    %get3A_13 = arith.constant 0 : index
    %get3A_14 = arith.constant 0 : index
    %get3A_15 = vector.load %arg1[%get3A_13, %get3A_14] : memref<512x128xf32, #tpu.memory_space<vmem>>, vector<512x128xf32>
    %mul3A = arith.mulf %get3A_15, %concatenate3A : vector<512x128xf32>
    %swap3A = arith.constant 0 : index
    %swap3A_16 = arith.constant 0 : index
    %swap3A_17 = vector.load %arg3[%swap3A, %swap3A_16] : memref<512x128xf32, #tpu.memory_space<vmem>>, vector<512x128xf32>
    tpu.vector_store %arg3[%swap3A, %swap3A_16], %mul3A {strides = array<i32>} : memref<512x128xf32, #tpu.memory_space<vmem>>, vector<512x128xf32>,
    %swap3A_18 = arith.constant 0 : index
    %swap3A_19 = arith.constant 0 : index
    %swap3A_20 = vector.load %arg4[%swap3A_18, %swap3A_19] : memref<512x128xf32, #tpu.memory_space<vmem>>, vector<512x128xf32>
    tpu.vector_store %arg4[%swap3A_18, %swap3A_19], %concatenate3A {strides = array<i32>} : memref<512x128xf32, #tpu.memory_space<vmem>>, vector<512x128xf32>,
    return
  }
  func.func @transform_0(%arg0: i32) -> (i32, i32) {
    %c0_i32 = arith.constant 0 : i32
    %c0_i32_0 = arith.constant 0 : i32
    return %arg0, %c0_i32 : i32, i32
  }
  func.func @transform_1(%arg0: i32) -> (i32, i32, i32) {
    %c0_i32 = arith.constant 0 : i32
    %c0_i32_0 = arith.constant 0 : i32
    %c0_i32_1 = arith.constant 0 : i32
    return %c0_i32, %arg0, %c0_i32_0 : i32, i32, i32
  }
  func.func @transform_2(%arg0: i32) -> (i32, i32) {
    %c0_i32 = arith.constant 0 : i32
    %c0_i32_0 = arith.constant 0 : i32
    return %arg0, %c0_i32 : i32, i32
  }
  func.func @transform_3(%arg0: i32) -> (i32, i32) {
    %c0_i32 = arith.constant 0 : i32
    %c0_i32_0 = arith.constant 0 : i32
    return %arg0, %c0_i32 : i32, i32
  }
}

module attributes {stable_mosaic.version = 14 : i64} {
  func.func @_tc_mid_body(%arg0: i32, %arg1: memref<2x512x128xf32, #tpu.memory_space<vmem>>, %arg2: memref<512x128xf32, #tpu.memory_space<vmem>>, %arg3: memref<512x128xf32, #tpu.memory_space<vmem>>, %arg4: memref<1x128xf32, #tpu.memory_space<vmem>>, %arg5: memref<128x128xf32, #tpu.memory_space<vmem>>, %arg6: memref<512x128xf32, #tpu.memory_space<vmem>>) attributes {dimension_semantics = [#tpu.dimension_semantics<arbitrary>], iteration_bounds = array<i64: 10>, scalar_prefetch = 0 : i64, scratch_operands = 0 : i64, tpu.core_type = #tpu.core_type<tc>, window_params = [{transform_indices = @transform_0, window_bounds = array<i64: 2, 512, 128>}, {transform_indices = @transform_1, window_bounds = array<i64: 512, 128>}, {transform_indices = @transform_2, window_bounds = array<i64: 512, 128>}, {pipeline_mode = #tpu.pipeline_mode<synchronous>, transform_indices = @transform_3, window_bounds = array<i64: 1, 128>}, {pipeline_mode = #tpu.pipeline_mode<synchronous>, transform_indices = @transform_4, window_bounds = array<i64: 128, 128>}, {transform_indices = @transform_5, window_bounds = array<i64: 512, 128>}]} {
    %get3A = arith.constant 0 : index
    %get3A_0 = arith.constant 0 : index
    %get3A_1 = arith.constant 0 : index
    %get3A_2 = vector.load %arg1[%get3A, %get3A_0, %get3A_1] : memref<2x512x128xf32, #tpu.memory_space<vmem>>, vector<2x512x128xf32>
    %get3A_3 = arith.constant 0 : index
    %get3A_4 = arith.constant 0 : index
    %get3A_5 = vector.load %arg3[%get3A_3, %get3A_4] : memref<512x128xf32, #tpu.memory_space<vmem>>, vector<512x128xf32>
    %slice3A = vector.extract_strided_slice %get3A_2 {offsets = [0, 0, 0], sizes = [1, 512, 128], strides = [1, 1, 1]} : vector<2x512x128xf32> to vector<1x512x128xf32>
    %squeeze3A = vector.shape_cast %slice3A : vector<1x512x128xf32> to vector<512x128xf32>
    %slice3A_6 = vector.extract_strided_slice %get3A_2 {offsets = [1, 0, 0], sizes = [1, 512, 128], strides = [1, 1, 1]} : vector<2x512x128xf32> to vector<1x512x128xf32>
    %squeeze3A_7 = vector.shape_cast %slice3A_6 : vector<1x512x128xf32> to vector<512x128xf32>
    %add3A = arith.addf %squeeze3A, %squeeze3A_7 : vector<512x128xf32>
    %get3A_8 = arith.constant 0 : index
    %get3A_9 = arith.constant 0 : index
    %get3A_10 = vector.load %arg2[%get3A_8, %get3A_9] : memref<512x128xf32, #tpu.memory_space<vmem>>, vector<512x128xf32>
    %add3A_11 = arith.addf %add3A, %get3A_10 : vector<512x128xf32>
    %mul3A = arith.mulf %get3A_5, %add3A_11 : vector<512x128xf32>
    %get3A_12 = arith.constant 0 : index
    %get3A_13 = arith.constant 0 : index
    %get3A_14 = vector.load %arg4[%get3A_12, %get3A_13] : memref<1x128xf32, #tpu.memory_space<vmem>>, vector<1x128xf32>
    %add3A_15 = vector.broadcast %get3A_14 : vector<1x128xf32> to vector<512x128xf32>
    %add3A_16 = arith.addf %mul3A, %add3A_15 : vector<512x128xf32>
    %tanh3A = math.tanh %add3A_16 : vector<512x128xf32>
    %get3A_17 = arith.constant 0 : index
    %get3A_18 = arith.constant 0 : index
    %get3A_19 = vector.load %arg5[%get3A_17, %get3A_18] : memref<128x128xf32, #tpu.memory_space<vmem>>, vector<128x128xf32>
    %dot_general3A = arith.constant dense<0.000000e+00> : vector<512x128xf32>
    %dot_general3A_20 = tpu.matmul %tanh3A, %get3A_19, %dot_general3A {dimension_numbers = #tpu.dot_dimension_numbers<[1], [0], [0], [1], [0, 0, 1, 1], [], []>, transpose_lhs_hint = false} : vector<512x128xf32>, vector<128x128xf32>, vector<512x128xf32> -> vector<512x128xf32>
    %mul3A_21 = arith.mulf %dot_general3A_20, %get3A_5 : vector<512x128xf32>
    %swap3A = arith.constant 0 : index
    %swap3A_22 = arith.constant 0 : index
    %swap3A_23 = vector.load %arg6[%swap3A, %swap3A_22] : memref<512x128xf32, #tpu.memory_space<vmem>>, vector<512x128xf32>
    tpu.vector_store %arg6[%swap3A, %swap3A_22], %mul3A_21 {strides = array<i32>} : memref<512x128xf32, #tpu.memory_space<vmem>>, vector<512x128xf32>,
    return
  }
  func.func @transform_0(%arg0: i32) -> (i32, i32, i32) {
    %c0_i32 = arith.constant 0 : i32
    %c0_i32_0 = arith.constant 0 : i32
    %c0_i32_1 = arith.constant 0 : i32
    return %c0_i32, %arg0, %c0_i32_0 : i32, i32, i32
  }
  func.func @transform_1(%arg0: i32) -> (i32, i32) {
    %c0_i32 = arith.constant 0 : i32
    %c0_i32_0 = arith.constant 0 : i32
    return %arg0, %c0_i32 : i32, i32
  }
  func.func @transform_2(%arg0: i32) -> (i32, i32) {
    %c0_i32 = arith.constant 0 : i32
    %c0_i32_0 = arith.constant 0 : i32
    return %arg0, %c0_i32 : i32, i32
  }
  func.func @transform_3(%arg0: i32) -> (i32, i32) {
    %c0_i32 = arith.constant 0 : i32
    %c0_i32_0 = arith.constant 0 : i32
    %c0_i32_1 = arith.constant 0 : i32
    return %c0_i32, %c0_i32_0 : i32, i32
  }
  func.func @transform_4(%arg0: i32) -> (i32, i32) {
    %c0_i32 = arith.constant 0 : i32
    %c0_i32_0 = arith.constant 0 : i32
    %c0_i32_1 = arith.constant 0 : i32
    return %c0_i32, %c0_i32_0 : i32, i32
  }
  func.func @transform_5(%arg0: i32) -> (i32, i32) {
    %c0_i32 = arith.constant 0 : i32
    %c0_i32_0 = arith.constant 0 : i32
    return %arg0, %c0_i32 : i32, i32
  }
}

module attributes {stable_mosaic.version = 14 : i64} {
  func.func @_tc_last_body(%arg0: i32, %arg1: memref<2x512x128xf32, #tpu.memory_space<vmem>>, %arg2: memref<512x128xf32, #tpu.memory_space<vmem>>, %arg3: memref<512x128xf32, #tpu.memory_space<vmem>>, %arg4: memref<1x128xf32, #tpu.memory_space<vmem>>, %arg5: memref<512x128xf32, #tpu.memory_space<vmem>>) attributes {dimension_semantics = [#tpu.dimension_semantics<arbitrary>], iteration_bounds = array<i64: 10>, scalar_prefetch = 0 : i64, scratch_operands = 0 : i64, tpu.core_type = #tpu.core_type<tc>, window_params = [{transform_indices = @transform_0, window_bounds = array<i64: 2, 512, 128>}, {transform_indices = @transform_1, window_bounds = array<i64: 512, 128>}, {transform_indices = @transform_2, window_bounds = array<i64: 512, 128>}, {pipeline_mode = #tpu.pipeline_mode<synchronous>, transform_indices = @transform_3, window_bounds = array<i64: 1, 128>}, {transform_indices = @transform_4, window_bounds = array<i64: 512, 128>}]} {
    %get3A = arith.constant 0 : index
    %get3A_0 = arith.constant 0 : index
    %get3A_1 = arith.constant 0 : index
    %get3A_2 = vector.load %arg1[%get3A, %get3A_0, %get3A_1] : memref<2x512x128xf32, #tpu.memory_space<vmem>>, vector<2x512x128xf32>
    %get3A_3 = arith.constant 0 : index
    %get3A_4 = arith.constant 0 : index
    %get3A_5 = vector.load %arg3[%get3A_3, %get3A_4] : memref<512x128xf32, #tpu.memory_space<vmem>>, vector<512x128xf32>
    %slice3A = vector.extract_strided_slice %get3A_2 {offsets = [0, 0, 0], sizes = [1, 512, 128], strides = [1, 1, 1]} : vector<2x512x128xf32> to vector<1x512x128xf32>
    %squeeze3A = vector.shape_cast %slice3A : vector<1x512x128xf32> to vector<512x128xf32>
    %slice3A_6 = vector.extract_strided_slice %get3A_2 {offsets = [1, 0, 0], sizes = [1, 512, 128], strides = [1, 1, 1]} : vector<2x512x128xf32> to vector<1x512x128xf32>
    %squeeze3A_7 = vector.shape_cast %slice3A_6 : vector<1x512x128xf32> to vector<512x128xf32>
    %add3A = arith.addf %squeeze3A, %squeeze3A_7 : vector<512x128xf32>
    %get3A_8 = arith.constant 0 : index
    %get3A_9 = arith.constant 0 : index
    %get3A_10 = vector.load %arg2[%get3A_8, %get3A_9] : memref<512x128xf32, #tpu.memory_space<vmem>>, vector<512x128xf32>
    %add3A_11 = arith.addf %add3A, %get3A_10 : vector<512x128xf32>
    %mul3A = arith.mulf %get3A_5, %add3A_11 : vector<512x128xf32>
    %get3A_12 = arith.constant 0 : index
    %get3A_13 = arith.constant 0 : index
    %get3A_14 = vector.load %arg4[%get3A_12, %get3A_13] : memref<1x128xf32, #tpu.memory_space<vmem>>, vector<1x128xf32>
    %add3A_15 = vector.broadcast %get3A_14 : vector<1x128xf32> to vector<512x128xf32>
    %add3A_16 = arith.addf %mul3A, %add3A_15 : vector<512x128xf32>
    %tanh3A = math.tanh %add3A_16 : vector<512x128xf32>
    %swap3A = arith.constant 0 : index
    %swap3A_17 = arith.constant 0 : index
    %swap3A_18 = vector.load %arg5[%swap3A, %swap3A_17] : memref<512x128xf32, #tpu.memory_space<vmem>>, vector<512x128xf32>
    tpu.vector_store %arg5[%swap3A, %swap3A_17], %tanh3A {strides = array<i32>} : memref<512x128xf32, #tpu.memory_space<vmem>>, vector<512x128xf32>,
    return
  }
  func.func @transform_0(%arg0: i32) -> (i32, i32, i32) {
    %c0_i32 = arith.constant 0 : i32
    %c0_i32_0 = arith.constant 0 : i32
    %c0_i32_1 = arith.constant 0 : i32
    return %c0_i32, %arg0, %c0_i32_0 : i32, i32, i32
  }
  func.func @transform_1(%arg0: i32) -> (i32, i32) {
    %c0_i32 = arith.constant 0 : i32
    %c0_i32_0 = arith.constant 0 : i32
    return %arg0, %c0_i32 : i32, i32
  }
  func.func @transform_2(%arg0: i32) -> (i32, i32) {
    %c0_i32 = arith.constant 0 : i32
    %c0_i32_0 = arith.constant 0 : i32
    return %arg0, %c0_i32 : i32, i32
  }
  func.func @transform_3(%arg0: i32) -> (i32, i32) {
    %c0_i32 = arith.constant 0 : i32
    %c0_i32_0 = arith.constant 0 : i32
    %c0_i32_1 = arith.constant 0 : i32
    return %c0_i32, %c0_i32_0 : i32, i32
  }
  func.func @transform_4(%arg0: i32) -> (i32, i32) {
    %c0_i32 = arith.constant 0 : i32
    %c0_i32_0 = arith.constant 0 : i32
    return %arg0, %c0_i32 : i32, i32
  }
}

module attributes {stable_mosaic.version = 14 : i64} {
  func.func @_tc_final_body(%arg0: memref<32x65x64xf32, #tpu.memory_space<vmem>>, %arg1: memref<32x65x64xf32, #tpu.memory_space<vmem>>, %arg2: memref<32x65x64xf32, #tpu.memory_space<vmem>>, %arg3: memref<128x10xf32, #tpu.memory_space<vmem>>, %arg4: memref<1x10xf32, #tpu.memory_space<vmem>>, %arg5: memref<64x10xf32, #tpu.memory_space<vmem>>) attributes {dimension_semantics = [], scalar_prefetch = 0 : i64, scratch_operands = 0 : i64, tpu.core_type = #tpu.core_type<tc>} {
    %get3A = arith.constant 0 : index
    %get3A_0 = arith.constant 0 : index
    %get3A_1 = arith.constant 0 : index
    %get3A_2 = vector.load %arg0[%get3A, %get3A_0, %get3A_1] : memref<32x65x64xf32, #tpu.memory_space<vmem>>, vector<32x65x64xf32>
    %reduce_sum3A = arith.constant dense<0.000000e+00> : vector<65x64xf32>
    %reduce_sum3A_3 = vector.multi_reduction <add>, %get3A_2, %reduce_sum3A [0] : vector<32x65x64xf32> to vector<65x64xf32>
    %slice3A = vector.extract_strided_slice %reduce_sum3A_3 {offsets = [0, 0], sizes = [64, 64], strides = [1, 1]} : vector<65x64xf32> to vector<64x64xf32>
    %get3A_4 = arith.constant 0 : index
    %get3A_5 = arith.constant 0 : index
    %get3A_6 = arith.constant 0 : index
    %get3A_7 = vector.load %arg1[%get3A_4, %get3A_5, %get3A_6] : memref<32x65x64xf32, #tpu.memory_space<vmem>>, vector<32x65x64xf32>
    %reduce_max3A = arith.constant dense<0xFF800000> : vector<65x64xf32>
    %reduce_max3A_8 = vector.multi_reduction <maximumf>, %get3A_7, %reduce_max3A [0] : vector<32x65x64xf32> to vector<65x64xf32>
    %slice3A_9 = vector.extract_strided_slice %reduce_max3A_8 {offsets = [0, 0], sizes = [64, 64], strides = [1, 1]} : vector<65x64xf32> to vector<64x64xf32>
    %get3A_10 = arith.constant 0 : index
    %get3A_11 = arith.constant 0 : index
    %get3A_12 = arith.constant 0 : index
    %get3A_13 = vector.load %arg2[%get3A_10, %get3A_11, %get3A_12] : memref<32x65x64xf32, #tpu.memory_space<vmem>>, vector<32x65x64xf32>
    %reduce_sum3A_14 = arith.constant dense<0.000000e+00> : vector<65x64xf32>
    %reduce_sum3A_15 = vector.multi_reduction <add>, %get3A_13, %reduce_sum3A_14 [0] : vector<32x65x64xf32> to vector<65x64xf32>
    %slice3A_16 = vector.extract_strided_slice %reduce_sum3A_15 {offsets = [0, 0], sizes = [64, 1], strides = [1, 1]} : vector<65x64xf32> to vector<64x1xf32>
    %max3A = arith.constant 1.000000e+00 : f32
    %max3A_17 = vector.broadcast %max3A : f32 to vector<64x1xf32>
    %max3A_18 = arith.maximumf %slice3A_16, %max3A_17 : vector<64x1xf32>
    %div3A = vector.broadcast %max3A_18 : vector<64x1xf32> to vector<64x64xf32>
    %div3A_19 = arith.divf %slice3A, %div3A : vector<64x64xf32>
    %concatenate3A = tpu.concatenate %slice3A_9, %div3A_19 in 1 : vector<64x64xf32>, vector<64x64xf32> -> vector<64x128xf32>
    %get3A_20 = arith.constant 0 : index
    %get3A_21 = arith.constant 0 : index
    %get3A_22 = vector.load %arg3[%get3A_20, %get3A_21] : memref<128x10xf32, #tpu.memory_space<vmem>>, vector<128x10xf32>
    %dot_general3A = arith.constant dense<0.000000e+00> : vector<64x10xf32>
    %dot_general3A_23 = tpu.matmul %concatenate3A, %get3A_22, %dot_general3A {dimension_numbers = #tpu.dot_dimension_numbers<[1], [0], [0], [1], [0, 0, 1, 1], [], []>, transpose_lhs_hint = false} : vector<64x128xf32>, vector<128x10xf32>, vector<64x10xf32> -> vector<64x10xf32>
    %get3A_24 = arith.constant 0 : index
    %get3A_25 = arith.constant 0 : index
    %get3A_26 = vector.load %arg4[%get3A_24, %get3A_25] : memref<1x10xf32, #tpu.memory_space<vmem>>, vector<1x10xf32>
    %add3A = vector.broadcast %get3A_26 : vector<1x10xf32> to vector<64x10xf32>
    %add3A_27 = arith.addf %dot_general3A_23, %add3A : vector<64x10xf32>
    %swap3A = arith.constant 0 : index
    %swap3A_28 = arith.constant 0 : index
    %swap3A_29 = vector.load %arg5[%swap3A, %swap3A_28] : memref<64x10xf32, #tpu.memory_space<vmem>>, vector<64x10xf32>
    tpu.vector_store %arg5[%swap3A, %swap3A_28], %add3A_27 {strides = array<i32>} : memref<64x10xf32, #tpu.memory_space<vmem>>, vector<64x10xf32>,
    return
  }
}

</mosaic_0001>

<sc_bundles>
// kernel: kernel.15.cloned.1.call-start
scs
__scs_entry_jumppad:
0x0: {  	(pc) =	sbr.rel $0x88, $3  }
0x1: {  	(tag) =	ssettag $0x0;
	lr =	simm.s32 $0x1  }
0x2: {  	[smem:$0x3F94] =	sst lr;
	_ =	strace $0xD0000000  }
0x3: {  	_ = 	snop  }
0x4: {  	_ = 	snop  }
0x5: {  	_ = 	snop  }
0x6: {  	_ = 	snop  }
0x7: {  	_ = 	snop  }
__scs_overlays_trampoline_lowered:
0x8: {  	[smem:$0x3FA3] =	sst s0  }
0x9: {  	[smem:$0x3FA4] =	sst s1  }
0xa: {  	[smem:$0x3FA5] =	sst s2  }
0xb: {  	[smem:$0x3FA6] =	sst s3  }
0xc: {  	[smem:$0x3FA7] =	sst s4  }
0xd: {  	[smem:$0x3FA8] =	sst s5  }
0xe: {  	[smem:$0x3FA9] =	sst s6  }
0xf: {  	[smem:$0x3FAA] =	sst s7  }
0x10: {  	[smem:$0x3FAB] =	sst s8  }
0x11: {  	[smem:$0x3FAC] =	sst s9;
	s0 =	simm.s32 @!p0 $0x0  }
0x12: {  	s1 =	sld [smem:$0x3F92];
	s0 =	simm.s32 @p0 $0x1  }
0x13: {  	[smem:$0x3FAD] =	sst s0;
	s0 =	simm.s32 @!p1 $0x0  }
0x14: {  	s2 =	sld [smem:$0x3F91];
	s0 =	simm.s32 @p1 $0x1  }
0x15: {  	[smem:$0x3FAE] =	sst s0;
	s0 =	simm.s32 @!p2 $0x0  }
0x16: {  	s3 =	sld [smem:$0x3FDB];
	s0 =	simm.s32 @p2 $0x1  }
0x17: {  	s4 =	simm.s32 $0x1BF5;
	[smem:$0x3FB0] =	sst s0  }
0x18: {  	s0 =	sld [smem:$0x3F93];
	_ =	swait.ge [sflag:s4], $0x0  }
0x19: {  	s7 =	sld [smem:$0x3F94]  }
0x1a: {  	s8 =	sadd.s32 $0xFFFFE003, lr  }
0x1b: {  	s9 =	sadd.s32 $0xFFFFFEF7, lr;
	s5 =	simm.s32 $0xFFFFFFFF;
	p2 =	slt.u32 s8, $0xFFFFF086  }
0x1c: {  	p1 =	slt.u32 s9, $0xF7A;
	s5 =	simm.s32 @!p2 $0x0  }
0x1d: {  	s5 =	simm.s32 @p1 $0x1;
	p0 =	seq.s32 s7, s2  }
0x1e: {  	s7 =	smul.u32 @!p0 $0xF7A, s2;
	p2 =	seq.s32 @!p0 s5, $0x0  }
0x1f: {  	s9 =	smul.u32 $0xF7A, s1;
	s8 =	simm.s32 @!p0 $0x1BF5;
	p2 =	por !p2, p0  }
0x20: {  	[sflag:s8] =	ssyncset.s32 @!p0 $0xFFFFF086;
	s6 =	sadd.s32 @!p0 s3, s7;
	s7 =	simm.s32 @!p0 $0x108  }
0x21: {  	s3 =	sadd.s32 s3, s9;
	s6 =	sadd.s32 @!p0 $0x88, s6;
	s7 =	simm.s32 @p2 $0x1082  }
0x22: {  	[simem:s7], [sflag:s8] =	dma.local @!p0 [hbm:s6], $0xF7A  }
0x23: {  	s9 =	sor.u32 $0xD0000000, s2;
	s6 =	simm.s32 $0x108;
	_ =	swait.ge @!p0 [sflag:s8], $0x0  }
0x24: {  	s3 =	sadd.s32 $0x88, s3;
	s6 =	simm.s32 @!p1 $0x1082;
	[sflag:s4] =	ssyncset.s32 $0xFFFFF086  }
0x25: {  	[simem:s6], [sflag:s4] =	dma.local [hbm:s3], $0xF7A  }
0x26: {  	[smem:$0x3F94] =	sst s1;
	(tag) =	ssettag s2;
	_ =	strace s9  }
0x27: {  	s1 =	sld [smem:$0x3FA4]  }
0x28: {  	s2 =	sld [smem:$0x3FA5]  }
0x29: {  	s4 =	sld [smem:$0x3FA7]  }
0x2a: {  	p0 =	seq.s32 s5, $0x0;
	s5 =	sld [smem:$0x3FA8]  }
0x2b: {  	s6 =	sld [smem:$0x3FA9]  }
0x2c: {  	s7 =	sld [smem:$0x3FAA]  }
0x2d: {  	s3 =	simm.s32 $0x108;
	s8 =	sld [smem:$0x3FAB]  }
0x2e: {  	s3 =	simm.s32 @!p0 $0x1082;
	s9 =	sld [smem:$0x3FAC]  }
0x2f: {  	lr =	sadd.s32 s0, s3;
	s0 =	sld [smem:$0x3FA3]  }
0x30: {  	s3 =	sld [smem:$0x3FA6]  }
0x31: {  	[smem:$0x3FAF] =	sst s10  }
0x32: {  	s10 =	sld [smem:$0x3FAD];
	_ =	sdelay $0x3  }
0x33: {  	p0 =	seq.s32 s10, $0x1;
	s10 =	sld [smem:$0x3FAF];
	_ =	sdelay $0x3  }
0x34: {  	[smem:$0x3FAF] =	sst s10  }
0x35: {  	s10 =	sld [smem:$0x3FAE];
	_ =	sdelay $0x3  }
0x36: {  	p1 =	seq.s32 s10, $0x1;
	s10 =	sld [smem:$0x3FAF];
	_ =	sdelay $0x3  }
0x37: {  	[smem:$0x3FAF] =	sst s10  }
0x38: {  	s10 =	sld [smem:$0x3FB0]  }
0x39: {  	_ = 	snop;
	(pc) =	sbr.ind lr, $3  }
0x3a: {  	_ = 	snop  }
0x3b: {  	_ = 	snop  }
0x3c: {  	p2 =	seq.s32 s10, $0x1;
	s10 =	sld [smem:$0x3FAF]  }
0x3d: {  	_ =	shalt  }
0x3e: {  	_ =	shalt  }
0x3f: {  	_ =	shalt  }
0x40: {  	_ =	shalt  }
0x41: {  	_ =	shalt  }
0x42: {  	_ =	shalt  }
0x43: {  	_ =	shalt  }
0x44: {  	_ =	shalt  }
0x45: {  	_ =	shalt  }
0x46: {  	_ =	shalt  }
0x47: {  	_ =	shalt  }
0x48: {  	_ =	shalt  }
0x49: {  	_ =	shalt  }
0x4a: {  	_ =	shalt  }
0x4b: {  	_ =	shalt  }
0x4c: {  	_ =	shalt  }
0x4d: {  	_ =	shalt  }
0x4e: {  	_ =	shalt  }
0x4f: {  	_ =	shalt  }
0x50: {  	_ =	shalt  }
0x51: {  	_ =	shalt  }
0x52: {  	_ =	shalt  }
0x53: {  	_ =	shalt  }
0x54: {  	_ =	shalt  }
0x55: {  	_ =	shalt  }
0x56: {  	_ =	shalt  }
0x57: {  	_ =	shalt  }
0x58: {  	_ =	shalt  }
0x59: {  	_ =	shalt  }
0x5a: {  	_ =	shalt  }
0x5b: {  	_ =	shalt  }
0x5c: {  	_ =	shalt  }
0x5d: {  	_ =	shalt  }
0x5e: {  	_ =	shalt  }
0x5f: {  	_ =	shalt  }
0x60: {  	_ =	shalt  }
0x61: {  	_ =	shalt  }
0x62: {  	_ =	shalt  }
0x63: {  	_ =	shalt  }
0x64: {  	_ =	shalt  }
0x65: {  	_ =	shalt  }
0x66: {  	_ =	shalt  }
0x67: {  	_ =	shalt  }
0x68: {  	_ =	shalt  }
0x69: {  	_ =	shalt  }
0x6a: {  	_ =	shalt  }
0x6b: {  	_ =	shalt  }
0x6c: {  	_ =	shalt  }
0x6d: {  	_ =	shalt  }
0x6e: {  	_ =	shalt  }
0x6f: {  	_ =	shalt  }
0x70: {  	_ =	shalt  }
0x71: {  	_ =	shalt  }
0x72: {  	_ =	shalt  }
0x73: {  	_ =	shalt  }
0x74: {  	_ =	shalt  }
0x75: {  	_ =	shalt  }
0x76: {  	_ =	shalt  }
0x77: {  	_ =	shalt  }
0x78: {  	_ =	shalt  }
0x79: {  	_ =	shalt  }
0x7a: {  	_ =	shalt  }
0x7b: {  	_ =	shalt  }
0x7c: {  	_ =	shalt  }
0x7d: {  	_ =	shalt  }
0x7e: {  	_ =	shalt  }
0x7f: {  	_ =	shalt  }
0x80: {  	_ =	shalt  }
0x81: {  	_ =	shalt  }
0x82: {  	_ =	shalt  }
0x83: {  	_ =	shalt  }
0x84: {  	_ =	shalt  }
0x85: {  	_ =	shalt  }
0x86: {  	_ =	shalt  }
0x87: {  	_ =	shalt  }
.Lfunc_end0:
.L_simem_size_0:
called_computation_lowered:
.L_overlay_start_0:
0x88: {  	s2 =	sld [smem:$0x3FD9]  }
0x89: {  	s3 =	sld [smem:$0x3FFE];
	_ =	sdelay $0x1  }
0x8a: {  	s1 =	srdreg.scid  }
0x8b: {  	s0 =	sand.u32 $0x1, s1  }
0x8c: {  	s14 =	sshll.u32 s0, $0xA;
	s2 =	sadd.s32 s3, s2  }
0x8d: {  	s2 =	sadd.s32 s2, s14  }
0x8e: {  	[smem:$0x3FBB] =	sst s2  }
0x8f: {  	_ = 	snop  }
0x90: {  	s2 =	sld [smem:$0x3FD0];
	_ =	sdelay $0x2  }
0x91: {  	s15 =	simm.s32 $0xA;
	s4 =	simm.s32 $0x10  }
0x92: {  	[smem:s4], [sflag:s15] =	dma.local [hbm:s2], $0x1  }
0x93: {  	_ =	swait.eq [sflag:s15], $0x1  }
0x94: {  	[sflag:s15] =	ssyncset.done $0x0  }
0x95: {  	[sflag:s15] =	ssyncadd.s32 $0xFFFFFFFF  }
0x96: {  	s16 =	sld [smem:$0x10];
	(tm) =	ssettm $0x1  }
0x97: {  	s17 =	sld [smem:$0x3FFB];
	_ =	sdelay $0x3  }
0x98: {  	_ =	strace s17  }
0x99: {  	s3 =	sld [smem:$0x3FFC];
	_ =	sdelay $0x3  }
0x9a: {  	_ =	strace s3  }
0x9b: {  	s3 =	sld [smem:$0x3FFD];
	_ =	sdelay $0x3  }
0x9c: {  	_ =	strace s3  }
0x9d: {  	_ =	strace $0x8FFFFFFF  }
0x9e: {  	s18 =	sld [smem:$0x3FDB];
	_ =	sdelay $0x1  }
0x9f: {  	s19 =	simm.s32 $_scs_section_size  }
0xa0: {  	s5 =	simm.s32 $_size__tile_overlayer_lowered;
	s6 =	simm.s32 $_tile_overlayer_lowered  }
0xa1: {  	s22 =	simm.s32 $0x1BFF;
	s21 =	sshll.u32 s6, $0x1;
	s3 =	sadd.s32 s19, s18  }
0xa2: {  	s7 =	simm.s32 $0x0;
	s20 =	sshll.u32 s5, $0x1;
	s5 =	sadd.s32 s21, s3  }
0xa3: {  	[timem:s7], [sflag:s22] =	dma.local [hbm:s5], s20  }
0xa4: {  	_ =	swait.ge [sflag:s22], s20  }
0xa5: {  	s4 =	ssub.s32 $0x0, s20;
	[sflag:s22] =	ssyncset.done $0x0  }
0xa6: {  	[sflag:s22] =	ssyncadd.s32 s4;
	_ =	sdelay $0x1  }
0xa7: {  	s23 =	simm.s32 $0x1B8B  }
0xa8: {  	_ =	swait.ge [sflag:s23], $0x1  }
0xa9: {  	[sflag:s23] =	ssyncset.done $0x0  }
0xaa: {  	s25 =	simm.s32 $0x1B8E;
	s24 =	sld [smem:$0x3FFE];
	[sflag:s23] =	ssyncadd.s32 $0xFFFFFFFF  }
0xab: {  	s26 =	simm.s32 $execute0_lowered;
	[smem:$0x3FD2] =	sst s25  }
0xac: {  	s5 =	sshll.u32 s26, $0x1;
	_ =	strace $0x80000046;
	[dreg:$0x1] =	wrdreg $0xFFFFFFFF  }
0xad: {  	s28 =	simm.s32 $_size_execute0_lowered;
	s3 =	sadd.s32 s3, s5;
	[dreg:$0x0] =	wrdreg $0x0  }
0xae: {  	s5 =	sshll.u32 s28, $0x1;
	[dreg:$0x2] =	wrdreg s3  }
0xaf: {  	[dreg:$0x3] =	wrdreg s5  }
0xb0: {  	[dreg:$0x4] =	wrdreg $0xC0  }
0xb1: {  	_ =	task [dreg:s7], $0x5FFFF  }
0xb2: {  	[dreg:$0x1] =	wrdreg $0xFFFFFFFF  }
0xb3: {  	[dreg:$0x0] =	wrdreg $0x60  }
0xb4: {  	[dreg:$0x2] =	wrdreg s24  }
0xb5: {  	[dreg:$0x3] =	wrdreg s16  }
0xb6: {  	[dreg:$0x4] =	wrdreg $0x2C000  }
0xb7: {  	[dreg:$0x5] =	wrdreg $0x9  }
0xb8: {  	_ =	task.clear_ibuf [dreg:s7], $0x6FFFF;
	_ =	strace $0x90000046  }
0xb9: {  	s29 =	simm.s32 $0x9;
	_ =	strace $0x80000048  }
0xba: {  	_ =	swait.ge [sflag:s29], $0x1  }
0xbb: {  	[sflag:s29] =	ssyncadd.s32 $0xFFFFFFFF  }
0xbc: {  	_ =	strace $0x90000048  }
0xbd: {  	_ =	sfence  }
0xbe: {  	s30 =	sld [smem:$0x0];
	_ =	sdelay $0x2  }
0xbf: {  	s31 =	sshll.u32 s1, $0xD;
	s1 =	sshrl.u32 s1, $0x2  }
0xc0: {  	s3 =	sand.u32 $0x4000, s31;
	s1 =	sadd.s32 s1, s30  }
0xc1: {  	s0 =	sor.u32 s3, s0;
	s1 =	sshll.u32 s1, $0x11  }
0xc2: {  	s0 =	sor.u32 s1, s0  }
0xc3: {  	s0 =	sadd.s32 $0x8F2B, s0  }
0xc4: {  	[sflag:s0] =	ssyncadd.remote.s32 $0x1  }
0xc5: {  	_ =	sfence.sel $0xFFFF  }
0xc6: {  	[dreg:$0x0] =	wrdreg $0xFFFFFFFF;
	(pc) =	sbr.abs _section_cstart, $3  }
0xc7: {  	[dreg:$0x1] =	wrdreg $0xFFFFFFFF  }
0xc8: {  	_ =	task.clear_ibuf [dreg:s7], $0x2FFFF;
	_ =	strace $0x9FFFFFFF  }
0xc9: {  	(tm) =	ssettm $0x7FFFFFFF  }
tec
execute0_lowered:
.L_overlay_start_1:
0x0: {  	(tag) =	ssettag $0x1  }
0x1: {  	s6 =	rddreg [dreg:$0x0]  }
0x2: {  	s2 =	rddreg [dreg:$0x1]  }
0x3: {  	s0 =	srdreg.scid;
	s3 =	rddreg [dreg:$0x2]  }
0x4: {  	s4 =	simm.s32 $0x0;
	s13 =	simm.s32 $0x80;
	s14 =	simm.s32 $0x1  }
0x5: {  	s15 =	simm.s32 $0x0;
	s5 =	sand.u32 $0x1, s0;
	s0 =	stileid.u32  }
0x6: {  	[smem:$0x7FF] =	sst s4;
	s1 =	sshll.u32 s5, $0x4;
	s8 =	smul.u32 $0x1400, s0  }
0x7: {  	s9 =	smul.u32 $0x14000, s5;
	s5 =	ssub.s32 $0x2, s5;
	s1 =	sor.u32 s0, s1  }
0x8: {  	s31 =	sshll.u32 s0, $0x6;
	s11 =	sshrl.u32 s5, $0x1;
	s7 =	smul.u32 $0x500, s1  }
0x9: {  	s1 =	rddreg [dreg:$0x3];
	_ =	strace $0x80000047;
	s10 =	sshrl.u32 s8, $0x3  }
0xa: {  	s9 =	sadd.s32 s8, s9;
	s11 =	ssub.s32 s5, s11;
	s12 =	sadd.s32 s8, s3  }
0xb: {  	s10 =	sadd.s32 s10, s6;
	s9 =	sshrl.u32 s9, $0x3;
	s8 =	smax.u32 s11, $0x1  }
0xc: {  	s11 =	sor.u32 $0x1C02, s31;
	s12 =	sshrl.u32 s12, $0x3;
	s7 =	sadd.s32 s7, s6  }
0xd: {  	s9 =	sadd.s32 s9, s6;
	s6 =	sadd.s32 $0xFC00, s10;
	s10 =	simm.s32 $0x2800  }
0xe: {  	s5 =	sadd.s32 $0x5C00, s7;
	s7 =	sadd.s32 $0x12400, s9;
	s9 =	simm.s32 $0x2  }
.LBB2_1:
0xf: {  	[tilespmem:s4], [sflag:$0x2] =	stream.linear.gather [hbm4b:s5+s4], $0x2800, $0x38;
	[tilespmem:$0x4000] =	vst v63  }
0x10: {  	_ =	swait.ge [sflag:s9], $0x2800  }
0x11: {  	[sflag:s9] =	ssyncset.done $0x0  }
0x12: {  	[sflag:s9] =	ssyncadd.s32 $0xFFFFD800  }
0x13: {  	[tilespmem:s10], [sflag:$0x2] =	stream.linear.gather [hbm4b:s2+s4], $0x400, $0x38;
	[tilespmem:$0x4000] =	vst v63  }
0x14: {  	_ =	swait.ge [sflag:s9], $0x400  }
0x15: {  	[sflag:s9] =	ssyncset.done $0x0  }
0x16: {  	[sflag:s9] =	ssyncadd.s32 $0xFFFFFC00  }
0x17: {  	[spmem:s12], [sflag:s11] =	dma.local [hbm:s6], $0x280  }
0x18: {  	_ =	swait.ge [sflag:s9], $0x280  }
0x19: {  	[sflag:s9] =	ssyncset.done $0x0  }
0x1a: {  	[sflag:s9] =	ssyncadd.s32 $0xFFFFFD80  }
0x1b: {  	s16 =	simm.s32 $0x0;
	[bflag:$0x0] =	sbarrier.arrive $0xFFFF  }
0x1c: {  	[spmem:s3] =	stream.indirect.scatter.add.f32 [tilespmem:s10], [sflag:$0x1], $0x8, s16, s13, $0xb8;
	[tilespmem:$0x4000] =	vst v63  }
0x1d: {  	s29 =	simm.s32 $0x80  }
0x1e: {  	[spmem:s3] =	stream.indirect.scatter.add.f32 [tilespmem:s10], [sflag:$0x1], $0x8, s29, s13, $0xb8;
	[tilespmem:$0x4000] =	vst v63  }
0x1f: {  	s30 =	simm.s32 $0x100  }
0x20: {  	[spmem:s3] =	stream.indirect.scatter.add.f32 [tilespmem:s10], [sflag:$0x1], $0x8, s30, s13, $0xb8;
	[tilespmem:$0x4000] =	vst v63  }
0x21: {  	s31 =	simm.s32 $0x180  }
0x22: {  	[spmem:s3] =	stream.indirect.scatter.add.f32 [tilespmem:s10], [sflag:$0x1], $0x8, s31, s13, $0xb8;
	[tilespmem:$0x4000] =	vst v63  }
0x23: {  	_ =	swait.ge [sflag:s14], $0x400  }
0x24: {  	[sflag:s14] =	ssyncset.done $0x0  }
0x25: {  	[sflag:s14] =	ssyncadd.s32 $0xFFFFFC00  }
0x26: {  	_ =	swait.ge [sflag:s14], $0x400  }
0x27: {  	[sflag:s14] =	ssyncset.done $0x0  }
0x28: {  	[sflag:s14] =	ssyncadd.s32 $0xFFFFFC00  }
0x29: {  	_ =	swait.ge [sflag:s14], $0x400  }
0x2a: {  	[sflag:s14] =	ssyncset.done $0x0  }
0x2b: {  	[sflag:s14] =	ssyncadd.s32 $0xFFFFFC00  }
0x2c: {  	_ =	swait.ge [sflag:s14], $0x400  }
0x2d: {  	s17 =	simm.s32 $0x1000;
	s16 =	simm.s32 $0x800;
	[sflag:s14] =	ssyncset.done $0x0  }
.LBB2_2:
0x2e: {  	s18 =	sshra.s32 s16, $0x2  }
0x2f: {  	[sflag:s14] =	ssyncadd.s32 $0xFFFFFC00;
	s16 =	smov.u32 s17;
	s19 =	sadd.s32 $0x800, s17  }
0x30: {  	[spmem:s3] =	stream.indirect.scatter.add.f32 [tilespmem:s10], [sflag:$0x1], $0x8, s18, s13, $0xb8;
	[tilespmem:$0x4000] =	vst v63  }
0x31: {  	p0 =	sne.s32 s17, $0x9800;
	s17 =	sadd.s32 $0x80, s18  }
0x32: {  	[spmem:s3] =	stream.indirect.scatter.add.f32 [tilespmem:s10], [sflag:$0x1], $0x8, s17, s13, $0xb8;
	[tilespmem:$0x4000] =	vst v63  }
0x33: {  	s17 =	sadd.s32 $0x100, s18  }
0x34: {  	[spmem:s3] =	stream.indirect.scatter.add.f32 [tilespmem:s10], [sflag:$0x1], $0x8, s17, s13, $0xb8;
	[tilespmem:$0x4000] =	vst v63  }
0x35: {  	s17 =	sadd.s32 $0x180, s18  }
0x36: {  	[spmem:s3] =	stream.indirect.scatter.add.f32 [tilespmem:s10], [sflag:$0x1], $0x8, s17, s13, $0xb8;
	[tilespmem:$0x4000] =	vst v63  }
0x37: {  	_ =	swait.ge [sflag:s14], $0x400  }
0x38: {  	[sflag:s14] =	ssyncset.done $0x0  }
0x39: {  	[sflag:s14] =	ssyncadd.s32 $0xFFFFFC00  }
0x3a: {  	_ =	swait.ge [sflag:s14], $0x400  }
0x3b: {  	[sflag:s14] =	ssyncset.done $0x0  }
0x3c: {  	[sflag:s14] =	ssyncadd.s32 $0xFFFFFC00  }
.Ltmp0:
0x3d: {  	_ =	swait.ge [sflag:s14], $0x400;
	(pc) =	sbr.rel @p0 .LBB2_2-.Ltmp0, $4  }
0x3e: {  	[sflag:s14] =	ssyncset.done $0x0  }
0x3f: {  	[sflag:s14] =	ssyncadd.s32 $0xFFFFFC00  }
0x40: {  	_ =	swait.ge [sflag:s14], $0x400  }
0x41: {  	s17 =	smov.u32 s19;
	[sflag:s14] =	ssyncset.done $0x0  }
0x42: {  	s16 =	sshra.s32 s16, $0x2;
	[sflag:s14] =	ssyncadd.s32 $0xFFFFFC00  }
0x43: {  	[spmem:s3] =	stream.indirect.scatter.add.f32 [tilespmem:s10], [sflag:$0x1], $0x8, s16, s13, $0xb8;
	[tilespmem:$0x4000] =	vst v63  }
0x44: {  	s17 =	sadd.s32 $0x80, s16  }
0x45: {  	[spmem:s3] =	stream.indirect.scatter.add.f32 [tilespmem:s10], [sflag:$0x1], $0x8, s17, s13, $0xb8;
	[tilespmem:$0x4000] =	vst v63  }
0x46: {  	s31 =	sadd.s32 $0x100, s16  }
0x47: {  	[spmem:s3] =	stream.indirect.scatter.add.f32 [tilespmem:s10], [sflag:$0x1], $0x8, s31, s13, $0xb8;
	[tilespmem:$0x4000] =	vst v63  }
0x48: {  	s16 =	sadd.s32 $0x180, s16  }
0x49: {  	[spmem:s3] =	stream.indirect.scatter.add.f32 [tilespmem:s10], [sflag:$0x1], $0x8, s16, s13, $0xb8;
	[tilespmem:$0x4000] =	vst v63  }
0x4a: {  	_ =	swait.ge [sflag:s14], $0x400  }
0x4b: {  	[sflag:s14] =	ssyncset.done $0x0  }
0x4c: {  	[sflag:s14] =	ssyncadd.s32 $0xFFFFFC00  }
0x4d: {  	_ =	swait.ge [sflag:s14], $0x400  }
0x4e: {  	[sflag:s14] =	ssyncset.done $0x0  }
0x4f: {  	[sflag:s14] =	ssyncadd.s32 $0xFFFFFC00  }
0x50: {  	_ =	swait.ge [sflag:s14], $0x400  }
0x51: {  	[sflag:s14] =	ssyncset.done $0x0  }
0x52: {  	[sflag:s14] =	ssyncadd.s32 $0xFFFFFC00  }
0x53: {  	_ =	swait.ge [sflag:s14], $0x400  }
0x54: {  	s15 =	sadd.s32 $0x1, s15;
	[sflag:s14] =	ssyncset.done $0x0  }
0x55: {  	p0 =	sne.s32 s15, s8;
	[sflag:s14] =	ssyncadd.s32 $0xFFFFFC00  }
.Ltmp1:
0x56: {  	[bflag:$0x0] =	sbarrier.arrive $0xFFFF;
	(pc) =	sbr.rel @p0 .LBB2_1-.Ltmp1, $4  }
0x57: {  	[hbm:s7], [sflag:s11] =	dma.local [spmem:s12], $0x280  }
0x58: {  	_ =	swait.ge [sflag:s9], $0x280  }
0x59: {  	[sflag:s9] =	ssyncset.done $0x0  }
0x5a: {  	[sflag:s9] =	ssyncadd.s32 $0xFFFFFD80  }
0x5b: {  	_ =	sfence.sel $0x180000  }
0x5c: {  	[bflag:$0x0] =	sbarrier.arrive $0xFFFF  }
0x5d: {  	p0 =	sne.s32 s0, $0x0;
	_ =	strace $0x90000047  }
0x5e: {  	s0 =	sadd.s32 @!p0 $0x100000, s1;
	[bflag:$0x2] =	sbarrier.arrive $0xFFFF  }
0x5f: {  	[sflag:s0] =	ssyncadd.tile.s32 @!p0 $0x1;
	_ =	shalt  }
.Lfunc_end2:
_tile_overlayer_lowered:
.L_overlay_start_2:
0x60: {  	(tag) =	ssettag $0x2  }
0x61: {  	s0 =	rddreg [dreg:$0x0];
	s2 =	stileid.u32  }
0x62: {  	s1 =	rddreg [dreg:$0x1];
	p0 =	sne.s32 s2, $0x0  }
0x63: {  	s3 =	rddreg [dreg:$0x2];
	[bflag:$0x3] =	sbarrier.arrive $0xFFFF;
	s2 =	simm.s32 @!p0 $0x1C02  }
0x64: {  	[timem:s3], [sflag:s2] =	dma.local @!p0 [hbm:s0], s1  }
0x65: {  	s0 =	simm.s32 @!p0 $0x2  }
0x66: {  	_ =	swait.ge @!p0 [sflag:s0], s1  }
0x67: {  	s1 =	ssub.s32 @!p0 $0x0, s1;
	[sflag:s0] =	ssyncset.done @!p0 $0x0  }
0x68: {  	[sflag:s0] =	ssyncadd.s32 @!p0 s1  }
0x69: {  	[bflag:$0x3] =	sbarrier.arrive $0xFFFF  }
0x6a: {  	_ =	shalt  }

// kernel: kernel.18.cloned.1.call-start
scs
__scs_entry_jumppad:
0x0: {  	(pc) =	sbr.rel $0x88, $3  }
0x1: {  	(tag) =	ssettag $0x0;
	lr =	simm.s32 $0x1  }
0x2: {  	[smem:$0x3F94] =	sst lr;
	_ =	strace $0xD0000000  }
0x3: {  	_ = 	snop  }
0x4: {  	_ = 	snop  }
0x5: {  	_ = 	snop  }
0x6: {  	_ = 	snop  }
0x7: {  	_ = 	snop  }
__scs_overlays_trampoline_lowered:
0x8: {  	[smem:$0x3FA3] =	sst s0  }
0x9: {  	[smem:$0x3FA4] =	sst s1  }
0xa: {  	[smem:$0x3FA5] =	sst s2  }
0xb: {  	[smem:$0x3FA6] =	sst s3  }
0xc: {  	[smem:$0x3FA7] =	sst s4  }
0xd: {  	[smem:$0x3FA8] =	sst s5  }
0xe: {  	[smem:$0x3FA9] =	sst s6  }
0xf: {  	[smem:$0x3FAA] =	sst s7  }
0x10: {  	[smem:$0x3FAB] =	sst s8  }
0x11: {  	[smem:$0x3FAC] =	sst s9;
	s0 =	simm.s32 @!p0 $0x0  }
0x12: {  	s1 =	sld [smem:$0x3F92];
	s0 =	simm.s32 @p0 $0x1  }
0x13: {  	[smem:$0x3FAD] =	sst s0;
	s0 =	simm.s32 @!p1 $0x0  }
0x14: {  	s2 =	sld [smem:$0x3F91];
	s0 =	simm.s32 @p1 $0x1  }
0x15: {  	[smem:$0x3FAE] =	sst s0;
	s0 =	simm.s32 @!p2 $0x0  }
0x16: {  	s3 =	sld [smem:$0x3FDB];
	s0 =	simm.s32 @p2 $0x1  }
0x17: {  	s4 =	simm.s32 $0x1BF5;
	[smem:$0x3FB0] =	sst s0  }
0x18: {  	s0 =	sld [smem:$0x3F93];
	_ =	swait.ge [sflag:s4], $0x0  }
0x19: {  	s7 =	sld [smem:$0x3F94]  }
0x1a: {  	s8 =	sadd.s32 $0xFFFFE003, lr  }
0x1b: {  	s9 =	sadd.s32 $0xFFFFFEF7, lr;
	s5 =	simm.s32 $0xFFFFFFFF;
	p2 =	slt.u32 s8, $0xFFFFF086  }
0x1c: {  	p1 =	slt.u32 s9, $0xF7A;
	s5 =	simm.s32 @!p2 $0x0  }
0x1d: {  	s5 =	simm.s32 @p1 $0x1;
	p0 =	seq.s32 s7, s2  }
0x1e: {  	s7 =	smul.u32 @!p0 $0xF7A, s2;
	p2 =	seq.s32 @!p0 s5, $0x0  }
0x1f: {  	s9 =	smul.u32 $0xF7A, s1;
	s8 =	simm.s32 @!p0 $0x1BF5;
	p2 =	por !p2, p0  }
0x20: {  	[sflag:s8] =	ssyncset.s32 @!p0 $0xFFFFF086;
	s6 =	sadd.s32 @!p0 s3, s7;
	s7 =	simm.s32 @!p0 $0x108  }
0x21: {  	s3 =	sadd.s32 s3, s9;
	s6 =	sadd.s32 @!p0 $0x88, s6;
	s7 =	simm.s32 @p2 $0x1082  }
0x22: {  	[simem:s7], [sflag:s8] =	dma.local @!p0 [hbm:s6], $0xF7A  }
0x23: {  	s9 =	sor.u32 $0xD0000000, s2;
	s6 =	simm.s32 $0x108;
	_ =	swait.ge @!p0 [sflag:s8], $0x0  }
0x24: {  	s3 =	sadd.s32 $0x88, s3;
	s6 =	simm.s32 @!p1 $0x1082;
	[sflag:s4] =	ssyncset.s32 $0xFFFFF086  }
0x25: {  	[simem:s6], [sflag:s4] =	dma.local [hbm:s3], $0xF7A  }
0x26: {  	[smem:$0x3F94] =	sst s1;
	(tag) =	ssettag s2;
	_ =	strace s9  }
0x27: {  	s1 =	sld [smem:$0x3FA4]  }
0x28: {  	s2 =	sld [smem:$0x3FA5]  }
0x29: {  	s4 =	sld [smem:$0x3FA7]  }
0x2a: {  	p0 =	seq.s32 s5, $0x0;
	s5 =	sld [smem:$0x3FA8]  }
0x2b: {  	s6 =	sld [smem:$0x3FA9]  }
0x2c: {  	s7 =	sld [smem:$0x3FAA]  }
0x2d: {  	s3 =	simm.s32 $0x108;
	s8 =	sld [smem:$0x3FAB]  }
0x2e: {  	s3 =	simm.s32 @!p0 $0x1082;
	s9 =	sld [smem:$0x3FAC]  }
0x2f: {  	lr =	sadd.s32 s0, s3;
	s0 =	sld [smem:$0x3FA3]  }
0x30: {  	s3 =	sld [smem:$0x3FA6]  }
0x31: {  	[smem:$0x3FAF] =	sst s10  }
0x32: {  	s10 =	sld [smem:$0x3FAD];
	_ =	sdelay $0x3  }
0x33: {  	p0 =	seq.s32 s10, $0x1;
	s10 =	sld [smem:$0x3FAF];
	_ =	sdelay $0x3  }
0x34: {  	[smem:$0x3FAF] =	sst s10  }
0x35: {  	s10 =	sld [smem:$0x3FAE];
	_ =	sdelay $0x3  }
0x36: {  	p1 =	seq.s32 s10, $0x1;
	s10 =	sld [smem:$0x3FAF];
	_ =	sdelay $0x3  }
0x37: {  	[smem:$0x3FAF] =	sst s10  }
0x38: {  	s10 =	sld [smem:$0x3FB0]  }
0x39: {  	_ = 	snop;
	(pc) =	sbr.ind lr, $3  }
0x3a: {  	_ = 	snop  }
0x3b: {  	_ = 	snop  }
0x3c: {  	p2 =	seq.s32 s10, $0x1;
	s10 =	sld [smem:$0x3FAF]  }
0x3d: {  	_ =	shalt  }
0x3e: {  	_ =	shalt  }
0x3f: {  	_ =	shalt  }
0x40: {  	_ =	shalt  }
0x41: {  	_ =	shalt  }
0x42: {  	_ =	shalt  }
0x43: {  	_ =	shalt  }
0x44: {  	_ =	shalt  }
0x45: {  	_ =	shalt  }
0x46: {  	_ =	shalt  }
0x47: {  	_ =	shalt  }
0x48: {  	_ =	shalt  }
0x49: {  	_ =	shalt  }
0x4a: {  	_ =	shalt  }
0x4b: {  	_ =	shalt  }
0x4c: {  	_ =	shalt  }
0x4d: {  	_ =	shalt  }
0x4e: {  	_ =	shalt  }
0x4f: {  	_ =	shalt  }
0x50: {  	_ =	shalt  }
0x51: {  	_ =	shalt  }
0x52: {  	_ =	shalt  }
0x53: {  	_ =	shalt  }
0x54: {  	_ =	shalt  }
0x55: {  	_ =	shalt  }
0x56: {  	_ =	shalt  }
0x57: {  	_ =	shalt  }
0x58: {  	_ =	shalt  }
0x59: {  	_ =	shalt  }
0x5a: {  	_ =	shalt  }
0x5b: {  	_ =	shalt  }
0x5c: {  	_ =	shalt  }
0x5d: {  	_ =	shalt  }
0x5e: {  	_ =	shalt  }
0x5f: {  	_ =	shalt  }
0x60: {  	_ =	shalt  }
0x61: {  	_ =	shalt  }
0x62: {  	_ =	shalt  }
0x63: {  	_ =	shalt  }
0x64: {  	_ =	shalt  }
0x65: {  	_ =	shalt  }
0x66: {  	_ =	shalt  }
0x67: {  	_ =	shalt  }
0x68: {  	_ =	shalt  }
0x69: {  	_ =	shalt  }
0x6a: {  	_ =	shalt  }
0x6b: {  	_ =	shalt  }
0x6c: {  	_ =	shalt  }
0x6d: {  	_ =	shalt  }
0x6e: {  	_ =	shalt  }
0x6f: {  	_ =	shalt  }
0x70: {  	_ =	shalt  }
0x71: {  	_ =	shalt  }
0x72: {  	_ =	shalt  }
0x73: {  	_ =	shalt  }
0x74: {  	_ =	shalt  }
0x75: {  	_ =	shalt  }
0x76: {  	_ =	shalt  }
0x77: {  	_ =	shalt  }
0x78: {  	_ =	shalt  }
0x79: {  	_ =	shalt  }
0x7a: {  	_ =	shalt  }
0x7b: {  	_ =	shalt  }
0x7c: {  	_ =	shalt  }
0x7d: {  	_ =	shalt  }
0x7e: {  	_ =	shalt  }
0x7f: {  	_ =	shalt  }
0x80: {  	_ =	shalt  }
0x81: {  	_ =	shalt  }
0x82: {  	_ =	shalt  }
0x83: {  	_ =	shalt  }
0x84: {  	_ =	shalt  }
0x85: {  	_ =	shalt  }
0x86: {  	_ =	shalt  }
0x87: {  	_ =	shalt  }
.Lfunc_end0:
.L_simem_size_0:
called_computation.1_lowered:
.L_overlay_start_0:
0x88: {  	s2 =	sld [smem:$0x3FD9]  }
0x89: {  	s3 =	sld [smem:$0x3FFE];
	_ =	sdelay $0x1  }
0x8a: {  	s1 =	srdreg.scid  }
0x8b: {  	s0 =	sand.u32 $0x1, s1  }
0x8c: {  	s14 =	sshll.u32 s0, $0xA;
	s2 =	sadd.s32 s3, s2  }
0x8d: {  	s2 =	sadd.s32 s2, s14  }
0x8e: {  	[smem:$0x3FBB] =	sst s2  }
0x8f: {  	_ = 	snop  }
0x90: {  	s2 =	sld [smem:$0x3FD0];
	_ =	sdelay $0x2  }
0x91: {  	s15 =	simm.s32 $0xA;
	s4 =	simm.s32 $0x10  }
0x92: {  	[smem:s4], [sflag:s15] =	dma.local [hbm:s2], $0x1  }
0x93: {  	_ =	swait.eq [sflag:s15], $0x1  }
0x94: {  	[sflag:s15] =	ssyncset.done $0x0  }
0x95: {  	[sflag:s15] =	ssyncadd.s32 $0xFFFFFFFF  }
0x96: {  	s16 =	sld [smem:$0x11];
	(tm) =	ssettm $0x1  }
0x97: {  	s17 =	sld [smem:$0x3FFB];
	_ =	sdelay $0x3  }
0x98: {  	_ =	strace s17  }
0x99: {  	s3 =	sld [smem:$0x3FFC];
	_ =	sdelay $0x3  }
0x9a: {  	_ =	strace s3  }
0x9b: {  	s3 =	sld [smem:$0x3FFD];
	_ =	sdelay $0x3  }
0x9c: {  	_ =	strace s3  }
0x9d: {  	_ =	strace $0x8FFFFFFF  }
0x9e: {  	s18 =	sld [smem:$0x3FDB];
	_ =	sdelay $0x1  }
0x9f: {  	s19 =	simm.s32 $_scs_section_size  }
0xa0: {  	s5 =	simm.s32 $_size__tile_overlayer_lowered;
	s6 =	simm.s32 $_tile_overlayer_lowered  }
0xa1: {  	s22 =	simm.s32 $0x1BFF;
	s21 =	sshll.u32 s6, $0x1;
	s3 =	sadd.s32 s19, s18  }
0xa2: {  	s7 =	simm.s32 $0x0;
	s20 =	sshll.u32 s5, $0x1;
	s5 =	sadd.s32 s21, s3  }
0xa3: {  	[timem:s7], [sflag:s22] =	dma.local [hbm:s5], s20  }
0xa4: {  	_ =	swait.ge [sflag:s22], s20  }
0xa5: {  	s4 =	ssub.s32 $0x0, s20;
	[sflag:s22] =	ssyncset.done $0x0  }
0xa6: {  	[sflag:s22] =	ssyncadd.s32 s4;
	_ =	sdelay $0x1  }
0xa7: {  	s23 =	simm.s32 $0x1B8B  }
0xa8: {  	_ =	swait.ge [sflag:s23], $0x1  }
0xa9: {  	[sflag:s23] =	ssyncset.done $0x0  }
0xaa: {  	s25 =	simm.s32 $0x1B8E;
	s24 =	sld [smem:$0x3FFE];
	[sflag:s23] =	ssyncadd.s32 $0xFFFFFFFF  }
0xab: {  	s26 =	simm.s32 $execute0_lowered;
	[smem:$0x3FD2] =	sst s25  }
0xac: {  	s5 =	sshll.u32 s26, $0x1;
	_ =	strace $0x80000049;
	[dreg:$0x1] =	wrdreg $0xFFFFFFFF  }
0xad: {  	s28 =	simm.s32 $_size_execute0_lowered;
	s3 =	sadd.s32 s3, s5;
	[dreg:$0x0] =	wrdreg $0x0  }
0xae: {  	s5 =	sshll.u32 s28, $0x1;
	[dreg:$0x2] =	wrdreg s3  }
0xaf: {  	[dreg:$0x3] =	wrdreg s5  }
0xb0: {  	[dreg:$0x4] =	wrdreg $0xC0  }
0xb1: {  	_ =	task [dreg:s7], $0x5FFFF  }
0xb2: {  	[dreg:$0x1] =	wrdreg $0xFFFFFFFF  }
0xb3: {  	[dreg:$0x0] =	wrdreg $0x60  }
0xb4: {  	[dreg:$0x2] =	wrdreg s24  }
0xb5: {  	[dreg:$0x3] =	wrdreg s16  }
0xb6: {  	[dreg:$0x4] =	wrdreg $0x90000  }
0xb7: {  	[dreg:$0x5] =	wrdreg $0x130000  }
0xb8: {  	[dreg:$0x6] =	wrdreg $0x9  }
0xb9: {  	_ =	task.clear_ibuf [dreg:s7], $0x7FFFF;
	_ =	strace $0x90000049  }
0xba: {  	s29 =	simm.s32 $0x9;
	_ =	strace $0x8000004B  }
0xbb: {  	_ =	swait.ge [sflag:s29], $0x1  }
0xbc: {  	[sflag:s29] =	ssyncadd.s32 $0xFFFFFFFF  }
0xbd: {  	_ =	strace $0x9000004B  }
0xbe: {  	_ =	sfence  }
0xbf: {  	s30 =	sld [smem:$0x0];
	_ =	sdelay $0x2  }
0xc0: {  	s31 =	sshll.u32 s1, $0xD;
	s1 =	sshrl.u32 s1, $0x2  }
0xc1: {  	s3 =	sand.u32 $0x4000, s31;
	s1 =	sadd.s32 s1, s30  }
0xc2: {  	s0 =	sor.u32 s3, s0;
	s1 =	sshll.u32 s1, $0x11  }
0xc3: {  	s0 =	sor.u32 s1, s0  }
0xc4: {  	s0 =	sadd.s32 $0x8F2B, s0  }
0xc5: {  	[sflag:s0] =	ssyncadd.remote.s32 $0x1  }
0xc6: {  	_ =	sfence.sel $0xFFFF  }
0xc7: {  	[dreg:$0x0] =	wrdreg $0xFFFFFFFF;
	(pc) =	sbr.abs _section_cstart, $3  }
0xc8: {  	[dreg:$0x1] =	wrdreg $0xFFFFFFFF  }
0xc9: {  	_ =	task.clear_ibuf [dreg:s7], $0x2FFFF;
	_ =	strace $0x9FFFFFFF  }
0xca: {  	(tm) =	ssettm $0x7FFFFFFF  }
0xcb: {  	_ =	shalt  }
tec
execute0_lowered:
.L_overlay_start_1:
0x0: {  	(tag) =	ssettag $0x1  }
0x1: {  	s5 =	rddreg [dreg:$0x0]  }
0x2: {  	s6 =	rddreg [dreg:$0x1]  }
0x3: {  	s2 =	rddreg [dreg:$0x2]  }
0x4: {  	s3 =	rddreg [dreg:$0x3]  }
0x5: {  	s0 =	rddreg [dreg:$0x4];
	s1 =	stileid.u32  }
0x6: {  	s7 =	srdreg.scid;
	s4 =	simm.s32 $0x0;
	s17 =	simm.s32 $0x2  }
0x7: {  	s18 =	simm.s32 $0x80;
	s19 =	simm.s32 $0x5000;
	s20 =	simm.s32 $0x7000  }
0x8: {  	s21 =	simm.s32 $0x3;
	s22 =	simm.s32 $0x2780;
	s23 =	simm.s32 $0x4F00  }
0x9: {  	s24 =	simm.s32 $0x4F80;
	s25 =	simm.s32 $0x0;
	s7 =	sand.u32 $0x1, s7  }
0xa: {  	s10 =	smul.u32 $0xA000, s1;
	[smem:$0x7FF] =	sst s4;
	s8 =	sshll.u32 s7, $0x4  }
0xb: {  	s9 =	smul.u32 $0xA0000, s7;
	_ =	strace $0x8000004A;
	s7 =	ssub.s32 $0x2, s7  }
0xc: {  	s8 =	sor.u32 s1, s8;
	s11 =	sshrl.u32 s10, $0x3;
	s31 =	sshrl.u32 s7, $0x1  }
0xd: {  	s15 =	sadd.s32 s10, s2;
	s16 =	sadd.s32 s10, s3;
	s8 =	smul.u32 $0x500, s8  }
0xe: {  	s9 =	sadd.s32 s10, s9;
	s11 =	sadd.s32 s11, s5;
	s14 =	ssub.s32 s7, s31  }
0xf: {  	s9 =	sshrl.u32 s9, $0x3;
	s7 =	sadd.s32 $0x23C00, s11;
	s12 =	sadd.s32 s8, s5  }
0x10: {  	s13 =	sadd.s32 s9, s5;
	s5 =	sadd.s32 s6, s8;
	s8 =	sshll.u32 s1, $0x6  }
0x11: {  	s10 =	sadd.s32 $0xFC00, s11;
	s6 =	sadd.s32 $0x5C00, s12;
	s9 =	sor.u32 $0x1C02, s8  }
0x12: {  	s11 =	sadd.s32 $0x37C00, s13;
	s12 =	smax.u32 s14, $0x1;
	s13 =	simm.s32 $0x2800  }
0x13: {  	s14 =	sshrl.u32 s15, $0x3;
	s15 =	sshrl.u32 s16, $0x3;
	s16 =	simm.s32 $0x1  }
.LBB2_1:
0x14: {  	[tilespmem:s4], [sflag:$0x1] =	stream.linear.gather [hbm4b:s5+s4], $0x2800, $0x38;
	[tilespmem:$0x1D000] =	vst v63  }
0x15: {  	_ = 	snop  }
0x16: {  	[tilespmem:s13], [sflag:$0x1] =	stream.linear.gather [hbm4b:s6+s4], $0x2800, $0x38;
	[tilespmem:$0x1D000] =	vst v63  }
0x17: {  	[spmem:s14], [sflag:s9] =	dma.local [hbm:s7], $0x1400  }
0x18: {  	[spmem:s15], [sflag:s9] =	dma.local [hbm:s10], $0x1400  }
0x19: {  	_ =	swait.ge [sflag:s16], $0x2800  }
0x1a: {  	[sflag:s16] =	ssyncset.done $0x0  }
0x1b: {  	[sflag:s16] =	ssyncadd.s32 $0xFFFFD800  }
0x1c: {  	_ =	swait.ge [sflag:s16], $0x2800  }
0x1d: {  	[sflag:s16] =	ssyncset.done $0x0  }
0x1e: {  	[sflag:s16] =	ssyncadd.s32 $0xFFFFD800  }
0x1f: {  	_ =	swait.ge [sflag:s17], $0x1400  }
0x20: {  	[sflag:s17] =	ssyncset.done $0x0  }
0x21: {  	[sflag:s17] =	ssyncadd.s32 $0xFFFFEC00  }
0x22: {  	_ =	swait.ge [sflag:s17], $0x1400  }
0x23: {  	[sflag:s17] =	ssyncset.done $0x0  }
0x24: {  	[sflag:s17] =	ssyncadd.s32 $0xFFFFEC00  }
0x25: {  	[bflag:$0x0] =	sbarrier.arrive $0xFFFF  }
0x26: {  	[tilespmem:s19], [sflag:$0x1] =	stream.indirect.gather [spmem:s3], $0x40, s4, s18, $0xb8;
	[tilespmem:$0x1D000] =	vst v63  }
0x27: {  	_ =	swait.ge [sflag:s16], $0x2000  }
0x28: {  	[sflag:s16] =	ssyncset.done $0x0  }
0x29: {  	s26 =	simm.s32 $0x80;
	[sflag:s16] =	ssyncadd.s32 $0xFFFFE000  }
0x2a: {  	[tilespmem:s20], [sflag:$0x2] =	stream.indirect.gather [spmem:s3], $0x40, s26, s18, $0xb8;
	[tilespmem:$0x1D000] =	vst v63  }
0x2b: {  	s29 =	simm.s32 $0x2800  }
0x2c: {  	[spmem:s2] =	stream.indirect.scatter.add.f32 [tilespmem:s19], [sflag:$0x3], $0x40, s29, s18, $0xb8;
	[tilespmem:$0x1D000] =	vst v63  }
0x2d: {  	_ =	swait.ge [sflag:s21], $0x2000  }
0x2e: {  	[sflag:s21] =	ssyncset.done $0x0  }
0x2f: {  	[sflag:s21] =	ssyncadd.s32 $0xFFFFE000  }
0x30: {  	_ =	swait.ge [sflag:s17], $0x2000  }
0x31: {  	[sflag:s17] =	ssyncset.done $0x0  }
0x32: {  	s30 =	simm.s32 $0x100;
	[sflag:s17] =	ssyncadd.s32 $0xFFFFE000  }
0x33: {  	[tilespmem:s19], [sflag:$0x1] =	stream.indirect.gather [spmem:s3], $0x40, s30, s18, $0xb8;
	[tilespmem:$0x1D000] =	vst v63  }
0x34: {  	s31 =	simm.s32 $0x2880  }
0x35: {  	[spmem:s2] =	stream.indirect.scatter.add.f32 [tilespmem:s20], [sflag:$0x3], $0x40, s31, s18, $0xb8;
	[tilespmem:$0x1D000] =	vst v63  }
0x36: {  	_ =	swait.ge [sflag:s21], $0x2000  }
0x37: {  	s26 =	simm.s32 $0x400;
	[sflag:s21] =	ssyncset.done $0x0  }
.LBB2_2:
0x38: {  	p0 =	sne.s32 s26, $0x9800  }
0x39: {  	[sflag:s21] =	ssyncadd.s32 $0xFFFFE000;
	s28 =	smov.u32 s26;
	s26 =	sadd.s32 $0x400, s26  }
0x3a: {  	_ = 	snop  }
0x3b: {  	_ =	swait.ge [sflag:s16], $0x2000  }
0x3c: {  	s28 =	sshra.s32 s28, $0x2;
	[sflag:s16] =	ssyncset.done $0x0  }
0x3d: {  	s29 =	sadd.s32 $0x80, s28;
	[sflag:s16] =	ssyncadd.s32 $0xFFFFE000  }
0x3e: {  	[tilespmem:s20], [sflag:$0x2] =	stream.indirect.gather [spmem:s3], $0x40, s29, s18, $0xb8;
	[tilespmem:$0x1D000] =	vst v63  }
0x3f: {  	s29 =	sadd.s32 $0x2800, s28  }
0x40: {  	[spmem:s2] =	stream.indirect.scatter.add.f32 [tilespmem:s19], [sflag:$0x3], $0x40, s29, s18, $0xb8;
	[tilespmem:$0x1D000] =	vst v63  }
0x41: {  	_ =	swait.ge [sflag:s21], $0x2000  }
0x42: {  	[sflag:s21] =	ssyncset.done $0x0  }
0x43: {  	[sflag:s21] =	ssyncadd.s32 $0xFFFFE000  }
0x44: {  	_ =	swait.ge [sflag:s17], $0x2000  }
0x45: {  	[sflag:s17] =	ssyncset.done $0x0  }
0x46: {  	s29 =	sadd.s32 $0x100, s28;
	[sflag:s17] =	ssyncadd.s32 $0xFFFFE000  }
0x47: {  	[tilespmem:s19], [sflag:$0x1] =	stream.indirect.gather [spmem:s3], $0x40, s29, s18, $0xb8;
	[tilespmem:$0x1D000] =	vst v63  }
.Ltmp0:
0x48: {  	_ = 	snop;
	(pc) =	sbr.rel @p0 .LBB2_2-.Ltmp0, $4  }
0x49: {  	s28 =	sadd.s32 $0x2880, s28  }
0x4a: {  	[spmem:s2] =	stream.indirect.scatter.add.f32 [tilespmem:s20], [sflag:$0x3], $0x40, s28, s18, $0xb8;
	[tilespmem:$0x1D000] =	vst v63  }
0x4b: {  	_ =	swait.ge [sflag:s21], $0x2000  }
0x4c: {  	[sflag:s21] =	ssyncset.done $0x0  }
0x4d: {  	[sflag:s21] =	ssyncadd.s32 $0xFFFFE000  }
0x4e: {  	_ =	swait.ge [sflag:s16], $0x2000  }
0x4f: {  	[sflag:s16] =	ssyncset.done $0x0  }
0x50: {  	[sflag:s16] =	ssyncadd.s32 $0xFFFFE000  }
0x51: {  	[tilespmem:s20], [sflag:$0x2] =	stream.indirect.gather [spmem:s3], $0x40, s22, s18, $0xb8;
	[tilespmem:$0x1D000] =	vst v63  }
0x52: {  	_ = 	snop  }
0x53: {  	[spmem:s2] =	stream.indirect.scatter.add.f32 [tilespmem:s19], [sflag:$0x3], $0x40, s23, s18, $0xb8;
	[tilespmem:$0x1D000] =	vst v63  }
0x54: {  	_ =	swait.ge [sflag:s21], $0x2000  }
0x55: {  	[sflag:s21] =	ssyncset.done $0x0  }
0x56: {  	[sflag:s21] =	ssyncadd.s32 $0xFFFFE000  }
0x57: {  	_ =	swait.ge [sflag:s17], $0x2000  }
0x58: {  	[sflag:s17] =	ssyncset.done $0x0  }
0x59: {  	[sflag:s17] =	ssyncadd.s32 $0xFFFFE000  }
0x5a: {  	[spmem:s2] =	stream.indirect.scatter.add.f32 [tilespmem:s20], [sflag:$0x3], $0x40, s24, s18, $0xb8;
	[tilespmem:$0x1D000] =	vst v63  }
0x5b: {  	_ =	swait.ge [sflag:s21], $0x2000  }
0x5c: {  	s25 =	sadd.s32 $0x1, s25;
	[sflag:s21] =	ssyncset.done $0x0  }
0x5d: {  	p0 =	sne.s32 s25, s12;
	[sflag:s21] =	ssyncadd.s32 $0xFFFFE000  }
.Ltmp1:
0x5e: {  	s26 =	sor.u32 $0x1C03, s8;
	[bflag:$0x0] =	sbarrier.arrive $0xFFFF;
	(pc) =	sbr.rel @p0 .LBB2_1-.Ltmp1, $4  }
0x5f: {  	[hbm:s11], [sflag:s26] =	dma.local [spmem:s14], $0x1400  }
0x60: {  	_ =	swait.ge [sflag:s21], $0x1400  }
0x61: {  	[sflag:s21] =	ssyncset.done $0x0  }
0x62: {  	[sflag:s21] =	ssyncadd.s32 $0xFFFFEC00  }
0x63: {  	_ =	sfence.sel $0x180000  }
0x64: {  	[bflag:$0x0] =	sbarrier.arrive $0xFFFF  }
0x65: {  	p0 =	sne.s32 s1, $0x0;
	_ =	strace $0x9000004A  }
0x66: {  	s0 =	sadd.s32 @!p0 $0x100000, s0;
	[bflag:$0x2] =	sbarrier.arrive $0xFFFF  }
0x67: {  	[sflag:s0] =	ssyncadd.tile.s32 @!p0 $0x1;
	_ =	shalt  }
.Lfunc_end2:
_tile_overlayer_lowered:
.L_overlay_start_2:
0x68: {  	(tag) =	ssettag $0x2  }
0x69: {  	s0 =	rddreg [dreg:$0x0];
	s2 =	stileid.u32  }
0x6a: {  	s1 =	rddreg [dreg:$0x1];
	p0 =	sne.s32 s2, $0x0  }
0x6b: {  	s3 =	rddreg [dreg:$0x2];
	[bflag:$0x3] =	sbarrier.arrive $0xFFFF;
	s2 =	simm.s32 @!p0 $0x1C03  }
0x6c: {  	[timem:s3], [sflag:s2] =	dma.local @!p0 [hbm:s0], s1  }
0x6d: {  	s0 =	simm.s32 @!p0 $0x3  }
0x6e: {  	_ =	swait.ge @!p0 [sflag:s0], s1  }
0x6f: {  	s1 =	ssub.s32 @!p0 $0x0, s1;
	[sflag:s0] =	ssyncset.done @!p0 $0x0  }
0x70: {  	[sflag:s0] =	ssyncadd.s32 @!p0 s1  }
0x71: {  	[bflag:$0x3] =	sbarrier.arrive $0xFFFF  }
0x72: {  	_ =	shalt  }

// kernel: kernel.21.cloned.1.call-start
scs
__scs_entry_jumppad:
0x0: {  	(pc) =	sbr.rel $0x88, $3  }
0x1: {  	(tag) =	ssettag $0x0;
	lr =	simm.s32 $0x1  }
0x2: {  	[smem:$0x3F94] =	sst lr;
	_ =	strace $0xD0000000  }
0x3: {  	_ = 	snop  }
0x4: {  	_ = 	snop  }
0x5: {  	_ = 	snop  }
0x6: {  	_ = 	snop  }
0x7: {  	_ = 	snop  }
__scs_overlays_trampoline_lowered:
0x8: {  	[smem:$0x3FA3] =	sst s0  }
0x9: {  	[smem:$0x3FA4] =	sst s1  }
0xa: {  	[smem:$0x3FA5] =	sst s2  }
0xb: {  	[smem:$0x3FA6] =	sst s3  }
0xc: {  	[smem:$0x3FA7] =	sst s4  }
0xd: {  	[smem:$0x3FA8] =	sst s5  }
0xe: {  	[smem:$0x3FA9] =	sst s6  }
0xf: {  	[smem:$0x3FAA] =	sst s7  }
0x10: {  	[smem:$0x3FAB] =	sst s8  }
0x11: {  	[smem:$0x3FAC] =	sst s9;
	s0 =	simm.s32 @!p0 $0x0  }
0x12: {  	s1 =	sld [smem:$0x3F92];
	s0 =	simm.s32 @p0 $0x1  }
0x13: {  	[smem:$0x3FAD] =	sst s0;
	s0 =	simm.s32 @!p1 $0x0  }
0x14: {  	s2 =	sld [smem:$0x3F91];
	s0 =	simm.s32 @p1 $0x1  }
0x15: {  	[smem:$0x3FAE] =	sst s0;
	s0 =	simm.s32 @!p2 $0x0  }
0x16: {  	s3 =	sld [smem:$0x3FDB];
	s0 =	simm.s32 @p2 $0x1  }
0x17: {  	s4 =	simm.s32 $0x1BF5;
	[smem:$0x3FB0] =	sst s0  }
0x18: {  	s0 =	sld [smem:$0x3F93];
	_ =	swait.ge [sflag:s4], $0x0  }
0x19: {  	s7 =	sld [smem:$0x3F94]  }
0x1a: {  	s8 =	sadd.s32 $0xFFFFE003, lr  }
0x1b: {  	s9 =	sadd.s32 $0xFFFFFEF7, lr;
	s5 =	simm.s32 $0xFFFFFFFF;
	p2 =	slt.u32 s8, $0xFFFFF086  }
0x1c: {  	p1 =	slt.u32 s9, $0xF7A;
	s5 =	simm.s32 @!p2 $0x0  }
0x1d: {  	s5 =	simm.s32 @p1 $0x1;
	p0 =	seq.s32 s7, s2  }
0x1e: {  	s7 =	smul.u32 @!p0 $0xF7A, s2;
	p2 =	seq.s32 @!p0 s5, $0x0  }
0x1f: {  	s9 =	smul.u32 $0xF7A, s1;
	s8 =	simm.s32 @!p0 $0x1BF5;
	p2 =	por !p2, p0  }
0x20: {  	[sflag:s8] =	ssyncset.s32 @!p0 $0xFFFFF086;
	s6 =	sadd.s32 @!p0 s3, s7;
	s7 =	simm.s32 @!p0 $0x108  }
0x21: {  	s3 =	sadd.s32 s3, s9;
	s6 =	sadd.s32 @!p0 $0x88, s6;
	s7 =	simm.s32 @p2 $0x1082  }
0x22: {  	[simem:s7], [sflag:s8] =	dma.local @!p0 [hbm:s6], $0xF7A  }
0x23: {  	s9 =	sor.u32 $0xD0000000, s2;
	s6 =	simm.s32 $0x108;
	_ =	swait.ge @!p0 [sflag:s8], $0x0  }
0x24: {  	s3 =	sadd.s32 $0x88, s3;
	s6 =	simm.s32 @!p1 $0x1082;
	[sflag:s4] =	ssyncset.s32 $0xFFFFF086  }
0x25: {  	[simem:s6], [sflag:s4] =	dma.local [hbm:s3], $0xF7A  }
0x26: {  	[smem:$0x3F94] =	sst s1;
	(tag) =	ssettag s2;
	_ =	strace s9  }
0x27: {  	s1 =	sld [smem:$0x3FA4]  }
0x28: {  	s2 =	sld [smem:$0x3FA5]  }
0x29: {  	s4 =	sld [smem:$0x3FA7]  }
0x2a: {  	p0 =	seq.s32 s5, $0x0;
	s5 =	sld [smem:$0x3FA8]  }
0x2b: {  	s6 =	sld [smem:$0x3FA9]  }
0x2c: {  	s7 =	sld [smem:$0x3FAA]  }
0x2d: {  	s3 =	simm.s32 $0x108;
	s8 =	sld [smem:$0x3FAB]  }
0x2e: {  	s3 =	simm.s32 @!p0 $0x1082;
	s9 =	sld [smem:$0x3FAC]  }
0x2f: {  	lr =	sadd.s32 s0, s3;
	s0 =	sld [smem:$0x3FA3]  }
0x30: {  	s3 =	sld [smem:$0x3FA6]  }
0x31: {  	[smem:$0x3FAF] =	sst s10  }
0x32: {  	s10 =	sld [smem:$0x3FAD];
	_ =	sdelay $0x3  }
0x33: {  	p0 =	seq.s32 s10, $0x1;
	s10 =	sld [smem:$0x3FAF];
	_ =	sdelay $0x3  }
0x34: {  	[smem:$0x3FAF] =	sst s10  }
0x35: {  	s10 =	sld [smem:$0x3FAE];
	_ =	sdelay $0x3  }
0x36: {  	p1 =	seq.s32 s10, $0x1;
	s10 =	sld [smem:$0x3FAF];
	_ =	sdelay $0x3  }
0x37: {  	[smem:$0x3FAF] =	sst s10  }
0x38: {  	s10 =	sld [smem:$0x3FB0]  }
0x39: {  	_ = 	snop;
	(pc) =	sbr.ind lr, $3  }
0x3a: {  	_ = 	snop  }
0x3b: {  	_ = 	snop  }
0x3c: {  	p2 =	seq.s32 s10, $0x1;
	s10 =	sld [smem:$0x3FAF]  }
0x3d: {  	_ =	shalt  }
0x3e: {  	_ =	shalt  }
0x3f: {  	_ =	shalt  }
0x40: {  	_ =	shalt  }
0x41: {  	_ =	shalt  }
0x42: {  	_ =	shalt  }
0x43: {  	_ =	shalt  }
0x44: {  	_ =	shalt  }
0x45: {  	_ =	shalt  }
0x46: {  	_ =	shalt  }
0x47: {  	_ =	shalt  }
0x48: {  	_ =	shalt  }
0x49: {  	_ =	shalt  }
0x4a: {  	_ =	shalt  }
0x4b: {  	_ =	shalt  }
0x4c: {  	_ =	shalt  }
0x4d: {  	_ =	shalt  }
0x4e: {  	_ =	shalt  }
0x4f: {  	_ =	shalt  }
0x50: {  	_ =	shalt  }
0x51: {  	_ =	shalt  }
0x52: {  	_ =	shalt  }
0x53: {  	_ =	shalt  }
0x54: {  	_ =	shalt  }
0x55: {  	_ =	shalt  }
0x56: {  	_ =	shalt  }
0x57: {  	_ =	shalt  }
0x58: {  	_ =	shalt  }
0x59: {  	_ =	shalt  }
0x5a: {  	_ =	shalt  }
0x5b: {  	_ =	shalt  }
0x5c: {  	_ =	shalt  }
0x5d: {  	_ =	shalt  }
0x5e: {  	_ =	shalt  }
0x5f: {  	_ =	shalt  }
0x60: {  	_ =	shalt  }
0x61: {  	_ =	shalt  }
0x62: {  	_ =	shalt  }
0x63: {  	_ =	shalt  }
0x64: {  	_ =	shalt  }
0x65: {  	_ =	shalt  }
0x66: {  	_ =	shalt  }
0x67: {  	_ =	shalt  }
0x68: {  	_ =	shalt  }
0x69: {  	_ =	shalt  }
0x6a: {  	_ =	shalt  }
0x6b: {  	_ =	shalt  }
0x6c: {  	_ =	shalt  }
0x6d: {  	_ =	shalt  }
0x6e: {  	_ =	shalt  }
0x6f: {  	_ =	shalt  }
0x70: {  	_ =	shalt  }
0x71: {  	_ =	shalt  }
0x72: {  	_ =	shalt  }
0x73: {  	_ =	shalt  }
0x74: {  	_ =	shalt  }
0x75: {  	_ =	shalt  }
0x76: {  	_ =	shalt  }
0x77: {  	_ =	shalt  }
0x78: {  	_ =	shalt  }
0x79: {  	_ =	shalt  }
0x7a: {  	_ =	shalt  }
0x7b: {  	_ =	shalt  }
0x7c: {  	_ =	shalt  }
0x7d: {  	_ =	shalt  }
0x7e: {  	_ =	shalt  }
0x7f: {  	_ =	shalt  }
0x80: {  	_ =	shalt  }
0x81: {  	_ =	shalt  }
0x82: {  	_ =	shalt  }
0x83: {  	_ =	shalt  }
0x84: {  	_ =	shalt  }
0x85: {  	_ =	shalt  }
0x86: {  	_ =	shalt  }
0x87: {  	_ =	shalt  }
.Lfunc_end0:
.L_simem_size_0:
called_computation.2_lowered:
.L_overlay_start_0:
0x88: {  	s2 =	sld [smem:$0x3FD9]  }
0x89: {  	s3 =	sld [smem:$0x3FFE];
	_ =	sdelay $0x1  }
0x8a: {  	s1 =	srdreg.scid  }
0x8b: {  	s0 =	sand.u32 $0x1, s1  }
0x8c: {  	s14 =	sshll.u32 s0, $0xA;
	s2 =	sadd.s32 s3, s2  }
0x8d: {  	s2 =	sadd.s32 s2, s14  }
0x8e: {  	[smem:$0x3FBB] =	sst s2  }
0x8f: {  	_ = 	snop  }
0x90: {  	s2 =	sld [smem:$0x3FD0];
	_ =	sdelay $0x2  }
0x91: {  	s15 =	simm.s32 $0xA;
	s4 =	simm.s32 $0x10  }
0x92: {  	[smem:s4], [sflag:s15] =	dma.local [hbm:s2], $0x1  }
0x93: {  	_ =	swait.eq [sflag:s15], $0x1  }
0x94: {  	[sflag:s15] =	ssyncset.done $0x0  }
0x95: {  	[sflag:s15] =	ssyncadd.s32 $0xFFFFFFFF  }
0x96: {  	s16 =	sld [smem:$0x11];
	(tm) =	ssettm $0x1  }
0x97: {  	s17 =	sld [smem:$0x3FFB];
	_ =	sdelay $0x3  }
0x98: {  	_ =	strace s17  }
0x99: {  	s3 =	sld [smem:$0x3FFC];
	_ =	sdelay $0x3  }
0x9a: {  	_ =	strace s3  }
0x9b: {  	s3 =	sld [smem:$0x3FFD];
	_ =	sdelay $0x3  }
0x9c: {  	_ =	strace s3  }
0x9d: {  	_ =	strace $0x8FFFFFFF  }
0x9e: {  	s18 =	sld [smem:$0x3FDB];
	_ =	sdelay $0x1  }
0x9f: {  	s19 =	simm.s32 $_scs_section_size  }
0xa0: {  	s5 =	simm.s32 $_size__tile_overlayer_lowered;
	s6 =	simm.s32 $_tile_overlayer_lowered  }
0xa1: {  	s22 =	simm.s32 $0x1BFF;
	s21 =	sshll.u32 s6, $0x1;
	s3 =	sadd.s32 s19, s18  }
0xa2: {  	s7 =	simm.s32 $0x0;
	s20 =	sshll.u32 s5, $0x1;
	s5 =	sadd.s32 s21, s3  }
0xa3: {  	[timem:s7], [sflag:s22] =	dma.local [hbm:s5], s20  }
0xa4: {  	_ =	swait.ge [sflag:s22], s20  }
0xa5: {  	s4 =	ssub.s32 $0x0, s20;
	[sflag:s22] =	ssyncset.done $0x0  }
0xa6: {  	[sflag:s22] =	ssyncadd.s32 s4;
	_ =	sdelay $0x1  }
0xa7: {  	s23 =	simm.s32 $0x1B8B  }
0xa8: {  	_ =	swait.ge [sflag:s23], $0x1  }
0xa9: {  	[sflag:s23] =	ssyncset.done $0x0  }
0xaa: {  	s25 =	simm.s32 $0x1B8E;
	s24 =	sld [smem:$0x3FFE];
	[sflag:s23] =	ssyncadd.s32 $0xFFFFFFFF  }
0xab: {  	s26 =	simm.s32 $execute0_lowered;
	[smem:$0x3FD2] =	sst s25  }
0xac: {  	s5 =	sshll.u32 s26, $0x1;
	_ =	strace $0x8000004C;
	[dreg:$0x1] =	wrdreg $0xFFFFFFFF  }
0xad: {  	s28 =	simm.s32 $_size_execute0_lowered;
	s3 =	sadd.s32 s3, s5;
	[dreg:$0x0] =	wrdreg $0x0  }
0xae: {  	s5 =	sshll.u32 s28, $0x1;
	[dreg:$0x2] =	wrdreg s3  }
0xaf: {  	[dreg:$0x3] =	wrdreg s5  }
0xb0: {  	[dreg:$0x4] =	wrdreg $0xC0  }
0xb1: {  	_ =	task [dreg:s7], $0x5FFFF  }
0xb2: {  	[dreg:$0x1] =	wrdreg $0xFFFFFFFF  }
0xb3: {  	[dreg:$0x0] =	wrdreg $0x60  }
0xb4: {  	[dreg:$0x2] =	wrdreg s24  }
0xb5: {  	[dreg:$0x3] =	wrdreg s16  }
0xb6: {  	[dreg:$0x4] =	wrdreg $0x90000  }
0xb7: {  	[dreg:$0x5] =	wrdreg $0x130000  }
0xb8: {  	[dreg:$0x6] =	wrdreg $0x9  }
0xb9: {  	_ =	task.clear_ibuf [dreg:s7], $0x7FFFF;
	_ =	strace $0x9000004C  }
0xba: {  	s29 =	simm.s32 $0x9;
	_ =	strace $0x8000004E  }
0xbb: {  	_ =	swait.ge [sflag:s29], $0x1  }
0xbc: {  	[sflag:s29] =	ssyncadd.s32 $0xFFFFFFFF  }
0xbd: {  	_ =	strace $0x9000004E  }
0xbe: {  	_ =	sfence  }
0xbf: {  	s30 =	sld [smem:$0x0];
	_ =	sdelay $0x2  }
0xc0: {  	s31 =	sshll.u32 s1, $0xD;
	s1 =	sshrl.u32 s1, $0x2  }
0xc1: {  	s3 =	sand.u32 $0x4000, s31;
	s1 =	sadd.s32 s1, s30  }
0xc2: {  	s0 =	sor.u32 s3, s0;
	s1 =	sshll.u32 s1, $0x11  }
0xc3: {  	s0 =	sor.u32 s1, s0  }
0xc4: {  	s0 =	sadd.s32 $0x8F2B, s0  }
0xc5: {  	[sflag:s0] =	ssyncadd.remote.s32 $0x1  }
0xc6: {  	_ =	sfence.sel $0xFFFF  }
0xc7: {  	[dreg:$0x0] =	wrdreg $0xFFFFFFFF;
	(pc) =	sbr.abs _section_cstart, $3  }
0xc8: {  	[dreg:$0x1] =	wrdreg $0xFFFFFFFF  }
0xc9: {  	_ =	task.clear_ibuf [dreg:s7], $0x2FFFF;
	_ =	strace $0x9FFFFFFF  }
0xca: {  	(tm) =	ssettm $0x7FFFFFFF  }
0xcb: {  	_ =	shalt  }
tec
execute0_lowered:
.L_overlay_start_1:
0x0: {  	(tag) =	ssettag $0x1  }
0x1: {  	s5 =	rddreg [dreg:$0x0]  }
0x2: {  	s6 =	rddreg [dreg:$0x1]  }
0x3: {  	s2 =	rddreg [dreg:$0x2]  }
0x4: {  	s3 =	rddreg [dreg:$0x3]  }
0x5: {  	s0 =	rddreg [dreg:$0x4];
	s1 =	stileid.u32  }
0x6: {  	s7 =	srdreg.scid;
	s4 =	simm.s32 $0x0;
	s17 =	simm.s32 $0x2  }
0x7: {  	s18 =	simm.s32 $0x80;
	s19 =	simm.s32 $0x5000;
	s20 =	simm.s32 $0x7000  }
0x8: {  	s21 =	simm.s32 $0x3;
	s22 =	simm.s32 $0x2780;
	s23 =	simm.s32 $0x4F00  }
0x9: {  	s24 =	simm.s32 $0x4F80;
	s25 =	simm.s32 $0x0;
	s7 =	sand.u32 $0x1, s7  }
0xa: {  	s10 =	smul.u32 $0xA000, s1;
	[smem:$0x7FF] =	sst s4;
	s8 =	sshll.u32 s7, $0x4  }
0xb: {  	s9 =	smul.u32 $0xA0000, s7;
	_ =	strace $0x8000004D;
	s7 =	ssub.s32 $0x2, s7  }
0xc: {  	s8 =	sor.u32 s1, s8;
	s11 =	sshrl.u32 s10, $0x3;
	s31 =	sshrl.u32 s7, $0x1  }
0xd: {  	s15 =	sadd.s32 s10, s2;
	s16 =	sadd.s32 s10, s3;
	s8 =	smul.u32 $0x500, s8  }
0xe: {  	s9 =	sadd.s32 s10, s9;
	s11 =	sadd.s32 s11, s5;
	s14 =	ssub.s32 s7, s31  }
0xf: {  	s9 =	sshrl.u32 s9, $0x3;
	s7 =	sadd.s32 $0x23C00, s11;
	s12 =	sadd.s32 s8, s5  }
0x10: {  	s13 =	sadd.s32 s9, s5;
	s5 =	sadd.s32 s6, s8;
	s8 =	sshll.u32 s1, $0x6  }
0x11: {  	s10 =	sadd.s32 $0xFC00, s11;
	s6 =	sadd.s32 $0x5C00, s12;
	s9 =	sor.u32 $0x1C02, s8  }
0x12: {  	s11 =	sadd.s32 $0x37C00, s13;
	s12 =	smax.u32 s14, $0x1;
	s13 =	simm.s32 $0x2800  }
0x13: {  	s14 =	sshrl.u32 s15, $0x3;
	s15 =	sshrl.u32 s16, $0x3;
	s16 =	simm.s32 $0x1  }
.LBB2_1:
0x14: {  	[tilespmem:s4], [sflag:$0x1] =	stream.linear.gather [hbm4b:s5+s4], $0x2800, $0x38;
	[tilespmem:$0x1D000] =	vst v63  }
0x15: {  	_ = 	snop  }
0x16: {  	[tilespmem:s13], [sflag:$0x1] =	stream.linear.gather [hbm4b:s6+s4], $0x2800, $0x38;
	[tilespmem:$0x1D000] =	vst v63  }
0x17: {  	[spmem:s14], [sflag:s9] =	dma.local [hbm:s7], $0x1400  }
0x18: {  	[spmem:s15], [sflag:s9] =	dma.local [hbm:s10], $0x1400  }
0x19: {  	_ =	swait.ge [sflag:s16], $0x2800  }
0x1a: {  	[sflag:s16] =	ssyncset.done $0x0  }
0x1b: {  	[sflag:s16] =	ssyncadd.s32 $0xFFFFD800  }
0x1c: {  	_ =	swait.ge [sflag:s16], $0x2800  }
0x1d: {  	[sflag:s16] =	ssyncset.done $0x0  }
0x1e: {  	[sflag:s16] =	ssyncadd.s32 $0xFFFFD800  }
0x1f: {  	_ =	swait.ge [sflag:s17], $0x1400  }
0x20: {  	[sflag:s17] =	ssyncset.done $0x0  }
0x21: {  	[sflag:s17] =	ssyncadd.s32 $0xFFFFEC00  }
0x22: {  	_ =	swait.ge [sflag:s17], $0x1400  }
0x23: {  	[sflag:s17] =	ssyncset.done $0x0  }
0x24: {  	[sflag:s17] =	ssyncadd.s32 $0xFFFFEC00  }
0x25: {  	[bflag:$0x0] =	sbarrier.arrive $0xFFFF  }
0x26: {  	[tilespmem:s19], [sflag:$0x1] =	stream.indirect.gather [spmem:s3], $0x40, s4, s18, $0xb8;
	[tilespmem:$0x1D000] =	vst v63  }
0x27: {  	_ =	swait.ge [sflag:s16], $0x2000  }
0x28: {  	[sflag:s16] =	ssyncset.done $0x0  }
0x29: {  	s26 =	simm.s32 $0x80;
	[sflag:s16] =	ssyncadd.s32 $0xFFFFE000  }
0x2a: {  	[tilespmem:s20], [sflag:$0x2] =	stream.indirect.gather [spmem:s3], $0x40, s26, s18, $0xb8;
	[tilespmem:$0x1D000] =	vst v63  }
0x2b: {  	s29 =	simm.s32 $0x2800  }
0x2c: {  	[spmem:s2] =	stream.indirect.scatter.add.f32 [tilespmem:s19], [sflag:$0x3], $0x40, s29, s18, $0xb8;
	[tilespmem:$0x1D000] =	vst v63  }
0x2d: {  	_ =	swait.ge [sflag:s21], $0x2000  }
0x2e: {  	[sflag:s21] =	ssyncset.done $0x0  }
0x2f: {  	[sflag:s21] =	ssyncadd.s32 $0xFFFFE000  }
0x30: {  	_ =	swait.ge [sflag:s17], $0x2000  }
0x31: {  	[sflag:s17] =	ssyncset.done $0x0  }
0x32: {  	s30 =	simm.s32 $0x100;
	[sflag:s17] =	ssyncadd.s32 $0xFFFFE000  }
0x33: {  	[tilespmem:s19], [sflag:$0x1] =	stream.indirect.gather [spmem:s3], $0x40, s30, s18, $0xb8;
	[tilespmem:$0x1D000] =	vst v63  }
0x34: {  	s31 =	simm.s32 $0x2880  }
0x35: {  	[spmem:s2] =	stream.indirect.scatter.add.f32 [tilespmem:s20], [sflag:$0x3], $0x40, s31, s18, $0xb8;
	[tilespmem:$0x1D000] =	vst v63  }
0x36: {  	_ =	swait.ge [sflag:s21], $0x2000  }
0x37: {  	s26 =	simm.s32 $0x400;
	[sflag:s21] =	ssyncset.done $0x0  }
.LBB2_2:
0x38: {  	p0 =	sne.s32 s26, $0x9800  }
0x39: {  	[sflag:s21] =	ssyncadd.s32 $0xFFFFE000;
	s28 =	smov.u32 s26;
	s26 =	sadd.s32 $0x400, s26  }
0x3a: {  	_ = 	snop  }
0x3b: {  	_ =	swait.ge [sflag:s16], $0x2000  }
0x3c: {  	s28 =	sshra.s32 s28, $0x2;
	[sflag:s16] =	ssyncset.done $0x0  }
0x3d: {  	s29 =	sadd.s32 $0x80, s28;
	[sflag:s16] =	ssyncadd.s32 $0xFFFFE000  }
0x3e: {  	[tilespmem:s20], [sflag:$0x2] =	stream.indirect.gather [spmem:s3], $0x40, s29, s18, $0xb8;
	[tilespmem:$0x1D000] =	vst v63  }
0x3f: {  	s29 =	sadd.s32 $0x2800, s28  }
0x40: {  	[spmem:s2] =	stream.indirect.scatter.add.f32 [tilespmem:s19], [sflag:$0x3], $0x40, s29, s18, $0xb8;
	[tilespmem:$0x1D000] =	vst v63  }
0x41: {  	_ =	swait.ge [sflag:s21], $0x2000  }
0x42: {  	[sflag:s21] =	ssyncset.done $0x0  }
0x43: {  	[sflag:s21] =	ssyncadd.s32 $0xFFFFE000  }
0x44: {  	_ =	swait.ge [sflag:s17], $0x2000  }
0x45: {  	[sflag:s17] =	ssyncset.done $0x0  }
0x46: {  	s29 =	sadd.s32 $0x100, s28;
	[sflag:s17] =	ssyncadd.s32 $0xFFFFE000  }
0x47: {  	[tilespmem:s19], [sflag:$0x1] =	stream.indirect.gather [spmem:s3], $0x40, s29, s18, $0xb8;
	[tilespmem:$0x1D000] =	vst v63  }
.Ltmp0:
0x48: {  	_ = 	snop;
	(pc) =	sbr.rel @p0 .LBB2_2-.Ltmp0, $4  }
0x49: {  	s28 =	sadd.s32 $0x2880, s28  }
0x4a: {  	[spmem:s2] =	stream.indirect.scatter.add.f32 [tilespmem:s20], [sflag:$0x3], $0x40, s28, s18, $0xb8;
	[tilespmem:$0x1D000] =	vst v63  }
0x4b: {  	_ =	swait.ge [sflag:s21], $0x2000  }
0x4c: {  	[sflag:s21] =	ssyncset.done $0x0  }
0x4d: {  	[sflag:s21] =	ssyncadd.s32 $0xFFFFE000  }
0x4e: {  	_ =	swait.ge [sflag:s16], $0x2000  }
0x4f: {  	[sflag:s16] =	ssyncset.done $0x0  }
0x50: {  	[sflag:s16] =	ssyncadd.s32 $0xFFFFE000  }
0x51: {  	[tilespmem:s20], [sflag:$0x2] =	stream.indirect.gather [spmem:s3], $0x40, s22, s18, $0xb8;
	[tilespmem:$0x1D000] =	vst v63  }
0x52: {  	_ = 	snop  }
0x53: {  	[spmem:s2] =	stream.indirect.scatter.add.f32 [tilespmem:s19], [sflag:$0x3], $0x40, s23, s18, $0xb8;
	[tilespmem:$0x1D000] =	vst v63  }
0x54: {  	_ =	swait.ge [sflag:s21], $0x2000  }
0x55: {  	[sflag:s21] =	ssyncset.done $0x0  }
0x56: {  	[sflag:s21] =	ssyncadd.s32 $0xFFFFE000  }
0x57: {  	_ =	swait.ge [sflag:s17], $0x2000  }
0x58: {  	[sflag:s17] =	ssyncset.done $0x0  }
0x59: {  	[sflag:s17] =	ssyncadd.s32 $0xFFFFE000  }
0x5a: {  	[spmem:s2] =	stream.indirect.scatter.add.f32 [tilespmem:s20], [sflag:$0x3], $0x40, s24, s18, $0xb8;
	[tilespmem:$0x1D000] =	vst v63  }
0x5b: {  	_ =	swait.ge [sflag:s21], $0x2000  }
0x5c: {  	s25 =	sadd.s32 $0x1, s25;
	[sflag:s21] =	ssyncset.done $0x0  }
0x5d: {  	p0 =	sne.s32 s25, s12;
	[sflag:s21] =	ssyncadd.s32 $0xFFFFE000  }
.Ltmp1:
0x5e: {  	s26 =	sor.u32 $0x1C03, s8;
	[bflag:$0x0] =	sbarrier.arrive $0xFFFF;
	(pc) =	sbr.rel @p0 .LBB2_1-.Ltmp1, $4  }
0x5f: {  	[hbm:s11], [sflag:s26] =	dma.local [spmem:s14], $0x1400  }
0x60: {  	_ =	swait.ge [sflag:s21], $0x1400  }
0x61: {  	[sflag:s21] =	ssyncset.done $0x0  }
0x62: {  	[sflag:s21] =	ssyncadd.s32 $0xFFFFEC00  }
0x63: {  	_ =	sfence.sel $0x180000  }
0x64: {  	[bflag:$0x0] =	sbarrier.arrive $0xFFFF  }
0x65: {  	p0 =	sne.s32 s1, $0x0;
	_ =	strace $0x9000004D  }
0x66: {  	s0 =	sadd.s32 @!p0 $0x100000, s0;
	[bflag:$0x2] =	sbarrier.arrive $0xFFFF  }
0x67: {  	[sflag:s0] =	ssyncadd.tile.s32 @!p0 $0x1;
	_ =	shalt  }
.Lfunc_end2:
_tile_overlayer_lowered:
.L_overlay_start_2:
0x68: {  	(tag) =	ssettag $0x2  }
0x69: {  	s0 =	rddreg [dreg:$0x0];
	s2 =	stileid.u32  }
0x6a: {  	s1 =	rddreg [dreg:$0x1];
	p0 =	sne.s32 s2, $0x0  }
0x6b: {  	s3 =	rddreg [dreg:$0x2];
	[bflag:$0x3] =	sbarrier.arrive $0xFFFF;
	s2 =	simm.s32 @!p0 $0x1C03  }
0x6c: {  	[timem:s3], [sflag:s2] =	dma.local @!p0 [hbm:s0], s1  }
0x6d: {  	s0 =	simm.s32 @!p0 $0x3  }
0x6e: {  	_ =	swait.ge @!p0 [sflag:s0], s1  }
0x6f: {  	s1 =	ssub.s32 @!p0 $0x0, s1;
	[sflag:s0] =	ssyncset.done @!p0 $0x0  }
0x70: {  	[sflag:s0] =	ssyncadd.s32 @!p0 s1  }
0x71: {  	[bflag:$0x3] =	sbarrier.arrive $0xFFFF  }
0x72: {  	_ =	shalt  }

// kernel: kernel.24.cloned.1.call-start
scs
__scs_entry_jumppad:
0x0: {  	(pc) =	sbr.rel $0x88, $3  }
0x1: {  	(tag) =	ssettag $0x0;
	lr =	simm.s32 $0x1  }
0x2: {  	[smem:$0x3F94] =	sst lr;
	_ =	strace $0xD0000000  }
0x3: {  	_ = 	snop  }
0x4: {  	_ = 	snop  }
0x5: {  	_ = 	snop  }
0x6: {  	_ = 	snop  }
0x7: {  	_ = 	snop  }
__scs_overlays_trampoline_lowered:
0x8: {  	[smem:$0x3FA3] =	sst s0  }
0x9: {  	[smem:$0x3FA4] =	sst s1  }
0xa: {  	[smem:$0x3FA5] =	sst s2  }
0xb: {  	[smem:$0x3FA6] =	sst s3  }
0xc: {  	[smem:$0x3FA7] =	sst s4  }
0xd: {  	[smem:$0x3FA8] =	sst s5  }
0xe: {  	[smem:$0x3FA9] =	sst s6  }
0xf: {  	[smem:$0x3FAA] =	sst s7  }
0x10: {  	[smem:$0x3FAB] =	sst s8  }
0x11: {  	[smem:$0x3FAC] =	sst s9;
	s0 =	simm.s32 @!p0 $0x0  }
0x12: {  	s1 =	sld [smem:$0x3F92];
	s0 =	simm.s32 @p0 $0x1  }
0x13: {  	[smem:$0x3FAD] =	sst s0;
	s0 =	simm.s32 @!p1 $0x0  }
0x14: {  	s2 =	sld [smem:$0x3F91];
	s0 =	simm.s32 @p1 $0x1  }
0x15: {  	[smem:$0x3FAE] =	sst s0;
	s0 =	simm.s32 @!p2 $0x0  }
0x16: {  	s3 =	sld [smem:$0x3FDB];
	s0 =	simm.s32 @p2 $0x1  }
0x17: {  	s4 =	simm.s32 $0x1BF5;
	[smem:$0x3FB0] =	sst s0  }
0x18: {  	s0 =	sld [smem:$0x3F93];
	_ =	swait.ge [sflag:s4], $0x0  }
0x19: {  	s7 =	sld [smem:$0x3F94]  }
0x1a: {  	s8 =	sadd.s32 $0xFFFFE003, lr  }
0x1b: {  	s9 =	sadd.s32 $0xFFFFFEF7, lr;
	s5 =	simm.s32 $0xFFFFFFFF;
	p2 =	slt.u32 s8, $0xFFFFF086  }
0x1c: {  	p1 =	slt.u32 s9, $0xF7A;
	s5 =	simm.s32 @!p2 $0x0  }
0x1d: {  	s5 =	simm.s32 @p1 $0x1;
	p0 =	seq.s32 s7, s2  }
0x1e: {  	s7 =	smul.u32 @!p0 $0xF7A, s2;
	p2 =	seq.s32 @!p0 s5, $0x0  }
0x1f: {  	s9 =	smul.u32 $0xF7A, s1;
	s8 =	simm.s32 @!p0 $0x1BF5;
	p2 =	por !p2, p0  }
0x20: {  	[sflag:s8] =	ssyncset.s32 @!p0 $0xFFFFF086;
	s6 =	sadd.s32 @!p0 s3, s7;
	s7 =	simm.s32 @!p0 $0x108  }
0x21: {  	s3 =	sadd.s32 s3, s9;
	s6 =	sadd.s32 @!p0 $0x88, s6;
	s7 =	simm.s32 @p2 $0x1082  }
0x22: {  	[simem:s7], [sflag:s8] =	dma.local @!p0 [hbm:s6], $0xF7A  }
0x23: {  	s9 =	sor.u32 $0xD0000000, s2;
	s6 =	simm.s32 $0x108;
	_ =	swait.ge @!p0 [sflag:s8], $0x0  }
0x24: {  	s3 =	sadd.s32 $0x88, s3;
	s6 =	simm.s32 @!p1 $0x1082;
	[sflag:s4] =	ssyncset.s32 $0xFFFFF086  }
0x25: {  	[simem:s6], [sflag:s4] =	dma.local [hbm:s3], $0xF7A  }
0x26: {  	[smem:$0x3F94] =	sst s1;
	(tag) =	ssettag s2;
	_ =	strace s9  }
0x27: {  	s1 =	sld [smem:$0x3FA4]  }
0x28: {  	s2 =	sld [smem:$0x3FA5]  }
0x29: {  	s4 =	sld [smem:$0x3FA7]  }
0x2a: {  	p0 =	seq.s32 s5, $0x0;
	s5 =	sld [smem:$0x3FA8]  }
0x2b: {  	s6 =	sld [smem:$0x3FA9]  }
0x2c: {  	s7 =	sld [smem:$0x3FAA]  }
0x2d: {  	s3 =	simm.s32 $0x108;
	s8 =	sld [smem:$0x3FAB]  }
0x2e: {  	s3 =	simm.s32 @!p0 $0x1082;
	s9 =	sld [smem:$0x3FAC]  }
0x2f: {  	lr =	sadd.s32 s0, s3;
	s0 =	sld [smem:$0x3FA3]  }
0x30: {  	s3 =	sld [smem:$0x3FA6]  }
0x31: {  	[smem:$0x3FAF] =	sst s10  }
0x32: {  	s10 =	sld [smem:$0x3FAD];
	_ =	sdelay $0x3  }
0x33: {  	p0 =	seq.s32 s10, $0x1;
	s10 =	sld [smem:$0x3FAF];
	_ =	sdelay $0x3  }
0x34: {  	[smem:$0x3FAF] =	sst s10  }
0x35: {  	s10 =	sld [smem:$0x3FAE];
	_ =	sdelay $0x3  }
0x36: {  	p1 =	seq.s32 s10, $0x1;
	s10 =	sld [smem:$0x3FAF];
	_ =	sdelay $0x3  }
0x37: {  	[smem:$0x3FAF] =	sst s10  }
0x38: {  	s10 =	sld [smem:$0x3FB0]  }
0x39: {  	_ = 	snop;
	(pc) =	sbr.ind lr, $3  }
0x3a: {  	_ = 	snop  }
0x3b: {  	_ = 	snop  }
0x3c: {  	p2 =	seq.s32 s10, $0x1;
	s10 =	sld [smem:$0x3FAF]  }
0x3d: {  	_ =	shalt  }
0x3e: {  	_ =	shalt  }
0x3f: {  	_ =	shalt  }
0x40: {  	_ =	shalt  }
0x41: {  	_ =	shalt  }
0x42: {  	_ =	shalt  }
0x43: {  	_ =	shalt  }
0x44: {  	_ =	shalt  }
0x45: {  	_ =	shalt  }
0x46: {  	_ =	shalt  }
0x47: {  	_ =	shalt  }
0x48: {  	_ =	shalt  }
0x49: {  	_ =	shalt  }
0x4a: {  	_ =	shalt  }
0x4b: {  	_ =	shalt  }
0x4c: {  	_ =	shalt  }
0x4d: {  	_ =	shalt  }
0x4e: {  	_ =	shalt  }
0x4f: {  	_ =	shalt  }
0x50: {  	_ =	shalt  }
0x51: {  	_ =	shalt  }
0x52: {  	_ =	shalt  }
0x53: {  	_ =	shalt  }
0x54: {  	_ =	shalt  }
0x55: {  	_ =	shalt  }
0x56: {  	_ =	shalt  }
0x57: {  	_ =	shalt  }
0x58: {  	_ =	shalt  }
0x59: {  	_ =	shalt  }
0x5a: {  	_ =	shalt  }
0x5b: {  	_ =	shalt  }
0x5c: {  	_ =	shalt  }
0x5d: {  	_ =	shalt  }
0x5e: {  	_ =	shalt  }
0x5f: {  	_ =	shalt  }
0x60: {  	_ =	shalt  }
0x61: {  	_ =	shalt  }
0x62: {  	_ =	shalt  }
0x63: {  	_ =	shalt  }
0x64: {  	_ =	shalt  }
0x65: {  	_ =	shalt  }
0x66: {  	_ =	shalt  }
0x67: {  	_ =	shalt  }
0x68: {  	_ =	shalt  }
0x69: {  	_ =	shalt  }
0x6a: {  	_ =	shalt  }
0x6b: {  	_ =	shalt  }
0x6c: {  	_ =	shalt  }
0x6d: {  	_ =	shalt  }
0x6e: {  	_ =	shalt  }
0x6f: {  	_ =	shalt  }
0x70: {  	_ =	shalt  }
0x71: {  	_ =	shalt  }
0x72: {  	_ =	shalt  }
0x73: {  	_ =	shalt  }
0x74: {  	_ =	shalt  }
0x75: {  	_ =	shalt  }
0x76: {  	_ =	shalt  }
0x77: {  	_ =	shalt  }
0x78: {  	_ =	shalt  }
0x79: {  	_ =	shalt  }
0x7a: {  	_ =	shalt  }
0x7b: {  	_ =	shalt  }
0x7c: {  	_ =	shalt  }
0x7d: {  	_ =	shalt  }
0x7e: {  	_ =	shalt  }
0x7f: {  	_ =	shalt  }
0x80: {  	_ =	shalt  }
0x81: {  	_ =	shalt  }
0x82: {  	_ =	shalt  }
0x83: {  	_ =	shalt  }
0x84: {  	_ =	shalt  }
0x85: {  	_ =	shalt  }
0x86: {  	_ =	shalt  }
0x87: {  	_ =	shalt  }
.Lfunc_end0:
.L_simem_size_0:
called_computation.3_lowered:
.L_overlay_start_0:
0x88: {  	s2 =	sld [smem:$0x3FD9]  }
0x89: {  	s3 =	sld [smem:$0x3FFE];
	_ =	sdelay $0x1  }
0x8a: {  	s1 =	srdreg.scid  }
0x8b: {  	s0 =	sand.u32 $0x1, s1  }
0x8c: {  	s14 =	sshll.u32 s0, $0xA;
	s2 =	sadd.s32 s3, s2  }
0x8d: {  	s2 =	sadd.s32 s2, s14  }
0x8e: {  	[smem:$0x3FBB] =	sst s2  }
0x8f: {  	_ = 	snop  }
0x90: {  	s2 =	sld [smem:$0x3FD0];
	_ =	sdelay $0x2  }
0x91: {  	s15 =	simm.s32 $0xA;
	s4 =	simm.s32 $0x10  }
0x92: {  	[smem:s4], [sflag:s15] =	dma.local [hbm:s2], $0x1  }
0x93: {  	_ =	swait.eq [sflag:s15], $0x1  }
0x94: {  	[sflag:s15] =	ssyncset.done $0x0  }
0x95: {  	[sflag:s15] =	ssyncadd.s32 $0xFFFFFFFF  }
0x96: {  	s16 =	sld [smem:$0x11];
	(tm) =	ssettm $0x1  }
0x97: {  	s17 =	sld [smem:$0x3FFB];
	_ =	sdelay $0x3  }
0x98: {  	_ =	strace s17  }
0x99: {  	s3 =	sld [smem:$0x3FFC];
	_ =	sdelay $0x3  }
0x9a: {  	_ =	strace s3  }
0x9b: {  	s3 =	sld [smem:$0x3FFD];
	_ =	sdelay $0x3  }
0x9c: {  	_ =	strace s3  }
0x9d: {  	_ =	strace $0x8FFFFFFF  }
0x9e: {  	s18 =	sld [smem:$0x3FDB];
	_ =	sdelay $0x1  }
0x9f: {  	s19 =	simm.s32 $_scs_section_size  }
0xa0: {  	s5 =	simm.s32 $_size__tile_overlayer_lowered;
	s6 =	simm.s32 $_tile_overlayer_lowered  }
0xa1: {  	s22 =	simm.s32 $0x1BFF;
	s21 =	sshll.u32 s6, $0x1;
	s3 =	sadd.s32 s19, s18  }
0xa2: {  	s7 =	simm.s32 $0x0;
	s20 =	sshll.u32 s5, $0x1;
	s5 =	sadd.s32 s21, s3  }
0xa3: {  	[timem:s7], [sflag:s22] =	dma.local [hbm:s5], s20  }
0xa4: {  	_ =	swait.ge [sflag:s22], s20  }
0xa5: {  	s4 =	ssub.s32 $0x0, s20;
	[sflag:s22] =	ssyncset.done $0x0  }
0xa6: {  	[sflag:s22] =	ssyncadd.s32 s4;
	_ =	sdelay $0x1  }
0xa7: {  	s23 =	simm.s32 $0x1B8B  }
0xa8: {  	_ =	swait.ge [sflag:s23], $0x1  }
0xa9: {  	[sflag:s23] =	ssyncset.done $0x0  }
0xaa: {  	s25 =	simm.s32 $0x1B8E;
	s24 =	sld [smem:$0x3FFE];
	[sflag:s23] =	ssyncadd.s32 $0xFFFFFFFF  }
0xab: {  	s26 =	simm.s32 $execute0_lowered;
	[smem:$0x3FD2] =	sst s25  }
0xac: {  	s5 =	sshll.u32 s26, $0x1;
	_ =	strace $0x8000004F;
	[dreg:$0x1] =	wrdreg $0xFFFFFFFF  }
0xad: {  	s28 =	simm.s32 $_size_execute0_lowered;
	s3 =	sadd.s32 s3, s5;
	[dreg:$0x0] =	wrdreg $0x0  }
0xae: {  	s5 =	sshll.u32 s28, $0x1;
	[dreg:$0x2] =	wrdreg s3  }
0xaf: {  	[dreg:$0x3] =	wrdreg s5  }
0xb0: {  	[dreg:$0x4] =	wrdreg $0xC0  }
0xb1: {  	_ =	task [dreg:s7], $0x5FFFF  }
0xb2: {  	[dreg:$0x1] =	wrdreg $0xFFFFFFFF  }
0xb3: {  	[dreg:$0x0] =	wrdreg $0x60  }
0xb4: {  	[dreg:$0x2] =	wrdreg s24  }
0xb5: {  	[dreg:$0x3] =	wrdreg s16  }
0xb6: {  	[dreg:$0x4] =	wrdreg $0x90000  }
0xb7: {  	[dreg:$0x5] =	wrdreg $0x130000  }
0xb8: {  	[dreg:$0x6] =	wrdreg $0x9  }
0xb9: {  	_ =	task.clear_ibuf [dreg:s7], $0x7FFFF;
	_ =	strace $0x9000004F  }
0xba: {  	s29 =	simm.s32 $0x9;
	_ =	strace $0x80000051  }
0xbb: {  	_ =	swait.ge [sflag:s29], $0x1  }
0xbc: {  	[sflag:s29] =	ssyncadd.s32 $0xFFFFFFFF  }
0xbd: {  	_ =	strace $0x90000051  }
0xbe: {  	_ =	sfence  }
0xbf: {  	s30 =	sld [smem:$0x0];
	_ =	sdelay $0x2  }
0xc0: {  	s31 =	sshll.u32 s1, $0xD;
	s1 =	sshrl.u32 s1, $0x2  }
0xc1: {  	s3 =	sand.u32 $0x4000, s31;
	s1 =	sadd.s32 s1, s30  }
0xc2: {  	s0 =	sor.u32 s3, s0;
	s1 =	sshll.u32 s1, $0x11  }
0xc3: {  	s0 =	sor.u32 s1, s0  }
0xc4: {  	s0 =	sadd.s32 $0x8F2B, s0  }
0xc5: {  	[sflag:s0] =	ssyncadd.remote.s32 $0x1  }
0xc6: {  	_ =	sfence.sel $0xFFFF  }
0xc7: {  	[dreg:$0x0] =	wrdreg $0xFFFFFFFF;
	(pc) =	sbr.abs _section_cstart, $3  }
0xc8: {  	[dreg:$0x1] =	wrdreg $0xFFFFFFFF  }
0xc9: {  	_ =	task.clear_ibuf [dreg:s7], $0x2FFFF;
	_ =	strace $0x9FFFFFFF  }
0xca: {  	(tm) =	ssettm $0x7FFFFFFF  }
0xcb: {  	_ =	shalt  }
tec
execute0_lowered:
.L_overlay_start_1:
0x0: {  	(tag) =	ssettag $0x1  }
0x1: {  	s5 =	rddreg [dreg:$0x0]  }
0x2: {  	s6 =	rddreg [dreg:$0x1]  }
0x3: {  	s2 =	rddreg [dreg:$0x2]  }
0x4: {  	s3 =	rddreg [dreg:$0x3]  }
0x5: {  	s0 =	rddreg [dreg:$0x4];
	s1 =	stileid.u32  }
0x6: {  	s7 =	srdreg.scid;
	s4 =	simm.s32 $0x0;
	s17 =	simm.s32 $0x2  }
0x7: {  	s18 =	simm.s32 $0x80;
	s19 =	simm.s32 $0x5000;
	s20 =	simm.s32 $0x7000  }
0x8: {  	s21 =	simm.s32 $0x3;
	s22 =	simm.s32 $0x2780;
	s23 =	simm.s32 $0x4F00  }
0x9: {  	s24 =	simm.s32 $0x4F80;
	s25 =	simm.s32 $0x0;
	s7 =	sand.u32 $0x1, s7  }
0xa: {  	s10 =	smul.u32 $0xA000, s1;
	[smem:$0x7FF] =	sst s4;
	s8 =	sshll.u32 s7, $0x4  }
0xb: {  	s9 =	smul.u32 $0xA0000, s7;
	_ =	strace $0x80000050;
	s7 =	ssub.s32 $0x2, s7  }
0xc: {  	s8 =	sor.u32 s1, s8;
	s11 =	sshrl.u32 s10, $0x3;
	s31 =	sshrl.u32 s7, $0x1  }
0xd: {  	s15 =	sadd.s32 s10, s2;
	s16 =	sadd.s32 s10, s3;
	s8 =	smul.u32 $0x500, s8  }
0xe: {  	s9 =	sadd.s32 s10, s9;
	s11 =	sadd.s32 s11, s5;
	s14 =	ssub.s32 s7, s31  }
0xf: {  	s9 =	sshrl.u32 s9, $0x3;
	s7 =	sadd.s32 $0x23C00, s11;
	s12 =	sadd.s32 s8, s5  }
0x10: {  	s13 =	sadd.s32 s9, s5;
	s5 =	sadd.s32 s6, s8;
	s8 =	sshll.u32 s1, $0x6  }
0x11: {  	s10 =	sadd.s32 $0xFC00, s11;
	s6 =	sadd.s32 $0x5C00, s12;
	s9 =	sor.u32 $0x1C02, s8  }
0x12: {  	s11 =	sadd.s32 $0x37C00, s13;
	s12 =	smax.u32 s14, $0x1;
	s13 =	simm.s32 $0x2800  }
0x13: {  	s14 =	sshrl.u32 s15, $0x3;
	s15 =	sshrl.u32 s16, $0x3;
	s16 =	simm.s32 $0x1  }
.LBB2_1:
0x14: {  	[tilespmem:s4], [sflag:$0x1] =	stream.linear.gather [hbm4b:s5+s4], $0x2800, $0x38;
	[tilespmem:$0x1D000] =	vst v63  }
0x15: {  	_ = 	snop  }
0x16: {  	[tilespmem:s13], [sflag:$0x1] =	stream.linear.gather [hbm4b:s6+s4], $0x2800, $0x38;
	[tilespmem:$0x1D000] =	vst v63  }
0x17: {  	[spmem:s14], [sflag:s9] =	dma.local [hbm:s7], $0x1400  }
0x18: {  	[spmem:s15], [sflag:s9] =	dma.local [hbm:s10], $0x1400  }
0x19: {  	_ =	swait.ge [sflag:s16], $0x2800  }
0x1a: {  	[sflag:s16] =	ssyncset.done $0x0  }
0x1b: {  	[sflag:s16] =	ssyncadd.s32 $0xFFFFD800  }
0x1c: {  	_ =	swait.ge [sflag:s16], $0x2800  }
0x1d: {  	[sflag:s16] =	ssyncset.done $0x0  }
0x1e: {  	[sflag:s16] =	ssyncadd.s32 $0xFFFFD800  }
0x1f: {  	_ =	swait.ge [sflag:s17], $0x1400  }
0x20: {  	[sflag:s17] =	ssyncset.done $0x0  }
0x21: {  	[sflag:s17] =	ssyncadd.s32 $0xFFFFEC00  }
0x22: {  	_ =	swait.ge [sflag:s17], $0x1400  }
0x23: {  	[sflag:s17] =	ssyncset.done $0x0  }
0x24: {  	[sflag:s17] =	ssyncadd.s32 $0xFFFFEC00  }
0x25: {  	[bflag:$0x0] =	sbarrier.arrive $0xFFFF  }
0x26: {  	[tilespmem:s19], [sflag:$0x1] =	stream.indirect.gather [spmem:s3], $0x40, s4, s18, $0xb8;
	[tilespmem:$0x1D000] =	vst v63  }
0x27: {  	_ =	swait.ge [sflag:s16], $0x2000  }
0x28: {  	[sflag:s16] =	ssyncset.done $0x0  }
0x29: {  	s26 =	simm.s32 $0x80;
	[sflag:s16] =	ssyncadd.s32 $0xFFFFE000  }
0x2a: {  	[tilespmem:s20], [sflag:$0x2] =	stream.indirect.gather [spmem:s3], $0x40, s26, s18, $0xb8;
	[tilespmem:$0x1D000] =	vst v63  }
0x2b: {  	s29 =	simm.s32 $0x2800  }
0x2c: {  	[spmem:s2] =	stream.indirect.scatter.add.f32 [tilespmem:s19], [sflag:$0x3], $0x40, s29, s18, $0xb8;
	[tilespmem:$0x1D000] =	vst v63  }
0x2d: {  	_ =	swait.ge [sflag:s21], $0x2000  }
0x2e: {  	[sflag:s21] =	ssyncset.done $0x0  }
0x2f: {  	[sflag:s21] =	ssyncadd.s32 $0xFFFFE000  }
0x30: {  	_ =	swait.ge [sflag:s17], $0x2000  }
0x31: {  	[sflag:s17] =	ssyncset.done $0x0  }
0x32: {  	s30 =	simm.s32 $0x100;
	[sflag:s17] =	ssyncadd.s32 $0xFFFFE000  }
0x33: {  	[tilespmem:s19], [sflag:$0x1] =	stream.indirect.gather [spmem:s3], $0x40, s30, s18, $0xb8;
	[tilespmem:$0x1D000] =	vst v63  }
0x34: {  	s31 =	simm.s32 $0x2880  }
0x35: {  	[spmem:s2] =	stream.indirect.scatter.add.f32 [tilespmem:s20], [sflag:$0x3], $0x40, s31, s18, $0xb8;
	[tilespmem:$0x1D000] =	vst v63  }
0x36: {  	_ =	swait.ge [sflag:s21], $0x2000  }
0x37: {  	s26 =	simm.s32 $0x400;
	[sflag:s21] =	ssyncset.done $0x0  }
.LBB2_2:
0x38: {  	p0 =	sne.s32 s26, $0x9800  }
0x39: {  	[sflag:s21] =	ssyncadd.s32 $0xFFFFE000;
	s28 =	smov.u32 s26;
	s26 =	sadd.s32 $0x400, s26  }
0x3a: {  	_ = 	snop  }
0x3b: {  	_ =	swait.ge [sflag:s16], $0x2000  }
0x3c: {  	s28 =	sshra.s32 s28, $0x2;
	[sflag:s16] =	ssyncset.done $0x0  }
0x3d: {  	s29 =	sadd.s32 $0x80, s28;
	[sflag:s16] =	ssyncadd.s32 $0xFFFFE000  }
0x3e: {  	[tilespmem:s20], [sflag:$0x2] =	stream.indirect.gather [spmem:s3], $0x40, s29, s18, $0xb8;
	[tilespmem:$0x1D000] =	vst v63  }
0x3f: {  	s29 =	sadd.s32 $0x2800, s28  }
0x40: {  	[spmem:s2] =	stream.indirect.scatter.add.f32 [tilespmem:s19], [sflag:$0x3], $0x40, s29, s18, $0xb8;
	[tilespmem:$0x1D000] =	vst v63  }
0x41: {  	_ =	swait.ge [sflag:s21], $0x2000  }
0x42: {  	[sflag:s21] =	ssyncset.done $0x0  }
0x43: {  	[sflag:s21] =	ssyncadd.s32 $0xFFFFE000  }
0x44: {  	_ =	swait.ge [sflag:s17], $0x2000  }
0x45: {  	[sflag:s17] =	ssyncset.done $0x0  }
0x46: {  	s29 =	sadd.s32 $0x100, s28;
	[sflag:s17] =	ssyncadd.s32 $0xFFFFE000  }
0x47: {  	[tilespmem:s19], [sflag:$0x1] =	stream.indirect.gather [spmem:s3], $0x40, s29, s18, $0xb8;
	[tilespmem:$0x1D000] =	vst v63  }
.Ltmp0:
0x48: {  	_ = 	snop;
	(pc) =	sbr.rel @p0 .LBB2_2-.Ltmp0, $4  }
0x49: {  	s28 =	sadd.s32 $0x2880, s28  }
0x4a: {  	[spmem:s2] =	stream.indirect.scatter.add.f32 [tilespmem:s20], [sflag:$0x3], $0x40, s28, s18, $0xb8;
	[tilespmem:$0x1D000] =	vst v63  }
0x4b: {  	_ =	swait.ge [sflag:s21], $0x2000  }
0x4c: {  	[sflag:s21] =	ssyncset.done $0x0  }
0x4d: {  	[sflag:s21] =	ssyncadd.s32 $0xFFFFE000  }
0x4e: {  	_ =	swait.ge [sflag:s16], $0x2000  }
0x4f: {  	[sflag:s16] =	ssyncset.done $0x0  }
0x50: {  	[sflag:s16] =	ssyncadd.s32 $0xFFFFE000  }
0x51: {  	[tilespmem:s20], [sflag:$0x2] =	stream.indirect.gather [spmem:s3], $0x40, s22, s18, $0xb8;
	[tilespmem:$0x1D000] =	vst v63  }
0x52: {  	_ = 	snop  }
0x53: {  	[spmem:s2] =	stream.indirect.scatter.add.f32 [tilespmem:s19], [sflag:$0x3], $0x40, s23, s18, $0xb8;
	[tilespmem:$0x1D000] =	vst v63  }
0x54: {  	_ =	swait.ge [sflag:s21], $0x2000  }
0x55: {  	[sflag:s21] =	ssyncset.done $0x0  }
0x56: {  	[sflag:s21] =	ssyncadd.s32 $0xFFFFE000  }
0x57: {  	_ =	swait.ge [sflag:s17], $0x2000  }
0x58: {  	[sflag:s17] =	ssyncset.done $0x0  }
0x59: {  	[sflag:s17] =	ssyncadd.s32 $0xFFFFE000  }
0x5a: {  	[spmem:s2] =	stream.indirect.scatter.add.f32 [tilespmem:s20], [sflag:$0x3], $0x40, s24, s18, $0xb8;
	[tilespmem:$0x1D000] =	vst v63  }
0x5b: {  	_ =	swait.ge [sflag:s21], $0x2000  }
0x5c: {  	s25 =	sadd.s32 $0x1, s25;
	[sflag:s21] =	ssyncset.done $0x0  }
0x5d: {  	p0 =	sne.s32 s25, s12;
	[sflag:s21] =	ssyncadd.s32 $0xFFFFE000  }
.Ltmp1:
0x5e: {  	s26 =	sor.u32 $0x1C03, s8;
	[bflag:$0x0] =	sbarrier.arrive $0xFFFF;
	(pc) =	sbr.rel @p0 .LBB2_1-.Ltmp1, $4  }
0x5f: {  	[hbm:s11], [sflag:s26] =	dma.local [spmem:s14], $0x1400  }
0x60: {  	_ =	swait.ge [sflag:s21], $0x1400  }
0x61: {  	[sflag:s21] =	ssyncset.done $0x0  }
0x62: {  	[sflag:s21] =	ssyncadd.s32 $0xFFFFEC00  }
0x63: {  	_ =	sfence.sel $0x180000  }
0x64: {  	[bflag:$0x0] =	sbarrier.arrive $0xFFFF  }
0x65: {  	p0 =	sne.s32 s1, $0x0;
	_ =	strace $0x90000050  }
0x66: {  	s0 =	sadd.s32 @!p0 $0x100000, s0;
	[bflag:$0x2] =	sbarrier.arrive $0xFFFF  }
0x67: {  	[sflag:s0] =	ssyncadd.tile.s32 @!p0 $0x1;
	_ =	shalt  }
.Lfunc_end2:
_tile_overlayer_lowered:
.L_overlay_start_2:
0x68: {  	(tag) =	ssettag $0x2  }
0x69: {  	s0 =	rddreg [dreg:$0x0];
	s2 =	stileid.u32  }
0x6a: {  	s1 =	rddreg [dreg:$0x1];
	p0 =	sne.s32 s2, $0x0  }
0x6b: {  	s3 =	rddreg [dreg:$0x2];
	[bflag:$0x3] =	sbarrier.arrive $0xFFFF;
	s2 =	simm.s32 @!p0 $0x1C03  }
0x6c: {  	[timem:s3], [sflag:s2] =	dma.local @!p0 [hbm:s0], s1  }
0x6d: {  	s0 =	simm.s32 @!p0 $0x3  }
0x6e: {  	_ =	swait.ge @!p0 [sflag:s0], s1  }
0x6f: {  	s1 =	ssub.s32 @!p0 $0x0, s1;
	[sflag:s0] =	ssyncset.done @!p0 $0x0  }
0x70: {  	[sflag:s0] =	ssyncadd.s32 @!p0 s1  }
0x71: {  	[bflag:$0x3] =	sbarrier.arrive $0xFFFF  }
0x72: {  	_ =	shalt  }

// kernel: kernel.27.cloned.1.call-start
scs
__scs_entry_jumppad:
0x0: {  	(pc) =	sbr.rel $0x88, $3  }
0x1: {  	(tag) =	ssettag $0x0;
	lr =	simm.s32 $0x1  }
0x2: {  	[smem:$0x3F94] =	sst lr;
	_ =	strace $0xD0000000  }
0x3: {  	_ = 	snop  }
0x4: {  	_ = 	snop  }
0x5: {  	_ = 	snop  }
0x6: {  	_ = 	snop  }
0x7: {  	_ = 	snop  }
__scs_overlays_trampoline_lowered:
0x8: {  	[smem:$0x3FA3] =	sst s0  }
0x9: {  	[smem:$0x3FA4] =	sst s1  }
0xa: {  	[smem:$0x3FA5] =	sst s2  }
0xb: {  	[smem:$0x3FA6] =	sst s3  }
0xc: {  	[smem:$0x3FA7] =	sst s4  }
0xd: {  	[smem:$0x3FA8] =	sst s5  }
0xe: {  	[smem:$0x3FA9] =	sst s6  }
0xf: {  	[smem:$0x3FAA] =	sst s7  }
0x10: {  	[smem:$0x3FAB] =	sst s8  }
0x11: {  	[smem:$0x3FAC] =	sst s9;
	s0 =	simm.s32 @!p0 $0x0  }
0x12: {  	s1 =	sld [smem:$0x3F92];
	s0 =	simm.s32 @p0 $0x1  }
0x13: {  	[smem:$0x3FAD] =	sst s0;
	s0 =	simm.s32 @!p1 $0x0  }
0x14: {  	s2 =	sld [smem:$0x3F91];
	s0 =	simm.s32 @p1 $0x1  }
0x15: {  	[smem:$0x3FAE] =	sst s0;
	s0 =	simm.s32 @!p2 $0x0  }
0x16: {  	s3 =	sld [smem:$0x3FDB];
	s0 =	simm.s32 @p2 $0x1  }
0x17: {  	s4 =	simm.s32 $0x1BF5;
	[smem:$0x3FB0] =	sst s0  }
0x18: {  	s0 =	sld [smem:$0x3F93];
	_ =	swait.ge [sflag:s4], $0x0  }
0x19: {  	s7 =	sld [smem:$0x3F94]  }
0x1a: {  	s8 =	sadd.s32 $0xFFFFE003, lr  }
0x1b: {  	s9 =	sadd.s32 $0xFFFFFEF7, lr;
	s5 =	simm.s32 $0xFFFFFFFF;
	p2 =	slt.u32 s8, $0xFFFFF086  }
0x1c: {  	p1 =	slt.u32 s9, $0xF7A;
	s5 =	simm.s32 @!p2 $0x0  }
0x1d: {  	s5 =	simm.s32 @p1 $0x1;
	p0 =	seq.s32 s7, s2  }
0x1e: {  	s7 =	smul.u32 @!p0 $0xF7A, s2;
	p2 =	seq.s32 @!p0 s5, $0x0  }
0x1f: {  	s9 =	smul.u32 $0xF7A, s1;
	s8 =	simm.s32 @!p0 $0x1BF5;
	p2 =	por !p2, p0  }
0x20: {  	[sflag:s8] =	ssyncset.s32 @!p0 $0xFFFFF086;
	s6 =	sadd.s32 @!p0 s3, s7;
	s7 =	simm.s32 @!p0 $0x108  }
0x21: {  	s3 =	sadd.s32 s3, s9;
	s6 =	sadd.s32 @!p0 $0x88, s6;
	s7 =	simm.s32 @p2 $0x1082  }
0x22: {  	[simem:s7], [sflag:s8] =	dma.local @!p0 [hbm:s6], $0xF7A  }
0x23: {  	s9 =	sor.u32 $0xD0000000, s2;
	s6 =	simm.s32 $0x108;
	_ =	swait.ge @!p0 [sflag:s8], $0x0  }
0x24: {  	s3 =	sadd.s32 $0x88, s3;
	s6 =	simm.s32 @!p1 $0x1082;
	[sflag:s4] =	ssyncset.s32 $0xFFFFF086  }
0x25: {  	[simem:s6], [sflag:s4] =	dma.local [hbm:s3], $0xF7A  }
0x26: {  	[smem:$0x3F94] =	sst s1;
	(tag) =	ssettag s2;
	_ =	strace s9  }
0x27: {  	s1 =	sld [smem:$0x3FA4]  }
0x28: {  	s2 =	sld [smem:$0x3FA5]  }
0x29: {  	s4 =	sld [smem:$0x3FA7]  }
0x2a: {  	p0 =	seq.s32 s5, $0x0;
	s5 =	sld [smem:$0x3FA8]  }
0x2b: {  	s6 =	sld [smem:$0x3FA9]  }
0x2c: {  	s7 =	sld [smem:$0x3FAA]  }
0x2d: {  	s3 =	simm.s32 $0x108;
	s8 =	sld [smem:$0x3FAB]  }
0x2e: {  	s3 =	simm.s32 @!p0 $0x1082;
	s9 =	sld [smem:$0x3FAC]  }
0x2f: {  	lr =	sadd.s32 s0, s3;
	s0 =	sld [smem:$0x3FA3]  }
0x30: {  	s3 =	sld [smem:$0x3FA6]  }
0x31: {  	[smem:$0x3FAF] =	sst s10  }
0x32: {  	s10 =	sld [smem:$0x3FAD];
	_ =	sdelay $0x3  }
0x33: {  	p0 =	seq.s32 s10, $0x1;
	s10 =	sld [smem:$0x3FAF];
	_ =	sdelay $0x3  }
0x34: {  	[smem:$0x3FAF] =	sst s10  }
0x35: {  	s10 =	sld [smem:$0x3FAE];
	_ =	sdelay $0x3  }
0x36: {  	p1 =	seq.s32 s10, $0x1;
	s10 =	sld [smem:$0x3FAF];
	_ =	sdelay $0x3  }
0x37: {  	[smem:$0x3FAF] =	sst s10  }
0x38: {  	s10 =	sld [smem:$0x3FB0]  }
0x39: {  	_ = 	snop;
	(pc) =	sbr.ind lr, $3  }
0x3a: {  	_ = 	snop  }
0x3b: {  	_ = 	snop  }
0x3c: {  	p2 =	seq.s32 s10, $0x1;
	s10 =	sld [smem:$0x3FAF]  }
0x3d: {  	_ =	shalt  }
0x3e: {  	_ =	shalt  }
0x3f: {  	_ =	shalt  }
0x40: {  	_ =	shalt  }
0x41: {  	_ =	shalt  }
0x42: {  	_ =	shalt  }
0x43: {  	_ =	shalt  }
0x44: {  	_ =	shalt  }
0x45: {  	_ =	shalt  }
0x46: {  	_ =	shalt  }
0x47: {  	_ =	shalt  }
0x48: {  	_ =	shalt  }
0x49: {  	_ =	shalt  }
0x4a: {  	_ =	shalt  }
0x4b: {  	_ =	shalt  }
0x4c: {  	_ =	shalt  }
0x4d: {  	_ =	shalt  }
0x4e: {  	_ =	shalt  }
0x4f: {  	_ =	shalt  }
0x50: {  	_ =	shalt  }
0x51: {  	_ =	shalt  }
0x52: {  	_ =	shalt  }
0x53: {  	_ =	shalt  }
0x54: {  	_ =	shalt  }
0x55: {  	_ =	shalt  }
0x56: {  	_ =	shalt  }
0x57: {  	_ =	shalt  }
0x58: {  	_ =	shalt  }
0x59: {  	_ =	shalt  }
0x5a: {  	_ =	shalt  }
0x5b: {  	_ =	shalt  }
0x5c: {  	_ =	shalt  }
0x5d: {  	_ =	shalt  }
0x5e: {  	_ =	shalt  }
0x5f: {  	_ =	shalt  }
0x60: {  	_ =	shalt  }
0x61: {  	_ =	shalt  }
0x62: {  	_ =	shalt  }
0x63: {  	_ =	shalt  }
0x64: {  	_ =	shalt  }
0x65: {  	_ =	shalt  }
0x66: {  	_ =	shalt  }
0x67: {  	_ =	shalt  }
0x68: {  	_ =	shalt  }
0x69: {  	_ =	shalt  }
0x6a: {  	_ =	shalt  }
0x6b: {  	_ =	shalt  }
0x6c: {  	_ =	shalt  }
0x6d: {  	_ =	shalt  }
0x6e: {  	_ =	shalt  }
0x6f: {  	_ =	shalt  }
0x70: {  	_ =	shalt  }
0x71: {  	_ =	shalt  }
0x72: {  	_ =	shalt  }
0x73: {  	_ =	shalt  }
0x74: {  	_ =	shalt  }
0x75: {  	_ =	shalt  }
0x76: {  	_ =	shalt  }
0x77: {  	_ =	shalt  }
0x78: {  	_ =	shalt  }
0x79: {  	_ =	shalt  }
0x7a: {  	_ =	shalt  }
0x7b: {  	_ =	shalt  }
0x7c: {  	_ =	shalt  }
0x7d: {  	_ =	shalt  }
0x7e: {  	_ =	shalt  }
0x7f: {  	_ =	shalt  }
0x80: {  	_ =	shalt  }
0x81: {  	_ =	shalt  }
0x82: {  	_ =	shalt  }
0x83: {  	_ =	shalt  }
0x84: {  	_ =	shalt  }
0x85: {  	_ =	shalt  }
0x86: {  	_ =	shalt  }
0x87: {  	_ =	shalt  }
.Lfunc_end0:
.L_simem_size_0:
called_computation.4_lowered:
.L_overlay_start_0:
0x88: {  	s2 =	sld [smem:$0x3FD9]  }
0x89: {  	s3 =	sld [smem:$0x3FFE];
	_ =	sdelay $0x1  }
0x8a: {  	s1 =	srdreg.scid  }
0x8b: {  	s0 =	sand.u32 $0x1, s1  }
0x8c: {  	s14 =	sshll.u32 s0, $0xA;
	s2 =	sadd.s32 s3, s2  }
0x8d: {  	s2 =	sadd.s32 s2, s14  }
0x8e: {  	[smem:$0x3FBB] =	sst s2  }
0x8f: {  	_ = 	snop  }
0x90: {  	s2 =	sld [smem:$0x3FD0];
	_ =	sdelay $0x2  }
0x91: {  	s15 =	simm.s32 $0xA;
	s4 =	simm.s32 $0x10  }
0x92: {  	[smem:s4], [sflag:s15] =	dma.local [hbm:s2], $0x1  }
0x93: {  	_ =	swait.eq [sflag:s15], $0x1  }
0x94: {  	[sflag:s15] =	ssyncset.done $0x0  }
0x95: {  	[sflag:s15] =	ssyncadd.s32 $0xFFFFFFFF  }
0x96: {  	s16 =	sld [smem:$0x11];
	(tm) =	ssettm $0x1  }
0x97: {  	s17 =	sld [smem:$0x3FFB];
	_ =	sdelay $0x3  }
0x98: {  	_ =	strace s17  }
0x99: {  	s3 =	sld [smem:$0x3FFC];
	_ =	sdelay $0x3  }
0x9a: {  	_ =	strace s3  }
0x9b: {  	s3 =	sld [smem:$0x3FFD];
	_ =	sdelay $0x3  }
0x9c: {  	_ =	strace s3  }
0x9d: {  	_ =	strace $0x8FFFFFFF  }
0x9e: {  	s18 =	sld [smem:$0x3FDB];
	_ =	sdelay $0x1  }
0x9f: {  	s19 =	simm.s32 $_scs_section_size  }
0xa0: {  	s5 =	simm.s32 $_size__tile_overlayer_lowered;
	s6 =	simm.s32 $_tile_overlayer_lowered  }
0xa1: {  	s22 =	simm.s32 $0x1BFF;
	s21 =	sshll.u32 s6, $0x1;
	s3 =	sadd.s32 s19, s18  }
0xa2: {  	s7 =	simm.s32 $0x0;
	s20 =	sshll.u32 s5, $0x1;
	s5 =	sadd.s32 s21, s3  }
0xa3: {  	[timem:s7], [sflag:s22] =	dma.local [hbm:s5], s20  }
0xa4: {  	_ =	swait.ge [sflag:s22], s20  }
0xa5: {  	s4 =	ssub.s32 $0x0, s20;
	[sflag:s22] =	ssyncset.done $0x0  }
0xa6: {  	[sflag:s22] =	ssyncadd.s32 s4;
	_ =	sdelay $0x1  }
0xa7: {  	s23 =	simm.s32 $0x1B8B  }
0xa8: {  	_ =	swait.ge [sflag:s23], $0x1  }
0xa9: {  	[sflag:s23] =	ssyncset.done $0x0  }
0xaa: {  	s25 =	simm.s32 $0x1B8E;
	s24 =	sld [smem:$0x3FFE];
	[sflag:s23] =	ssyncadd.s32 $0xFFFFFFFF  }
0xab: {  	s26 =	simm.s32 $execute0_lowered;
	[smem:$0x3FD2] =	sst s25  }
0xac: {  	s5 =	sshll.u32 s26, $0x1;
	_ =	strace $0x80000052;
	[dreg:$0x1] =	wrdreg $0xFFFFFFFF  }
0xad: {  	s28 =	simm.s32 $_size_execute0_lowered;
	s3 =	sadd.s32 s3, s5;
	[dreg:$0x0] =	wrdreg $0x0  }
0xae: {  	s5 =	sshll.u32 s28, $0x1;
	[dreg:$0x2] =	wrdreg s3  }
0xaf: {  	[dreg:$0x3] =	wrdreg s5  }
0xb0: {  	[dreg:$0x4] =	wrdreg $0xC0  }
0xb1: {  	_ =	task [dreg:s7], $0x5FFFF  }
0xb2: {  	[dreg:$0x1] =	wrdreg $0xFFFFFFFF  }
0xb3: {  	[dreg:$0x0] =	wrdreg $0x60  }
0xb4: {  	[dreg:$0x2] =	wrdreg s24  }
0xb5: {  	[dreg:$0x3] =	wrdreg s16  }
0xb6: {  	[dreg:$0x4] =	wrdreg $0x90000  }
0xb7: {  	[dreg:$0x5] =	wrdreg $0x130000  }
0xb8: {  	[dreg:$0x6] =	wrdreg $0x9  }
0xb9: {  	_ =	task.clear_ibuf [dreg:s7], $0x7FFFF;
	_ =	strace $0x90000052  }
0xba: {  	s29 =	simm.s32 $0x9;
	_ =	strace $0x80000054  }
0xbb: {  	_ =	swait.ge [sflag:s29], $0x1  }
0xbc: {  	[sflag:s29] =	ssyncadd.s32 $0xFFFFFFFF  }
0xbd: {  	_ =	strace $0x90000054  }
0xbe: {  	_ =	sfence  }
0xbf: {  	s30 =	sld [smem:$0x0];
	_ =	sdelay $0x2  }
0xc0: {  	s31 =	sshll.u32 s1, $0xD;
	s1 =	sshrl.u32 s1, $0x2  }
0xc1: {  	s3 =	sand.u32 $0x4000, s31;
	s1 =	sadd.s32 s1, s30  }
0xc2: {  	s0 =	sor.u32 s3, s0;
	s1 =	sshll.u32 s1, $0x11  }
0xc3: {  	s0 =	sor.u32 s1, s0  }
0xc4: {  	s0 =	sadd.s32 $0x8F2B, s0  }
0xc5: {  	[sflag:s0] =	ssyncadd.remote.s32 $0x1  }
0xc6: {  	_ =	sfence.sel $0xFFFF  }
0xc7: {  	[dreg:$0x0] =	wrdreg $0xFFFFFFFF;
	(pc) =	sbr.abs _section_cstart, $3  }
0xc8: {  	[dreg:$0x1] =	wrdreg $0xFFFFFFFF  }
0xc9: {  	_ =	task.clear_ibuf [dreg:s7], $0x2FFFF;
	_ =	strace $0x9FFFFFFF  }
0xca: {  	(tm) =	ssettm $0x7FFFFFFF  }
0xcb: {  	_ =	shalt  }
tec
execute0_lowered:
.L_overlay_start_1:
0x0: {  	(tag) =	ssettag $0x1  }
0x1: {  	s5 =	rddreg [dreg:$0x0]  }
0x2: {  	s6 =	rddreg [dreg:$0x1]  }
0x3: {  	s2 =	rddreg [dreg:$0x2]  }
0x4: {  	s3 =	rddreg [dreg:$0x3]  }
0x5: {  	s0 =	rddreg [dreg:$0x4];
	s1 =	stileid.u32  }
0x6: {  	s7 =	srdreg.scid;
	s4 =	simm.s32 $0x0;
	s17 =	simm.s32 $0x2  }
0x7: {  	s18 =	simm.s32 $0x80;
	s19 =	simm.s32 $0x5000;
	s20 =	simm.s32 $0x7000  }
0x8: {  	s21 =	simm.s32 $0x3;
	s22 =	simm.s32 $0x2780;
	s23 =	simm.s32 $0x4F00  }
0x9: {  	s24 =	simm.s32 $0x4F80;
	s25 =	simm.s32 $0x0;
	s7 =	sand.u32 $0x1, s7  }
0xa: {  	s10 =	smul.u32 $0xA000, s1;
	[smem:$0x7FF] =	sst s4;
	s8 =	sshll.u32 s7, $0x4  }
0xb: {  	s9 =	smul.u32 $0xA0000, s7;
	_ =	strace $0x80000053;
	s7 =	ssub.s32 $0x2, s7  }
0xc: {  	s8 =	sor.u32 s1, s8;
	s11 =	sshrl.u32 s10, $0x3;
	s31 =	sshrl.u32 s7, $0x1  }
0xd: {  	s15 =	sadd.s32 s10, s2;
	s16 =	sadd.s32 s10, s3;
	s8 =	smul.u32 $0x500, s8  }
0xe: {  	s9 =	sadd.s32 s10, s9;
	s11 =	sadd.s32 s11, s5;
	s14 =	ssub.s32 s7, s31  }
0xf: {  	s9 =	sshrl.u32 s9, $0x3;
	s7 =	sadd.s32 $0x23C00, s11;
	s12 =	sadd.s32 s8, s5  }
0x10: {  	s13 =	sadd.s32 s9, s5;
	s5 =	sadd.s32 s6, s8;
	s8 =	sshll.u32 s1, $0x6  }
0x11: {  	s10 =	sadd.s32 $0xFC00, s11;
	s6 =	sadd.s32 $0x5C00, s12;
	s9 =	sor.u32 $0x1C02, s8  }
0x12: {  	s11 =	sadd.s32 $0x37C00, s13;
	s12 =	smax.u32 s14, $0x1;
	s13 =	simm.s32 $0x2800  }
0x13: {  	s14 =	sshrl.u32 s15, $0x3;
	s15 =	sshrl.u32 s16, $0x3;
	s16 =	simm.s32 $0x1  }
.LBB2_1:
0x14: {  	[tilespmem:s4], [sflag:$0x1] =	stream.linear.gather [hbm4b:s5+s4], $0x2800, $0x38;
	[tilespmem:$0x1D000] =	vst v63  }
0x15: {  	_ = 	snop  }
0x16: {  	[tilespmem:s13], [sflag:$0x1] =	stream.linear.gather [hbm4b:s6+s4], $0x2800, $0x38;
	[tilespmem:$0x1D000] =	vst v63  }
0x17: {  	[spmem:s14], [sflag:s9] =	dma.local [hbm:s7], $0x1400  }
0x18: {  	[spmem:s15], [sflag:s9] =	dma.local [hbm:s10], $0x1400  }
0x19: {  	_ =	swait.ge [sflag:s16], $0x2800  }
0x1a: {  	[sflag:s16] =	ssyncset.done $0x0  }
0x1b: {  	[sflag:s16] =	ssyncadd.s32 $0xFFFFD800  }
0x1c: {  	_ =	swait.ge [sflag:s16], $0x2800  }
0x1d: {  	[sflag:s16] =	ssyncset.done $0x0  }
0x1e: {  	[sflag:s16] =	ssyncadd.s32 $0xFFFFD800  }
0x1f: {  	_ =	swait.ge [sflag:s17], $0x1400  }
0x20: {  	[sflag:s17] =	ssyncset.done $0x0  }
0x21: {  	[sflag:s17] =	ssyncadd.s32 $0xFFFFEC00  }
0x22: {  	_ =	swait.ge [sflag:s17], $0x1400  }
0x23: {  	[sflag:s17] =	ssyncset.done $0x0  }
0x24: {  	[sflag:s17] =	ssyncadd.s32 $0xFFFFEC00  }
0x25: {  	[bflag:$0x0] =	sbarrier.arrive $0xFFFF  }
0x26: {  	[tilespmem:s19], [sflag:$0x1] =	stream.indirect.gather [spmem:s3], $0x40, s4, s18, $0xb8;
	[tilespmem:$0x1D000] =	vst v63  }
0x27: {  	_ =	swait.ge [sflag:s16], $0x2000  }
0x28: {  	[sflag:s16] =	ssyncset.done $0x0  }
0x29: {  	s26 =	simm.s32 $0x80;
	[sflag:s16] =	ssyncadd.s32 $0xFFFFE000  }
0x2a: {  	[tilespmem:s20], [sflag:$0x2] =	stream.indirect.gather [spmem:s3], $0x40, s26, s18, $0xb8;
	[tilespmem:$0x1D000] =	vst v63  }
0x2b: {  	s29 =	simm.s32 $0x2800  }
0x2c: {  	[spmem:s2] =	stream.indirect.scatter.add.f32 [tilespmem:s19], [sflag:$0x3], $0x40, s29, s18, $0xb8;
	[tilespmem:$0x1D000] =	vst v63  }
0x2d: {  	_ =	swait.ge [sflag:s21], $0x2000  }
0x2e: {  	[sflag:s21] =	ssyncset.done $0x0  }
0x2f: {  	[sflag:s21] =	ssyncadd.s32 $0xFFFFE000  }
0x30: {  	_ =	swait.ge [sflag:s17], $0x2000  }
0x31: {  	[sflag:s17] =	ssyncset.done $0x0  }
0x32: {  	s30 =	simm.s32 $0x100;
	[sflag:s17] =	ssyncadd.s32 $0xFFFFE000  }
0x33: {  	[tilespmem:s19], [sflag:$0x1] =	stream.indirect.gather [spmem:s3], $0x40, s30, s18, $0xb8;
	[tilespmem:$0x1D000] =	vst v63  }
0x34: {  	s31 =	simm.s32 $0x2880  }
0x35: {  	[spmem:s2] =	stream.indirect.scatter.add.f32 [tilespmem:s20], [sflag:$0x3], $0x40, s31, s18, $0xb8;
	[tilespmem:$0x1D000] =	vst v63  }
0x36: {  	_ =	swait.ge [sflag:s21], $0x2000  }
0x37: {  	s26 =	simm.s32 $0x400;
	[sflag:s21] =	ssyncset.done $0x0  }
.LBB2_2:
0x38: {  	p0 =	sne.s32 s26, $0x9800  }
0x39: {  	[sflag:s21] =	ssyncadd.s32 $0xFFFFE000;
	s28 =	smov.u32 s26;
	s26 =	sadd.s32 $0x400, s26  }
0x3a: {  	_ = 	snop  }
0x3b: {  	_ =	swait.ge [sflag:s16], $0x2000  }
0x3c: {  	s28 =	sshra.s32 s28, $0x2;
	[sflag:s16] =	ssyncset.done $0x0  }
0x3d: {  	s29 =	sadd.s32 $0x80, s28;
	[sflag:s16] =	ssyncadd.s32 $0xFFFFE000  }
0x3e: {  	[tilespmem:s20], [sflag:$0x2] =	stream.indirect.gather [spmem:s3], $0x40, s29, s18, $0xb8;
	[tilespmem:$0x1D000] =	vst v63  }
0x3f: {  	s29 =	sadd.s32 $0x2800, s28  }
0x40: {  	[spmem:s2] =	stream.indirect.scatter.add.f32 [tilespmem:s19], [sflag:$0x3], $0x40, s29, s18, $0xb8;
	[tilespmem:$0x1D000] =	vst v63  }
0x41: {  	_ =	swait.ge [sflag:s21], $0x2000  }
0x42: {  	[sflag:s21] =	ssyncset.done $0x0  }
0x43: {  	[sflag:s21] =	ssyncadd.s32 $0xFFFFE000  }
0x44: {  	_ =	swait.ge [sflag:s17], $0x2000  }
0x45: {  	[sflag:s17] =	ssyncset.done $0x0  }
0x46: {  	s29 =	sadd.s32 $0x100, s28;
	[sflag:s17] =	ssyncadd.s32 $0xFFFFE000  }
0x47: {  	[tilespmem:s19], [sflag:$0x1] =	stream.indirect.gather [spmem:s3], $0x40, s29, s18, $0xb8;
	[tilespmem:$0x1D000] =	vst v63  }
.Ltmp0:
0x48: {  	_ = 	snop;
	(pc) =	sbr.rel @p0 .LBB2_2-.Ltmp0, $4  }
0x49: {  	s28 =	sadd.s32 $0x2880, s28  }
0x4a: {  	[spmem:s2] =	stream.indirect.scatter.add.f32 [tilespmem:s20], [sflag:$0x3], $0x40, s28, s18, $0xb8;
	[tilespmem:$0x1D000] =	vst v63  }
0x4b: {  	_ =	swait.ge [sflag:s21], $0x2000  }
0x4c: {  	[sflag:s21] =	ssyncset.done $0x0  }
0x4d: {  	[sflag:s21] =	ssyncadd.s32 $0xFFFFE000  }
0x4e: {  	_ =	swait.ge [sflag:s16], $0x2000  }
0x4f: {  	[sflag:s16] =	ssyncset.done $0x0  }
0x50: {  	[sflag:s16] =	ssyncadd.s32 $0xFFFFE000  }
0x51: {  	[tilespmem:s20], [sflag:$0x2] =	stream.indirect.gather [spmem:s3], $0x40, s22, s18, $0xb8;
	[tilespmem:$0x1D000] =	vst v63  }
0x52: {  	_ = 	snop  }
0x53: {  	[spmem:s2] =	stream.indirect.scatter.add.f32 [tilespmem:s19], [sflag:$0x3], $0x40, s23, s18, $0xb8;
	[tilespmem:$0x1D000] =	vst v63  }
0x54: {  	_ =	swait.ge [sflag:s21], $0x2000  }
0x55: {  	[sflag:s21] =	ssyncset.done $0x0  }
0x56: {  	[sflag:s21] =	ssyncadd.s32 $0xFFFFE000  }
0x57: {  	_ =	swait.ge [sflag:s17], $0x2000  }
0x58: {  	[sflag:s17] =	ssyncset.done $0x0  }
0x59: {  	[sflag:s17] =	ssyncadd.s32 $0xFFFFE000  }
0x5a: {  	[spmem:s2] =	stream.indirect.scatter.add.f32 [tilespmem:s20], [sflag:$0x3], $0x40, s24, s18, $0xb8;
	[tilespmem:$0x1D000] =	vst v63  }
0x5b: {  	_ =	swait.ge [sflag:s21], $0x2000  }
0x5c: {  	s25 =	sadd.s32 $0x1, s25;
	[sflag:s21] =	ssyncset.done $0x0  }
0x5d: {  	p0 =	sne.s32 s25, s12;
	[sflag:s21] =	ssyncadd.s32 $0xFFFFE000  }
.Ltmp1:
0x5e: {  	s26 =	sor.u32 $0x1C03, s8;
	[bflag:$0x0] =	sbarrier.arrive $0xFFFF;
	(pc) =	sbr.rel @p0 .LBB2_1-.Ltmp1, $4  }
0x5f: {  	[hbm:s11], [sflag:s26] =	dma.local [spmem:s14], $0x1400  }
0x60: {  	_ =	swait.ge [sflag:s21], $0x1400  }
0x61: {  	[sflag:s21] =	ssyncset.done $0x0  }
0x62: {  	[sflag:s21] =	ssyncadd.s32 $0xFFFFEC00  }
0x63: {  	_ =	sfence.sel $0x180000  }
0x64: {  	[bflag:$0x0] =	sbarrier.arrive $0xFFFF  }
0x65: {  	p0 =	sne.s32 s1, $0x0;
	_ =	strace $0x90000053  }
0x66: {  	s0 =	sadd.s32 @!p0 $0x100000, s0;
	[bflag:$0x2] =	sbarrier.arrive $0xFFFF  }
0x67: {  	[sflag:s0] =	ssyncadd.tile.s32 @!p0 $0x1;
	_ =	shalt  }
.Lfunc_end2:
_tile_overlayer_lowered:
.L_overlay_start_2:
0x68: {  	(tag) =	ssettag $0x2  }
0x69: {  	s0 =	rddreg [dreg:$0x0];
	s2 =	stileid.u32  }
0x6a: {  	s1 =	rddreg [dreg:$0x1];
	p0 =	sne.s32 s2, $0x0  }
0x6b: {  	s3 =	rddreg [dreg:$0x2];
	[bflag:$0x3] =	sbarrier.arrive $0xFFFF;
	s2 =	simm.s32 @!p0 $0x1C03  }
0x6c: {  	[timem:s3], [sflag:s2] =	dma.local @!p0 [hbm:s0], s1  }
0x6d: {  	s0 =	simm.s32 @!p0 $0x3  }
0x6e: {  	_ =	swait.ge @!p0 [sflag:s0], s1  }
0x6f: {  	s1 =	ssub.s32 @!p0 $0x0, s1;
	[sflag:s0] =	ssyncset.done @!p0 $0x0  }
0x70: {  	[sflag:s0] =	ssyncadd.s32 @!p0 s1  }
0x71: {  	[bflag:$0x3] =	sbarrier.arrive $0xFFFF  }
0x72: {  	_ =	shalt  }

// kernel: kernel.30.cloned.1.call-start
scs
__scs_entry_jumppad:
0x0: {  	(pc) =	sbr.rel $0x88, $3  }
0x1: {  	(tag) =	ssettag $0x0;
	lr =	simm.s32 $0x1  }
0x2: {  	[smem:$0x3F94] =	sst lr;
	_ =	strace $0xD0000000  }
0x3: {  	_ = 	snop  }
0x4: {  	_ = 	snop  }
0x5: {  	_ = 	snop  }
0x6: {  	_ = 	snop  }
0x7: {  	_ = 	snop  }
__scs_overlays_trampoline_lowered:
0x8: {  	[smem:$0x3FA3] =	sst s0  }
0x9: {  	[smem:$0x3FA4] =	sst s1  }
0xa: {  	[smem:$0x3FA5] =	sst s2  }
0xb: {  	[smem:$0x3FA6] =	sst s3  }
0xc: {  	[smem:$0x3FA7] =	sst s4  }
0xd: {  	[smem:$0x3FA8] =	sst s5  }
0xe: {  	[smem:$0x3FA9] =	sst s6  }
0xf: {  	[smem:$0x3FAA] =	sst s7  }
0x10: {  	[smem:$0x3FAB] =	sst s8  }
0x11: {  	[smem:$0x3FAC] =	sst s9;
	s0 =	simm.s32 @!p0 $0x0  }
0x12: {  	s1 =	sld [smem:$0x3F92];
	s0 =	simm.s32 @p0 $0x1  }
0x13: {  	[smem:$0x3FAD] =	sst s0;
	s0 =	simm.s32 @!p1 $0x0  }
0x14: {  	s2 =	sld [smem:$0x3F91];
	s0 =	simm.s32 @p1 $0x1  }
0x15: {  	[smem:$0x3FAE] =	sst s0;
	s0 =	simm.s32 @!p2 $0x0  }
0x16: {  	s3 =	sld [smem:$0x3FDB];
	s0 =	simm.s32 @p2 $0x1  }
0x17: {  	s4 =	simm.s32 $0x1BF5;
	[smem:$0x3FB0] =	sst s0  }
0x18: {  	s0 =	sld [smem:$0x3F93];
	_ =	swait.ge [sflag:s4], $0x0  }
0x19: {  	s7 =	sld [smem:$0x3F94]  }
0x1a: {  	s8 =	sadd.s32 $0xFFFFE003, lr  }
0x1b: {  	s9 =	sadd.s32 $0xFFFFFEF7, lr;
	s5 =	simm.s32 $0xFFFFFFFF;
	p2 =	slt.u32 s8, $0xFFFFF086  }
0x1c: {  	p1 =	slt.u32 s9, $0xF7A;
	s5 =	simm.s32 @!p2 $0x0  }
0x1d: {  	s5 =	simm.s32 @p1 $0x1;
	p0 =	seq.s32 s7, s2  }
0x1e: {  	s7 =	smul.u32 @!p0 $0xF7A, s2;
	p2 =	seq.s32 @!p0 s5, $0x0  }
0x1f: {  	s9 =	smul.u32 $0xF7A, s1;
	s8 =	simm.s32 @!p0 $0x1BF5;
	p2 =	por !p2, p0  }
0x20: {  	[sflag:s8] =	ssyncset.s32 @!p0 $0xFFFFF086;
	s6 =	sadd.s32 @!p0 s3, s7;
	s7 =	simm.s32 @!p0 $0x108  }
0x21: {  	s3 =	sadd.s32 s3, s9;
	s6 =	sadd.s32 @!p0 $0x88, s6;
	s7 =	simm.s32 @p2 $0x1082  }
0x22: {  	[simem:s7], [sflag:s8] =	dma.local @!p0 [hbm:s6], $0xF7A  }
0x23: {  	s9 =	sor.u32 $0xD0000000, s2;
	s6 =	simm.s32 $0x108;
	_ =	swait.ge @!p0 [sflag:s8], $0x0  }
0x24: {  	s3 =	sadd.s32 $0x88, s3;
	s6 =	simm.s32 @!p1 $0x1082;
	[sflag:s4] =	ssyncset.s32 $0xFFFFF086  }
0x25: {  	[simem:s6], [sflag:s4] =	dma.local [hbm:s3], $0xF7A  }
0x26: {  	[smem:$0x3F94] =	sst s1;
	(tag) =	ssettag s2;
	_ =	strace s9  }
0x27: {  	s1 =	sld [smem:$0x3FA4]  }
0x28: {  	s2 =	sld [smem:$0x3FA5]  }
0x29: {  	s4 =	sld [smem:$0x3FA7]  }
0x2a: {  	p0 =	seq.s32 s5, $0x0;
	s5 =	sld [smem:$0x3FA8]  }
0x2b: {  	s6 =	sld [smem:$0x3FA9]  }
0x2c: {  	s7 =	sld [smem:$0x3FAA]  }
0x2d: {  	s3 =	simm.s32 $0x108;
	s8 =	sld [smem:$0x3FAB]  }
0x2e: {  	s3 =	simm.s32 @!p0 $0x1082;
	s9 =	sld [smem:$0x3FAC]  }
0x2f: {  	lr =	sadd.s32 s0, s3;
	s0 =	sld [smem:$0x3FA3]  }
0x30: {  	s3 =	sld [smem:$0x3FA6]  }
0x31: {  	[smem:$0x3FAF] =	sst s10  }
0x32: {  	s10 =	sld [smem:$0x3FAD];
	_ =	sdelay $0x3  }
0x33: {  	p0 =	seq.s32 s10, $0x1;
	s10 =	sld [smem:$0x3FAF];
	_ =	sdelay $0x3  }
0x34: {  	[smem:$0x3FAF] =	sst s10  }
0x35: {  	s10 =	sld [smem:$0x3FAE];
	_ =	sdelay $0x3  }
0x36: {  	p1 =	seq.s32 s10, $0x1;
	s10 =	sld [smem:$0x3FAF];
	_ =	sdelay $0x3  }
0x37: {  	[smem:$0x3FAF] =	sst s10  }
0x38: {  	s10 =	sld [smem:$0x3FB0]  }
0x39: {  	_ = 	snop;
	(pc) =	sbr.ind lr, $3  }
0x3a: {  	_ = 	snop  }
0x3b: {  	_ = 	snop  }
0x3c: {  	p2 =	seq.s32 s10, $0x1;
	s10 =	sld [smem:$0x3FAF]  }
0x3d: {  	_ =	shalt  }
0x3e: {  	_ =	shalt  }
0x3f: {  	_ =	shalt  }
0x40: {  	_ =	shalt  }
0x41: {  	_ =	shalt  }
0x42: {  	_ =	shalt  }
0x43: {  	_ =	shalt  }
0x44: {  	_ =	shalt  }
0x45: {  	_ =	shalt  }
0x46: {  	_ =	shalt  }
0x47: {  	_ =	shalt  }
0x48: {  	_ =	shalt  }
0x49: {  	_ =	shalt  }
0x4a: {  	_ =	shalt  }
0x4b: {  	_ =	shalt  }
0x4c: {  	_ =	shalt  }
0x4d: {  	_ =	shalt  }
0x4e: {  	_ =	shalt  }
0x4f: {  	_ =	shalt  }
0x50: {  	_ =	shalt  }
0x51: {  	_ =	shalt  }
0x52: {  	_ =	shalt  }
0x53: {  	_ =	shalt  }
0x54: {  	_ =	shalt  }
0x55: {  	_ =	shalt  }
0x56: {  	_ =	shalt  }
0x57: {  	_ =	shalt  }
0x58: {  	_ =	shalt  }
0x59: {  	_ =	shalt  }
0x5a: {  	_ =	shalt  }
0x5b: {  	_ =	shalt  }
0x5c: {  	_ =	shalt  }
0x5d: {  	_ =	shalt  }
0x5e: {  	_ =	shalt  }
0x5f: {  	_ =	shalt  }
0x60: {  	_ =	shalt  }
0x61: {  	_ =	shalt  }
0x62: {  	_ =	shalt  }
0x63: {  	_ =	shalt  }
0x64: {  	_ =	shalt  }
0x65: {  	_ =	shalt  }
0x66: {  	_ =	shalt  }
0x67: {  	_ =	shalt  }
0x68: {  	_ =	shalt  }
0x69: {  	_ =	shalt  }
0x6a: {  	_ =	shalt  }
0x6b: {  	_ =	shalt  }
0x6c: {  	_ =	shalt  }
0x6d: {  	_ =	shalt  }
0x6e: {  	_ =	shalt  }
0x6f: {  	_ =	shalt  }
0x70: {  	_ =	shalt  }
0x71: {  	_ =	shalt  }
0x72: {  	_ =	shalt  }
0x73: {  	_ =	shalt  }
0x74: {  	_ =	shalt  }
0x75: {  	_ =	shalt  }
0x76: {  	_ =	shalt  }
0x77: {  	_ =	shalt  }
0x78: {  	_ =	shalt  }
0x79: {  	_ =	shalt  }
0x7a: {  	_ =	shalt  }
0x7b: {  	_ =	shalt  }
0x7c: {  	_ =	shalt  }
0x7d: {  	_ =	shalt  }
0x7e: {  	_ =	shalt  }
0x7f: {  	_ =	shalt  }
0x80: {  	_ =	shalt  }
0x81: {  	_ =	shalt  }
0x82: {  	_ =	shalt  }
0x83: {  	_ =	shalt  }
0x84: {  	_ =	shalt  }
0x85: {  	_ =	shalt  }
0x86: {  	_ =	shalt  }
0x87: {  	_ =	shalt  }
.Lfunc_end0:
.L_simem_size_0:
called_computation.5_lowered:
.L_overlay_start_0:
0x88: {  	s2 =	sld [smem:$0x3FD9]  }
0x89: {  	s3 =	sld [smem:$0x3FFE];
	_ =	sdelay $0x1  }
0x8a: {  	s1 =	srdreg.scid  }
0x8b: {  	s0 =	sand.u32 $0x1, s1  }
0x8c: {  	s16 =	sshll.u32 s0, $0xA;
	s2 =	sadd.s32 s3, s2  }
0x8d: {  	s2 =	sadd.s32 s2, s16  }
0x8e: {  	[smem:$0x3FBB] =	sst s2  }
0x8f: {  	_ = 	snop  }
0x90: {  	(tm) =	ssettm $0x1  }
0x91: {  	s17 =	sld [smem:$0x3FFB];
	_ =	sdelay $0x3  }
0x92: {  	_ =	strace s17  }
0x93: {  	s2 =	sld [smem:$0x3FFC];
	_ =	sdelay $0x3  }
0x94: {  	_ =	strace s2  }
0x95: {  	s2 =	sld [smem:$0x3FFD];
	_ =	sdelay $0x3  }
0x96: {  	_ =	strace s2  }
0x97: {  	_ =	strace $0x8FFFFFFF  }
0x98: {  	s18 =	sld [smem:$0x3FDB];
	_ =	sdelay $0x1  }
0x99: {  	s19 =	simm.s32 $_scs_section_size  }
0x9a: {  	s4 =	simm.s32 $_size__tile_overlayer_lowered;
	s5 =	simm.s32 $_tile_overlayer_lowered  }
0x9b: {  	s22 =	simm.s32 $0x1BFF;
	s21 =	sshll.u32 s5, $0x1;
	s2 =	sadd.s32 s19, s18  }
0x9c: {  	s6 =	simm.s32 $0x0;
	s20 =	sshll.u32 s4, $0x1;
	s4 =	sadd.s32 s21, s2  }
0x9d: {  	[timem:s6], [sflag:s22] =	dma.local [hbm:s4], s20  }
0x9e: {  	_ =	swait.ge [sflag:s22], s20  }
0x9f: {  	s3 =	ssub.s32 $0x0, s20;
	[sflag:s22] =	ssyncset.done $0x0  }
0xa0: {  	[sflag:s22] =	ssyncadd.s32 s3;
	_ =	sdelay $0x1  }
0xa1: {  	s23 =	simm.s32 $0x1B8B  }
0xa2: {  	_ =	swait.ge [sflag:s23], $0x1  }
0xa3: {  	[sflag:s23] =	ssyncset.done $0x0  }
0xa4: {  	s25 =	simm.s32 $0x1B8E;
	s24 =	sld [smem:$0x3FFE];
	[sflag:s23] =	ssyncadd.s32 $0xFFFFFFFF  }
0xa5: {  	s26 =	simm.s32 $execute0_lowered;
	[smem:$0x3FD2] =	sst s25  }
0xa6: {  	s4 =	sshll.u32 s26, $0x1;
	_ =	strace $0x80000055;
	[dreg:$0x1] =	wrdreg $0xFFFFFFFF  }
0xa7: {  	s28 =	simm.s32 $_size_execute0_lowered;
	s2 =	sadd.s32 s2, s4;
	[dreg:$0x0] =	wrdreg $0x0  }
0xa8: {  	s4 =	sshll.u32 s28, $0x1;
	[dreg:$0x2] =	wrdreg s2  }
0xa9: {  	[dreg:$0x3] =	wrdreg s4  }
0xaa: {  	[dreg:$0x4] =	wrdreg $0xC0  }
0xab: {  	_ =	task [dreg:s6], $0x5FFFF  }
0xac: {  	[dreg:$0x1] =	wrdreg $0xFFFFFFFF  }
0xad: {  	[dreg:$0x0] =	wrdreg $0x60  }
0xae: {  	[dreg:$0x2] =	wrdreg s24  }
0xaf: {  	[dreg:$0x3] =	wrdreg $0x9  }
0xb0: {  	_ =	task.clear_ibuf [dreg:s6], $0x4FFFF;
	_ =	strace $0x90000055  }
0xb1: {  	s29 =	simm.s32 $0x9;
	_ =	strace $0x80000057  }
0xb2: {  	_ =	swait.ge [sflag:s29], $0x1  }
0xb3: {  	[sflag:s29] =	ssyncadd.s32 $0xFFFFFFFF  }
0xb4: {  	_ =	strace $0x90000057  }
0xb5: {  	_ =	sfence  }
0xb6: {  	s30 =	sld [smem:$0x0];
	_ =	sdelay $0x2  }
0xb7: {  	s31 =	sshll.u32 s1, $0xD;
	s1 =	sshrl.u32 s1, $0x2  }
0xb8: {  	s3 =	sand.u32 $0x4000, s31;
	s1 =	sadd.s32 s1, s30  }
0xb9: {  	s0 =	sor.u32 s3, s0;
	s1 =	sshll.u32 s1, $0x11  }
0xba: {  	s0 =	sor.u32 s1, s0  }
0xbb: {  	s0 =	sadd.s32 $0x8F2B, s0  }
0xbc: {  	[sflag:s0] =	ssyncadd.remote.s32 $0x1  }
0xbd: {  	_ =	sfence.sel $0xFFFF  }
0xbe: {  	[dreg:$0x0] =	wrdreg $0xFFFFFFFF;
	(pc) =	sbr.abs _section_cstart, $3  }
0xbf: {  	[dreg:$0x1] =	wrdreg $0xFFFFFFFF  }
0xc0: {  	_ =	task.clear_ibuf [dreg:s6], $0x2FFFF;
	_ =	strace $0x9FFFFFFF  }
0xc1: {  	(tm) =	ssettm $0x7FFFFFFF  }
tec
execute0_lowered:
.L_overlay_start_1:
0x0: {  	(tag) =	ssettag $0x1  }
0x1: {  	s0 =	srdreg.scid  }
0x2: {  	s5 =	rddreg [dreg:$0x0];
	s1 =	stileid.u32  }
0x3: {  	s2 =	simm.s32 $0x0;
	s12 =	simm.s32 $0x5000;
	s3 =	sand.u32 $0x1, s0  }
0x4: {  	s13 =	simm.s32 $0x6180;
	s14 =	simm.s32 $0x5140;
	s4 =	sshll.u32 s3, $0x4  }
0x5: {  	s15 =	simm.s32 $0x71C0;
	s16 =	simm.s32 $0x0;
	s4 =	sor.u32 s1, s4  }
0x6: {  	s0 =	rddreg [dreg:$0x1];
	s9 =	ssub.s32 $0x2, s3;
	s6 =	smul.u32 $0xA00, s4  }
0x7: {  	[smem:$0x7FF] =	sst s2;
	s10 =	sshrl.u32 s9, $0x1;
	s7 =	smul.u32 $0x28, s4  }
0x8: {  	_ =	strace $0x80000056;
	s8 =	smul.u32 $0x208, s4;
	s10 =	ssub.s32 s9, s10  }
0x9: {  	s3 =	sadd.s32 $0x19C00, s5;
	s4 =	sadd.s32 $0x23C00, s5;
	s10 =	smax.u32 s10, $0x1  }
0xa: {  	s6 =	sadd.s32 s6, s5;
	s7 =	sadd.s32 s7, s5;
	s11 =	sadd.s32 s8, s5  }
0xb: {  	s5 =	sadd.s32 $0x5C00, s6;
	s6 =	sadd.s32 $0x5FC00, s7;
	s7 =	sadd.s32 $0x37C00, s11  }
0xc: {  	s8 =	sadd.s32 $0x1E200, s11;
	s9 =	sadd.s32 $0x1A000, s11;
	s11 =	simm.s32 $0x1  }
.LBB2_1:
0xd: {  	[tilespmem:s2], [sflag:$0x1] =	stream.linear.gather [hbm4b:s5+s2], $0x5000, $0x38;
	[tilespmem:$0x8200] =	vst v63  }
0xe: {  	_ =	swait.ge [sflag:s11], $0x5000  }
0xf: {  	[sflag:s11] =	ssyncset.done $0x0  }
0x10: {  	[sflag:s11] =	ssyncadd.s32 $0xFFFFB000  }
0x11: {  	[tilespmem:s12], [sflag:$0x1] =	stream.linear.gather [hbm4b:s6+s2], $0x140, $0x38;
	[tilespmem:$0x8200] =	vst v63  }
0x12: {  	_ =	swait.ge [sflag:s11], $0x140  }
0x13: {  	[sflag:s11] =	ssyncset.done $0x0  }
0x14: {  	[sflag:s11] =	ssyncadd.s32 $0xFFFFFEC0  }
0x15: {  	[tilespmem:s13], [sflag:$0x1] =	stream.linear.gather [hbm4b:s3+s2], $0x1040, $0x38;
	[tilespmem:$0x8200] =	vst v63  }
0x16: {  	_ =	swait.ge [sflag:s11], $0x1040  }
0x17: {  	[sflag:s11] =	ssyncset.done $0x0  }
0x18: {  	[sflag:s11] =	ssyncadd.s32 $0xFFFFEFC0  }
0x19: {  	[tilespmem:s14], [sflag:$0x1] =	stream.linear.gather [hbm4b:s4+s2], $0x1040, $0x38;
	[tilespmem:$0x8200] =	vst v63  }
0x1a: {  	_ =	swait.ge [sflag:s11], $0x1040  }
0x1b: {  	[sflag:s11] =	ssyncset.done $0x0  }
0x1c: {  	[sflag:s11] =	ssyncadd.s32 $0xFFFFEFC0  }
0x1d: {  	[tilespmem:s15], [sflag:$0x1] =	stream.linear.gather [hbm4b:s4+s2], $0x1040, $0x38;
	[tilespmem:$0x8200] =	vst v63  }
0x1e: {  	_ =	swait.ge [sflag:s11], $0x1040  }
0x1f: {  	[sflag:s11] =	ssyncset.done $0x0  }
0x20: {  	s17 =	simm.s32 $0x200;
	s18 =	simm.s32 $0x0;
	[sflag:s11] =	ssyncadd.s32 $0xFFFFEFC0  }
.LBB2_2:
0x21: {  	s19 =	sshra.s32 s18, $0x2  }
0x22: {  	v0 =	vld [tilespmem:s19+$0x5000];
	_ =	sdelay $0x4  }
0x23: {  	v0 =	vshll.u32 v0, $0x6  }
0x24: {  	(v2sf) =	vpush v0, $0x0;
	_ =	sdelay $0xe  }
0x25: {  	v1 =	vld [tilespmem:s17+$0xFFFFFE00];
	s26 =	spop (v2sf)  }
0x26: {  	v2 =	vld [tilespmem:s26+$0x5140]  }
0x27: {  	v3 =	vld [tilespmem:s26+$0x6180];
	_ =	sdelay $0x4  }
0x28: {  	v2 =	vadd.f32 v2, v1;
	v1 =	vmax.f32 v3, v1  }
0x29: {  	v33 =	vld [tilespmem:s26+$0x5150];
	[tilespmem:s26+$0x6180] =	vst v1  }
0x2a: {  	v34 =	vld [tilespmem:s26+$0x6190];
	[tilespmem:s26+$0x5140] =	vst v2  }
0x2b: {  	v1 =	vld [tilespmem:s17+$0xFFFFFE10];
	_ =	sdelay $0x4  }
0x2c: {  	v2 =	vadd.f32 v33, v1;
	v1 =	vmax.f32 v34, v1  }
0x2d: {  	v35 =	vld [tilespmem:s26+$0x5160];
	[tilespmem:s26+$0x6190] =	vst v1  }
0x2e: {  	v36 =	vld [tilespmem:s26+$0x61A0];
	[tilespmem:s26+$0x5150] =	vst v2  }
0x2f: {  	v1 =	vld [tilespmem:s17+$0xFFFFFE20]  }
0x30: {  	(v2sf) =	vpush v0, $0x1;
	_ =	sdelay $0x3  }
0x31: {  	v37 =	vld [tilespmem:s26+$0x5170];
	v2 =	vadd.f32 v35, v1;
	v1 =	vmax.f32 v36, v1  }
0x32: {  	v4 =	vld [tilespmem:s26+$0x71C0];
	[tilespmem:s26+$0x61A0] =	vst v1  }
0x33: {  	v38 =	vld [tilespmem:s26+$0x61B0];
	[tilespmem:s26+$0x5160] =	vst v2  }
0x34: {  	v1 =	vld [tilespmem:s17+$0xFFFFFE30];
	_ =	sdelay $0x2  }
0x35: {  	v39 =	vadd.f32 $1.000000000e+00, v4;
	_ =	sdelay $0x1  }
0x36: {  	[tilespmem:s26+$0x71C0] =	vst v39;
	v2 =	vadd.f32 v37, v1;
	v1 =	vmax.f32 v38, v1  }
0x37: {  	[tilespmem:s26+$0x61B0] =	vst v1  }
0x38: {  	[tilespmem:s26+$0x5170] =	vst v2  }
0x39: {  	s28 =	spop (v2sf);
	v1 =	vld [tilespmem:s17+$0xFFFFFE40]  }
0x3a: {  	v2 =	vld [tilespmem:s28+$0x5140]  }
0x3b: {  	v40 =	vld [tilespmem:s28+$0x6180];
	_ =	sdelay $0x4  }
0x3c: {  	v2 =	vadd.f32 v2, v1;
	v1 =	vmax.f32 v40, v1  }
0x3d: {  	v41 =	vld [tilespmem:s28+$0x5150];
	[tilespmem:s28+$0x6180] =	vst v1  }
0x3e: {  	v42 =	vld [tilespmem:s28+$0x6190];
	[tilespmem:s28+$0x5140] =	vst v2  }
0x3f: {  	v1 =	vld [tilespmem:s17+$0xFFFFFE50];
	_ =	sdelay $0x4  }
0x40: {  	v2 =	vadd.f32 v41, v1;
	v1 =	vmax.f32 v42, v1  }
0x41: {  	v43 =	vld [tilespmem:s28+$0x5160];
	[tilespmem:s28+$0x6190] =	vst v1  }
0x42: {  	v44 =	vld [tilespmem:s28+$0x61A0];
	[tilespmem:s28+$0x5150] =	vst v2  }
0x43: {  	v1 =	vld [tilespmem:s17+$0xFFFFFE60]  }
0x44: {  	(v2sf) =	vpush v0, $0x2;
	_ =	sdelay $0x3  }
0x45: {  	v45 =	vld [tilespmem:s28+$0x5170];
	v2 =	vadd.f32 v43, v1;
	v1 =	vmax.f32 v44, v1  }
0x46: {  	v47 =	vld [tilespmem:s28+$0x71C0];
	[tilespmem:s28+$0x61A0] =	vst v1  }
0x47: {  	v46 =	vld [tilespmem:s28+$0x61B0];
	[tilespmem:s28+$0x5160] =	vst v2  }
0x48: {  	v1 =	vld [tilespmem:s17+$0xFFFFFE70];
	_ =	sdelay $0x2  }
0x49: {  	v48 =	vadd.f32 $1.000000000e+00, v47;
	_ =	sdelay $0x1  }
0x4a: {  	[tilespmem:s28+$0x71C0] =	vst v48;
	v2 =	vadd.f32 v45, v1;
	v1 =	vmax.f32 v46, v1  }
0x4b: {  	[tilespmem:s28+$0x61B0] =	vst v1  }
0x4c: {  	[tilespmem:s28+$0x5170] =	vst v2  }
0x4d: {  	s29 =	spop (v2sf);
	v1 =	vld [tilespmem:s17+$0xFFFFFE80]  }
0x4e: {  	v2 =	vld [tilespmem:s29+$0x5140]  }
0x4f: {  	v49 =	vld [tilespmem:s29+$0x6180];
	_ =	sdelay $0x4  }
0x50: {  	v2 =	vadd.f32 v2, v1;
	v1 =	vmax.f32 v49, v1  }
0x51: {  	v50 =	vld [tilespmem:s29+$0x5150];
	[tilespmem:s29+$0x6180] =	vst v1  }
0x52: {  	v51 =	vld [tilespmem:s29+$0x6190];
	[tilespmem:s29+$0x5140] =	vst v2  }
0x53: {  	v1 =	vld [tilespmem:s17+$0xFFFFFE90];
	_ =	sdelay $0x4  }
0x54: {  	v2 =	vadd.f32 v50, v1;
	v1 =	vmax.f32 v51, v1  }
0x55: {  	v52 =	vld [tilespmem:s29+$0x5160];
	[tilespmem:s29+$0x6190] =	vst v1  }
0x56: {  	v53 =	vld [tilespmem:s29+$0x61A0];
	[tilespmem:s29+$0x5150] =	vst v2  }
0x57: {  	v1 =	vld [tilespmem:s17+$0xFFFFFEA0]  }
0x58: {  	(v2sf) =	vpush v0, $0x3;
	_ =	sdelay $0x3  }
0x59: {  	v54 =	vld [tilespmem:s29+$0x5170];
	v2 =	vadd.f32 v52, v1;
	v1 =	vmax.f32 v53, v1  }
0x5a: {  	v56 =	vld [tilespmem:s29+$0x71C0];
	[tilespmem:s29+$0x61A0] =	vst v1  }
0x5b: {  	v55 =	vld [tilespmem:s29+$0x61B0];
	[tilespmem:s29+$0x5160] =	vst v2  }
0x5c: {  	v1 =	vld [tilespmem:s17+$0xFFFFFEB0];
	_ =	sdelay $0x2  }
0x5d: {  	v57 =	vadd.f32 $1.000000000e+00, v56;
	_ =	sdelay $0x1  }
0x5e: {  	[tilespmem:s29+$0x71C0] =	vst v57;
	v2 =	vadd.f32 v54, v1;
	v1 =	vmax.f32 v55, v1  }
0x5f: {  	[tilespmem:s29+$0x61B0] =	vst v1  }
0x60: {  	[tilespmem:s29+$0x5170] =	vst v2  }
0x61: {  	s30 =	spop (v2sf);
	v1 =	vld [tilespmem:s17+$0xFFFFFEC0]  }
0x62: {  	v2 =	vld [tilespmem:s30+$0x5140]  }
0x63: {  	v58 =	vld [tilespmem:s30+$0x6180];
	_ =	sdelay $0x4  }
0x64: {  	v2 =	vadd.f32 v2, v1;
	v1 =	vmax.f32 v58, v1  }
0x65: {  	v59 =	vld [tilespmem:s30+$0x5150];
	[tilespmem:s30+$0x6180] =	vst v1  }
0x66: {  	v60 =	vld [tilespmem:s30+$0x6190];
	[tilespmem:s30+$0x5140] =	vst v2  }
0x67: {  	v1 =	vld [tilespmem:s17+$0xFFFFFED0];
	_ =	sdelay $0x4  }
0x68: {  	v2 =	vadd.f32 v59, v1;
	v1 =	vmax.f32 v60, v1  }
0x69: {  	v61 =	vld [tilespmem:s30+$0x5160];
	[tilespmem:s30+$0x6190] =	vst v1  }
0x6a: {  	v62 =	vld [tilespmem:s30+$0x61A0];
	[tilespmem:s30+$0x5150] =	vst v2  }
0x6b: {  	v1 =	vld [tilespmem:s17+$0xFFFFFEE0]  }
0x6c: {  	(v2sf) =	vpush v0, $0x4;
	_ =	sdelay $0x3  }
0x6d: {  	v63 =	vld [tilespmem:s30+$0x5170];
	v2 =	vadd.f32 v61, v1;
	v1 =	vmax.f32 v62, v1  }
0x6e: {  	v9 =	vld [tilespmem:s30+$0x71C0];
	[tilespmem:s30+$0x61A0] =	vst v1  }
0x6f: {  	v8 =	vld [tilespmem:s30+$0x61B0];
	[tilespmem:s30+$0x5160] =	vst v2  }
0x70: {  	v1 =	vld [tilespmem:s17+$0xFFFFFEF0];
	_ =	sdelay $0x2  }
0x71: {  	v10 =	vadd.f32 $1.000000000e+00, v9;
	_ =	sdelay $0x1  }
0x72: {  	[tilespmem:s30+$0x71C0] =	vst v10;
	v2 =	vadd.f32 v63, v1;
	v1 =	vmax.f32 v8, v1  }
0x73: {  	[tilespmem:s30+$0x61B0] =	vst v1  }
0x74: {  	[tilespmem:s30+$0x5170] =	vst v2  }
0x75: {  	s31 =	spop (v2sf);
	v1 =	vld [tilespmem:s17+$0xFFFFFF00]  }
0x76: {  	v2 =	vld [tilespmem:s31+$0x5140]  }
0x77: {  	v11 =	vld [tilespmem:s31+$0x6180];
	_ =	sdelay $0x4  }
0x78: {  	v2 =	vadd.f32 v2, v1;
	v1 =	vmax.f32 v11, v1  }
0x79: {  	v12 =	vld [tilespmem:s31+$0x5150];
	[tilespmem:s31+$0x6180] =	vst v1  }
0x7a: {  	v13 =	vld [tilespmem:s31+$0x6190];
	[tilespmem:s31+$0x5140] =	vst v2  }
0x7b: {  	v1 =	vld [tilespmem:s17+$0xFFFFFF10];
	_ =	sdelay $0x4  }
0x7c: {  	v2 =	vadd.f32 v12, v1;
	v1 =	vmax.f32 v13, v1  }
0x7d: {  	v14 =	vld [tilespmem:s31+$0x5160];
	[tilespmem:s31+$0x6190] =	vst v1  }
0x7e: {  	v15 =	vld [tilespmem:s31+$0x61A0];
	[tilespmem:s31+$0x5150] =	vst v2  }
0x7f: {  	v1 =	vld [tilespmem:s17+$0xFFFFFF20]  }
0x80: {  	(v2sf) =	vpush v0, $0x5;
	_ =	sdelay $0x3  }
0x81: {  	v16 =	vld [tilespmem:s31+$0x5170];
	v2 =	vadd.f32 v14, v1;
	v1 =	vmax.f32 v15, v1  }
0x82: {  	v18 =	vld [tilespmem:s31+$0x71C0];
	[tilespmem:s31+$0x61A0] =	vst v1  }
0x83: {  	v17 =	vld [tilespmem:s31+$0x61B0];
	[tilespmem:s31+$0x5160] =	vst v2  }
0x84: {  	v1 =	vld [tilespmem:s17+$0xFFFFFF30];
	_ =	sdelay $0x2  }
0x85: {  	v19 =	vadd.f32 $1.000000000e+00, v18;
	_ =	sdelay $0x1  }
0x86: {  	[tilespmem:s31+$0x71C0] =	vst v19;
	v2 =	vadd.f32 v16, v1;
	v1 =	vmax.f32 v17, v1  }
0x87: {  	[tilespmem:s31+$0x61B0] =	vst v1  }
0x88: {  	[tilespmem:s31+$0x5170] =	vst v2  }
0x89: {  	s20 =	spop (v2sf);
	v1 =	vld [tilespmem:s17+$0xFFFFFF40]  }
0x8a: {  	v2 =	vld [tilespmem:s20+$0x5140]  }
0x8b: {  	v20 =	vld [tilespmem:s20+$0x6180];
	_ =	sdelay $0x4  }
0x8c: {  	v2 =	vadd.f32 v2, v1;
	v1 =	vmax.f32 v20, v1  }
0x8d: {  	v21 =	vld [tilespmem:s20+$0x5150];
	[tilespmem:s20+$0x6180] =	vst v1  }
0x8e: {  	v22 =	vld [tilespmem:s20+$0x6190];
	[tilespmem:s20+$0x5140] =	vst v2  }
0x8f: {  	v1 =	vld [tilespmem:s17+$0xFFFFFF50];
	_ =	sdelay $0x4  }
0x90: {  	v2 =	vadd.f32 v21, v1;
	v1 =	vmax.f32 v22, v1  }
0x91: {  	v23 =	vld [tilespmem:s20+$0x5160];
	[tilespmem:s20+$0x6190] =	vst v1  }
0x92: {  	v24 =	vld [tilespmem:s20+$0x61A0];
	[tilespmem:s20+$0x5150] =	vst v2  }
0x93: {  	v1 =	vld [tilespmem:s17+$0xFFFFFF60]  }
0x94: {  	(v2sf) =	vpush v0, $0x6;
	_ =	sdelay $0x3  }
0x95: {  	v25 =	vld [tilespmem:s20+$0x5170];
	v2 =	vadd.f32 v23, v1;
	v1 =	vmax.f32 v24, v1  }
0x96: {  	v27 =	vld [tilespmem:s20+$0x71C0];
	[tilespmem:s20+$0x61A0] =	vst v1  }
0x97: {  	v26 =	vld [tilespmem:s20+$0x61B0];
	[tilespmem:s20+$0x5160] =	vst v2  }
0x98: {  	v1 =	vld [tilespmem:s17+$0xFFFFFF70];
	_ =	sdelay $0x2  }
0x99: {  	v28 =	vadd.f32 $1.000000000e+00, v27;
	_ =	sdelay $0x1  }
0x9a: {  	[tilespmem:s20+$0x71C0] =	vst v28;
	v2 =	vadd.f32 v25, v1;
	v1 =	vmax.f32 v26, v1  }
0x9b: {  	[tilespmem:s20+$0x61B0] =	vst v1  }
0x9c: {  	[tilespmem:s20+$0x5170] =	vst v2  }
0x9d: {  	s21 =	spop (v2sf);
	v1 =	vld [tilespmem:s17+$0xFFFFFF80]  }
0x9e: {  	v2 =	vld [tilespmem:s21+$0x5140]  }
0x9f: {  	v29 =	vld [tilespmem:s21+$0x6180];
	_ =	sdelay $0x4  }
0xa0: {  	v2 =	vadd.f32 v2, v1;
	v1 =	vmax.f32 v29, v1  }
0xa1: {  	v30 =	vld [tilespmem:s21+$0x5150];
	[tilespmem:s21+$0x6180] =	vst v1  }
0xa2: {  	v31 =	vld [tilespmem:s21+$0x6190];
	[tilespmem:s21+$0x5140] =	vst v2  }
0xa3: {  	v1 =	vld [tilespmem:s17+$0xFFFFFF90];
	_ =	sdelay $0x4  }
0xa4: {  	v2 =	vadd.f32 v30, v1;
	v1 =	vmax.f32 v31, v1  }
0xa5: {  	v32 =	vld [tilespmem:s21+$0x5160];
	[tilespmem:s21+$0x6190] =	vst v1  }
0xa6: {  	v33 =	vld [tilespmem:s21+$0x61A0];
	[tilespmem:s21+$0x5150] =	vst v2  }
0xa7: {  	v1 =	vld [tilespmem:s17+$0xFFFFFFA0]  }
0xa8: {  	(v2sf) =	vpush v0, $0x7;
	_ =	sdelay $0x3  }
0xa9: {  	v34 =	vld [tilespmem:s21+$0x5170];
	v2 =	vadd.f32 v32, v1;
	v1 =	vmax.f32 v33, v1  }
0xaa: {  	v36 =	vld [tilespmem:s21+$0x71C0];
	[tilespmem:s21+$0x61A0] =	vst v1  }
0xab: {  	v35 =	vld [tilespmem:s21+$0x61B0];
	[tilespmem:s21+$0x5160] =	vst v2  }
0xac: {  	v1 =	vld [tilespmem:s17+$0xFFFFFFB0];
	_ =	sdelay $0x2  }
0xad: {  	v37 =	vadd.f32 $1.000000000e+00, v36;
	_ =	sdelay $0x1  }
0xae: {  	[tilespmem:s21+$0x71C0] =	vst v37;
	v2 =	vadd.f32 v34, v1;
	v1 =	vmax.f32 v35, v1  }
0xaf: {  	[tilespmem:s21+$0x61B0] =	vst v1  }
0xb0: {  	[tilespmem:s21+$0x5170] =	vst v2  }
0xb1: {  	s22 =	spop (v2sf);
	v1 =	vld [tilespmem:s17+$0xFFFFFFC0]  }
0xb2: {  	v2 =	vld [tilespmem:s22+$0x5140]  }
0xb3: {  	v38 =	vld [tilespmem:s22+$0x6180];
	_ =	sdelay $0x4  }
0xb4: {  	v2 =	vadd.f32 v2, v1;
	v1 =	vmax.f32 v38, v1  }
0xb5: {  	v39 =	vld [tilespmem:s22+$0x5150];
	[tilespmem:s22+$0x6180] =	vst v1  }
0xb6: {  	v40 =	vld [tilespmem:s22+$0x6190];
	[tilespmem:s22+$0x5140] =	vst v2  }
0xb7: {  	v1 =	vld [tilespmem:s17+$0xFFFFFFD0];
	_ =	sdelay $0x4  }
0xb8: {  	v2 =	vadd.f32 v39, v1;
	v1 =	vmax.f32 v40, v1  }
0xb9: {  	v41 =	vld [tilespmem:s22+$0x5160];
	[tilespmem:s22+$0x6190] =	vst v1  }
0xba: {  	v42 =	vld [tilespmem:s22+$0x61A0];
	[tilespmem:s22+$0x5150] =	vst v2  }
0xbb: {  	v1 =	vld [tilespmem:s17+$0xFFFFFFE0]  }
0xbc: {  	(v2sf) =	vpush v0, $0x8;
	_ =	sdelay $0x3  }
0xbd: {  	v43 =	vld [tilespmem:s22+$0x5170];
	v2 =	vadd.f32 v41, v1;
	v1 =	vmax.f32 v42, v1  }
0xbe: {  	v45 =	vld [tilespmem:s22+$0x71C0];
	[tilespmem:s22+$0x61A0] =	vst v1  }
0xbf: {  	v44 =	vld [tilespmem:s22+$0x61B0];
	[tilespmem:s22+$0x5160] =	vst v2  }
0xc0: {  	v1 =	vld [tilespmem:s17+$0xFFFFFFF0];
	_ =	sdelay $0x2  }
0xc1: {  	v46 =	vadd.f32 $1.000000000e+00, v45;
	_ =	sdelay $0x1  }
0xc2: {  	[tilespmem:s22+$0x71C0] =	vst v46;
	v2 =	vadd.f32 v43, v1;
	v1 =	vmax.f32 v44, v1  }
0xc3: {  	[tilespmem:s22+$0x61B0] =	vst v1  }
0xc4: {  	[tilespmem:s22+$0x5170] =	vst v2  }
0xc5: {  	s23 =	spop (v2sf);
	v1 =	vld [tilespmem:s17+$0x0]  }
0xc6: {  	v2 =	vld [tilespmem:s23+$0x5140]  }
0xc7: {  	v47 =	vld [tilespmem:s23+$0x6180];
	_ =	sdelay $0x4  }
0xc8: {  	v2 =	vadd.f32 v2, v1;
	v1 =	vmax.f32 v47, v1  }
0xc9: {  	v48 =	vld [tilespmem:s23+$0x5150];
	[tilespmem:s23+$0x6180] =	vst v1  }
0xca: {  	v49 =	vld [tilespmem:s23+$0x6190];
	[tilespmem:s23+$0x5140] =	vst v2  }
0xcb: {  	v1 =	vld [tilespmem:s17+$0x10];
	_ =	sdelay $0x4  }
0xcc: {  	v2 =	vadd.f32 v48, v1;
	v1 =	vmax.f32 v49, v1  }
0xcd: {  	v50 =	vld [tilespmem:s23+$0x5160];
	[tilespmem:s23+$0x6190] =	vst v1  }
0xce: {  	v51 =	vld [tilespmem:s23+$0x61A0];
	[tilespmem:s23+$0x5150] =	vst v2  }
0xcf: {  	v1 =	vld [tilespmem:s17+$0x20]  }
0xd0: {  	(v2sf) =	vpush v0, $0x9;
	_ =	sdelay $0x3  }
0xd1: {  	v52 =	vld [tilespmem:s23+$0x5170];
	v2 =	vadd.f32 v50, v1;
	v1 =	vmax.f32 v51, v1  }
0xd2: {  	v54 =	vld [tilespmem:s23+$0x71C0];
	[tilespmem:s23+$0x61A0] =	vst v1  }
0xd3: {  	v53 =	vld [tilespmem:s23+$0x61B0];
	[tilespmem:s23+$0x5160] =	vst v2  }
0xd4: {  	v1 =	vld [tilespmem:s17+$0x30];
	_ =	sdelay $0x2  }
0xd5: {  	v55 =	vadd.f32 $1.000000000e+00, v54;
	_ =	sdelay $0x1  }
0xd6: {  	[tilespmem:s23+$0x71C0] =	vst v55;
	v2 =	vadd.f32 v52, v1;
	v1 =	vmax.f32 v53, v1  }
0xd7: {  	[tilespmem:s23+$0x61B0] =	vst v1  }
0xd8: {  	[tilespmem:s23+$0x5170] =	vst v2  }
0xd9: {  	s24 =	spop (v2sf);
	v1 =	vld [tilespmem:s17+$0x40]  }
0xda: {  	v2 =	vld [tilespmem:s24+$0x5140]  }
0xdb: {  	v56 =	vld [tilespmem:s24+$0x6180];
	_ =	sdelay $0x4  }
0xdc: {  	v2 =	vadd.f32 v2, v1;
	v1 =	vmax.f32 v56, v1  }
0xdd: {  	v57 =	vld [tilespmem:s24+$0x5150];
	[tilespmem:s24+$0x6180] =	vst v1  }
0xde: {  	v58 =	vld [tilespmem:s24+$0x6190];
	[tilespmem:s24+$0x5140] =	vst v2  }
0xdf: {  	v1 =	vld [tilespmem:s17+$0x50];
	_ =	sdelay $0x4  }
0xe0: {  	v2 =	vadd.f32 v57, v1;
	v1 =	vmax.f32 v58, v1  }
0xe1: {  	v59 =	vld [tilespmem:s24+$0x5160];
	[tilespmem:s24+$0x6190] =	vst v1  }
0xe2: {  	v60 =	vld [tilespmem:s24+$0x61A0];
	[tilespmem:s24+$0x5150] =	vst v2  }
0xe3: {  	v1 =	vld [tilespmem:s17+$0x60]  }
0xe4: {  	(v2sf) =	vpush v0, $0xA;
	_ =	sdelay $0x3  }
0xe5: {  	v61 =	vld [tilespmem:s24+$0x5170];
	v2 =	vadd.f32 v59, v1;
	v1 =	vmax.f32 v60, v1  }
0xe6: {  	v63 =	vld [tilespmem:s24+$0x71C0];
	[tilespmem:s24+$0x61A0] =	vst v1  }
0xe7: {  	v62 =	vld [tilespmem:s24+$0x61B0];
	[tilespmem:s24+$0x5160] =	vst v2  }
0xe8: {  	v1 =	vld [tilespmem:s17+$0x70];
	_ =	sdelay $0x2  }
0xe9: {  	v8 =	vadd.f32 $1.000000000e+00, v63;
	_ =	sdelay $0x1  }
0xea: {  	[tilespmem:s24+$0x71C0] =	vst v8;
	v2 =	vadd.f32 v61, v1;
	v1 =	vmax.f32 v62, v1  }
0xeb: {  	[tilespmem:s24+$0x61B0] =	vst v1  }
0xec: {  	[tilespmem:s24+$0x5170] =	vst v2  }
0xed: {  	s25 =	spop (v2sf);
	v1 =	vld [tilespmem:s17+$0x80]  }
0xee: {  	v2 =	vld [tilespmem:s25+$0x5140]  }
0xef: {  	v9 =	vld [tilespmem:s25+$0x6180];
	_ =	sdelay $0x4  }
0xf0: {  	v2 =	vadd.f32 v2, v1;
	v1 =	vmax.f32 v9, v1  }
0xf1: {  	v10 =	vld [tilespmem:s25+$0x5150];
	[tilespmem:s25+$0x6180] =	vst v1  }
0xf2: {  	v11 =	vld [tilespmem:s25+$0x6190];
	[tilespmem:s25+$0x5140] =	vst v2  }
0xf3: {  	v1 =	vld [tilespmem:s17+$0x90];
	_ =	sdelay $0x4  }
0xf4: {  	v2 =	vadd.f32 v10, v1;
	v1 =	vmax.f32 v11, v1  }
0xf5: {  	v12 =	vld [tilespmem:s25+$0x5160];
	[tilespmem:s25+$0x6190] =	vst v1  }
0xf6: {  	v13 =	vld [tilespmem:s25+$0x61A0];
	[tilespmem:s25+$0x5150] =	vst v2  }
0xf7: {  	v1 =	vld [tilespmem:s17+$0xA0]  }
0xf8: {  	(v2sf) =	vpush v0, $0xB;
	_ =	sdelay $0x3  }
0xf9: {  	v14 =	vld [tilespmem:s25+$0x5170];
	v2 =	vadd.f32 v12, v1;
	v1 =	vmax.f32 v13, v1  }
0xfa: {  	v16 =	vld [tilespmem:s25+$0x71C0];
	[tilespmem:s25+$0x61A0] =	vst v1  }
0xfb: {  	v15 =	vld [tilespmem:s25+$0x61B0];
	[tilespmem:s25+$0x5160] =	vst v2  }
0xfc: {  	v1 =	vld [tilespmem:s17+$0xB0];
	_ =	sdelay $0x2  }
0xfd: {  	v17 =	vadd.f32 $1.000000000e+00, v16;
	_ =	sdelay $0x1  }
0xfe: {  	[tilespmem:s25+$0x71C0] =	vst v17;
	v2 =	vadd.f32 v14, v1;
	v1 =	vmax.f32 v15, v1  }
0xff: {  	[tilespmem:s25+$0x61B0] =	vst v1  }
0x100: {  	[tilespmem:s25+$0x5170] =	vst v2  }
0x101: {  	s26 =	spop (v2sf);
	v1 =	vld [tilespmem:s17+$0xC0]  }
0x102: {  	v2 =	vld [tilespmem:s26+$0x5140]  }
0x103: {  	v18 =	vld [tilespmem:s26+$0x6180];
	_ =	sdelay $0x4  }
0x104: {  	v2 =	vadd.f32 v2, v1;
	v1 =	vmax.f32 v18, v1  }
0x105: {  	v19 =	vld [tilespmem:s26+$0x5150];
	[tilespmem:s26+$0x6180] =	vst v1  }
0x106: {  	v20 =	vld [tilespmem:s26+$0x6190];
	[tilespmem:s26+$0x5140] =	vst v2  }
0x107: {  	v1 =	vld [tilespmem:s17+$0xD0];
	_ =	sdelay $0x4  }
0x108: {  	v2 =	vadd.f32 v19, v1;
	v1 =	vmax.f32 v20, v1  }
0x109: {  	v21 =	vld [tilespmem:s26+$0x5160];
	[tilespmem:s26+$0x6190] =	vst v1  }
0x10a: {  	v22 =	vld [tilespmem:s26+$0x61A0];
	[tilespmem:s26+$0x5150] =	vst v2  }
0x10b: {  	v1 =	vld [tilespmem:s17+$0xE0]  }
0x10c: {  	(v2sf) =	vpush v0, $0xC;
	_ =	sdelay $0x3  }
0x10d: {  	v23 =	vld [tilespmem:s26+$0x5170];
	v2 =	vadd.f32 v21, v1;
	v1 =	vmax.f32 v22, v1  }
0x10e: {  	v25 =	vld [tilespmem:s26+$0x71C0];
	[tilespmem:s26+$0x61A0] =	vst v1  }
0x10f: {  	v24 =	vld [tilespmem:s26+$0x61B0];
	[tilespmem:s26+$0x5160] =	vst v2  }
0x110: {  	v1 =	vld [tilespmem:s17+$0xF0];
	_ =	sdelay $0x2  }
0x111: {  	v26 =	vadd.f32 $1.000000000e+00, v25;
	_ =	sdelay $0x1  }
0x112: {  	[tilespmem:s26+$0x71C0] =	vst v26;
	v2 =	vadd.f32 v23, v1;
	v1 =	vmax.f32 v24, v1  }
0x113: {  	[tilespmem:s26+$0x61B0] =	vst v1  }
0x114: {  	[tilespmem:s26+$0x5170] =	vst v2  }
0x115: {  	s28 =	spop (v2sf);
	v1 =	vld [tilespmem:s17+$0x100]  }
0x116: {  	v2 =	vld [tilespmem:s28+$0x5140]  }
0x117: {  	v27 =	vld [tilespmem:s28+$0x6180];
	_ =	sdelay $0x4  }
0x118: {  	v2 =	vadd.f32 v2, v1;
	v1 =	vmax.f32 v27, v1  }
0x119: {  	v28 =	vld [tilespmem:s28+$0x5150];
	[tilespmem:s28+$0x6180] =	vst v1  }
0x11a: {  	v29 =	vld [tilespmem:s28+$0x6190];
	[tilespmem:s28+$0x5140] =	vst v2  }
0x11b: {  	v1 =	vld [tilespmem:s17+$0x110];
	_ =	sdelay $0x4  }
0x11c: {  	v2 =	vadd.f32 v28, v1;
	v1 =	vmax.f32 v29, v1  }
0x11d: {  	v30 =	vld [tilespmem:s28+$0x5160];
	[tilespmem:s28+$0x6190] =	vst v1  }
0x11e: {  	v31 =	vld [tilespmem:s28+$0x61A0];
	[tilespmem:s28+$0x5150] =	vst v2  }
0x11f: {  	v1 =	vld [tilespmem:s17+$0x120]  }
0x120: {  	(v2sf) =	vpush v0, $0xD;
	_ =	sdelay $0x3  }
0x121: {  	v32 =	vld [tilespmem:s28+$0x5170];
	v2 =	vadd.f32 v30, v1;
	v1 =	vmax.f32 v31, v1  }
0x122: {  	v34 =	vld [tilespmem:s28+$0x71C0];
	[tilespmem:s28+$0x61A0] =	vst v1  }
0x123: {  	v33 =	vld [tilespmem:s28+$0x61B0];
	[tilespmem:s28+$0x5160] =	vst v2  }
0x124: {  	v1 =	vld [tilespmem:s17+$0x130];
	_ =	sdelay $0x2  }
0x125: {  	v35 =	vadd.f32 $1.000000000e+00, v34;
	_ =	sdelay $0x1  }
0x126: {  	[tilespmem:s28+$0x71C0] =	vst v35;
	v2 =	vadd.f32 v32, v1;
	v1 =	vmax.f32 v33, v1  }
0x127: {  	[tilespmem:s28+$0x61B0] =	vst v1  }
0x128: {  	[tilespmem:s28+$0x5170] =	vst v2  }
0x129: {  	s29 =	spop (v2sf);
	v1 =	vld [tilespmem:s17+$0x140]  }
0x12a: {  	v2 =	vld [tilespmem:s29+$0x5140]  }
0x12b: {  	v36 =	vld [tilespmem:s29+$0x6180];
	_ =	sdelay $0x4  }
0x12c: {  	v2 =	vadd.f32 v2, v1;
	v1 =	vmax.f32 v36, v1  }
0x12d: {  	v37 =	vld [tilespmem:s29+$0x5150];
	[tilespmem:s29+$0x6180] =	vst v1  }
0x12e: {  	v38 =	vld [tilespmem:s29+$0x6190];
	[tilespmem:s29+$0x5140] =	vst v2  }
0x12f: {  	v1 =	vld [tilespmem:s17+$0x150];
	_ =	sdelay $0x4  }
0x130: {  	v2 =	vadd.f32 v37, v1;
	v1 =	vmax.f32 v38, v1  }
0x131: {  	v39 =	vld [tilespmem:s29+$0x5160];
	[tilespmem:s29+$0x6190] =	vst v1  }
0x132: {  	v40 =	vld [tilespmem:s29+$0x61A0];
	[tilespmem:s29+$0x5150] =	vst v2  }
0x133: {  	v1 =	vld [tilespmem:s17+$0x160]  }
0x134: {  	(v2sf) =	vpush v0, $0xE;
	_ =	sdelay $0x3  }
0x135: {  	v41 =	vld [tilespmem:s29+$0x5170];
	v2 =	vadd.f32 v39, v1;
	v1 =	vmax.f32 v40, v1  }
0x136: {  	v43 =	vld [tilespmem:s29+$0x71C0];
	[tilespmem:s29+$0x61A0] =	vst v1  }
0x137: {  	v42 =	vld [tilespmem:s29+$0x61B0];
	[tilespmem:s29+$0x5160] =	vst v2  }
0x138: {  	v1 =	vld [tilespmem:s17+$0x170];
	_ =	sdelay $0x2  }
0x139: {  	v44 =	vadd.f32 $1.000000000e+00, v43;
	_ =	sdelay $0x1  }
0x13a: {  	[tilespmem:s29+$0x71C0] =	vst v44;
	v2 =	vadd.f32 v41, v1;
	v1 =	vmax.f32 v42, v1  }
0x13b: {  	[tilespmem:s29+$0x61B0] =	vst v1  }
0x13c: {  	[tilespmem:s29+$0x5170] =	vst v2  }
0x13d: {  	s30 =	spop (v2sf);
	v1 =	vld [tilespmem:s17+$0x180]  }
0x13e: {  	v2 =	vld [tilespmem:s30+$0x5140]  }
0x13f: {  	v45 =	vld [tilespmem:s30+$0x6180];
	_ =	sdelay $0x4  }
0x140: {  	v2 =	vadd.f32 v2, v1;
	v1 =	vmax.f32 v45, v1  }
0x141: {  	v46 =	vld [tilespmem:s30+$0x5150];
	[tilespmem:s30+$0x6180] =	vst v1  }
0x142: {  	v47 =	vld [tilespmem:s30+$0x6190];
	[tilespmem:s30+$0x5140] =	vst v2  }
0x143: {  	v1 =	vld [tilespmem:s17+$0x190];
	_ =	sdelay $0x4  }
0x144: {  	v2 =	vadd.f32 v46, v1;
	v1 =	vmax.f32 v47, v1  }
0x145: {  	v48 =	vld [tilespmem:s30+$0x5160];
	[tilespmem:s30+$0x6190] =	vst v1  }
0x146: {  	v49 =	vld [tilespmem:s30+$0x61A0];
	[tilespmem:s30+$0x5150] =	vst v2  }
0x147: {  	v1 =	vld [tilespmem:s17+$0x1A0]  }
0x148: {  	(v2sf) =	vpush v0, $0xF;
	_ =	sdelay $0x3  }
0x149: {  	v51 =	vld [tilespmem:s30+$0x5170];
	v2 =	vadd.f32 v48, v1;
	v50 =	vmax.f32 v49, v1  }
0x14a: {  	v53 =	vld [tilespmem:s30+$0x71C0];
	[tilespmem:s30+$0x61A0] =	vst v50  }
0x14b: {  	v52 =	vld [tilespmem:s30+$0x61B0];
	[tilespmem:s30+$0x5160] =	vst v2  }
0x14c: {  	v0 =	vld [tilespmem:s17+$0x1B0];
	_ =	sdelay $0x2  }
0x14d: {  	v54 =	vadd.f32 $1.000000000e+00, v53;
	_ =	sdelay $0x1  }
0x14e: {  	[tilespmem:s30+$0x71C0] =	vst v54;
	v1 =	vadd.f32 v51, v0;
	v0 =	vmax.f32 v52, v0  }
0x14f: {  	[tilespmem:s30+$0x61B0] =	vst v0  }
0x150: {  	[tilespmem:s30+$0x5170] =	vst v1  }
0x151: {  	s31 =	spop (v2sf);
	v0 =	vld [tilespmem:s17+$0x1C0]  }
0x152: {  	v1 =	vld [tilespmem:s31+$0x5140]  }
0x153: {  	v55 =	vld [tilespmem:s31+$0x6180];
	_ =	sdelay $0x4  }
0x154: {  	v1 =	vadd.f32 v1, v0;
	v0 =	vmax.f32 v55, v0  }
0x155: {  	v56 =	vld [tilespmem:s31+$0x5150];
	[tilespmem:s31+$0x6180] =	vst v0  }
0x156: {  	v57 =	vld [tilespmem:s31+$0x6190];
	[tilespmem:s31+$0x5140] =	vst v1  }
0x157: {  	v0 =	vld [tilespmem:s17+$0x1D0];
	_ =	sdelay $0x4  }
0x158: {  	v1 =	vadd.f32 v56, v0;
	v0 =	vmax.f32 v57, v0  }
0x159: {  	v58 =	vld [tilespmem:s31+$0x5160];
	[tilespmem:s31+$0x6190] =	vst v0  }
0x15a: {  	v59 =	vld [tilespmem:s31+$0x61A0];
	[tilespmem:s31+$0x5150] =	vst v1  }
0x15b: {  	v0 =	vld [tilespmem:s17+$0x1E0];
	_ =	sdelay $0x4  }
0x15c: {  	v60 =	vld [tilespmem:s31+$0x5170];
	v1 =	vadd.f32 v58, v0;
	v0 =	vmax.f32 v59, v0  }
0x15d: {  	v62 =	vld [tilespmem:s31+$0x71C0];
	[tilespmem:s31+$0x61A0] =	vst v0  }
0x15e: {  	v61 =	vld [tilespmem:s31+$0x61B0];
	[tilespmem:s31+$0x5160] =	vst v1  }
0x15f: {  	v0 =	vld [tilespmem:s17+$0x1F0];
	_ =	sdelay $0x1  }
0x160: {  	p0 =	sne.s32 s18, $0x4C0  }
.Ltmp0:
0x161: {  	v63 =	vadd.f32 $1.000000000e+00, v62;
	(pc) =	sbr.rel @p0 .LBB2_2-.Ltmp0, $4  }
0x162: {  	_ = 	snop  }
0x163: {  	[tilespmem:s31+$0x71C0] =	vst v63;
	v1 =	vadd.f32 v60, v0;
	v0 =	vmax.f32 v61, v0  }
0x164: {  	[tilespmem:s31+$0x61B0] =	vst v0  }
0x165: {  	s18 =	sadd.s32 $0x40, s18;
	s17 =	sadd.s32 $0x400, s17;
	[tilespmem:s31+$0x5170] =	vst v1  }
0x166: {  	[hbm4b:s7+s2] =	stream.linear.scatter [tilespmem:s14], [sflag:$0x1], $0x1040, $0x38;
	[tilespmem:$0x8200] =	vst v63  }
0x167: {  	_ =	swait.ge [sflag:s11], $0x1040  }
0x168: {  	[sflag:s11] =	ssyncset.done $0x0  }
0x169: {  	[sflag:s11] =	ssyncadd.s32 $0xFFFFEFC0  }
0x16a: {  	[hbm4b:s8+s2] =	stream.linear.scatter [tilespmem:s13], [sflag:$0x1], $0x1040, $0x38;
	[tilespmem:$0x8200] =	vst v63  }
0x16b: {  	s16 =	sadd.s32 $0x1, s16;
	_ =	swait.ge [sflag:s11], $0x1040  }
0x16c: {  	p0 =	sne.s32 s16, s10;
	[sflag:s11] =	ssyncset.done $0x0  }
.Ltmp1:
0x16d: {  	[sflag:s11] =	ssyncadd.s32 $0xFFFFEFC0;
	(pc) =	sbr.rel @p0 .LBB2_1-.Ltmp1, $4  }
0x16e: {  	[hbm4b:s9+s2] =	stream.linear.scatter [tilespmem:s15], [sflag:$0x1], $0x1040, $0x38;
	[tilespmem:$0x8200] =	vst v63  }
0x16f: {  	_ =	swait.ge [sflag:s11], $0x1040  }
0x170: {  	[sflag:s11] =	ssyncset.done $0x0  }
0x171: {  	[sflag:s11] =	ssyncadd.s32 $0xFFFFEFC0  }
0x172: {  	_ =	sfence.sel $0x180000  }
0x173: {  	[bflag:$0x0] =	sbarrier.arrive $0xFFFF  }
0x174: {  	p0 =	sne.s32 s1, $0x0;
	_ =	strace $0x90000056  }
0x175: {  	s0 =	sadd.s32 @!p0 $0x100000, s0;
	[bflag:$0x2] =	sbarrier.arrive $0xFFFF  }
0x176: {  	[sflag:s0] =	ssyncadd.tile.s32 @!p0 $0x1;
	_ =	shalt  }
.Lfunc_end2:
_tile_overlayer_lowered:
.L_overlay_start_2:
0x177: {  	(tag) =	ssettag $0x2  }
0x178: {  	s0 =	rddreg [dreg:$0x0];
	s2 =	stileid.u32  }
0x179: {  	s1 =	rddreg [dreg:$0x1];
	p0 =	sne.s32 s2, $0x0  }
0x17a: {  	s3 =	rddreg [dreg:$0x2];
	[bflag:$0x3] =	sbarrier.arrive $0xFFFF;
	s2 =	simm.s32 @!p0 $0x1C01  }
0x17b: {  	[timem:s3], [sflag:s2] =	dma.local @!p0 [hbm:s0], s1  }
0x17c: {  	s0 =	simm.s32 @!p0 $0x1  }
0x17d: {  	_ =	swait.ge @!p0 [sflag:s0], s1  }
0x17e: {  	s1 =	ssub.s32 @!p0 $0x0, s1;
	[sflag:s0] =	ssyncset.done @!p0 $0x0  }
0x17f: {  	[sflag:s0] =	ssyncadd.s32 @!p0 s1  }
0x180: {  	[bflag:$0x3] =	sbarrier.arrive $0xFFFF  }
0x181: {  	_ =	shalt  }

</sc_bundles>
